<compile_context>
chip_gen: v7x
topology: tpu7x:2x2x1
jax: 0.10.2.dev20260603
libtpu: 0.0.44.dev20260713+nightly
codegen_flags: <defaults>
</compile_context>

<pallas_src>
import functools

import jax
import jax.numpy as jnp
from jax import lax
from jax.experimental import pallas as pl
from jax.experimental.pallas import tpu as pltpu
from jax.experimental.pallas import tpu_sc as plsc

R_MAX = 5.0
AVG_NEIGH = 16.0
NB = 8
NSH = 16

NC = 2
NS = 16
NW = NC * NS

_SQRT2R = 0.6324555320336759
_PI = 3.14159265358979323846
_HALF_PI = 1.57079632679489661923


def _silu(x):
    return x * jax.nn.sigmoid(x)


def _sincos_pi(t):
    y = t * t
    st = t * (1.0 + y * (-1.0 / 6.0 + y * (1.0 / 120.0 + y * (-1.0 / 5040.0 + y * (1.0 / 362880.0)))))
    ct = 1.0 + y * (-0.5 + y * (1.0 / 24.0 + y * (-1.0 / 720.0 + y * (1.0 / 40320.0 - y * (1.0 / 3628800.0)))))
    return ct, -st


def _geom_body(px_h, py_h, pz_h, sx_h, sy_h, sz_h, snd_h, rcv_h, ef_h, shc_h,
               px_v, py_v, pz_v, shx, shy, shz, sidx, ridx, ef_b, shc_b):
    cid = lax.axis_index("c")
    sid = lax.axis_index("s")
    wid = sid * NC + cid
    E = snd_h.shape[0]
    epw = E // NW
    CG = 2000
    nchunk = epw // CG

    pltpu.sync_copy(px_h, px_v)
    pltpu.sync_copy(py_h, py_v)
    pltpu.sync_copy(pz_h, pz_v)

    def chunk(c, _):
        base = wid * epw + c * CG
        pltpu.sync_copy(snd_h.at[pl.ds(base, CG)], sidx)
        pltpu.sync_copy(rcv_h.at[pl.ds(base, CG)], ridx)
        pltpu.sync_copy(sx_h.at[pl.ds(base, CG)], shx)
        pltpu.sync_copy(sy_h.at[pl.ds(base, CG)], shy)
        pltpu.sync_copy(sz_h.at[pl.ds(base, CG)], shz)

        def grp(k, _):
            si = sidx[pl.ds(k * 16, 16)]
            ri = ridx[pl.ds(k * 16, 16)]
            sx = plsc.load_gather(px_v, [si])
            sy = plsc.load_gather(py_v, [si])
            sz = plsc.load_gather(pz_v, [si])
            rx = plsc.load_gather(px_v, [ri])
            ry = plsc.load_gather(py_v, [ri])
            rz = plsc.load_gather(pz_v, [ri])
            dx = rx - sx + shx[pl.ds(k * 16, 16)]
            dy = ry - sy + shy[pl.ds(k * 16, 16)]
            dz = rz - sz + shz[pl.ds(k * 16, 16)]
            r2 = dx * dx + dy * dy + dz * dz + 1e-12
            i32 = plsc.bitcast(r2, jnp.int32)
            inv = plsc.bitcast(0x5F3759DF - lax.shift_right_arithmetic(i32, 1),
                               jnp.float32)
            half = 0.5 * r2
            for _ in range(3):
                inv = inv * (1.5 - half * inv * inv)
            r = r2 * inv
            ux = dx * inv
            uy = dy * inv
            uz = dz * inv
            ur = r * (1.0 / R_MAX)
            ur2 = ur * ur
            ur4 = ur2 * ur2
            ur5 = ur4 * ur
            cutp = 1.0 + ur5 * (-21.0 + ur * (35.0 - 15.0 * ur))
            cut = jnp.where(ur < 1.0, cutp, 0.0)
            s1, c1 = _sincos_pi(_PI * ur - _HALF_PI)
            two_c1 = 2.0 * c1
            scale = _SQRT2R * inv * cut
            idx_base = (k * 16 + lax.iota(jnp.int32, 16)) * NB
            sm2 = s1
            sm1 = two_c1 * s1
            plsc.store_scatter(ef_b, [idx_base], scale * sm2)
            plsc.store_scatter(ef_b, [idx_base + 1], scale * sm1)
            for n in range(2, NB):
                sn = two_c1 * sm1 - sm2
                sm2 = sm1
                sm1 = sn
                plsc.store_scatter(ef_b, [idx_base + n], scale * sn)
            xx = ux * ux
            yy = uy * uy
            zz = uz * uz
            xy = ux * uy
            yz = uy * uz
            xz = ux * uz
            sh = [
                jnp.full((16,), 1.0, jnp.float32),
                1.7320508 * ux, 1.7320508 * uy, 1.7320508 * uz,
                3.8729833 * xy, 3.8729833 * yz, 1.1180340 * (3.0 * zz - 1.0),
                3.8729833 * xz, 1.9364917 * (xx - yy),
                2.0916500 * uy * (3.0 * xx - yy), 10.246951 * xy * uz,
                1.6201852 * uy * (5.0 * zz - 1.0), 1.3228757 * uz * (5.0 * zz - 3.0),
                1.6201852 * ux * (5.0 * zz - 1.0), 5.1234753 * uz * (xx - yy),
                2.0916500 * ux * (xx - 3.0 * yy),
            ]
            sidx_base = (k * 16 + lax.iota(jnp.int32, 16)) * NSH
            for kk in range(NSH):
                plsc.store_scatter(shc_b, [sidx_base + kk], sh[kk] * cut)
            return 0

        lax.fori_loop(0, CG // 16, grp, 0)
        pltpu.sync_copy(ef_b, ef_h.at[pl.ds(base * NB, CG * NB)])
        pltpu.sync_copy(shc_b, shc_h.at[pl.ds(base * NSH, CG * NSH)])
        return 0

    lax.fori_loop(0, nchunk, chunk, 0)


def _run_geom(px, py, pz, sx, sy, sz, snd, rcv):
    N = px.shape[0]
    E = snd.shape[0]
    CG = 2000
    mesh = plsc.VectorSubcoreMesh(core_axis_name="c", subcore_axis_name="s")
    f = pl.kernel(
        _geom_body,
        out_type=[
            jax.ShapeDtypeStruct((E * NB,), jnp.float32),
            jax.ShapeDtypeStruct((E * NSH,), jnp.float32),
        ],
        mesh=mesh,
        compiler_params=pltpu.CompilerParams(needs_layout_passes=False),
        scratch_types=[
            pltpu.VMEM((N,), jnp.float32),
            pltpu.VMEM((N,), jnp.float32),
            pltpu.VMEM((N,), jnp.float32),
            pltpu.VMEM((CG,), jnp.float32),
            pltpu.VMEM((CG,), jnp.float32),
            pltpu.VMEM((CG,), jnp.float32),
            pltpu.VMEM((CG,), jnp.int32),
            pltpu.VMEM((CG,), jnp.int32),
            pltpu.VMEM((CG * NB,), jnp.float32),
            pltpu.VMEM((CG * NSH,), jnp.float32),
        ],
    )
    ef, shc = f(px, py, pz, sx, sy, sz, snd, rcv)
    return ef.reshape(E, NB), shc.reshape(E, NSH)


def _msg_body(nf_h, w_h, snd_h, rcv_h, z_h, out_h,
              agg, sidx, ridx, r0, r1, wb0, wb1,
              rb0, rb1,
              g0, g1, q0, q1, s0, s1):
    cid = lax.axis_index("c")
    sid = lax.axis_index("s")
    wid = sid * NC + cid
    N = nf_h.shape[0]
    E = snd_h.shape[0]
    epw = E // NW
    C = rb0.shape[0]
    nfull = epw // C
    FH = nf_h.shape[1]
    rows = (r0, r1)
    wbuf = (wb0, wb1)
    rbi = (rb0, rb1)
    gsem = (g0, g1)
    wsem = (q0, q1)
    ssem = (s0, s1)
    npt = (N // NS) // 8 * 8
    rem = N - npt * NS

    pltpu.sync_copy(z_h.at[pl.ds(0, npt), :], agg.at[pl.ds(sid * npt, npt), :])

    @pl.when(sid == NS - 1)
    def _():
        pltpu.sync_copy(z_h.at[pl.ds(0, rem), :],
                        agg.at[pl.ds(npt * NS, rem), :])

    pltpu.sync_copy(snd_h.at[pl.ds(wid * epw, epw)], sidx)
    pltpu.sync_copy(rcv_h.at[pl.ds(wid * epw, epw)], ridx)

    def issue_gw(i, b):
        pltpu.async_copy(nf_h.at[sidx.at[pl.ds(i * C, C)]], rows[b], gsem[b])
        pltpu.async_copy(w_h.at[pl.ds(wid * epw + i * C, C), :],
                         wbuf[b], wsem[b])

    def wait_gw(b):
        pltpu.make_async_copy(nf_h.at[rbi[b]], rows[b], gsem[b]).wait()
        pltpu.make_async_copy(w_h.at[pl.ds(0, C), :], wbuf[b], wsem[b]).wait()

    def issue_scat(b):
        pltpu.async_copy(rows[b], agg.at[rbi[b]], ssem[b], add=True)

    def wait_scat(b):
        pltpu.make_async_copy(rows[b], agg.at[rbi[b]], ssem[b]).wait()

    def step(i, b, first):
        wait_gw(b)
        for off in (0, 16, C - 16):
            rbi[b][pl.ds(off, 16)] = ridx[pl.ds(i * C + off, 16)]
        b2 = 1 - b

        @pl.when(i + 1 < nfull)
        def _():
            if not first:
                wait_scat(b2)
            issue_gw(i + 1, b2)

        def mul(e, _):
            for j in range(FH // 16):
                sl = pl.ds(j * 16, 16)
                rows[b][e, sl] = rows[b][e, sl] * wbuf[b][e, sl]
            return 0
        lax.fori_loop(0, C, mul, 0)
        issue_scat(b)

    plsc.subcore_barrier()
    issue_gw(0, 0)
    step(0, 0, True)
    step(1, 1, False)

    def outer(k, _):
        step(2 * k, 0, False)
        step(2 * k + 1, 1, False)
        return 0

    lax.fori_loop(1, nfull // 2, outer, 0)
    wait_scat(0)
    wait_scat(1)
    plsc.subcore_barrier()
    pltpu.sync_copy(agg.at[pl.ds(sid * npt, npt), :],
                    out_h.at[cid, pl.ds(sid * npt, npt), :])

    @pl.when(sid == NS - 1)
    def _():
        pltpu.sync_copy(agg.at[pl.ds(npt * NS, rem), :],
                        out_h.at[cid, pl.ds(npt * NS, rem), :])


def _run_msg(nf, w, snd, rcv, zeros_block):
    N, F = nf.shape
    E = snd.shape[0]
    epw = E // NW
    C = 40
    mesh = plsc.VectorSubcoreMesh(core_axis_name="c", subcore_axis_name="s")
    f = pl.kernel(
        _msg_body,
        out_type=jax.ShapeDtypeStruct((NC, N, F), jnp.float32),
        mesh=mesh,
        compiler_params=pltpu.CompilerParams(needs_layout_passes=False),
        scratch_types=(
            [pltpu.VMEM_SHARED((N, F), jnp.float32),
             pltpu.VMEM((epw,), jnp.int32),
             pltpu.VMEM((epw,), jnp.int32)]
            + [pltpu.VMEM((C, F), jnp.float32)] * 4
            + [pltpu.VMEM((C,), jnp.int32)] * 2
            + [pltpu.SemaphoreType.DMA] * 6
        ),
    )
    return f(nf, w, snd, rcv, zeros_block)


def _edge_body(ef_ref, shc_ref, wr1_ref, wr2_ref, wsh_ref, w0_ref, w1_ref):
    ef = ef_ref[...]
    shc = shc_ref[...]
    for t, out in ((0, w0_ref), (1, w1_ref)):
        h = _silu(jnp.dot(ef, wr1_ref[t], preferred_element_type=jnp.float32))
        tpw = jnp.dot(h, wr2_ref[t], preferred_element_type=jnp.float32)
        shp = jnp.dot(shc, wsh_ref[t], preferred_element_type=jnp.float32)
        out[...] = tpw * shp


def _run_edge(ef, shc, W_r1, W_r2, W_sh):
    E = ef.shape[0]
    F = W_r2.shape[2]
    BE = 2560
    grid = (E // BE,)
    return pl.pallas_call(
        _edge_body,
        grid=grid,
        in_specs=[
            pl.BlockSpec((BE, NB), lambda i: (i, 0)),
            pl.BlockSpec((BE, NSH), lambda i: (i, 0)),
            pl.BlockSpec(W_r1.shape, lambda i: (0, 0, 0)),
            pl.BlockSpec(W_r2.shape, lambda i: (0, 0, 0)),
            pl.BlockSpec(W_sh.shape, lambda i: (0, 0, 0)),
        ],
        out_specs=[pl.BlockSpec((BE, F), lambda i: (i, 0))] * 2,
        out_shape=[jax.ShapeDtypeStruct((E, F), jnp.float32)] * 2,
    )(ef, shc, W_r1, W_r2, W_sh)


def _embed_body(na_ref, w_ref, out_ref):
    out_ref[...] = jnp.dot(na_ref[...], w_ref[...],
                           preferred_element_type=jnp.float32)


def _run_embed(node_attrs, W_embed):
    N, NEL = node_attrs.shape
    F = W_embed.shape[1]
    return pl.pallas_call(
        _embed_body,
        out_shape=jax.ShapeDtypeStruct((N, F), jnp.float32),
    )(node_attrs, W_embed)


def _node_body(final, agg2_ref, na_ref, nf_ref, pos_ref, p_ref,
               welem_ref, wup_ref, wa_ref, wb_ref,
               nf_out_ref, scd_ref, scp_ref, spos_ref):
    agg = (agg2_ref[0] + agg2_ref[1]) * (1.0 / AVG_NEIGH)
    elem = jnp.dot(na_ref[...], welem_ref[...], preferred_element_type=jnp.float32)
    aggs = agg * elem
    upd = _silu(jnp.dot(aggs, wup_ref[...], preferred_element_type=jnp.float32))
    nf2 = nf_ref[...] + upd
    nf_out_ref[...] = nf2
    if final:
        hm = _silu(jnp.dot(nf2, wa_ref[...], preferred_element_type=jnp.float32))
        out = jnp.dot(hm, wb_ref[...], preferred_element_type=jnp.float32)
    else:
        out = jnp.dot(nf2, wa_ref[...], preferred_element_type=jnp.float32)
    c = out[:, 0:1]
    pos = pos_ref[...]
    p = p_ref[...]
    scd_ref[...] = jnp.dot(p, out, preferred_element_type=jnp.float32)
    scp_ref[...] = jnp.dot(p, c * pos, preferred_element_type=jnp.float32)
    spos_ref[...] = jnp.dot(p, pos, preferred_element_type=jnp.float32)


def _run_node(final, agg2, node_attrs, nf, positions, pmat,
              W_elem_t, W_up_t, wa, wb):
    N, F = nf.shape
    G = pmat.shape[0]
    return pl.pallas_call(
        functools.partial(_node_body, final),
        out_shape=[
            jax.ShapeDtypeStruct((N, F), jnp.float32),
            jax.ShapeDtypeStruct((G, 4), jnp.float32),
            jax.ShapeDtypeStruct((G, 3), jnp.float32),
            jax.ShapeDtypeStruct((G, 3), jnp.float32),
        ],
    )(agg2, node_attrs, nf, positions, pmat, W_elem_t, W_up_t, wa, wb)


def kernel(positions, node_attrs, shifts, total_charge, W_embed, W_r1, W_r2,
           W_sh, W_elem, W_up, W_read, W_mlp1, W_mlp2, edge_index, batch, ptr):
    N = positions.shape[0]
    E = edge_index.shape[1]
    F = W_embed.shape[1]
    snd = edge_index[0]
    rcv = edge_index[1]
    px = positions[:, 0]
    py = positions[:, 1]
    pz = positions[:, 2]

    ef, shc = _run_geom(px, py, pz, shifts[:, 0], shifts[:, 1], shifts[:, 2],
                        snd, rcv)
    w0, w1 = _run_edge(ef, shc, W_r1, W_r2, W_sh)
    nf0 = _run_embed(node_attrs, W_embed)

    zeros_block = jnp.zeros((N // NS, F), jnp.float32)
    W_read4 = W_read[:, jnp.array([0, 2, 3, 4])]
    W_mlp2_4 = W_mlp2[:, jnp.array([0, 2, 3, 4])]
    G = total_charge.shape[0]
    pmat = (batch[None, :] == jnp.arange(G, dtype=batch.dtype)[:, None]
            ).astype(jnp.float32)

    agg2_0 = _run_msg(nf0, w0, snd, rcv, zeros_block)
    nf1, scd0, scp0, spos = _run_node(
        False, agg2_0, node_attrs, nf0, positions, pmat,
        W_elem[0], W_up[0], W_read4, W_read4)
    agg2_1 = _run_msg(nf1, w1, snd, rcv, zeros_block)
    _, scd1, scp1, _ = _run_node(
        True, agg2_1, node_attrs, nf1, positions, pmat,
        W_elem[1], W_up[1], W_mlp1, W_mlp2_4)

    sum_c = scd0[:, 0] + scd1[:, 0]
    sum_d = scd0[:, 1:4] + scd1[:, 1:4]
    sum_cpos = scp0 + scp1
    num = (ptr[1:] - ptr[:-1]).astype(jnp.float32)
    excess = (sum_c - total_charge) / num
    return sum_d + sum_cpos - excess[:, None] * spos

# --- scband reference (transcript-rebuilt; emitter-appended) ---
"""Pipeline reference for scband-atomic-dielectric-mace-41987600285863 (READ-ONLY COPY).

The authoritative reference and input builder live on the scoring server;
editing this copy changes nothing except your own understanding.
"""

import jax, jax.numpy as jnp
import numpy as np

R_MAX = 5.0
P_CUT = 5.0
NUM_BESSEL = 8
AVG_NEIGH = 16.0
NUM_LAYERS = 2


def _silu(x):
    return x * jax.nn.sigmoid(x)


def _sph_harm(u):
    # real spherical harmonics up to l=3, component normalization
    x, y, z = u[:, 0], u[:, 1], u[:, 2]
    sh = [
        jnp.ones_like(x),
        1.7320508 * x, 1.7320508 * y, 1.7320508 * z,
        3.8729833 * x * y, 3.8729833 * y * z, 1.1180340 * (3.0 * z * z - 1.0),
        3.8729833 * x * z, 1.9364917 * (x * x - y * y),
        2.0916500 * y * (3.0 * x * x - y * y), 10.246951 * x * y * z,
        1.6201852 * y * (5.0 * z * z - 1.0), 1.3228757 * z * (5.0 * z * z - 3.0),
        1.6201852 * x * (5.0 * z * z - 1.0), 5.1234753 * z * (x * x - y * y),
        2.0916500 * x * (x * x - 3.0 * y * y),
    ]
    return jnp.stack(sh, axis=-1)


def setup_inputs(seed: int = 0) -> dict:
    key = jax.random.key(seed)
    ks = jax.random.split(key, 16)
    N, E, G, F, NEL, NB, NSH, HMLP = 10000, 320000, 4, 128, 10, 8, 16, 16
    positions = jax.random.normal(ks[0], (N, 3), jnp.float32) * 2.0
    node_attrs = jax.random.uniform(ks[1], (N, NEL), jnp.float32)
    edge_index = jax.random.randint(ks[2], (2, E), 0, N)
    shifts = jnp.zeros((E, 3), jnp.float32)
    batch = jnp.repeat(jnp.arange(G, dtype=jnp.int32), N // G)
    ptr = jnp.arange(G + 1, dtype=jnp.int32) * (N // G)
    total_charge = jnp.zeros((G,), jnp.float32)
    W_embed = jax.random.normal(ks[3], (NEL, F), jnp.float32) / np.sqrt(NEL)
    W_r1 = jax.random.normal(ks[4], (NUM_LAYERS, NB, 64), jnp.float32) / np.sqrt(NB)
    W_r2 = jax.random.normal(ks[5], (NUM_LAYERS, 64, F), jnp.float32) / np.sqrt(64.0)
    W_sh = jax.random.normal(ks[6], (NUM_LAYERS, NSH, F), jnp.float32) / np.sqrt(NSH)
    W_elem = jax.random.normal(ks[7], (NUM_LAYERS, NEL, F), jnp.float32) / np.sqrt(NEL)
    W_up = jax.random.normal(ks[8], (NUM_LAYERS, F, F), jnp.float32) / np.sqrt(F)
    W_read = jax.random.normal(ks[9], (F, 10), jnp.float32) / np.sqrt(F)
    W_mlp1 = jax.random.normal(ks[10], (F, HMLP), jnp.float32) / np.sqrt(F)
    W_mlp2 = jax.random.normal(ks[11], (HMLP, 10), jnp.float32) / np.sqrt(HMLP)
    return {
        "positions": positions, "node_attrs": node_attrs, "shifts": shifts,
        "total_charge": total_charge, "W_embed": W_embed, "W_r1": W_r1,
        "W_r2": W_r2, "W_sh": W_sh, "W_elem": W_elem, "W_up": W_up,
        "W_read": W_read, "W_mlp1": W_mlp1, "W_mlp2": W_mlp2,
        "edge_index": edge_index, "batch": batch, "ptr": ptr,
    }


def reference(positions, node_attrs, shifts, total_charge, W_embed, W_r1, W_r2,
              W_sh, W_elem, W_up, W_read, W_mlp1, W_mlp2, edge_index, batch, ptr):
    N = positions.shape[0]
    G = total_charge.shape[0]
    snd = edge_index[0]
    rcv = edge_index[1]
    # edge vectors and lengths
    vec = positions[rcv] - positions[snd] + shifts
    r = jnp.sqrt(jnp.sum(vec * vec, axis=-1) + 1e-12)
    u = vec / r[:, None]
    sh = _sph_harm(u)
    # radial embedding: bessel basis * polynomial cutoff
    ur = r / R_MAX
    n = jnp.arange(1, NUM_BESSEL + 1, dtype=jnp.float32)
    bess = jnp.sqrt(2.0 / R_MAX) * jnp.sin(n[None, :] * jnp.pi * ur[:, None]) / r[:, None]
    p = P_CUT
    cut = (1.0 - ((p + 1.0) * (p + 2.0) / 2.0) * ur ** p + p * (p + 2.0) * ur ** (p + 1.0)
           - (p * (p + 1.0) / 2.0) * ur ** (p + 2.0)) * (ur < 1.0).astype(jnp.float32)
    edge_feats = bess * cut[:, None]
    # node embedding
    node_feats = node_attrs @ W_embed
    charges, dipoles, polars = [], [], []
    for t in range(NUM_LAYERS):
        tpw = _silu(edge_feats @ W_r1[t]) @ W_r2[t]      # radial MLP tensor-product weights [E,F]
        shp = sh @ W_sh[t]                               # SH projection [E,F]
        m = node_feats[snd] * tpw * shp * cut[:, None]   # per-edge message [E,F]
        agg = jnp.zeros((N, node_feats.shape[1]), jnp.float32).at[rcv].add(m) / AVG_NEIGH
        agg = agg * (node_attrs @ W_elem[t])             # element-dependent product-basis weights
        node_feats = node_feats + _silu(agg @ W_up[t])   # residual update
        if t == NUM_LAYERS - 1:
            node_out = _silu(node_feats @ W_mlp1) @ W_mlp2  # nonlinear readout
        else:
            node_out = node_feats @ W_read                   # linear readout
        charges.append(node_out[:, 0])
        dipoles.append(node_out[:, 2:5])
        polars.append(jnp.concatenate([node_out[:, 1:2], node_out[:, 5:]], axis=-1))
    atomic_charges = jnp.stack(charges, axis=-1).sum(-1)
    atomic_dipoles = jnp.stack(dipoles, axis=-1).sum(-1)
    num_atoms = (ptr[1:] - ptr[:-1]).astype(jnp.float32)
    mean_c = jax.ops.segment_sum(atomic_charges, batch, num_segments=G) / num_atoms
    excess = mean_c - total_charge / num_atoms
    atomic_charges = atomic_charges - excess[batch]
    total_dipole = jax.ops.segment_sum(atomic_dipoles, batch, num_segments=G)
    baseline = jax.ops.segment_sum(atomic_charges[:, None] * positions, batch, num_segments=G)
    return total_dipole + baseline

if __name__ == "__main__":
    import jax
    _d = setup_inputs()
    print(jax.jit(kernel)(*tuple(_d.values())))

</pallas_src>

<mosaic_0001>
#map = affine_map<(d0, d1) -> (0, 0)>
#map1 = affine_map<(d0, d1) -> (0)>
#map2 = affine_map<(d0, d1) -> (0, 0, 0)>
module attributes {stable_mosaic.version = 14 : i64} {
  func.func @_msg_body(%arg0: i32, %arg1: i32, %arg2: memref<10000x128xf32, #tpu.memory_space<hbm>>, %arg3: memref<320000x128xf32, #tpu.memory_space<hbm>>, %arg4: memref<320000xi32, #tpu.memory_space<hbm>>, %arg5: memref<320000xi32, #tpu.memory_space<hbm>>, %arg6: memref<625x128xf32, #tpu.memory_space<hbm>>, %arg7: memref<2x10000x128xf32, #tpu.memory_space<hbm>>, %arg8: memref<10000x128xf32, #tpu.memory_space<vmem_shared>>, %arg9: memref<10000xi32, #tpu.memory_space<vmem>>, %arg10: memref<10000xi32, #tpu.memory_space<vmem>>, %arg11: memref<40x128xf32, #tpu.memory_space<vmem>>, %arg12: memref<40x128xf32, #tpu.memory_space<vmem>>, %arg13: memref<40x128xf32, #tpu.memory_space<vmem>>, %arg14: memref<40x128xf32, #tpu.memory_space<vmem>>, %arg15: memref<40xi32, #tpu.memory_space<vmem>>, %arg16: memref<40xi32, #tpu.memory_space<vmem>>, %arg17: memref<!tpu.dma_semaphore, #tpu.memory_space<semaphore_mem>>, %arg18: memref<!tpu.dma_semaphore, #tpu.memory_space<semaphore_mem>>, %arg19: memref<!tpu.dma_semaphore, #tpu.memory_space<semaphore_mem>>, %arg20: memref<!tpu.dma_semaphore, #tpu.memory_space<semaphore_mem>>, %arg21: memref<!tpu.dma_semaphore, #tpu.memory_space<semaphore_mem>>, %arg22: memref<!tpu.dma_semaphore, #tpu.memory_space<semaphore_mem>>) attributes {dimension_semantics = [#tpu.dimension_semantics<core_parallel>, #tpu.dimension_semantics<subcore_parallel>], iteration_bounds = array<i64: 2, 16>, scalar_prefetch = 0 : i64, scratch_operands = 15 : i64, tpu.core_type = #tpu.core_type<sc_vector_subcore>, window_params = [{transform_indices = #map}, {transform_indices = #map}, {transform_indices = #map1}, {transform_indices = #map1}, {transform_indices = #map}, {transform_indices = #map2}]} {
    %mul3A = arith.constant 2 : i32
    %mul3A_0 = arith.muli %arg1, %mul3A : i32
    %add3A = arith.addi %mul3A_0, %arg0 : i32
    %mul3A_1 = arith.constant 624 : i32
    %mul3A_2 = arith.muli %arg1, %mul3A_1 : i32
    "tpu.region"() ({
      %run_scoped3A = tpu.sem_alloc : memref<!tpu.dma_semaphore, #tpu.memory_space<semaphore_mem>>
      %dma_start3A_131 = arith.constant 0 : i32
      %dma_start3A_132 = tpu.memref_slice %arg8[%mul3A_2, %dma_start3A_131] : memref<10000x128xf32, #tpu.memory_space<vmem_shared>> -> memref<624x128xf32, #tpu.memory_space<vmem_shared>>
      %dma_start3A_133 = arith.constant 0 : i32
      %dma_start3A_134 = arith.constant 0 : i32
      %dma_start3A_135 = tpu.memref_slice %arg6[%dma_start3A_133, %dma_start3A_134] : memref<625x128xf32, #tpu.memory_space<hbm>> -> memref<624x128xf32, #tpu.memory_space<hbm>>
      tpu.enqueue_dma source(%dma_start3A_135 : memref<624x128xf32, #tpu.memory_space<hbm>>) target(%dma_start3A_132 : memref<624x128xf32, #tpu.memory_space<vmem_shared>>) target_semaphore(%run_scoped3A : memref<!tpu.dma_semaphore, #tpu.memory_space<semaphore_mem>>)
      %dma_wait3A_136 = arith.constant 0 : i32
      %dma_wait3A_137 = tpu.memref_slice %arg8[%mul3A_2, %dma_wait3A_136] : memref<10000x128xf32, #tpu.memory_space<vmem_shared>> -> memref<624x128xf32, #tpu.memory_space<vmem_shared>>
      %dma_wait3A_138 = arith.constant 0 : i32
      %dma_wait3A_139 = arith.constant 0 : i32
      %dma_wait3A_140 = tpu.memref_slice %arg6[%dma_wait3A_138, %dma_wait3A_139] : memref<625x128xf32, #tpu.memory_space<hbm>> -> memref<624x128xf32, #tpu.memory_space<hbm>>
      tpu.wait_dma2 semaphore(%run_scoped3A : memref<!tpu.dma_semaphore, #tpu.memory_space<semaphore_mem>>) src(%dma_wait3A_140 : memref<624x128xf32, #tpu.memory_space<hbm>>) dst(%dma_wait3A_137 : memref<624x128xf32, #tpu.memory_space<vmem_shared>>)
      tpu.yield
    }) : () -> ()
    %eq3A = arith.constant 15 : i32
    %eq3A_3 = arith.cmpi eq, %arg1, %eq3A : i32
    %convert_element_type3A = arith.extui %eq3A_3 : i1 to i32
    %cond3A = arith.constant 0 : i32
    %cond3A_4 = arith.cmpi ne, %convert_element_type3A, %cond3A : i32
    scf.if %cond3A_4 {
      "tpu.region"() ({
        %run_scoped3A = tpu.sem_alloc : memref<!tpu.dma_semaphore, #tpu.memory_space<semaphore_mem>>
        %dma_start3A_131 = arith.constant 9984 : i32
        %dma_start3A_132 = arith.constant 0 : i32
        %dma_start3A_133 = tpu.memref_slice %arg8[%dma_start3A_131, %dma_start3A_132] : memref<10000x128xf32, #tpu.memory_space<vmem_shared>> -> memref<16x128xf32, #tpu.memory_space<vmem_shared>>
        %dma_start3A_134 = arith.constant 0 : i32
        %dma_start3A_135 = arith.constant 0 : i32
        %dma_start3A_136 = tpu.memref_slice %arg6[%dma_start3A_134, %dma_start3A_135] : memref<625x128xf32, #tpu.memory_space<hbm>> -> memref<16x128xf32, #tpu.memory_space<hbm>>
        tpu.enqueue_dma source(%dma_start3A_136 : memref<16x128xf32, #tpu.memory_space<hbm>>) target(%dma_start3A_133 : memref<16x128xf32, #tpu.memory_space<vmem_shared>>) target_semaphore(%run_scoped3A : memref<!tpu.dma_semaphore, #tpu.memory_space<semaphore_mem>>)
        %dma_wait3A_137 = arith.constant 9984 : i32
        %dma_wait3A_138 = arith.constant 0 : i32
        %dma_wait3A_139 = tpu.memref_slice %arg8[%dma_wait3A_137, %dma_wait3A_138] : memref<10000x128xf32, #tpu.memory_space<vmem_shared>> -> memref<16x128xf32, #tpu.memory_space<vmem_shared>>
        %dma_wait3A_140 = arith.constant 0 : i32
        %dma_wait3A_141 = arith.constant 0 : i32
        %dma_wait3A_142 = tpu.memref_slice %arg6[%dma_wait3A_140, %dma_wait3A_141] : memref<625x128xf32, #tpu.memory_space<hbm>> -> memref<16x128xf32, #tpu.memory_space<hbm>>
        tpu.wait_dma2 semaphore(%run_scoped3A : memref<!tpu.dma_semaphore, #tpu.memory_space<semaphore_mem>>) src(%dma_wait3A_142 : memref<16x128xf32, #tpu.memory_space<hbm>>) dst(%dma_wait3A_139 : memref<16x128xf32, #tpu.memory_space<vmem_shared>>)
        tpu.yield
      }) : () -> ()
    } else {
    }
    %mul3A_5 = arith.constant 10000 : i32
    %mul3A_6 = arith.muli %add3A, %mul3A_5 : i32
    "tpu.region"() ({
      %run_scoped3A = tpu.sem_alloc : memref<!tpu.dma_semaphore, #tpu.memory_space<semaphore_mem>>
      %dma_start3A_131 = tpu.memref_slice %arg4[%mul3A_6] : memref<320000xi32, #tpu.memory_space<hbm>> -> memref<10000xi32, #tpu.memory_space<hbm>>
      %dma_start3A_132 = tpu.memref_slice %arg4[%mul3A_6] : memref<320000xi32, #tpu.memory_space<hbm>> -> memref<10000xi32, #tpu.memory_space<hbm>>
      tpu.enqueue_dma source(%dma_start3A_132 : memref<10000xi32, #tpu.memory_space<hbm>>) target(%arg9 : memref<10000xi32, #tpu.memory_space<vmem>>) target_semaphore(%run_scoped3A : memref<!tpu.dma_semaphore, #tpu.memory_space<semaphore_mem>>)
      %dma_wait3A_133 = tpu.memref_slice %arg4[%mul3A_6] : memref<320000xi32, #tpu.memory_space<hbm>> -> memref<10000xi32, #tpu.memory_space<hbm>>
      %dma_wait3A_134 = tpu.memref_slice %arg4[%mul3A_6] : memref<320000xi32, #tpu.memory_space<hbm>> -> memref<10000xi32, #tpu.memory_space<hbm>>
      tpu.wait_dma2 semaphore(%run_scoped3A : memref<!tpu.dma_semaphore, #tpu.memory_space<semaphore_mem>>) src(%dma_wait3A_134 : memref<10000xi32, #tpu.memory_space<hbm>>) dst(%arg9 : memref<10000xi32, #tpu.memory_space<vmem>>)
      tpu.yield
    }) : () -> ()
    %mul3A_7 = arith.constant 10000 : i32
    %mul3A_8 = arith.muli %add3A, %mul3A_7 : i32
    "tpu.region"() ({
      %run_scoped3A = tpu.sem_alloc : memref<!tpu.dma_semaphore, #tpu.memory_space<semaphore_mem>>
      %dma_start3A_131 = tpu.memref_slice %arg5[%mul3A_8] : memref<320000xi32, #tpu.memory_space<hbm>> -> memref<10000xi32, #tpu.memory_space<hbm>>
      %dma_start3A_132 = tpu.memref_slice %arg5[%mul3A_8] : memref<320000xi32, #tpu.memory_space<hbm>> -> memref<10000xi32, #tpu.memory_space<hbm>>
      tpu.enqueue_dma source(%dma_start3A_132 : memref<10000xi32, #tpu.memory_space<hbm>>) target(%arg10 : memref<10000xi32, #tpu.memory_space<vmem>>) target_semaphore(%run_scoped3A : memref<!tpu.dma_semaphore, #tpu.memory_space<semaphore_mem>>)
      %dma_wait3A_133 = tpu.memref_slice %arg5[%mul3A_8] : memref<320000xi32, #tpu.memory_space<hbm>> -> memref<10000xi32, #tpu.memory_space<hbm>>
      %dma_wait3A_134 = tpu.memref_slice %arg5[%mul3A_8] : memref<320000xi32, #tpu.memory_space<hbm>> -> memref<10000xi32, #tpu.memory_space<hbm>>
      tpu.wait_dma2 semaphore(%run_scoped3A : memref<!tpu.dma_semaphore, #tpu.memory_space<semaphore_mem>>) src(%dma_wait3A_134 : memref<10000xi32, #tpu.memory_space<hbm>>) dst(%arg10 : memref<10000xi32, #tpu.memory_space<vmem>>)
      tpu.yield
    }) : () -> ()
    %barrier3A = arith.constant 0 : index
    tpu.barrier barrier_id(%barrier3A)
    %dma_start3A = arith.constant 0 : i32
    %dma_start3A_9 = tpu.memref_slice %arg9[%dma_start3A] : memref<10000xi32, #tpu.memory_space<vmem>> -> memref<40xi32, #tpu.memory_space<vmem>>
    %dma_start3A_10 = arith.constant 0 : i32
    %dma_start3A_11 = arith.constant 0 : i32
    %dma_start3A_12 = tpu.memref_slice %arg2[%dma_start3A_10, %dma_start3A_11] : memref<10000x128xf32, #tpu.memory_space<hbm>> -> memref<10000x128xf32, #tpu.memory_space<hbm>>
    tpu.enqueue_indirect_dma source(%dma_start3A_12 : memref<10000x128xf32, #tpu.memory_space<hbm>>) target(%arg11 : memref<40x128xf32, #tpu.memory_space<vmem>>) offsets(%dma_start3A_9 : memref<40xi32, #tpu.memory_space<vmem>>) semaphore(%arg17 : memref<!tpu.dma_semaphore, #tpu.memory_space<semaphore_mem>>)
    %mul3A_13 = arith.constant 10000 : i32
    %mul3A_14 = arith.muli %add3A, %mul3A_13 : i32
    %add3A_15 = arith.constant 0 : i32
    %add3A_16 = arith.addi %mul3A_14, %add3A_15 : i32
    %dma_start3A_17 = arith.constant 0 : i32
    %dma_start3A_18 = tpu.memref_slice %arg3[%add3A_16, %dma_start3A_17] : memref<320000x128xf32, #tpu.memory_space<hbm>> -> memref<40x128xf32, #tpu.memory_space<hbm>>
    %dma_start3A_19 = arith.constant 0 : i32
    %dma_start3A_20 = tpu.memref_slice %arg3[%add3A_16, %dma_start3A_19] : memref<320000x128xf32, #tpu.memory_space<hbm>> -> memref<40x128xf32, #tpu.memory_space<hbm>>
    tpu.enqueue_dma source(%dma_start3A_20 : memref<40x128xf32, #tpu.memory_space<hbm>>) target(%arg13 : memref<40x128xf32, #tpu.memory_space<vmem>>) target_semaphore(%arg19 : memref<!tpu.dma_semaphore, #tpu.memory_space<semaphore_mem>>)
    %dma_wait3A = arith.constant 0 : i32
    %dma_wait3A_21 = arith.constant 0 : i32
    %dma_wait3A_22 = tpu.memref_slice %arg2[%dma_wait3A, %dma_wait3A_21] : memref<10000x128xf32, #tpu.memory_space<hbm>> -> memref<10000x128xf32, #tpu.memory_space<hbm>>
    tpu.wait_indirect_dma semaphore(%arg17 : memref<!tpu.dma_semaphore, #tpu.memory_space<semaphore_mem>>) src(%dma_wait3A_22 : memref<10000x128xf32, #tpu.memory_space<hbm>>) dst(%arg11 : memref<40x128xf32, #tpu.memory_space<vmem>>)
    %dma_wait3A_23 = arith.constant 0 : i32
    %dma_wait3A_24 = arith.constant 0 : i32
    %dma_wait3A_25 = tpu.memref_slice %arg3[%dma_wait3A_23, %dma_wait3A_24] : memref<320000x128xf32, #tpu.memory_space<hbm>> -> memref<40x128xf32, #tpu.memory_space<hbm>>
    %dma_wait3A_26 = arith.constant 0 : i32
    %dma_wait3A_27 = arith.constant 0 : i32
    %dma_wait3A_28 = tpu.memref_slice %arg3[%dma_wait3A_26, %dma_wait3A_27] : memref<320000x128xf32, #tpu.memory_space<hbm>> -> memref<40x128xf32, #tpu.memory_space<hbm>>
    tpu.wait_dma2 semaphore(%arg19 : memref<!tpu.dma_semaphore, #tpu.memory_space<semaphore_mem>>) src(%dma_wait3A_28 : memref<40x128xf32, #tpu.memory_space<hbm>>) dst(%arg13 : memref<40x128xf32, #tpu.memory_space<vmem>>)
    %get3A = arith.constant 0 : index
    %get3A_29 = tpu.vector_load %arg10[%get3A] {strides = array<i32>} : memref<10000xi32, #tpu.memory_space<vmem>>, vector<16xi32>,
    %swap3A = arith.constant 0 : index
    %swap3A_30 = tpu.vector_load %arg15[%swap3A] {strides = array<i32>} : memref<40xi32, #tpu.memory_space<vmem>>, vector<16xi32>,
    tpu.vector_store %arg15[%swap3A], %get3A_29 {strides = array<i32>} : memref<40xi32, #tpu.memory_space<vmem>>, vector<16xi32>,
    %get3A_31 = arith.constant 16 : index
    %get3A_32 = tpu.vector_load %arg10[%get3A_31] {strides = array<i32>} : memref<10000xi32, #tpu.memory_space<vmem>>, vector<16xi32>,
    %swap3A_33 = arith.constant 16 : index
    %swap3A_34 = tpu.vector_load %arg15[%swap3A_33] {strides = array<i32>} : memref<40xi32, #tpu.memory_space<vmem>>, vector<16xi32>,
    tpu.vector_store %arg15[%swap3A_33], %get3A_32 {strides = array<i32>} : memref<40xi32, #tpu.memory_space<vmem>>, vector<16xi32>,
    %get3A_35 = arith.constant 24 : index
    %get3A_36 = tpu.vector_load %arg10[%get3A_35] {strides = array<i32>} : memref<10000xi32, #tpu.memory_space<vmem>>, vector<16xi32>,
    %swap3A_37 = arith.constant 24 : index
    %swap3A_38 = tpu.vector_load %arg15[%swap3A_37] {strides = array<i32>} : memref<40xi32, #tpu.memory_space<vmem>>, vector<16xi32>,
    tpu.vector_store %arg15[%swap3A_37], %get3A_36 {strides = array<i32>} : memref<40xi32, #tpu.memory_space<vmem>>, vector<16xi32>,
    %dma_start3A_39 = arith.constant 40 : i32
    %dma_start3A_40 = tpu.memref_slice %arg9[%dma_start3A_39] : memref<10000xi32, #tpu.memory_space<vmem>> -> memref<40xi32, #tpu.memory_space<vmem>>
    %dma_start3A_41 = arith.constant 0 : i32
    %dma_start3A_42 = arith.constant 0 : i32
    %dma_start3A_43 = tpu.memref_slice %arg2[%dma_start3A_41, %dma_start3A_42] : memref<10000x128xf32, #tpu.memory_space<hbm>> -> memref<10000x128xf32, #tpu.memory_space<hbm>>
    tpu.enqueue_indirect_dma source(%dma_start3A_43 : memref<10000x128xf32, #tpu.memory_space<hbm>>) target(%arg12 : memref<40x128xf32, #tpu.memory_space<vmem>>) offsets(%dma_start3A_40 : memref<40xi32, #tpu.memory_space<vmem>>) semaphore(%arg18 : memref<!tpu.dma_semaphore, #tpu.memory_space<semaphore_mem>>)
    %mul3A_44 = arith.constant 10000 : i32
    %mul3A_45 = arith.muli %add3A, %mul3A_44 : i32
    %add3A_46 = arith.constant 40 : i32
    %add3A_47 = arith.addi %mul3A_45, %add3A_46 : i32
    %dma_start3A_48 = arith.constant 0 : i32
    %dma_start3A_49 = tpu.memref_slice %arg3[%add3A_47, %dma_start3A_48] : memref<320000x128xf32, #tpu.memory_space<hbm>> -> memref<40x128xf32, #tpu.memory_space<hbm>>
    %dma_start3A_50 = arith.constant 0 : i32
    %dma_start3A_51 = tpu.memref_slice %arg3[%add3A_47, %dma_start3A_50] : memref<320000x128xf32, #tpu.memory_space<hbm>> -> memref<40x128xf32, #tpu.memory_space<hbm>>
    tpu.enqueue_dma source(%dma_start3A_51 : memref<40x128xf32, #tpu.memory_space<hbm>>) target(%arg14 : memref<40x128xf32, #tpu.memory_space<vmem>>) target_semaphore(%arg20 : memref<!tpu.dma_semaphore, #tpu.memory_space<semaphore_mem>>)
    %scan3A = arith.constant 0 : i32
    %scan3A_52 = arith.constant 0 : i32
    %scan3A_53 = arith.constant 40 : i32
    %scan3A_54 = arith.addi %scan3A_52, %scan3A_53 : i32
    %scan3A_55 = arith.constant 1 : i32
    %scan3A_56 = scf.for %scan3A_131 = %scan3A_52 to %scan3A_54 step %scan3A_55 iter_args(%scan3A_132 = %scan3A) -> (i32)  : i32 {
      %get3A_133 = arith.index_cast %scan3A_131 : i32 to index
      %get3A_134 = arith.constant 0 : index
      %get3A_135 = tpu.vector_load %arg11[%get3A_133, %get3A_134] {strides = array<i32>} : memref<40x128xf32, #tpu.memory_space<vmem>>, vector<16xf32>,
      %get3A_136 = arith.index_cast %scan3A_131 : i32 to index
      %get3A_137 = arith.constant 0 : index
      %get3A_138 = tpu.vector_load %arg13[%get3A_136, %get3A_137] {strides = array<i32>} : memref<40x128xf32, #tpu.memory_space<vmem>>, vector<16xf32>,
      %mul3A_139 = arith.mulf %get3A_135, %get3A_138 : vector<16xf32>
      %swap3A_140 = arith.index_cast %scan3A_131 : i32 to index
      %swap3A_141 = arith.constant 0 : index
      %swap3A_142 = tpu.vector_load %arg11[%swap3A_140, %swap3A_141] {strides = array<i32>} : memref<40x128xf32, #tpu.memory_space<vmem>>, vector<16xf32>,
      tpu.vector_store %arg11[%swap3A_140, %swap3A_141], %mul3A_139 {strides = array<i32>} : memref<40x128xf32, #tpu.memory_space<vmem>>, vector<16xf32>,
      %get3A_143 = arith.index_cast %scan3A_131 : i32 to index
      %get3A_144 = arith.constant 16 : index
      %get3A_145 = tpu.vector_load %arg11[%get3A_143, %get3A_144] {strides = array<i32>} : memref<40x128xf32, #tpu.memory_space<vmem>>, vector<16xf32>,
      %get3A_146 = arith.index_cast %scan3A_131 : i32 to index
      %get3A_147 = arith.constant 16 : index
      %get3A_148 = tpu.vector_load %arg13[%get3A_146, %get3A_147] {strides = array<i32>} : memref<40x128xf32, #tpu.memory_space<vmem>>, vector<16xf32>,
      %mul3A_149 = arith.mulf %get3A_145, %get3A_148 : vector<16xf32>
      %swap3A_150 = arith.index_cast %scan3A_131 : i32 to index
      %swap3A_151 = arith.constant 16 : index
      %swap3A_152 = tpu.vector_load %arg11[%swap3A_150, %swap3A_151] {strides = array<i32>} : memref<40x128xf32, #tpu.memory_space<vmem>>, vector<16xf32>,
      tpu.vector_store %arg11[%swap3A_150, %swap3A_151], %mul3A_149 {strides = array<i32>} : memref<40x128xf32, #tpu.memory_space<vmem>>, vector<16xf32>,
      %get3A_153 = arith.index_cast %scan3A_131 : i32 to index
      %get3A_154 = arith.constant 32 : index
      %get3A_155 = tpu.vector_load %arg11[%get3A_153, %get3A_154] {strides = array<i32>} : memref<40x128xf32, #tpu.memory_space<vmem>>, vector<16xf32>,
      %get3A_156 = arith.index_cast %scan3A_131 : i32 to index
      %get3A_157 = arith.constant 32 : index
      %get3A_158 = tpu.vector_load %arg13[%get3A_156, %get3A_157] {strides = array<i32>} : memref<40x128xf32, #tpu.memory_space<vmem>>, vector<16xf32>,
      %mul3A_159 = arith.mulf %get3A_155, %get3A_158 : vector<16xf32>
      %swap3A_160 = arith.index_cast %scan3A_131 : i32 to index
      %swap3A_161 = arith.constant 32 : index
      %swap3A_162 = tpu.vector_load %arg11[%swap3A_160, %swap3A_161] {strides = array<i32>} : memref<40x128xf32, #tpu.memory_space<vmem>>, vector<16xf32>,
      tpu.vector_store %arg11[%swap3A_160, %swap3A_161], %mul3A_159 {strides = array<i32>} : memref<40x128xf32, #tpu.memory_space<vmem>>, vector<16xf32>,
      %get3A_163 = arith.index_cast %scan3A_131 : i32 to index
      %get3A_164 = arith.constant 48 : index
      %get3A_165 = tpu.vector_load %arg11[%get3A_163, %get3A_164] {strides = array<i32>} : memref<40x128xf32, #tpu.memory_space<vmem>>, vector<16xf32>,
      %get3A_166 = arith.index_cast %scan3A_131 : i32 to index
      %get3A_167 = arith.constant 48 : index
      %get3A_168 = tpu.vector_load %arg13[%get3A_166, %get3A_167] {strides = array<i32>} : memref<40x128xf32, #tpu.memory_space<vmem>>, vector<16xf32>,
      %mul3A_169 = arith.mulf %get3A_165, %get3A_168 : vector<16xf32>
      %swap3A_170 = arith.index_cast %scan3A_131 : i32 to index
      %swap3A_171 = arith.constant 48 : index
      %swap3A_172 = tpu.vector_load %arg11[%swap3A_170, %swap3A_171] {strides = array<i32>} : memref<40x128xf32, #tpu.memory_space<vmem>>, vector<16xf32>,
      tpu.vector_store %arg11[%swap3A_170, %swap3A_171], %mul3A_169 {strides = array<i32>} : memref<40x128xf32, #tpu.memory_space<vmem>>, vector<16xf32>,
      %get3A_173 = arith.index_cast %scan3A_131 : i32 to index
      %get3A_174 = arith.constant 64 : index
      %get3A_175 = tpu.vector_load %arg11[%get3A_173, %get3A_174] {strides = array<i32>} : memref<40x128xf32, #tpu.memory_space<vmem>>, vector<16xf32>,
      %get3A_176 = arith.index_cast %scan3A_131 : i32 to index
      %get3A_177 = arith.constant 64 : index
      %get3A_178 = tpu.vector_load %arg13[%get3A_176, %get3A_177] {strides = array<i32>} : memref<40x128xf32, #tpu.memory_space<vmem>>, vector<16xf32>,
      %mul3A_179 = arith.mulf %get3A_175, %get3A_178 : vector<16xf32>
      %swap3A_180 = arith.index_cast %scan3A_131 : i32 to index
      %swap3A_181 = arith.constant 64 : index
      %swap3A_182 = tpu.vector_load %arg11[%swap3A_180, %swap3A_181] {strides = array<i32>} : memref<40x128xf32, #tpu.memory_space<vmem>>, vector<16xf32>,
      tpu.vector_store %arg11[%swap3A_180, %swap3A_181], %mul3A_179 {strides = array<i32>} : memref<40x128xf32, #tpu.memory_space<vmem>>, vector<16xf32>,
      %get3A_183 = arith.index_cast %scan3A_131 : i32 to index
      %get3A_184 = arith.constant 80 : index
      %get3A_185 = tpu.vector_load %arg11[%get3A_183, %get3A_184] {strides = array<i32>} : memref<40x128xf32, #tpu.memory_space<vmem>>, vector<16xf32>,
      %get3A_186 = arith.index_cast %scan3A_131 : i32 to index
      %get3A_187 = arith.constant 80 : index
      %get3A_188 = tpu.vector_load %arg13[%get3A_186, %get3A_187] {strides = array<i32>} : memref<40x128xf32, #tpu.memory_space<vmem>>, vector<16xf32>,
      %mul3A_189 = arith.mulf %get3A_185, %get3A_188 : vector<16xf32>
      %swap3A_190 = arith.index_cast %scan3A_131 : i32 to index
      %swap3A_191 = arith.constant 80 : index
      %swap3A_192 = tpu.vector_load %arg11[%swap3A_190, %swap3A_191] {strides = array<i32>} : memref<40x128xf32, #tpu.memory_space<vmem>>, vector<16xf32>,
      tpu.vector_store %arg11[%swap3A_190, %swap3A_191], %mul3A_189 {strides = array<i32>} : memref<40x128xf32, #tpu.memory_space<vmem>>, vector<16xf32>,
      %get3A_193 = arith.index_cast %scan3A_131 : i32 to index
      %get3A_194 = arith.constant 96 : index
      %get3A_195 = tpu.vector_load %arg11[%get3A_193, %get3A_194] {strides = array<i32>} : memref<40x128xf32, #tpu.memory_space<vmem>>, vector<16xf32>,
      %get3A_196 = arith.index_cast %scan3A_131 : i32 to index
      %get3A_197 = arith.constant 96 : index
      %get3A_198 = tpu.vector_load %arg13[%get3A_196, %get3A_197] {strides = array<i32>} : memref<40x128xf32, #tpu.memory_space<vmem>>, vector<16xf32>,
      %mul3A_199 = arith.mulf %get3A_195, %get3A_198 : vector<16xf32>
      %swap3A_200 = arith.index_cast %scan3A_131 : i32 to index
      %swap3A_201 = arith.constant 96 : index
      %swap3A_202 = tpu.vector_load %arg11[%swap3A_200, %swap3A_201] {strides = array<i32>} : memref<40x128xf32, #tpu.memory_space<vmem>>, vector<16xf32>,
      tpu.vector_store %arg11[%swap3A_200, %swap3A_201], %mul3A_199 {strides = array<i32>} : memref<40x128xf32, #tpu.memory_space<vmem>>, vector<16xf32>,
      %get3A_203 = arith.index_cast %scan3A_131 : i32 to index
      %get3A_204 = arith.constant 112 : index
      %get3A_205 = tpu.vector_load %arg11[%get3A_203, %get3A_204] {strides = array<i32>} : memref<40x128xf32, #tpu.memory_space<vmem>>, vector<16xf32>,
      %get3A_206 = arith.index_cast %scan3A_131 : i32 to index
      %get3A_207 = arith.constant 112 : index
      %get3A_208 = tpu.vector_load %arg13[%get3A_206, %get3A_207] {strides = array<i32>} : memref<40x128xf32, #tpu.memory_space<vmem>>, vector<16xf32>,
      %mul3A_209 = arith.mulf %get3A_205, %get3A_208 : vector<16xf32>
      %swap3A_210 = arith.index_cast %scan3A_131 : i32 to index
      %swap3A_211 = arith.constant 112 : index
      %swap3A_212 = tpu.vector_load %arg11[%swap3A_210, %swap3A_211] {strides = array<i32>} : memref<40x128xf32, #tpu.memory_space<vmem>>, vector<16xf32>,
      tpu.vector_store %arg11[%swap3A_210, %swap3A_211], %mul3A_209 {strides = array<i32>} : memref<40x128xf32, #tpu.memory_space<vmem>>, vector<16xf32>,
      %scan3A_213 = arith.constant 0 : i32
      scf.yield %scan3A_213 : i32
    }
    %scan3A_57 = arith.constant 40 : i32
    %dma_start3A_58 = arith.constant 0 : i32
    %dma_start3A_59 = arith.constant 0 : i32
    %dma_start3A_60 = tpu.memref_slice %arg8[%dma_start3A_58, %dma_start3A_59] : memref<10000x128xf32, #tpu.memory_space<vmem_shared>> -> memref<10000x128xf32, #tpu.memory_space<vmem_shared>>
    tpu.enqueue_indirect_dma source(%arg11 : memref<40x128xf32, #tpu.memory_space<vmem>>) target(%dma_start3A_60 : memref<10000x128xf32, #tpu.memory_space<vmem_shared>>) offsets(%arg15 : memref<40xi32, #tpu.memory_space<vmem>>) semaphore(%arg21 : memref<!tpu.dma_semaphore, #tpu.memory_space<semaphore_mem>>) {add = true}
    %dma_wait3A_61 = arith.constant 0 : i32
    %dma_wait3A_62 = arith.constant 0 : i32
    %dma_wait3A_63 = tpu.memref_slice %arg2[%dma_wait3A_61, %dma_wait3A_62] : memref<10000x128xf32, #tpu.memory_space<hbm>> -> memref<10000x128xf32, #tpu.memory_space<hbm>>
    tpu.wait_indirect_dma semaphore(%arg18 : memref<!tpu.dma_semaphore, #tpu.memory_space<semaphore_mem>>) src(%dma_wait3A_63 : memref<10000x128xf32, #tpu.memory_space<hbm>>) dst(%arg12 : memref<40x128xf32, #tpu.memory_space<vmem>>)
    %dma_wait3A_64 = arith.constant 0 : i32
    %dma_wait3A_65 = arith.constant 0 : i32
    %dma_wait3A_66 = tpu.memref_slice %arg3[%dma_wait3A_64, %dma_wait3A_65] : memref<320000x128xf32, #tpu.memory_space<hbm>> -> memref<40x128xf32, #tpu.memory_space<hbm>>
    %dma_wait3A_67 = arith.constant 0 : i32
    %dma_wait3A_68 = arith.constant 0 : i32
    %dma_wait3A_69 = tpu.memref_slice %arg3[%dma_wait3A_67, %dma_wait3A_68] : memref<320000x128xf32, #tpu.memory_space<hbm>> -> memref<40x128xf32, #tpu.memory_space<hbm>>
    tpu.wait_dma2 semaphore(%arg20 : memref<!tpu.dma_semaphore, #tpu.memory_space<semaphore_mem>>) src(%dma_wait3A_69 : memref<40x128xf32, #tpu.memory_space<hbm>>) dst(%arg14 : memref<40x128xf32, #tpu.memory_space<vmem>>)
    %get3A_70 = arith.constant 40 : index
    %get3A_71 = tpu.vector_load %arg10[%get3A_70] {strides = array<i32>} : memref<10000xi32, #tpu.memory_space<vmem>>, vector<16xi32>,
    %swap3A_72 = arith.constant 0 : index
    %swap3A_73 = tpu.vector_load %arg16[%swap3A_72] {strides = array<i32>} : memref<40xi32, #tpu.memory_space<vmem>>, vector<16xi32>,
    tpu.vector_store %arg16[%swap3A_72], %get3A_71 {strides = array<i32>} : memref<40xi32, #tpu.memory_space<vmem>>, vector<16xi32>,
    %get3A_74 = arith.constant 56 : index
    %get3A_75 = tpu.vector_load %arg10[%get3A_74] {strides = array<i32>} : memref<10000xi32, #tpu.memory_space<vmem>>, vector<16xi32>,
    %swap3A_76 = arith.constant 16 : index
    %swap3A_77 = tpu.vector_load %arg16[%swap3A_76] {strides = array<i32>} : memref<40xi32, #tpu.memory_space<vmem>>, vector<16xi32>,
    tpu.vector_store %arg16[%swap3A_76], %get3A_75 {strides = array<i32>} : memref<40xi32, #tpu.memory_space<vmem>>, vector<16xi32>,
    %get3A_78 = arith.constant 64 : index
    %get3A_79 = tpu.vector_load %arg10[%get3A_78] {strides = array<i32>} : memref<10000xi32, #tpu.memory_space<vmem>>, vector<16xi32>,
    %swap3A_80 = arith.constant 24 : index
    %swap3A_81 = tpu.vector_load %arg16[%swap3A_80] {strides = array<i32>} : memref<40xi32, #tpu.memory_space<vmem>>, vector<16xi32>,
    tpu.vector_store %arg16[%swap3A_80], %get3A_79 {strides = array<i32>} : memref<40xi32, #tpu.memory_space<vmem>>, vector<16xi32>,
    %dma_wait3A_82 = arith.constant 0 : i32
    %dma_wait3A_83 = arith.constant 0 : i32
    %dma_wait3A_84 = tpu.memref_slice %arg8[%dma_wait3A_82, %dma_wait3A_83] : memref<10000x128xf32, #tpu.memory_space<vmem_shared>> -> memref<10000x128xf32, #tpu.memory_space<vmem_shared>>
    tpu.wait_indirect_dma semaphore(%arg21 : memref<!tpu.dma_semaphore, #tpu.memory_space<semaphore_mem>>) src(%arg11 : memref<40x128xf32, #tpu.memory_space<vmem>>) dst(%dma_wait3A_84 : memref<10000x128xf32, #tpu.memory_space<vmem_shared>>)
    %dma_start3A_85 = arith.constant 80 : i32
    %dma_start3A_86 = tpu.memref_slice %arg9[%dma_start3A_85] : memref<10000xi32, #tpu.memory_space<vmem>> -> memref<40xi32, #tpu.memory_space<vmem>>
    %dma_start3A_87 = arith.constant 0 : i32
    %dma_start3A_88 = arith.constant 0 : i32
    %dma_start3A_89 = tpu.memref_slice %arg2[%dma_start3A_87, %dma_start3A_88] : memref<10000x128xf32, #tpu.memory_space<hbm>> -> memref<10000x128xf32, #tpu.memory_space<hbm>>
    tpu.enqueue_indirect_dma source(%dma_start3A_89 : memref<10000x128xf32, #tpu.memory_space<hbm>>) target(%arg11 : memref<40x128xf32, #tpu.memory_space<vmem>>) offsets(%dma_start3A_86 : memref<40xi32, #tpu.memory_space<vmem>>) semaphore(%arg17 : memref<!tpu.dma_semaphore, #tpu.memory_space<semaphore_mem>>)
    %mul3A_90 = arith.constant 10000 : i32
    %mul3A_91 = arith.muli %add3A, %mul3A_90 : i32
    %add3A_92 = arith.constant 80 : i32
    %add3A_93 = arith.addi %mul3A_91, %add3A_92 : i32
    %dma_start3A_94 = arith.constant 0 : i32
    %dma_start3A_95 = tpu.memref_slice %arg3[%add3A_93, %dma_start3A_94] : memref<320000x128xf32, #tpu.memory_space<hbm>> -> memref<40x128xf32, #tpu.memory_space<hbm>>
    %dma_start3A_96 = arith.constant 0 : i32
    %dma_start3A_97 = tpu.memref_slice %arg3[%add3A_93, %dma_start3A_96] : memref<320000x128xf32, #tpu.memory_space<hbm>> -> memref<40x128xf32, #tpu.memory_space<hbm>>
    tpu.enqueue_dma source(%dma_start3A_97 : memref<40x128xf32, #tpu.memory_space<hbm>>) target(%arg13 : memref<40x128xf32, #tpu.memory_space<vmem>>) target_semaphore(%arg19 : memref<!tpu.dma_semaphore, #tpu.memory_space<semaphore_mem>>)
    %scan3A_98 = arith.constant 0 : i32
    %scan3A_99 = arith.constant 0 : i32
    %scan3A_100 = arith.constant 40 : i32
    %scan3A_101 = arith.addi %scan3A_99, %scan3A_100 : i32
    %scan3A_102 = arith.constant 1 : i32
    %scan3A_103 = scf.for %scan3A_131 = %scan3A_99 to %scan3A_101 step %scan3A_102 iter_args(%scan3A_132 = %scan3A_98) -> (i32)  : i32 {
      %get3A_133 = arith.index_cast %scan3A_131 : i32 to index
      %get3A_134 = arith.constant 0 : index
      %get3A_135 = tpu.vector_load %arg12[%get3A_133, %get3A_134] {strides = array<i32>} : memref<40x128xf32, #tpu.memory_space<vmem>>, vector<16xf32>,
      %get3A_136 = arith.index_cast %scan3A_131 : i32 to index
      %get3A_137 = arith.constant 0 : index
      %get3A_138 = tpu.vector_load %arg14[%get3A_136, %get3A_137] {strides = array<i32>} : memref<40x128xf32, #tpu.memory_space<vmem>>, vector<16xf32>,
      %mul3A_139 = arith.mulf %get3A_135, %get3A_138 : vector<16xf32>
      %swap3A_140 = arith.index_cast %scan3A_131 : i32 to index
      %swap3A_141 = arith.constant 0 : index
      %swap3A_142 = tpu.vector_load %arg12[%swap3A_140, %swap3A_141] {strides = array<i32>} : memref<40x128xf32, #tpu.memory_space<vmem>>, vector<16xf32>,
      tpu.vector_store %arg12[%swap3A_140, %swap3A_141], %mul3A_139 {strides = array<i32>} : memref<40x128xf32, #tpu.memory_space<vmem>>, vector<16xf32>,
      %get3A_143 = arith.index_cast %scan3A_131 : i32 to index
      %get3A_144 = arith.constant 16 : index
      %get3A_145 = tpu.vector_load %arg12[%get3A_143, %get3A_144] {strides = array<i32>} : memref<40x128xf32, #tpu.memory_space<vmem>>, vector<16xf32>,
      %get3A_146 = arith.index_cast %scan3A_131 : i32 to index
      %get3A_147 = arith.constant 16 : index
      %get3A_148 = tpu.vector_load %arg14[%get3A_146, %get3A_147] {strides = array<i32>} : memref<40x128xf32, #tpu.memory_space<vmem>>, vector<16xf32>,
      %mul3A_149 = arith.mulf %get3A_145, %get3A_148 : vector<16xf32>
      %swap3A_150 = arith.index_cast %scan3A_131 : i32 to index
      %swap3A_151 = arith.constant 16 : index
      %swap3A_152 = tpu.vector_load %arg12[%swap3A_150, %swap3A_151] {strides = array<i32>} : memref<40x128xf32, #tpu.memory_space<vmem>>, vector<16xf32>,
      tpu.vector_store %arg12[%swap3A_150, %swap3A_151], %mul3A_149 {strides = array<i32>} : memref<40x128xf32, #tpu.memory_space<vmem>>, vector<16xf32>,
      %get3A_153 = arith.index_cast %scan3A_131 : i32 to index
      %get3A_154 = arith.constant 32 : index
      %get3A_155 = tpu.vector_load %arg12[%get3A_153, %get3A_154] {strides = array<i32>} : memref<40x128xf32, #tpu.memory_space<vmem>>, vector<16xf32>,
      %get3A_156 = arith.index_cast %scan3A_131 : i32 to index
      %get3A_157 = arith.constant 32 : index
      %get3A_158 = tpu.vector_load %arg14[%get3A_156, %get3A_157] {strides = array<i32>} : memref<40x128xf32, #tpu.memory_space<vmem>>, vector<16xf32>,
      %mul3A_159 = arith.mulf %get3A_155, %get3A_158 : vector<16xf32>
      %swap3A_160 = arith.index_cast %scan3A_131 : i32 to index
      %swap3A_161 = arith.constant 32 : index
      %swap3A_162 = tpu.vector_load %arg12[%swap3A_160, %swap3A_161] {strides = array<i32>} : memref<40x128xf32, #tpu.memory_space<vmem>>, vector<16xf32>,
      tpu.vector_store %arg12[%swap3A_160, %swap3A_161], %mul3A_159 {strides = array<i32>} : memref<40x128xf32, #tpu.memory_space<vmem>>, vector<16xf32>,
      %get3A_163 = arith.index_cast %scan3A_131 : i32 to index
      %get3A_164 = arith.constant 48 : index
      %get3A_165 = tpu.vector_load %arg12[%get3A_163, %get3A_164] {strides = array<i32>} : memref<40x128xf32, #tpu.memory_space<vmem>>, vector<16xf32>,
      %get3A_166 = arith.index_cast %scan3A_131 : i32 to index
      %get3A_167 = arith.constant 48 : index
      %get3A_168 = tpu.vector_load %arg14[%get3A_166, %get3A_167] {strides = array<i32>} : memref<40x128xf32, #tpu.memory_space<vmem>>, vector<16xf32>,
      %mul3A_169 = arith.mulf %get3A_165, %get3A_168 : vector<16xf32>
      %swap3A_170 = arith.index_cast %scan3A_131 : i32 to index
      %swap3A_171 = arith.constant 48 : index
      %swap3A_172 = tpu.vector_load %arg12[%swap3A_170, %swap3A_171] {strides = array<i32>} : memref<40x128xf32, #tpu.memory_space<vmem>>, vector<16xf32>,
      tpu.vector_store %arg12[%swap3A_170, %swap3A_171], %mul3A_169 {strides = array<i32>} : memref<40x128xf32, #tpu.memory_space<vmem>>, vector<16xf32>,
      %get3A_173 = arith.index_cast %scan3A_131 : i32 to index
      %get3A_174 = arith.constant 64 : index
      %get3A_175 = tpu.vector_load %arg12[%get3A_173, %get3A_174] {strides = array<i32>} : memref<40x128xf32, #tpu.memory_space<vmem>>, vector<16xf32>,
      %get3A_176 = arith.index_cast %scan3A_131 : i32 to index
      %get3A_177 = arith.constant 64 : index
      %get3A_178 = tpu.vector_load %arg14[%get3A_176, %get3A_177] {strides = array<i32>} : memref<40x128xf32, #tpu.memory_space<vmem>>, vector<16xf32>,
      %mul3A_179 = arith.mulf %get3A_175, %get3A_178 : vector<16xf32>
      %swap3A_180 = arith.index_cast %scan3A_131 : i32 to index
      %swap3A_181 = arith.constant 64 : index
      %swap3A_182 = tpu.vector_load %arg12[%swap3A_180, %swap3A_181] {strides = array<i32>} : memref<40x128xf32, #tpu.memory_space<vmem>>, vector<16xf32>,
      tpu.vector_store %arg12[%swap3A_180, %swap3A_181], %mul3A_179 {strides = array<i32>} : memref<40x128xf32, #tpu.memory_space<vmem>>, vector<16xf32>,
      %get3A_183 = arith.index_cast %scan3A_131 : i32 to index
      %get3A_184 = arith.constant 80 : index
      %get3A_185 = tpu.vector_load %arg12[%get3A_183, %get3A_184] {strides = array<i32>} : memref<40x128xf32, #tpu.memory_space<vmem>>, vector<16xf32>,
      %get3A_186 = arith.index_cast %scan3A_131 : i32 to index
      %get3A_187 = arith.constant 80 : index
      %get3A_188 = tpu.vector_load %arg14[%get3A_186, %get3A_187] {strides = array<i32>} : memref<40x128xf32, #tpu.memory_space<vmem>>, vector<16xf32>,
      %mul3A_189 = arith.mulf %get3A_185, %get3A_188 : vector<16xf32>
      %swap3A_190 = arith.index_cast %scan3A_131 : i32 to index
      %swap3A_191 = arith.constant 80 : index
      %swap3A_192 = tpu.vector_load %arg12[%swap3A_190, %swap3A_191] {strides = array<i32>} : memref<40x128xf32, #tpu.memory_space<vmem>>, vector<16xf32>,
      tpu.vector_store %arg12[%swap3A_190, %swap3A_191], %mul3A_189 {strides = array<i32>} : memref<40x128xf32, #tpu.memory_space<vmem>>, vector<16xf32>,
      %get3A_193 = arith.index_cast %scan3A_131 : i32 to index
      %get3A_194 = arith.constant 96 : index
      %get3A_195 = tpu.vector_load %arg12[%get3A_193, %get3A_194] {strides = array<i32>} : memref<40x128xf32, #tpu.memory_space<vmem>>, vector<16xf32>,
      %get3A_196 = arith.index_cast %scan3A_131 : i32 to index
      %get3A_197 = arith.constant 96 : index
      %get3A_198 = tpu.vector_load %arg14[%get3A_196, %get3A_197] {strides = array<i32>} : memref<40x128xf32, #tpu.memory_space<vmem>>, vector<16xf32>,
      %mul3A_199 = arith.mulf %get3A_195, %get3A_198 : vector<16xf32>
      %swap3A_200 = arith.index_cast %scan3A_131 : i32 to index
      %swap3A_201 = arith.constant 96 : index
      %swap3A_202 = tpu.vector_load %arg12[%swap3A_200, %swap3A_201] {strides = array<i32>} : memref<40x128xf32, #tpu.memory_space<vmem>>, vector<16xf32>,
      tpu.vector_store %arg12[%swap3A_200, %swap3A_201], %mul3A_199 {strides = array<i32>} : memref<40x128xf32, #tpu.memory_space<vmem>>, vector<16xf32>,
      %get3A_203 = arith.index_cast %scan3A_131 : i32 to index
      %get3A_204 = arith.constant 112 : index
      %get3A_205 = tpu.vector_load %arg12[%get3A_203, %get3A_204] {strides = array<i32>} : memref<40x128xf32, #tpu.memory_space<vmem>>, vector<16xf32>,
      %get3A_206 = arith.index_cast %scan3A_131 : i32 to index
      %get3A_207 = arith.constant 112 : index
      %get3A_208 = tpu.vector_load %arg14[%get3A_206, %get3A_207] {strides = array<i32>} : memref<40x128xf32, #tpu.memory_space<vmem>>, vector<16xf32>,
      %mul3A_209 = arith.mulf %get3A_205, %get3A_208 : vector<16xf32>
      %swap3A_210 = arith.index_cast %scan3A_131 : i32 to index
      %swap3A_211 = arith.constant 112 : index
      %swap3A_212 = tpu.vector_load %arg12[%swap3A_210, %swap3A_211] {strides = array<i32>} : memref<40x128xf32, #tpu.memory_space<vmem>>, vector<16xf32>,
      tpu.vector_store %arg12[%swap3A_210, %swap3A_211], %mul3A_209 {strides = array<i32>} : memref<40x128xf32, #tpu.memory_space<vmem>>, vector<16xf32>,
      %scan3A_213 = arith.constant 0 : i32
      scf.yield %scan3A_213 : i32
    }
    %scan3A_104 = arith.constant 40 : i32
    %dma_start3A_105 = arith.constant 0 : i32
    %dma_start3A_106 = arith.constant 0 : i32
    %dma_start3A_107 = tpu.memref_slice %arg8[%dma_start3A_105, %dma_start3A_106] : memref<10000x128xf32, #tpu.memory_space<vmem_shared>> -> memref<10000x128xf32, #tpu.memory_space<vmem_shared>>
    tpu.enqueue_indirect_dma source(%arg12 : memref<40x128xf32, #tpu.memory_space<vmem>>) target(%dma_start3A_107 : memref<10000x128xf32, #tpu.memory_space<vmem_shared>>) offsets(%arg16 : memref<40xi32, #tpu.memory_space<vmem>>) semaphore(%arg22 : memref<!tpu.dma_semaphore, #tpu.memory_space<semaphore_mem>>) {add = true}
    %scan3A_108 = arith.constant 0 : i32
    %scan3A_109 = arith.constant 1 : i32
    %scan3A_110 = arith.constant 124 : i32
    %scan3A_111 = arith.addi %scan3A_109, %scan3A_110 : i32
    %scan3A_112 = arith.constant 1 : i32
    %scan3A_113 = scf.for %scan3A_131 = %scan3A_109 to %scan3A_111 step %scan3A_112 iter_args(%scan3A_132 = %scan3A_108) -> (i32)  : i32 {
      %mul3A_133 = arith.constant 2 : i32
      %mul3A_134 = arith.muli %mul3A_133, %scan3A_131 : i32
      %dma_wait3A_135 = arith.constant 0 : i32
      %dma_wait3A_136 = arith.constant 0 : i32
      %dma_wait3A_137 = tpu.memref_slice %arg2[%dma_wait3A_135, %dma_wait3A_136] : memref<10000x128xf32, #tpu.memory_space<hbm>> -> memref<10000x128xf32, #tpu.memory_space<hbm>>
      tpu.wait_indirect_dma semaphore(%arg17 : memref<!tpu.dma_semaphore, #tpu.memory_space<semaphore_mem>>) src(%dma_wait3A_137 : memref<10000x128xf32, #tpu.memory_space<hbm>>) dst(%arg11 : memref<40x128xf32, #tpu.memory_space<vmem>>)
      %dma_wait3A_138 = arith.constant 0 : i32
      %dma_wait3A_139 = arith.constant 0 : i32
      %dma_wait3A_140 = tpu.memref_slice %arg3[%dma_wait3A_138, %dma_wait3A_139] : memref<320000x128xf32, #tpu.memory_space<hbm>> -> memref<40x128xf32, #tpu.memory_space<hbm>>
      %dma_wait3A_141 = arith.constant 0 : i32
      %dma_wait3A_142 = arith.constant 0 : i32
      %dma_wait3A_143 = tpu.memref_slice %arg3[%dma_wait3A_141, %dma_wait3A_142] : memref<320000x128xf32, #tpu.memory_space<hbm>> -> memref<40x128xf32, #tpu.memory_space<hbm>>
      tpu.wait_dma2 semaphore(%arg19 : memref<!tpu.dma_semaphore, #tpu.memory_space<semaphore_mem>>) src(%dma_wait3A_143 : memref<40x128xf32, #tpu.memory_space<hbm>>) dst(%arg13 : memref<40x128xf32, #tpu.memory_space<vmem>>)
      %mul3A_144 = arith.constant 40 : i32
      %mul3A_145 = arith.muli %mul3A_134, %mul3A_144 : i32
      %add3A_146 = arith.constant 0 : i32
      %add3A_147 = arith.addi %mul3A_145, %add3A_146 : i32
      %get3A_148 = arith.index_cast %add3A_147 : i32 to index
      %get3A_149 = tpu.vector_load %arg10[%get3A_148] {strides = array<i32>} : memref<10000xi32, #tpu.memory_space<vmem>>, vector<16xi32>,
      %swap3A_150 = arith.constant 0 : index
      %swap3A_151 = tpu.vector_load %arg15[%swap3A_150] {strides = array<i32>} : memref<40xi32, #tpu.memory_space<vmem>>, vector<16xi32>,
      tpu.vector_store %arg15[%swap3A_150], %get3A_149 {strides = array<i32>} : memref<40xi32, #tpu.memory_space<vmem>>, vector<16xi32>,
      %mul3A_152 = arith.constant 40 : i32
      %mul3A_153 = arith.muli %mul3A_134, %mul3A_152 : i32
      %add3A_154 = arith.constant 16 : i32
      %add3A_155 = arith.addi %mul3A_153, %add3A_154 : i32
      %get3A_156 = arith.index_cast %add3A_155 : i32 to index
      %get3A_157 = tpu.vector_load %arg10[%get3A_156] {strides = array<i32>} : memref<10000xi32, #tpu.memory_space<vmem>>, vector<16xi32>,
      %swap3A_158 = arith.constant 16 : index
      %swap3A_159 = tpu.vector_load %arg15[%swap3A_158] {strides = array<i32>} : memref<40xi32, #tpu.memory_space<vmem>>, vector<16xi32>,
      tpu.vector_store %arg15[%swap3A_158], %get3A_157 {strides = array<i32>} : memref<40xi32, #tpu.memory_space<vmem>>, vector<16xi32>,
      %mul3A_160 = arith.constant 40 : i32
      %mul3A_161 = arith.muli %mul3A_134, %mul3A_160 : i32
      %add3A_162 = arith.constant 24 : i32
      %add3A_163 = arith.addi %mul3A_161, %add3A_162 : i32
      %get3A_164 = arith.index_cast %add3A_163 : i32 to index
      %get3A_165 = tpu.vector_load %arg10[%get3A_164] {strides = array<i32>} : memref<10000xi32, #tpu.memory_space<vmem>>, vector<16xi32>,
      %swap3A_166 = arith.constant 24 : index
      %swap3A_167 = tpu.vector_load %arg15[%swap3A_166] {strides = array<i32>} : memref<40xi32, #tpu.memory_space<vmem>>, vector<16xi32>,
      tpu.vector_store %arg15[%swap3A_166], %get3A_165 {strides = array<i32>} : memref<40xi32, #tpu.memory_space<vmem>>, vector<16xi32>,
      %add3A_168 = arith.constant 1 : i32
      %add3A_169 = arith.addi %mul3A_134, %add3A_168 : i32
      %lt3A = arith.constant 250 : i32
      %lt3A_170 = arith.cmpi slt, %add3A_169, %lt3A : i32
      %convert_element_type3A_171 = arith.extui %lt3A_170 : i1 to i32
      %cond3A_172 = arith.constant 0 : i32
      %cond3A_173 = arith.cmpi ne, %convert_element_type3A_171, %cond3A_172 : i32
      scf.if %cond3A_173 {
        %dma_wait3A_239 = arith.constant 0 : i32
        %dma_wait3A_240 = arith.constant 0 : i32
        %dma_wait3A_241 = tpu.memref_slice %arg8[%dma_wait3A_239, %dma_wait3A_240] : memref<10000x128xf32, #tpu.memory_space<vmem_shared>> -> memref<10000x128xf32, #tpu.memory_space<vmem_shared>>
        tpu.wait_indirect_dma semaphore(%arg22 : memref<!tpu.dma_semaphore, #tpu.memory_space<semaphore_mem>>) src(%arg12 : memref<40x128xf32, #tpu.memory_space<vmem>>) dst(%dma_wait3A_241 : memref<10000x128xf32, #tpu.memory_space<vmem_shared>>)
        %add3A_242 = arith.constant 1 : i32
        %add3A_243 = arith.addi %mul3A_134, %add3A_242 : i32
        %mul3A_244 = arith.constant 40 : i32
        %mul3A_245 = arith.muli %add3A_243, %mul3A_244 : i32
        %dma_start3A_246 = tpu.memref_slice %arg9[%mul3A_245] : memref<10000xi32, #tpu.memory_space<vmem>> -> memref<40xi32, #tpu.memory_space<vmem>>
        %dma_start3A_247 = arith.constant 0 : i32
        %dma_start3A_248 = arith.constant 0 : i32
        %dma_start3A_249 = tpu.memref_slice %arg2[%dma_start3A_247, %dma_start3A_248] : memref<10000x128xf32, #tpu.memory_space<hbm>> -> memref<10000x128xf32, #tpu.memory_space<hbm>>
        tpu.enqueue_indirect_dma source(%dma_start3A_249 : memref<10000x128xf32, #tpu.memory_space<hbm>>) target(%arg12 : memref<40x128xf32, #tpu.memory_space<vmem>>) offsets(%dma_start3A_246 : memref<40xi32, #tpu.memory_space<vmem>>) semaphore(%arg18 : memref<!tpu.dma_semaphore, #tpu.memory_space<semaphore_mem>>)
        %mul3A_250 = arith.constant 10000 : i32
        %mul3A_251 = arith.muli %add3A, %mul3A_250 : i32
        %mul3A_252 = arith.constant 40 : i32
        %mul3A_253 = arith.muli %add3A_243, %mul3A_252 : i32
        %add3A_254 = arith.addi %mul3A_251, %mul3A_253 : i32
        %dma_start3A_255 = arith.constant 0 : i32
        %dma_start3A_256 = tpu.memref_slice %arg3[%add3A_254, %dma_start3A_255] : memref<320000x128xf32, #tpu.memory_space<hbm>> -> memref<40x128xf32, #tpu.memory_space<hbm>>
        %dma_start3A_257 = arith.constant 0 : i32
        %dma_start3A_258 = tpu.memref_slice %arg3[%add3A_254, %dma_start3A_257] : memref<320000x128xf32, #tpu.memory_space<hbm>> -> memref<40x128xf32, #tpu.memory_space<hbm>>
        tpu.enqueue_dma source(%dma_start3A_258 : memref<40x128xf32, #tpu.memory_space<hbm>>) target(%arg14 : memref<40x128xf32, #tpu.memory_space<vmem>>) target_semaphore(%arg20 : memref<!tpu.dma_semaphore, #tpu.memory_space<semaphore_mem>>)
      } else {
      }
      %scan3A_174 = arith.constant 0 : i32
      %scan3A_175 = arith.constant 0 : i32
      %scan3A_176 = arith.constant 40 : i32
      %scan3A_177 = arith.addi %scan3A_175, %scan3A_176 : i32
      %scan3A_178 = arith.constant 1 : i32
      %scan3A_179 = scf.for %scan3A_239 = %scan3A_175 to %scan3A_177 step %scan3A_178 iter_args(%scan3A_240 = %scan3A_174) -> (i32)  : i32 {
        %get3A_241 = arith.index_cast %scan3A_239 : i32 to index
        %get3A_242 = arith.constant 0 : index
        %get3A_243 = tpu.vector_load %arg11[%get3A_241, %get3A_242] {strides = array<i32>} : memref<40x128xf32, #tpu.memory_space<vmem>>, vector<16xf32>,
        %get3A_244 = arith.index_cast %scan3A_239 : i32 to index
        %get3A_245 = arith.constant 0 : index
        %get3A_246 = tpu.vector_load %arg13[%get3A_244, %get3A_245] {strides = array<i32>} : memref<40x128xf32, #tpu.memory_space<vmem>>, vector<16xf32>,
        %mul3A_247 = arith.mulf %get3A_243, %get3A_246 : vector<16xf32>
        %swap3A_248 = arith.index_cast %scan3A_239 : i32 to index
        %swap3A_249 = arith.constant 0 : index
        %swap3A_250 = tpu.vector_load %arg11[%swap3A_248, %swap3A_249] {strides = array<i32>} : memref<40x128xf32, #tpu.memory_space<vmem>>, vector<16xf32>,
        tpu.vector_store %arg11[%swap3A_248, %swap3A_249], %mul3A_247 {strides = array<i32>} : memref<40x128xf32, #tpu.memory_space<vmem>>, vector<16xf32>,
        %get3A_251 = arith.index_cast %scan3A_239 : i32 to index
        %get3A_252 = arith.constant 16 : index
        %get3A_253 = tpu.vector_load %arg11[%get3A_251, %get3A_252] {strides = array<i32>} : memref<40x128xf32, #tpu.memory_space<vmem>>, vector<16xf32>,
        %get3A_254 = arith.index_cast %scan3A_239 : i32 to index
        %get3A_255 = arith.constant 16 : index
        %get3A_256 = tpu.vector_load %arg13[%get3A_254, %get3A_255] {strides = array<i32>} : memref<40x128xf32, #tpu.memory_space<vmem>>, vector<16xf32>,
        %mul3A_257 = arith.mulf %get3A_253, %get3A_256 : vector<16xf32>
        %swap3A_258 = arith.index_cast %scan3A_239 : i32 to index
        %swap3A_259 = arith.constant 16 : index
        %swap3A_260 = tpu.vector_load %arg11[%swap3A_258, %swap3A_259] {strides = array<i32>} : memref<40x128xf32, #tpu.memory_space<vmem>>, vector<16xf32>,
        tpu.vector_store %arg11[%swap3A_258, %swap3A_259], %mul3A_257 {strides = array<i32>} : memref<40x128xf32, #tpu.memory_space<vmem>>, vector<16xf32>,
        %get3A_261 = arith.index_cast %scan3A_239 : i32 to index
        %get3A_262 = arith.constant 32 : index
        %get3A_263 = tpu.vector_load %arg11[%get3A_261, %get3A_262] {strides = array<i32>} : memref<40x128xf32, #tpu.memory_space<vmem>>, vector<16xf32>,
        %get3A_264 = arith.index_cast %scan3A_239 : i32 to index
        %get3A_265 = arith.constant 32 : index
        %get3A_266 = tpu.vector_load %arg13[%get3A_264, %get3A_265] {strides = array<i32>} : memref<40x128xf32, #tpu.memory_space<vmem>>, vector<16xf32>,
        %mul3A_267 = arith.mulf %get3A_263, %get3A_266 : vector<16xf32>
        %swap3A_268 = arith.index_cast %scan3A_239 : i32 to index
        %swap3A_269 = arith.constant 32 : index
        %swap3A_270 = tpu.vector_load %arg11[%swap3A_268, %swap3A_269] {strides = array<i32>} : memref<40x128xf32, #tpu.memory_space<vmem>>, vector<16xf32>,
        tpu.vector_store %arg11[%swap3A_268, %swap3A_269], %mul3A_267 {strides = array<i32>} : memref<40x128xf32, #tpu.memory_space<vmem>>, vector<16xf32>,
        %get3A_271 = arith.index_cast %scan3A_239 : i32 to index
        %get3A_272 = arith.constant 48 : index
        %get3A_273 = tpu.vector_load %arg11[%get3A_271, %get3A_272] {strides = array<i32>} : memref<40x128xf32, #tpu.memory_space<vmem>>, vector<16xf32>,
        %get3A_274 = arith.index_cast %scan3A_239 : i32 to index
        %get3A_275 = arith.constant 48 : index
        %get3A_276 = tpu.vector_load %arg13[%get3A_274, %get3A_275] {strides = array<i32>} : memref<40x128xf32, #tpu.memory_space<vmem>>, vector<16xf32>,
        %mul3A_277 = arith.mulf %get3A_273, %get3A_276 : vector<16xf32>
        %swap3A_278 = arith.index_cast %scan3A_239 : i32 to index
        %swap3A_279 = arith.constant 48 : index
        %swap3A_280 = tpu.vector_load %arg11[%swap3A_278, %swap3A_279] {strides = array<i32>} : memref<40x128xf32, #tpu.memory_space<vmem>>, vector<16xf32>,
        tpu.vector_store %arg11[%swap3A_278, %swap3A_279], %mul3A_277 {strides = array<i32>} : memref<40x128xf32, #tpu.memory_space<vmem>>, vector<16xf32>,
        %get3A_281 = arith.index_cast %scan3A_239 : i32 to index
        %get3A_282 = arith.constant 64 : index
        %get3A_283 = tpu.vector_load %arg11[%get3A_281, %get3A_282] {strides = array<i32>} : memref<40x128xf32, #tpu.memory_space<vmem>>, vector<16xf32>,
        %get3A_284 = arith.index_cast %scan3A_239 : i32 to index
        %get3A_285 = arith.constant 64 : index
        %get3A_286 = tpu.vector_load %arg13[%get3A_284, %get3A_285] {strides = array<i32>} : memref<40x128xf32, #tpu.memory_space<vmem>>, vector<16xf32>,
        %mul3A_287 = arith.mulf %get3A_283, %get3A_286 : vector<16xf32>
        %swap3A_288 = arith.index_cast %scan3A_239 : i32 to index
        %swap3A_289 = arith.constant 64 : index
        %swap3A_290 = tpu.vector_load %arg11[%swap3A_288, %swap3A_289] {strides = array<i32>} : memref<40x128xf32, #tpu.memory_space<vmem>>, vector<16xf32>,
        tpu.vector_store %arg11[%swap3A_288, %swap3A_289], %mul3A_287 {strides = array<i32>} : memref<40x128xf32, #tpu.memory_space<vmem>>, vector<16xf32>,
        %get3A_291 = arith.index_cast %scan3A_239 : i32 to index
        %get3A_292 = arith.constant 80 : index
        %get3A_293 = tpu.vector_load %arg11[%get3A_291, %get3A_292] {strides = array<i32>} : memref<40x128xf32, #tpu.memory_space<vmem>>, vector<16xf32>,
        %get3A_294 = arith.index_cast %scan3A_239 : i32 to index
        %get3A_295 = arith.constant 80 : index
        %get3A_296 = tpu.vector_load %arg13[%get3A_294, %get3A_295] {strides = array<i32>} : memref<40x128xf32, #tpu.memory_space<vmem>>, vector<16xf32>,
        %mul3A_297 = arith.mulf %get3A_293, %get3A_296 : vector<16xf32>
        %swap3A_298 = arith.index_cast %scan3A_239 : i32 to index
        %swap3A_299 = arith.constant 80 : index
        %swap3A_300 = tpu.vector_load %arg11[%swap3A_298, %swap3A_299] {strides = array<i32>} : memref<40x128xf32, #tpu.memory_space<vmem>>, vector<16xf32>,
        tpu.vector_store %arg11[%swap3A_298, %swap3A_299], %mul3A_297 {strides = array<i32>} : memref<40x128xf32, #tpu.memory_space<vmem>>, vector<16xf32>,
        %get3A_301 = arith.index_cast %scan3A_239 : i32 to index
        %get3A_302 = arith.constant 96 : index
        %get3A_303 = tpu.vector_load %arg11[%get3A_301, %get3A_302] {strides = array<i32>} : memref<40x128xf32, #tpu.memory_space<vmem>>, vector<16xf32>,
        %get3A_304 = arith.index_cast %scan3A_239 : i32 to index
        %get3A_305 = arith.constant 96 : index
        %get3A_306 = tpu.vector_load %arg13[%get3A_304, %get3A_305] {strides = array<i32>} : memref<40x128xf32, #tpu.memory_space<vmem>>, vector<16xf32>,
        %mul3A_307 = arith.mulf %get3A_303, %get3A_306 : vector<16xf32>
        %swap3A_308 = arith.index_cast %scan3A_239 : i32 to index
        %swap3A_309 = arith.constant 96 : index
        %swap3A_310 = tpu.vector_load %arg11[%swap3A_308, %swap3A_309] {strides = array<i32>} : memref<40x128xf32, #tpu.memory_space<vmem>>, vector<16xf32>,
        tpu.vector_store %arg11[%swap3A_308, %swap3A_309], %mul3A_307 {strides = array<i32>} : memref<40x128xf32, #tpu.memory_space<vmem>>, vector<16xf32>,
        %get3A_311 = arith.index_cast %scan3A_239 : i32 to index
        %get3A_312 = arith.constant 112 : index
        %get3A_313 = tpu.vector_load %arg11[%get3A_311, %get3A_312] {strides = array<i32>} : memref<40x128xf32, #tpu.memory_space<vmem>>, vector<16xf32>,
        %get3A_314 = arith.index_cast %scan3A_239 : i32 to index
        %get3A_315 = arith.constant 112 : index
        %get3A_316 = tpu.vector_load %arg13[%get3A_314, %get3A_315] {strides = array<i32>} : memref<40x128xf32, #tpu.memory_space<vmem>>, vector<16xf32>,
        %mul3A_317 = arith.mulf %get3A_313, %get3A_316 : vector<16xf32>
        %swap3A_318 = arith.index_cast %scan3A_239 : i32 to index
        %swap3A_319 = arith.constant 112 : index
        %swap3A_320 = tpu.vector_load %arg11[%swap3A_318, %swap3A_319] {strides = array<i32>} : memref<40x128xf32, #tpu.memory_space<vmem>>, vector<16xf32>,
        tpu.vector_store %arg11[%swap3A_318, %swap3A_319], %mul3A_317 {strides = array<i32>} : memref<40x128xf32, #tpu.memory_space<vmem>>, vector<16xf32>,
        %scan3A_321 = arith.constant 0 : i32
        scf.yield %scan3A_321 : i32
      }
      %scan3A_180 = arith.constant 40 : i32
      %dma_start3A_181 = arith.constant 0 : i32
      %dma_start3A_182 = arith.constant 0 : i32
      %dma_start3A_183 = tpu.memref_slice %arg8[%dma_start3A_181, %dma_start3A_182] : memref<10000x128xf32, #tpu.memory_space<vmem_shared>> -> memref<10000x128xf32, #tpu.memory_space<vmem_shared>>
      tpu.enqueue_indirect_dma source(%arg11 : memref<40x128xf32, #tpu.memory_space<vmem>>) target(%dma_start3A_183 : memref<10000x128xf32, #tpu.memory_space<vmem_shared>>) offsets(%arg15 : memref<40xi32, #tpu.memory_space<vmem>>) semaphore(%arg21 : memref<!tpu.dma_semaphore, #tpu.memory_space<semaphore_mem>>) {add = true}
      %mul3A_184 = arith.constant 2 : i32
      %mul3A_185 = arith.muli %mul3A_184, %scan3A_131 : i32
      %add3A_186 = arith.constant 1 : i32
      %add3A_187 = arith.addi %mul3A_185, %add3A_186 : i32
      %dma_wait3A_188 = arith.constant 0 : i32
      %dma_wait3A_189 = arith.constant 0 : i32
      %dma_wait3A_190 = tpu.memref_slice %arg2[%dma_wait3A_188, %dma_wait3A_189] : memref<10000x128xf32, #tpu.memory_space<hbm>> -> memref<10000x128xf32, #tpu.memory_space<hbm>>
      tpu.wait_indirect_dma semaphore(%arg18 : memref<!tpu.dma_semaphore, #tpu.memory_space<semaphore_mem>>) src(%dma_wait3A_190 : memref<10000x128xf32, #tpu.memory_space<hbm>>) dst(%arg12 : memref<40x128xf32, #tpu.memory_space<vmem>>)
      %dma_wait3A_191 = arith.constant 0 : i32
      %dma_wait3A_192 = arith.constant 0 : i32
      %dma_wait3A_193 = tpu.memref_slice %arg3[%dma_wait3A_191, %dma_wait3A_192] : memref<320000x128xf32, #tpu.memory_space<hbm>> -> memref<40x128xf32, #tpu.memory_space<hbm>>
      %dma_wait3A_194 = arith.constant 0 : i32
      %dma_wait3A_195 = arith.constant 0 : i32
      %dma_wait3A_196 = tpu.memref_slice %arg3[%dma_wait3A_194, %dma_wait3A_195] : memref<320000x128xf32, #tpu.memory_space<hbm>> -> memref<40x128xf32, #tpu.memory_space<hbm>>
      tpu.wait_dma2 semaphore(%arg20 : memref<!tpu.dma_semaphore, #tpu.memory_space<semaphore_mem>>) src(%dma_wait3A_196 : memref<40x128xf32, #tpu.memory_space<hbm>>) dst(%arg14 : memref<40x128xf32, #tpu.memory_space<vmem>>)
      %mul3A_197 = arith.constant 40 : i32
      %mul3A_198 = arith.muli %add3A_187, %mul3A_197 : i32
      %add3A_199 = arith.constant 0 : i32
      %add3A_200 = arith.addi %mul3A_198, %add3A_199 : i32
      %get3A_201 = arith.index_cast %add3A_200 : i32 to index
      %get3A_202 = tpu.vector_load %arg10[%get3A_201] {strides = array<i32>} : memref<10000xi32, #tpu.memory_space<vmem>>, vector<16xi32>,
      %swap3A_203 = arith.constant 0 : index
      %swap3A_204 = tpu.vector_load %arg16[%swap3A_203] {strides = array<i32>} : memref<40xi32, #tpu.memory_space<vmem>>, vector<16xi32>,
      tpu.vector_store %arg16[%swap3A_203], %get3A_202 {strides = array<i32>} : memref<40xi32, #tpu.memory_space<vmem>>, vector<16xi32>,
      %mul3A_205 = arith.constant 40 : i32
      %mul3A_206 = arith.muli %add3A_187, %mul3A_205 : i32
      %add3A_207 = arith.constant 16 : i32
      %add3A_208 = arith.addi %mul3A_206, %add3A_207 : i32
      %get3A_209 = arith.index_cast %add3A_208 : i32 to index
      %get3A_210 = tpu.vector_load %arg10[%get3A_209] {strides = array<i32>} : memref<10000xi32, #tpu.memory_space<vmem>>, vector<16xi32>,
      %swap3A_211 = arith.constant 16 : index
      %swap3A_212 = tpu.vector_load %arg16[%swap3A_211] {strides = array<i32>} : memref<40xi32, #tpu.memory_space<vmem>>, vector<16xi32>,
      tpu.vector_store %arg16[%swap3A_211], %get3A_210 {strides = array<i32>} : memref<40xi32, #tpu.memory_space<vmem>>, vector<16xi32>,
      %mul3A_213 = arith.constant 40 : i32
      %mul3A_214 = arith.muli %add3A_187, %mul3A_213 : i32
      %add3A_215 = arith.constant 24 : i32
      %add3A_216 = arith.addi %mul3A_214, %add3A_215 : i32
      %get3A_217 = arith.index_cast %add3A_216 : i32 to index
      %get3A_218 = tpu.vector_load %arg10[%get3A_217] {strides = array<i32>} : memref<10000xi32, #tpu.memory_space<vmem>>, vector<16xi32>,
      %swap3A_219 = arith.constant 24 : index
      %swap3A_220 = tpu.vector_load %arg16[%swap3A_219] {strides = array<i32>} : memref<40xi32, #tpu.memory_space<vmem>>, vector<16xi32>,
      tpu.vector_store %arg16[%swap3A_219], %get3A_218 {strides = array<i32>} : memref<40xi32, #tpu.memory_space<vmem>>, vector<16xi32>,
      %add3A_221 = arith.constant 1 : i32
      %add3A_222 = arith.addi %add3A_187, %add3A_221 : i32
      %lt3A_223 = arith.constant 250 : i32
      %lt3A_224 = arith.cmpi slt, %add3A_222, %lt3A_223 : i32
      %convert_element_type3A_225 = arith.extui %lt3A_224 : i1 to i32
      %cond3A_226 = arith.constant 0 : i32
      %cond3A_227 = arith.cmpi ne, %convert_element_type3A_225, %cond3A_226 : i32
      scf.if %cond3A_227 {
        %dma_wait3A_239 = arith.constant 0 : i32
        %dma_wait3A_240 = arith.constant 0 : i32
        %dma_wait3A_241 = tpu.memref_slice %arg8[%dma_wait3A_239, %dma_wait3A_240] : memref<10000x128xf32, #tpu.memory_space<vmem_shared>> -> memref<10000x128xf32, #tpu.memory_space<vmem_shared>>
        tpu.wait_indirect_dma semaphore(%arg21 : memref<!tpu.dma_semaphore, #tpu.memory_space<semaphore_mem>>) src(%arg11 : memref<40x128xf32, #tpu.memory_space<vmem>>) dst(%dma_wait3A_241 : memref<10000x128xf32, #tpu.memory_space<vmem_shared>>)
        %add3A_242 = arith.constant 1 : i32
        %add3A_243 = arith.addi %add3A_187, %add3A_242 : i32
        %mul3A_244 = arith.constant 40 : i32
        %mul3A_245 = arith.muli %add3A_243, %mul3A_244 : i32
        %dma_start3A_246 = tpu.memref_slice %arg9[%mul3A_245] : memref<10000xi32, #tpu.memory_space<vmem>> -> memref<40xi32, #tpu.memory_space<vmem>>
        %dma_start3A_247 = arith.constant 0 : i32
        %dma_start3A_248 = arith.constant 0 : i32
        %dma_start3A_249 = tpu.memref_slice %arg2[%dma_start3A_247, %dma_start3A_248] : memref<10000x128xf32, #tpu.memory_space<hbm>> -> memref<10000x128xf32, #tpu.memory_space<hbm>>
        tpu.enqueue_indirect_dma source(%dma_start3A_249 : memref<10000x128xf32, #tpu.memory_space<hbm>>) target(%arg11 : memref<40x128xf32, #tpu.memory_space<vmem>>) offsets(%dma_start3A_246 : memref<40xi32, #tpu.memory_space<vmem>>) semaphore(%arg17 : memref<!tpu.dma_semaphore, #tpu.memory_space<semaphore_mem>>)
        %mul3A_250 = arith.constant 10000 : i32
        %mul3A_251 = arith.muli %add3A, %mul3A_250 : i32
        %mul3A_252 = arith.constant 40 : i32
        %mul3A_253 = arith.muli %add3A_243, %mul3A_252 : i32
        %add3A_254 = arith.addi %mul3A_251, %mul3A_253 : i32
        %dma_start3A_255 = arith.constant 0 : i32
        %dma_start3A_256 = tpu.memref_slice %arg3[%add3A_254, %dma_start3A_255] : memref<320000x128xf32, #tpu.memory_space<hbm>> -> memref<40x128xf32, #tpu.memory_space<hbm>>
        %dma_start3A_257 = arith.constant 0 : i32
        %dma_start3A_258 = tpu.memref_slice %arg3[%add3A_254, %dma_start3A_257] : memref<320000x128xf32, #tpu.memory_space<hbm>> -> memref<40x128xf32, #tpu.memory_space<hbm>>
        tpu.enqueue_dma source(%dma_start3A_258 : memref<40x128xf32, #tpu.memory_space<hbm>>) target(%arg13 : memref<40x128xf32, #tpu.memory_space<vmem>>) target_semaphore(%arg19 : memref<!tpu.dma_semaphore, #tpu.memory_space<semaphore_mem>>)
      } else {
      }
      %scan3A_228 = arith.constant 0 : i32
      %scan3A_229 = arith.constant 0 : i32
      %scan3A_230 = arith.constant 40 : i32
      %scan3A_231 = arith.addi %scan3A_229, %scan3A_230 : i32
      %scan3A_232 = arith.constant 1 : i32
      %scan3A_233 = scf.for %scan3A_239 = %scan3A_229 to %scan3A_231 step %scan3A_232 iter_args(%scan3A_240 = %scan3A_228) -> (i32)  : i32 {
        %get3A_241 = arith.index_cast %scan3A_239 : i32 to index
        %get3A_242 = arith.constant 0 : index
        %get3A_243 = tpu.vector_load %arg12[%get3A_241, %get3A_242] {strides = array<i32>} : memref<40x128xf32, #tpu.memory_space<vmem>>, vector<16xf32>,
        %get3A_244 = arith.index_cast %scan3A_239 : i32 to index
        %get3A_245 = arith.constant 0 : index
        %get3A_246 = tpu.vector_load %arg14[%get3A_244, %get3A_245] {strides = array<i32>} : memref<40x128xf32, #tpu.memory_space<vmem>>, vector<16xf32>,
        %mul3A_247 = arith.mulf %get3A_243, %get3A_246 : vector<16xf32>
        %swap3A_248 = arith.index_cast %scan3A_239 : i32 to index
        %swap3A_249 = arith.constant 0 : index
        %swap3A_250 = tpu.vector_load %arg12[%swap3A_248, %swap3A_249] {strides = array<i32>} : memref<40x128xf32, #tpu.memory_space<vmem>>, vector<16xf32>,
        tpu.vector_store %arg12[%swap3A_248, %swap3A_249], %mul3A_247 {strides = array<i32>} : memref<40x128xf32, #tpu.memory_space<vmem>>, vector<16xf32>,
        %get3A_251 = arith.index_cast %scan3A_239 : i32 to index
        %get3A_252 = arith.constant 16 : index
        %get3A_253 = tpu.vector_load %arg12[%get3A_251, %get3A_252] {strides = array<i32>} : memref<40x128xf32, #tpu.memory_space<vmem>>, vector<16xf32>,
        %get3A_254 = arith.index_cast %scan3A_239 : i32 to index
        %get3A_255 = arith.constant 16 : index
        %get3A_256 = tpu.vector_load %arg14[%get3A_254, %get3A_255] {strides = array<i32>} : memref<40x128xf32, #tpu.memory_space<vmem>>, vector<16xf32>,
        %mul3A_257 = arith.mulf %get3A_253, %get3A_256 : vector<16xf32>
        %swap3A_258 = arith.index_cast %scan3A_239 : i32 to index
        %swap3A_259 = arith.constant 16 : index
        %swap3A_260 = tpu.vector_load %arg12[%swap3A_258, %swap3A_259] {strides = array<i32>} : memref<40x128xf32, #tpu.memory_space<vmem>>, vector<16xf32>,
        tpu.vector_store %arg12[%swap3A_258, %swap3A_259], %mul3A_257 {strides = array<i32>} : memref<40x128xf32, #tpu.memory_space<vmem>>, vector<16xf32>,
        %get3A_261 = arith.index_cast %scan3A_239 : i32 to index
        %get3A_262 = arith.constant 32 : index
        %get3A_263 = tpu.vector_load %arg12[%get3A_261, %get3A_262] {strides = array<i32>} : memref<40x128xf32, #tpu.memory_space<vmem>>, vector<16xf32>,
        %get3A_264 = arith.index_cast %scan3A_239 : i32 to index
        %get3A_265 = arith.constant 32 : index
        %get3A_266 = tpu.vector_load %arg14[%get3A_264, %get3A_265] {strides = array<i32>} : memref<40x128xf32, #tpu.memory_space<vmem>>, vector<16xf32>,
        %mul3A_267 = arith.mulf %get3A_263, %get3A_266 : vector<16xf32>
        %swap3A_268 = arith.index_cast %scan3A_239 : i32 to index
        %swap3A_269 = arith.constant 32 : index
        %swap3A_270 = tpu.vector_load %arg12[%swap3A_268, %swap3A_269] {strides = array<i32>} : memref<40x128xf32, #tpu.memory_space<vmem>>, vector<16xf32>,
        tpu.vector_store %arg12[%swap3A_268, %swap3A_269], %mul3A_267 {strides = array<i32>} : memref<40x128xf32, #tpu.memory_space<vmem>>, vector<16xf32>,
        %get3A_271 = arith.index_cast %scan3A_239 : i32 to index
        %get3A_272 = arith.constant 48 : index
        %get3A_273 = tpu.vector_load %arg12[%get3A_271, %get3A_272] {strides = array<i32>} : memref<40x128xf32, #tpu.memory_space<vmem>>, vector<16xf32>,
        %get3A_274 = arith.index_cast %scan3A_239 : i32 to index
        %get3A_275 = arith.constant 48 : index
        %get3A_276 = tpu.vector_load %arg14[%get3A_274, %get3A_275] {strides = array<i32>} : memref<40x128xf32, #tpu.memory_space<vmem>>, vector<16xf32>,
        %mul3A_277 = arith.mulf %get3A_273, %get3A_276 : vector<16xf32>
        %swap3A_278 = arith.index_cast %scan3A_239 : i32 to index
        %swap3A_279 = arith.constant 48 : index
        %swap3A_280 = tpu.vector_load %arg12[%swap3A_278, %swap3A_279] {strides = array<i32>} : memref<40x128xf32, #tpu.memory_space<vmem>>, vector<16xf32>,
        tpu.vector_store %arg12[%swap3A_278, %swap3A_279], %mul3A_277 {strides = array<i32>} : memref<40x128xf32, #tpu.memory_space<vmem>>, vector<16xf32>,
        %get3A_281 = arith.index_cast %scan3A_239 : i32 to index
        %get3A_282 = arith.constant 64 : index
        %get3A_283 = tpu.vector_load %arg12[%get3A_281, %get3A_282] {strides = array<i32>} : memref<40x128xf32, #tpu.memory_space<vmem>>, vector<16xf32>,
        %get3A_284 = arith.index_cast %scan3A_239 : i32 to index
        %get3A_285 = arith.constant 64 : index
        %get3A_286 = tpu.vector_load %arg14[%get3A_284, %get3A_285] {strides = array<i32>} : memref<40x128xf32, #tpu.memory_space<vmem>>, vector<16xf32>,
        %mul3A_287 = arith.mulf %get3A_283, %get3A_286 : vector<16xf32>
        %swap3A_288 = arith.index_cast %scan3A_239 : i32 to index
        %swap3A_289 = arith.constant 64 : index
        %swap3A_290 = tpu.vector_load %arg12[%swap3A_288, %swap3A_289] {strides = array<i32>} : memref<40x128xf32, #tpu.memory_space<vmem>>, vector<16xf32>,
        tpu.vector_store %arg12[%swap3A_288, %swap3A_289], %mul3A_287 {strides = array<i32>} : memref<40x128xf32, #tpu.memory_space<vmem>>, vector<16xf32>,
        %get3A_291 = arith.index_cast %scan3A_239 : i32 to index
        %get3A_292 = arith.constant 80 : index
        %get3A_293 = tpu.vector_load %arg12[%get3A_291, %get3A_292] {strides = array<i32>} : memref<40x128xf32, #tpu.memory_space<vmem>>, vector<16xf32>,
        %get3A_294 = arith.index_cast %scan3A_239 : i32 to index
        %get3A_295 = arith.constant 80 : index
        %get3A_296 = tpu.vector_load %arg14[%get3A_294, %get3A_295] {strides = array<i32>} : memref<40x128xf32, #tpu.memory_space<vmem>>, vector<16xf32>,
        %mul3A_297 = arith.mulf %get3A_293, %get3A_296 : vector<16xf32>
        %swap3A_298 = arith.index_cast %scan3A_239 : i32 to index
        %swap3A_299 = arith.constant 80 : index
        %swap3A_300 = tpu.vector_load %arg12[%swap3A_298, %swap3A_299] {strides = array<i32>} : memref<40x128xf32, #tpu.memory_space<vmem>>, vector<16xf32>,
        tpu.vector_store %arg12[%swap3A_298, %swap3A_299], %mul3A_297 {strides = array<i32>} : memref<40x128xf32, #tpu.memory_space<vmem>>, vector<16xf32>,
        %get3A_301 = arith.index_cast %scan3A_239 : i32 to index
        %get3A_302 = arith.constant 96 : index
        %get3A_303 = tpu.vector_load %arg12[%get3A_301, %get3A_302] {strides = array<i32>} : memref<40x128xf32, #tpu.memory_space<vmem>>, vector<16xf32>,
        %get3A_304 = arith.index_cast %scan3A_239 : i32 to index
        %get3A_305 = arith.constant 96 : index
        %get3A_306 = tpu.vector_load %arg14[%get3A_304, %get3A_305] {strides = array<i32>} : memref<40x128xf32, #tpu.memory_space<vmem>>, vector<16xf32>,
        %mul3A_307 = arith.mulf %get3A_303, %get3A_306 : vector<16xf32>
        %swap3A_308 = arith.index_cast %scan3A_239 : i32 to index
        %swap3A_309 = arith.constant 96 : index
        %swap3A_310 = tpu.vector_load %arg12[%swap3A_308, %swap3A_309] {strides = array<i32>} : memref<40x128xf32, #tpu.memory_space<vmem>>, vector<16xf32>,
        tpu.vector_store %arg12[%swap3A_308, %swap3A_309], %mul3A_307 {strides = array<i32>} : memref<40x128xf32, #tpu.memory_space<vmem>>, vector<16xf32>,
        %get3A_311 = arith.index_cast %scan3A_239 : i32 to index
        %get3A_312 = arith.constant 112 : index
        %get3A_313 = tpu.vector_load %arg12[%get3A_311, %get3A_312] {strides = array<i32>} : memref<40x128xf32, #tpu.memory_space<vmem>>, vector<16xf32>,
        %get3A_314 = arith.index_cast %scan3A_239 : i32 to index
        %get3A_315 = arith.constant 112 : index
        %get3A_316 = tpu.vector_load %arg14[%get3A_314, %get3A_315] {strides = array<i32>} : memref<40x128xf32, #tpu.memory_space<vmem>>, vector<16xf32>,
        %mul3A_317 = arith.mulf %get3A_313, %get3A_316 : vector<16xf32>
        %swap3A_318 = arith.index_cast %scan3A_239 : i32 to index
        %swap3A_319 = arith.constant 112 : index
        %swap3A_320 = tpu.vector_load %arg12[%swap3A_318, %swap3A_319] {strides = array<i32>} : memref<40x128xf32, #tpu.memory_space<vmem>>, vector<16xf32>,
        tpu.vector_store %arg12[%swap3A_318, %swap3A_319], %mul3A_317 {strides = array<i32>} : memref<40x128xf32, #tpu.memory_space<vmem>>, vector<16xf32>,
        %scan3A_321 = arith.constant 0 : i32
        scf.yield %scan3A_321 : i32
      }
      %scan3A_234 = arith.constant 40 : i32
      %dma_start3A_235 = arith.constant 0 : i32
      %dma_start3A_236 = arith.constant 0 : i32
      %dma_start3A_237 = tpu.memref_slice %arg8[%dma_start3A_235, %dma_start3A_236] : memref<10000x128xf32, #tpu.memory_space<vmem_shared>> -> memref<10000x128xf32, #tpu.memory_space<vmem_shared>>
      tpu.enqueue_indirect_dma source(%arg12 : memref<40x128xf32, #tpu.memory_space<vmem>>) target(%dma_start3A_237 : memref<10000x128xf32, #tpu.memory_space<vmem_shared>>) offsets(%arg16 : memref<40xi32, #tpu.memory_space<vmem>>) semaphore(%arg22 : memref<!tpu.dma_semaphore, #tpu.memory_space<semaphore_mem>>) {add = true}
      %scan3A_238 = arith.constant 0 : i32
      scf.yield %scan3A_238 : i32
    }
    %scan3A_114 = arith.constant 124 : i32
    %dma_wait3A_115 = arith.constant 0 : i32
    %dma_wait3A_116 = arith.constant 0 : i32
    %dma_wait3A_117 = tpu.memref_slice %arg8[%dma_wait3A_115, %dma_wait3A_116] : memref<10000x128xf32, #tpu.memory_space<vmem_shared>> -> memref<10000x128xf32, #tpu.memory_space<vmem_shared>>
    tpu.wait_indirect_dma semaphore(%arg21 : memref<!tpu.dma_semaphore, #tpu.memory_space<semaphore_mem>>) src(%arg11 : memref<40x128xf32, #tpu.memory_space<vmem>>) dst(%dma_wait3A_117 : memref<10000x128xf32, #tpu.memory_space<vmem_shared>>)
    %dma_wait3A_118 = arith.constant 0 : i32
    %dma_wait3A_119 = arith.constant 0 : i32
    %dma_wait3A_120 = tpu.memref_slice %arg8[%dma_wait3A_118, %dma_wait3A_119] : memref<10000x128xf32, #tpu.memory_space<vmem_shared>> -> memref<10000x128xf32, #tpu.memory_space<vmem_shared>>
    tpu.wait_indirect_dma semaphore(%arg22 : memref<!tpu.dma_semaphore, #tpu.memory_space<semaphore_mem>>) src(%arg12 : memref<40x128xf32, #tpu.memory_space<vmem>>) dst(%dma_wait3A_120 : memref<10000x128xf32, #tpu.memory_space<vmem_shared>>)
    %barrier3A_121 = arith.constant 0 : index
    tpu.barrier barrier_id(%barrier3A_121)
    %mul3A_122 = arith.constant 624 : i32
    %mul3A_123 = arith.muli %arg1, %mul3A_122 : i32
    %mul3A_124 = arith.constant 624 : i32
    %mul3A_125 = arith.muli %arg1, %mul3A_124 : i32
    "tpu.region"() ({
      %run_scoped3A = tpu.sem_alloc : memref<!tpu.dma_semaphore, #tpu.memory_space<semaphore_mem>>
      %dma_start3A_131 = arith.constant 0 : i32
      %dma_start3A_132 = tpu.memref_slice %arg7[%arg0, %mul3A_125, %dma_start3A_131] : memref<2x10000x128xf32, #tpu.memory_space<hbm>> -> memref<1x624x128xf32, #tpu.memory_space<hbm>>
      %dma_start3A_133 = tpu.memref_squeeze %dma_start3A_132 : memref<1x624x128xf32, #tpu.memory_space<hbm>> -> memref<624x128xf32, #tpu.memory_space<hbm>>
      %dma_start3A_134 = arith.constant 0 : i32
      %dma_start3A_135 = tpu.memref_slice %arg8[%mul3A_123, %dma_start3A_134] : memref<10000x128xf32, #tpu.memory_space<vmem_shared>> -> memref<624x128xf32, #tpu.memory_space<vmem_shared>>
      tpu.enqueue_dma source(%dma_start3A_135 : memref<624x128xf32, #tpu.memory_space<vmem_shared>>) target(%dma_start3A_133 : memref<624x128xf32, #tpu.memory_space<hbm>>) target_semaphore(%run_scoped3A : memref<!tpu.dma_semaphore, #tpu.memory_space<semaphore_mem>>)
      %dma_wait3A_136 = arith.constant 0 : i32
      %dma_wait3A_137 = tpu.memref_slice %arg7[%arg0, %mul3A_125, %dma_wait3A_136] : memref<2x10000x128xf32, #tpu.memory_space<hbm>> -> memref<1x624x128xf32, #tpu.memory_space<hbm>>
      %dma_wait3A_138 = tpu.memref_squeeze %dma_wait3A_137 : memref<1x624x128xf32, #tpu.memory_space<hbm>> -> memref<624x128xf32, #tpu.memory_space<hbm>>
      %dma_wait3A_139 = arith.constant 0 : i32
      %dma_wait3A_140 = tpu.memref_slice %arg8[%mul3A_123, %dma_wait3A_139] : memref<10000x128xf32, #tpu.memory_space<vmem_shared>> -> memref<624x128xf32, #tpu.memory_space<vmem_shared>>
      tpu.wait_dma2 semaphore(%run_scoped3A : memref<!tpu.dma_semaphore, #tpu.memory_space<semaphore_mem>>) src(%dma_wait3A_140 : memref<624x128xf32, #tpu.memory_space<vmem_shared>>) dst(%dma_wait3A_138 : memref<624x128xf32, #tpu.memory_space<hbm>>)
      tpu.yield
    }) : () -> ()
    %eq3A_126 = arith.constant 15 : i32
    %eq3A_127 = arith.cmpi eq, %arg1, %eq3A_126 : i32
    %convert_element_type3A_128 = arith.extui %eq3A_127 : i1 to i32
    %cond3A_129 = arith.constant 0 : i32
    %cond3A_130 = arith.cmpi ne, %convert_element_type3A_128, %cond3A_129 : i32
    scf.if %cond3A_130 {
      "tpu.region"() ({
        %run_scoped3A = tpu.sem_alloc : memref<!tpu.dma_semaphore, #tpu.memory_space<semaphore_mem>>
        %dma_start3A_131 = arith.constant 9984 : i32
        %dma_start3A_132 = arith.constant 0 : i32
        %dma_start3A_133 = tpu.memref_slice %arg7[%arg0, %dma_start3A_131, %dma_start3A_132] : memref<2x10000x128xf32, #tpu.memory_space<hbm>> -> memref<1x16x128xf32, #tpu.memory_space<hbm>>
        %dma_start3A_134 = tpu.memref_squeeze %dma_start3A_133 : memref<1x16x128xf32, #tpu.memory_space<hbm>> -> memref<16x128xf32, #tpu.memory_space<hbm>>
        %dma_start3A_135 = arith.constant 9984 : i32
        %dma_start3A_136 = arith.constant 0 : i32
        %dma_start3A_137 = tpu.memref_slice %arg8[%dma_start3A_135, %dma_start3A_136] : memref<10000x128xf32, #tpu.memory_space<vmem_shared>> -> memref<16x128xf32, #tpu.memory_space<vmem_shared>>
        tpu.enqueue_dma source(%dma_start3A_137 : memref<16x128xf32, #tpu.memory_space<vmem_shared>>) target(%dma_start3A_134 : memref<16x128xf32, #tpu.memory_space<hbm>>) target_semaphore(%run_scoped3A : memref<!tpu.dma_semaphore, #tpu.memory_space<semaphore_mem>>)
        %dma_wait3A_138 = arith.constant 9984 : i32
        %dma_wait3A_139 = arith.constant 0 : i32
        %dma_wait3A_140 = tpu.memref_slice %arg7[%arg0, %dma_wait3A_138, %dma_wait3A_139] : memref<2x10000x128xf32, #tpu.memory_space<hbm>> -> memref<1x16x128xf32, #tpu.memory_space<hbm>>
        %dma_wait3A_141 = tpu.memref_squeeze %dma_wait3A_140 : memref<1x16x128xf32, #tpu.memory_space<hbm>> -> memref<16x128xf32, #tpu.memory_space<hbm>>
        %dma_wait3A_142 = arith.constant 9984 : i32
        %dma_wait3A_143 = arith.constant 0 : i32
        %dma_wait3A_144 = tpu.memref_slice %arg8[%dma_wait3A_142, %dma_wait3A_143] : memref<10000x128xf32, #tpu.memory_space<vmem_shared>> -> memref<16x128xf32, #tpu.memory_space<vmem_shared>>
        tpu.wait_dma2 semaphore(%run_scoped3A : memref<!tpu.dma_semaphore, #tpu.memory_space<semaphore_mem>>) src(%dma_wait3A_144 : memref<16x128xf32, #tpu.memory_space<vmem_shared>>) dst(%dma_wait3A_141 : memref<16x128xf32, #tpu.memory_space<hbm>>)
        tpu.yield
      }) : () -> ()
    } else {
    }
    return
  }
}

#map = affine_map<(d0, d1) -> (0, 0)>
#map1 = affine_map<(d0, d1) -> (0)>
#map2 = affine_map<(d0, d1) -> (0, 0, 0)>
module attributes {stable_mosaic.version = 14 : i64} {
  func.func @_msg_body(%arg0: i32, %arg1: i32, %arg2: memref<10000x128xf32, #tpu.memory_space<hbm>>, %arg3: memref<320000x128xf32, #tpu.memory_space<hbm>>, %arg4: memref<320000xi32, #tpu.memory_space<hbm>>, %arg5: memref<320000xi32, #tpu.memory_space<hbm>>, %arg6: memref<625x128xf32, #tpu.memory_space<hbm>>, %arg7: memref<2x10000x128xf32, #tpu.memory_space<hbm>>, %arg8: memref<10000x128xf32, #tpu.memory_space<vmem_shared>>, %arg9: memref<10000xi32, #tpu.memory_space<vmem>>, %arg10: memref<10000xi32, #tpu.memory_space<vmem>>, %arg11: memref<40x128xf32, #tpu.memory_space<vmem>>, %arg12: memref<40x128xf32, #tpu.memory_space<vmem>>, %arg13: memref<40x128xf32, #tpu.memory_space<vmem>>, %arg14: memref<40x128xf32, #tpu.memory_space<vmem>>, %arg15: memref<40xi32, #tpu.memory_space<vmem>>, %arg16: memref<40xi32, #tpu.memory_space<vmem>>, %arg17: memref<!tpu.dma_semaphore, #tpu.memory_space<semaphore_mem>>, %arg18: memref<!tpu.dma_semaphore, #tpu.memory_space<semaphore_mem>>, %arg19: memref<!tpu.dma_semaphore, #tpu.memory_space<semaphore_mem>>, %arg20: memref<!tpu.dma_semaphore, #tpu.memory_space<semaphore_mem>>, %arg21: memref<!tpu.dma_semaphore, #tpu.memory_space<semaphore_mem>>, %arg22: memref<!tpu.dma_semaphore, #tpu.memory_space<semaphore_mem>>) attributes {dimension_semantics = [#tpu.dimension_semantics<core_parallel>, #tpu.dimension_semantics<subcore_parallel>], iteration_bounds = array<i64: 2, 16>, scalar_prefetch = 0 : i64, scratch_operands = 15 : i64, tpu.core_type = #tpu.core_type<sc_vector_subcore>, window_params = [{transform_indices = #map}, {transform_indices = #map}, {transform_indices = #map1}, {transform_indices = #map1}, {transform_indices = #map}, {transform_indices = #map2}]} {
    %mul3A = arith.constant 2 : i32
    %mul3A_0 = arith.muli %arg1, %mul3A : i32
    %add3A = arith.addi %mul3A_0, %arg0 : i32
    %mul3A_1 = arith.constant 624 : i32
    %mul3A_2 = arith.muli %arg1, %mul3A_1 : i32
    "tpu.region"() ({
      %run_scoped3A = tpu.sem_alloc : memref<!tpu.dma_semaphore, #tpu.memory_space<semaphore_mem>>
      %dma_start3A_131 = arith.constant 0 : i32
      %dma_start3A_132 = tpu.memref_slice %arg8[%mul3A_2, %dma_start3A_131] : memref<10000x128xf32, #tpu.memory_space<vmem_shared>> -> memref<624x128xf32, #tpu.memory_space<vmem_shared>>
      %dma_start3A_133 = arith.constant 0 : i32
      %dma_start3A_134 = arith.constant 0 : i32
      %dma_start3A_135 = tpu.memref_slice %arg6[%dma_start3A_133, %dma_start3A_134] : memref<625x128xf32, #tpu.memory_space<hbm>> -> memref<624x128xf32, #tpu.memory_space<hbm>>
      tpu.enqueue_dma source(%dma_start3A_135 : memref<624x128xf32, #tpu.memory_space<hbm>>) target(%dma_start3A_132 : memref<624x128xf32, #tpu.memory_space<vmem_shared>>) target_semaphore(%run_scoped3A : memref<!tpu.dma_semaphore, #tpu.memory_space<semaphore_mem>>)
      %dma_wait3A_136 = arith.constant 0 : i32
      %dma_wait3A_137 = tpu.memref_slice %arg8[%mul3A_2, %dma_wait3A_136] : memref<10000x128xf32, #tpu.memory_space<vmem_shared>> -> memref<624x128xf32, #tpu.memory_space<vmem_shared>>
      %dma_wait3A_138 = arith.constant 0 : i32
      %dma_wait3A_139 = arith.constant 0 : i32
      %dma_wait3A_140 = tpu.memref_slice %arg6[%dma_wait3A_138, %dma_wait3A_139] : memref<625x128xf32, #tpu.memory_space<hbm>> -> memref<624x128xf32, #tpu.memory_space<hbm>>
      tpu.wait_dma2 semaphore(%run_scoped3A : memref<!tpu.dma_semaphore, #tpu.memory_space<semaphore_mem>>) src(%dma_wait3A_140 : memref<624x128xf32, #tpu.memory_space<hbm>>) dst(%dma_wait3A_137 : memref<624x128xf32, #tpu.memory_space<vmem_shared>>)
      tpu.yield
    }) : () -> ()
    %eq3A = arith.constant 15 : i32
    %eq3A_3 = arith.cmpi eq, %arg1, %eq3A : i32
    %convert_element_type3A = arith.extui %eq3A_3 : i1 to i32
    %cond3A = arith.constant 0 : i32
    %cond3A_4 = arith.cmpi ne, %convert_element_type3A, %cond3A : i32
    scf.if %cond3A_4 {
      "tpu.region"() ({
        %run_scoped3A = tpu.sem_alloc : memref<!tpu.dma_semaphore, #tpu.memory_space<semaphore_mem>>
        %dma_start3A_131 = arith.constant 9984 : i32
        %dma_start3A_132 = arith.constant 0 : i32
        %dma_start3A_133 = tpu.memref_slice %arg8[%dma_start3A_131, %dma_start3A_132] : memref<10000x128xf32, #tpu.memory_space<vmem_shared>> -> memref<16x128xf32, #tpu.memory_space<vmem_shared>>
        %dma_start3A_134 = arith.constant 0 : i32
        %dma_start3A_135 = arith.constant 0 : i32
        %dma_start3A_136 = tpu.memref_slice %arg6[%dma_start3A_134, %dma_start3A_135] : memref<625x128xf32, #tpu.memory_space<hbm>> -> memref<16x128xf32, #tpu.memory_space<hbm>>
        tpu.enqueue_dma source(%dma_start3A_136 : memref<16x128xf32, #tpu.memory_space<hbm>>) target(%dma_start3A_133 : memref<16x128xf32, #tpu.memory_space<vmem_shared>>) target_semaphore(%run_scoped3A : memref<!tpu.dma_semaphore, #tpu.memory_space<semaphore_mem>>)
        %dma_wait3A_137 = arith.constant 9984 : i32
        %dma_wait3A_138 = arith.constant 0 : i32
        %dma_wait3A_139 = tpu.memref_slice %arg8[%dma_wait3A_137, %dma_wait3A_138] : memref<10000x128xf32, #tpu.memory_space<vmem_shared>> -> memref<16x128xf32, #tpu.memory_space<vmem_shared>>
        %dma_wait3A_140 = arith.constant 0 : i32
        %dma_wait3A_141 = arith.constant 0 : i32
        %dma_wait3A_142 = tpu.memref_slice %arg6[%dma_wait3A_140, %dma_wait3A_141] : memref<625x128xf32, #tpu.memory_space<hbm>> -> memref<16x128xf32, #tpu.memory_space<hbm>>
        tpu.wait_dma2 semaphore(%run_scoped3A : memref<!tpu.dma_semaphore, #tpu.memory_space<semaphore_mem>>) src(%dma_wait3A_142 : memref<16x128xf32, #tpu.memory_space<hbm>>) dst(%dma_wait3A_139 : memref<16x128xf32, #tpu.memory_space<vmem_shared>>)
        tpu.yield
      }) : () -> ()
    } else {
    }
    %mul3A_5 = arith.constant 10000 : i32
    %mul3A_6 = arith.muli %add3A, %mul3A_5 : i32
    "tpu.region"() ({
      %run_scoped3A = tpu.sem_alloc : memref<!tpu.dma_semaphore, #tpu.memory_space<semaphore_mem>>
      %dma_start3A_131 = tpu.memref_slice %arg4[%mul3A_6] : memref<320000xi32, #tpu.memory_space<hbm>> -> memref<10000xi32, #tpu.memory_space<hbm>>
      %dma_start3A_132 = tpu.memref_slice %arg4[%mul3A_6] : memref<320000xi32, #tpu.memory_space<hbm>> -> memref<10000xi32, #tpu.memory_space<hbm>>
      tpu.enqueue_dma source(%dma_start3A_132 : memref<10000xi32, #tpu.memory_space<hbm>>) target(%arg9 : memref<10000xi32, #tpu.memory_space<vmem>>) target_semaphore(%run_scoped3A : memref<!tpu.dma_semaphore, #tpu.memory_space<semaphore_mem>>)
      %dma_wait3A_133 = tpu.memref_slice %arg4[%mul3A_6] : memref<320000xi32, #tpu.memory_space<hbm>> -> memref<10000xi32, #tpu.memory_space<hbm>>
      %dma_wait3A_134 = tpu.memref_slice %arg4[%mul3A_6] : memref<320000xi32, #tpu.memory_space<hbm>> -> memref<10000xi32, #tpu.memory_space<hbm>>
      tpu.wait_dma2 semaphore(%run_scoped3A : memref<!tpu.dma_semaphore, #tpu.memory_space<semaphore_mem>>) src(%dma_wait3A_134 : memref<10000xi32, #tpu.memory_space<hbm>>) dst(%arg9 : memref<10000xi32, #tpu.memory_space<vmem>>)
      tpu.yield
    }) : () -> ()
    %mul3A_7 = arith.constant 10000 : i32
    %mul3A_8 = arith.muli %add3A, %mul3A_7 : i32
    "tpu.region"() ({
      %run_scoped3A = tpu.sem_alloc : memref<!tpu.dma_semaphore, #tpu.memory_space<semaphore_mem>>
      %dma_start3A_131 = tpu.memref_slice %arg5[%mul3A_8] : memref<320000xi32, #tpu.memory_space<hbm>> -> memref<10000xi32, #tpu.memory_space<hbm>>
      %dma_start3A_132 = tpu.memref_slice %arg5[%mul3A_8] : memref<320000xi32, #tpu.memory_space<hbm>> -> memref<10000xi32, #tpu.memory_space<hbm>>
      tpu.enqueue_dma source(%dma_start3A_132 : memref<10000xi32, #tpu.memory_space<hbm>>) target(%arg10 : memref<10000xi32, #tpu.memory_space<vmem>>) target_semaphore(%run_scoped3A : memref<!tpu.dma_semaphore, #tpu.memory_space<semaphore_mem>>)
      %dma_wait3A_133 = tpu.memref_slice %arg5[%mul3A_8] : memref<320000xi32, #tpu.memory_space<hbm>> -> memref<10000xi32, #tpu.memory_space<hbm>>
      %dma_wait3A_134 = tpu.memref_slice %arg5[%mul3A_8] : memref<320000xi32, #tpu.memory_space<hbm>> -> memref<10000xi32, #tpu.memory_space<hbm>>
      tpu.wait_dma2 semaphore(%run_scoped3A : memref<!tpu.dma_semaphore, #tpu.memory_space<semaphore_mem>>) src(%dma_wait3A_134 : memref<10000xi32, #tpu.memory_space<hbm>>) dst(%arg10 : memref<10000xi32, #tpu.memory_space<vmem>>)
      tpu.yield
    }) : () -> ()
    %barrier3A = arith.constant 0 : index
    tpu.barrier barrier_id(%barrier3A)
    %dma_start3A = arith.constant 0 : i32
    %dma_start3A_9 = tpu.memref_slice %arg9[%dma_start3A] : memref<10000xi32, #tpu.memory_space<vmem>> -> memref<40xi32, #tpu.memory_space<vmem>>
    %dma_start3A_10 = arith.constant 0 : i32
    %dma_start3A_11 = arith.constant 0 : i32
    %dma_start3A_12 = tpu.memref_slice %arg2[%dma_start3A_10, %dma_start3A_11] : memref<10000x128xf32, #tpu.memory_space<hbm>> -> memref<10000x128xf32, #tpu.memory_space<hbm>>
    tpu.enqueue_indirect_dma source(%dma_start3A_12 : memref<10000x128xf32, #tpu.memory_space<hbm>>) target(%arg11 : memref<40x128xf32, #tpu.memory_space<vmem>>) offsets(%dma_start3A_9 : memref<40xi32, #tpu.memory_space<vmem>>) semaphore(%arg17 : memref<!tpu.dma_semaphore, #tpu.memory_space<semaphore_mem>>)
    %mul3A_13 = arith.constant 10000 : i32
    %mul3A_14 = arith.muli %add3A, %mul3A_13 : i32
    %add3A_15 = arith.constant 0 : i32
    %add3A_16 = arith.addi %mul3A_14, %add3A_15 : i32
    %dma_start3A_17 = arith.constant 0 : i32
    %dma_start3A_18 = tpu.memref_slice %arg3[%add3A_16, %dma_start3A_17] : memref<320000x128xf32, #tpu.memory_space<hbm>> -> memref<40x128xf32, #tpu.memory_space<hbm>>
    %dma_start3A_19 = arith.constant 0 : i32
    %dma_start3A_20 = tpu.memref_slice %arg3[%add3A_16, %dma_start3A_19] : memref<320000x128xf32, #tpu.memory_space<hbm>> -> memref<40x128xf32, #tpu.memory_space<hbm>>
    tpu.enqueue_dma source(%dma_start3A_20 : memref<40x128xf32, #tpu.memory_space<hbm>>) target(%arg13 : memref<40x128xf32, #tpu.memory_space<vmem>>) target_semaphore(%arg19 : memref<!tpu.dma_semaphore, #tpu.memory_space<semaphore_mem>>)
    %dma_wait3A = arith.constant 0 : i32
    %dma_wait3A_21 = arith.constant 0 : i32
    %dma_wait3A_22 = tpu.memref_slice %arg2[%dma_wait3A, %dma_wait3A_21] : memref<10000x128xf32, #tpu.memory_space<hbm>> -> memref<10000x128xf32, #tpu.memory_space<hbm>>
    tpu.wait_indirect_dma semaphore(%arg17 : memref<!tpu.dma_semaphore, #tpu.memory_space<semaphore_mem>>) src(%dma_wait3A_22 : memref<10000x128xf32, #tpu.memory_space<hbm>>) dst(%arg11 : memref<40x128xf32, #tpu.memory_space<vmem>>)
    %dma_wait3A_23 = arith.constant 0 : i32
    %dma_wait3A_24 = arith.constant 0 : i32
    %dma_wait3A_25 = tpu.memref_slice %arg3[%dma_wait3A_23, %dma_wait3A_24] : memref<320000x128xf32, #tpu.memory_space<hbm>> -> memref<40x128xf32, #tpu.memory_space<hbm>>
    %dma_wait3A_26 = arith.constant 0 : i32
    %dma_wait3A_27 = arith.constant 0 : i32
    %dma_wait3A_28 = tpu.memref_slice %arg3[%dma_wait3A_26, %dma_wait3A_27] : memref<320000x128xf32, #tpu.memory_space<hbm>> -> memref<40x128xf32, #tpu.memory_space<hbm>>
    tpu.wait_dma2 semaphore(%arg19 : memref<!tpu.dma_semaphore, #tpu.memory_space<semaphore_mem>>) src(%dma_wait3A_28 : memref<40x128xf32, #tpu.memory_space<hbm>>) dst(%arg13 : memref<40x128xf32, #tpu.memory_space<vmem>>)
    %get3A = arith.constant 0 : index
    %get3A_29 = tpu.vector_load %arg10[%get3A] {strides = array<i32>} : memref<10000xi32, #tpu.memory_space<vmem>>, vector<16xi32>,
    %swap3A = arith.constant 0 : index
    %swap3A_30 = tpu.vector_load %arg15[%swap3A] {strides = array<i32>} : memref<40xi32, #tpu.memory_space<vmem>>, vector<16xi32>,
    tpu.vector_store %arg15[%swap3A], %get3A_29 {strides = array<i32>} : memref<40xi32, #tpu.memory_space<vmem>>, vector<16xi32>,
    %get3A_31 = arith.constant 16 : index
    %get3A_32 = tpu.vector_load %arg10[%get3A_31] {strides = array<i32>} : memref<10000xi32, #tpu.memory_space<vmem>>, vector<16xi32>,
    %swap3A_33 = arith.constant 16 : index
    %swap3A_34 = tpu.vector_load %arg15[%swap3A_33] {strides = array<i32>} : memref<40xi32, #tpu.memory_space<vmem>>, vector<16xi32>,
    tpu.vector_store %arg15[%swap3A_33], %get3A_32 {strides = array<i32>} : memref<40xi32, #tpu.memory_space<vmem>>, vector<16xi32>,
    %get3A_35 = arith.constant 24 : index
    %get3A_36 = tpu.vector_load %arg10[%get3A_35] {strides = array<i32>} : memref<10000xi32, #tpu.memory_space<vmem>>, vector<16xi32>,
    %swap3A_37 = arith.constant 24 : index
    %swap3A_38 = tpu.vector_load %arg15[%swap3A_37] {strides = array<i32>} : memref<40xi32, #tpu.memory_space<vmem>>, vector<16xi32>,
    tpu.vector_store %arg15[%swap3A_37], %get3A_36 {strides = array<i32>} : memref<40xi32, #tpu.memory_space<vmem>>, vector<16xi32>,
    %dma_start3A_39 = arith.constant 40 : i32
    %dma_start3A_40 = tpu.memref_slice %arg9[%dma_start3A_39] : memref<10000xi32, #tpu.memory_space<vmem>> -> memref<40xi32, #tpu.memory_space<vmem>>
    %dma_start3A_41 = arith.constant 0 : i32
    %dma_start3A_42 = arith.constant 0 : i32
    %dma_start3A_43 = tpu.memref_slice %arg2[%dma_start3A_41, %dma_start3A_42] : memref<10000x128xf32, #tpu.memory_space<hbm>> -> memref<10000x128xf32, #tpu.memory_space<hbm>>
    tpu.enqueue_indirect_dma source(%dma_start3A_43 : memref<10000x128xf32, #tpu.memory_space<hbm>>) target(%arg12 : memref<40x128xf32, #tpu.memory_space<vmem>>) offsets(%dma_start3A_40 : memref<40xi32, #tpu.memory_space<vmem>>) semaphore(%arg18 : memref<!tpu.dma_semaphore, #tpu.memory_space<semaphore_mem>>)
    %mul3A_44 = arith.constant 10000 : i32
    %mul3A_45 = arith.muli %add3A, %mul3A_44 : i32
    %add3A_46 = arith.constant 40 : i32
    %add3A_47 = arith.addi %mul3A_45, %add3A_46 : i32
    %dma_start3A_48 = arith.constant 0 : i32
    %dma_start3A_49 = tpu.memref_slice %arg3[%add3A_47, %dma_start3A_48] : memref<320000x128xf32, #tpu.memory_space<hbm>> -> memref<40x128xf32, #tpu.memory_space<hbm>>
    %dma_start3A_50 = arith.constant 0 : i32
    %dma_start3A_51 = tpu.memref_slice %arg3[%add3A_47, %dma_start3A_50] : memref<320000x128xf32, #tpu.memory_space<hbm>> -> memref<40x128xf32, #tpu.memory_space<hbm>>
    tpu.enqueue_dma source(%dma_start3A_51 : memref<40x128xf32, #tpu.memory_space<hbm>>) target(%arg14 : memref<40x128xf32, #tpu.memory_space<vmem>>) target_semaphore(%arg20 : memref<!tpu.dma_semaphore, #tpu.memory_space<semaphore_mem>>)
    %scan3A = arith.constant 0 : i32
    %scan3A_52 = arith.constant 0 : i32
    %scan3A_53 = arith.constant 40 : i32
    %scan3A_54 = arith.addi %scan3A_52, %scan3A_53 : i32
    %scan3A_55 = arith.constant 1 : i32
    %scan3A_56 = scf.for %scan3A_131 = %scan3A_52 to %scan3A_54 step %scan3A_55 iter_args(%scan3A_132 = %scan3A) -> (i32)  : i32 {
      %get3A_133 = arith.index_cast %scan3A_131 : i32 to index
      %get3A_134 = arith.constant 0 : index
      %get3A_135 = tpu.vector_load %arg11[%get3A_133, %get3A_134] {strides = array<i32>} : memref<40x128xf32, #tpu.memory_space<vmem>>, vector<16xf32>,
      %get3A_136 = arith.index_cast %scan3A_131 : i32 to index
      %get3A_137 = arith.constant 0 : index
      %get3A_138 = tpu.vector_load %arg13[%get3A_136, %get3A_137] {strides = array<i32>} : memref<40x128xf32, #tpu.memory_space<vmem>>, vector<16xf32>,
      %mul3A_139 = arith.mulf %get3A_135, %get3A_138 : vector<16xf32>
      %swap3A_140 = arith.index_cast %scan3A_131 : i32 to index
      %swap3A_141 = arith.constant 0 : index
      %swap3A_142 = tpu.vector_load %arg11[%swap3A_140, %swap3A_141] {strides = array<i32>} : memref<40x128xf32, #tpu.memory_space<vmem>>, vector<16xf32>,
      tpu.vector_store %arg11[%swap3A_140, %swap3A_141], %mul3A_139 {strides = array<i32>} : memref<40x128xf32, #tpu.memory_space<vmem>>, vector<16xf32>,
      %get3A_143 = arith.index_cast %scan3A_131 : i32 to index
      %get3A_144 = arith.constant 16 : index
      %get3A_145 = tpu.vector_load %arg11[%get3A_143, %get3A_144] {strides = array<i32>} : memref<40x128xf32, #tpu.memory_space<vmem>>, vector<16xf32>,
      %get3A_146 = arith.index_cast %scan3A_131 : i32 to index
      %get3A_147 = arith.constant 16 : index
      %get3A_148 = tpu.vector_load %arg13[%get3A_146, %get3A_147] {strides = array<i32>} : memref<40x128xf32, #tpu.memory_space<vmem>>, vector<16xf32>,
      %mul3A_149 = arith.mulf %get3A_145, %get3A_148 : vector<16xf32>
      %swap3A_150 = arith.index_cast %scan3A_131 : i32 to index
      %swap3A_151 = arith.constant 16 : index
      %swap3A_152 = tpu.vector_load %arg11[%swap3A_150, %swap3A_151] {strides = array<i32>} : memref<40x128xf32, #tpu.memory_space<vmem>>, vector<16xf32>,
      tpu.vector_store %arg11[%swap3A_150, %swap3A_151], %mul3A_149 {strides = array<i32>} : memref<40x128xf32, #tpu.memory_space<vmem>>, vector<16xf32>,
      %get3A_153 = arith.index_cast %scan3A_131 : i32 to index
      %get3A_154 = arith.constant 32 : index
      %get3A_155 = tpu.vector_load %arg11[%get3A_153, %get3A_154] {strides = array<i32>} : memref<40x128xf32, #tpu.memory_space<vmem>>, vector<16xf32>,
      %get3A_156 = arith.index_cast %scan3A_131 : i32 to index
      %get3A_157 = arith.constant 32 : index
      %get3A_158 = tpu.vector_load %arg13[%get3A_156, %get3A_157] {strides = array<i32>} : memref<40x128xf32, #tpu.memory_space<vmem>>, vector<16xf32>,
      %mul3A_159 = arith.mulf %get3A_155, %get3A_158 : vector<16xf32>
      %swap3A_160 = arith.index_cast %scan3A_131 : i32 to index
      %swap3A_161 = arith.constant 32 : index
      %swap3A_162 = tpu.vector_load %arg11[%swap3A_160, %swap3A_161] {strides = array<i32>} : memref<40x128xf32, #tpu.memory_space<vmem>>, vector<16xf32>,
      tpu.vector_store %arg11[%swap3A_160, %swap3A_161], %mul3A_159 {strides = array<i32>} : memref<40x128xf32, #tpu.memory_space<vmem>>, vector<16xf32>,
      %get3A_163 = arith.index_cast %scan3A_131 : i32 to index
      %get3A_164 = arith.constant 48 : index
      %get3A_165 = tpu.vector_load %arg11[%get3A_163, %get3A_164] {strides = array<i32>} : memref<40x128xf32, #tpu.memory_space<vmem>>, vector<16xf32>,
      %get3A_166 = arith.index_cast %scan3A_131 : i32 to index
      %get3A_167 = arith.constant 48 : index
      %get3A_168 = tpu.vector_load %arg13[%get3A_166, %get3A_167] {strides = array<i32>} : memref<40x128xf32, #tpu.memory_space<vmem>>, vector<16xf32>,
      %mul3A_169 = arith.mulf %get3A_165, %get3A_168 : vector<16xf32>
      %swap3A_170 = arith.index_cast %scan3A_131 : i32 to index
      %swap3A_171 = arith.constant 48 : index
      %swap3A_172 = tpu.vector_load %arg11[%swap3A_170, %swap3A_171] {strides = array<i32>} : memref<40x128xf32, #tpu.memory_space<vmem>>, vector<16xf32>,
      tpu.vector_store %arg11[%swap3A_170, %swap3A_171], %mul3A_169 {strides = array<i32>} : memref<40x128xf32, #tpu.memory_space<vmem>>, vector<16xf32>,
      %get3A_173 = arith.index_cast %scan3A_131 : i32 to index
      %get3A_174 = arith.constant 64 : index
      %get3A_175 = tpu.vector_load %arg11[%get3A_173, %get3A_174] {strides = array<i32>} : memref<40x128xf32, #tpu.memory_space<vmem>>, vector<16xf32>,
      %get3A_176 = arith.index_cast %scan3A_131 : i32 to index
      %get3A_177 = arith.constant 64 : index
      %get3A_178 = tpu.vector_load %arg13[%get3A_176, %get3A_177] {strides = array<i32>} : memref<40x128xf32, #tpu.memory_space<vmem>>, vector<16xf32>,
      %mul3A_179 = arith.mulf %get3A_175, %get3A_178 : vector<16xf32>
      %swap3A_180 = arith.index_cast %scan3A_131 : i32 to index
      %swap3A_181 = arith.constant 64 : index
      %swap3A_182 = tpu.vector_load %arg11[%swap3A_180, %swap3A_181] {strides = array<i32>} : memref<40x128xf32, #tpu.memory_space<vmem>>, vector<16xf32>,
      tpu.vector_store %arg11[%swap3A_180, %swap3A_181], %mul3A_179 {strides = array<i32>} : memref<40x128xf32, #tpu.memory_space<vmem>>, vector<16xf32>,
      %get3A_183 = arith.index_cast %scan3A_131 : i32 to index
      %get3A_184 = arith.constant 80 : index
      %get3A_185 = tpu.vector_load %arg11[%get3A_183, %get3A_184] {strides = array<i32>} : memref<40x128xf32, #tpu.memory_space<vmem>>, vector<16xf32>,
      %get3A_186 = arith.index_cast %scan3A_131 : i32 to index
      %get3A_187 = arith.constant 80 : index
      %get3A_188 = tpu.vector_load %arg13[%get3A_186, %get3A_187] {strides = array<i32>} : memref<40x128xf32, #tpu.memory_space<vmem>>, vector<16xf32>,
      %mul3A_189 = arith.mulf %get3A_185, %get3A_188 : vector<16xf32>
      %swap3A_190 = arith.index_cast %scan3A_131 : i32 to index
      %swap3A_191 = arith.constant 80 : index
      %swap3A_192 = tpu.vector_load %arg11[%swap3A_190, %swap3A_191] {strides = array<i32>} : memref<40x128xf32, #tpu.memory_space<vmem>>, vector<16xf32>,
      tpu.vector_store %arg11[%swap3A_190, %swap3A_191], %mul3A_189 {strides = array<i32>} : memref<40x128xf32, #tpu.memory_space<vmem>>, vector<16xf32>,
      %get3A_193 = arith.index_cast %scan3A_131 : i32 to index
      %get3A_194 = arith.constant 96 : index
      %get3A_195 = tpu.vector_load %arg11[%get3A_193, %get3A_194] {strides = array<i32>} : memref<40x128xf32, #tpu.memory_space<vmem>>, vector<16xf32>,
      %get3A_196 = arith.index_cast %scan3A_131 : i32 to index
      %get3A_197 = arith.constant 96 : index
      %get3A_198 = tpu.vector_load %arg13[%get3A_196, %get3A_197] {strides = array<i32>} : memref<40x128xf32, #tpu.memory_space<vmem>>, vector<16xf32>,
      %mul3A_199 = arith.mulf %get3A_195, %get3A_198 : vector<16xf32>
      %swap3A_200 = arith.index_cast %scan3A_131 : i32 to index
      %swap3A_201 = arith.constant 96 : index
      %swap3A_202 = tpu.vector_load %arg11[%swap3A_200, %swap3A_201] {strides = array<i32>} : memref<40x128xf32, #tpu.memory_space<vmem>>, vector<16xf32>,
      tpu.vector_store %arg11[%swap3A_200, %swap3A_201], %mul3A_199 {strides = array<i32>} : memref<40x128xf32, #tpu.memory_space<vmem>>, vector<16xf32>,
      %get3A_203 = arith.index_cast %scan3A_131 : i32 to index
      %get3A_204 = arith.constant 112 : index
      %get3A_205 = tpu.vector_load %arg11[%get3A_203, %get3A_204] {strides = array<i32>} : memref<40x128xf32, #tpu.memory_space<vmem>>, vector<16xf32>,
      %get3A_206 = arith.index_cast %scan3A_131 : i32 to index
      %get3A_207 = arith.constant 112 : index
      %get3A_208 = tpu.vector_load %arg13[%get3A_206, %get3A_207] {strides = array<i32>} : memref<40x128xf32, #tpu.memory_space<vmem>>, vector<16xf32>,
      %mul3A_209 = arith.mulf %get3A_205, %get3A_208 : vector<16xf32>
      %swap3A_210 = arith.index_cast %scan3A_131 : i32 to index
      %swap3A_211 = arith.constant 112 : index
      %swap3A_212 = tpu.vector_load %arg11[%swap3A_210, %swap3A_211] {strides = array<i32>} : memref<40x128xf32, #tpu.memory_space<vmem>>, vector<16xf32>,
      tpu.vector_store %arg11[%swap3A_210, %swap3A_211], %mul3A_209 {strides = array<i32>} : memref<40x128xf32, #tpu.memory_space<vmem>>, vector<16xf32>,
      %scan3A_213 = arith.constant 0 : i32
      scf.yield %scan3A_213 : i32
    }
    %scan3A_57 = arith.constant 40 : i32
    %dma_start3A_58 = arith.constant 0 : i32
    %dma_start3A_59 = arith.constant 0 : i32
    %dma_start3A_60 = tpu.memref_slice %arg8[%dma_start3A_58, %dma_start3A_59] : memref<10000x128xf32, #tpu.memory_space<vmem_shared>> -> memref<10000x128xf32, #tpu.memory_space<vmem_shared>>
    tpu.enqueue_indirect_dma source(%arg11 : memref<40x128xf32, #tpu.memory_space<vmem>>) target(%dma_start3A_60 : memref<10000x128xf32, #tpu.memory_space<vmem_shared>>) offsets(%arg15 : memref<40xi32, #tpu.memory_space<vmem>>) semaphore(%arg21 : memref<!tpu.dma_semaphore, #tpu.memory_space<semaphore_mem>>) {add = true}
    %dma_wait3A_61 = arith.constant 0 : i32
    %dma_wait3A_62 = arith.constant 0 : i32
    %dma_wait3A_63 = tpu.memref_slice %arg2[%dma_wait3A_61, %dma_wait3A_62] : memref<10000x128xf32, #tpu.memory_space<hbm>> -> memref<10000x128xf32, #tpu.memory_space<hbm>>
    tpu.wait_indirect_dma semaphore(%arg18 : memref<!tpu.dma_semaphore, #tpu.memory_space<semaphore_mem>>) src(%dma_wait3A_63 : memref<10000x128xf32, #tpu.memory_space<hbm>>) dst(%arg12 : memref<40x128xf32, #tpu.memory_space<vmem>>)
    %dma_wait3A_64 = arith.constant 0 : i32
    %dma_wait3A_65 = arith.constant 0 : i32
    %dma_wait3A_66 = tpu.memref_slice %arg3[%dma_wait3A_64, %dma_wait3A_65] : memref<320000x128xf32, #tpu.memory_space<hbm>> -> memref<40x128xf32, #tpu.memory_space<hbm>>
    %dma_wait3A_67 = arith.constant 0 : i32
    %dma_wait3A_68 = arith.constant 0 : i32
    %dma_wait3A_69 = tpu.memref_slice %arg3[%dma_wait3A_67, %dma_wait3A_68] : memref<320000x128xf32, #tpu.memory_space<hbm>> -> memref<40x128xf32, #tpu.memory_space<hbm>>
    tpu.wait_dma2 semaphore(%arg20 : memref<!tpu.dma_semaphore, #tpu.memory_space<semaphore_mem>>) src(%dma_wait3A_69 : memref<40x128xf32, #tpu.memory_space<hbm>>) dst(%arg14 : memref<40x128xf32, #tpu.memory_space<vmem>>)
    %get3A_70 = arith.constant 40 : index
    %get3A_71 = tpu.vector_load %arg10[%get3A_70] {strides = array<i32>} : memref<10000xi32, #tpu.memory_space<vmem>>, vector<16xi32>,
    %swap3A_72 = arith.constant 0 : index
    %swap3A_73 = tpu.vector_load %arg16[%swap3A_72] {strides = array<i32>} : memref<40xi32, #tpu.memory_space<vmem>>, vector<16xi32>,
    tpu.vector_store %arg16[%swap3A_72], %get3A_71 {strides = array<i32>} : memref<40xi32, #tpu.memory_space<vmem>>, vector<16xi32>,
    %get3A_74 = arith.constant 56 : index
    %get3A_75 = tpu.vector_load %arg10[%get3A_74] {strides = array<i32>} : memref<10000xi32, #tpu.memory_space<vmem>>, vector<16xi32>,
    %swap3A_76 = arith.constant 16 : index
    %swap3A_77 = tpu.vector_load %arg16[%swap3A_76] {strides = array<i32>} : memref<40xi32, #tpu.memory_space<vmem>>, vector<16xi32>,
    tpu.vector_store %arg16[%swap3A_76], %get3A_75 {strides = array<i32>} : memref<40xi32, #tpu.memory_space<vmem>>, vector<16xi32>,
    %get3A_78 = arith.constant 64 : index
    %get3A_79 = tpu.vector_load %arg10[%get3A_78] {strides = array<i32>} : memref<10000xi32, #tpu.memory_space<vmem>>, vector<16xi32>,
    %swap3A_80 = arith.constant 24 : index
    %swap3A_81 = tpu.vector_load %arg16[%swap3A_80] {strides = array<i32>} : memref<40xi32, #tpu.memory_space<vmem>>, vector<16xi32>,
    tpu.vector_store %arg16[%swap3A_80], %get3A_79 {strides = array<i32>} : memref<40xi32, #tpu.memory_space<vmem>>, vector<16xi32>,
    %dma_wait3A_82 = arith.constant 0 : i32
    %dma_wait3A_83 = arith.constant 0 : i32
    %dma_wait3A_84 = tpu.memref_slice %arg8[%dma_wait3A_82, %dma_wait3A_83] : memref<10000x128xf32, #tpu.memory_space<vmem_shared>> -> memref<10000x128xf32, #tpu.memory_space<vmem_shared>>
    tpu.wait_indirect_dma semaphore(%arg21 : memref<!tpu.dma_semaphore, #tpu.memory_space<semaphore_mem>>) src(%arg11 : memref<40x128xf32, #tpu.memory_space<vmem>>) dst(%dma_wait3A_84 : memref<10000x128xf32, #tpu.memory_space<vmem_shared>>)
    %dma_start3A_85 = arith.constant 80 : i32
    %dma_start3A_86 = tpu.memref_slice %arg9[%dma_start3A_85] : memref<10000xi32, #tpu.memory_space<vmem>> -> memref<40xi32, #tpu.memory_space<vmem>>
    %dma_start3A_87 = arith.constant 0 : i32
    %dma_start3A_88 = arith.constant 0 : i32
    %dma_start3A_89 = tpu.memref_slice %arg2[%dma_start3A_87, %dma_start3A_88] : memref<10000x128xf32, #tpu.memory_space<hbm>> -> memref<10000x128xf32, #tpu.memory_space<hbm>>
    tpu.enqueue_indirect_dma source(%dma_start3A_89 : memref<10000x128xf32, #tpu.memory_space<hbm>>) target(%arg11 : memref<40x128xf32, #tpu.memory_space<vmem>>) offsets(%dma_start3A_86 : memref<40xi32, #tpu.memory_space<vmem>>) semaphore(%arg17 : memref<!tpu.dma_semaphore, #tpu.memory_space<semaphore_mem>>)
    %mul3A_90 = arith.constant 10000 : i32
    %mul3A_91 = arith.muli %add3A, %mul3A_90 : i32
    %add3A_92 = arith.constant 80 : i32
    %add3A_93 = arith.addi %mul3A_91, %add3A_92 : i32
    %dma_start3A_94 = arith.constant 0 : i32
    %dma_start3A_95 = tpu.memref_slice %arg3[%add3A_93, %dma_start3A_94] : memref<320000x128xf32, #tpu.memory_space<hbm>> -> memref<40x128xf32, #tpu.memory_space<hbm>>
    %dma_start3A_96 = arith.constant 0 : i32
    %dma_start3A_97 = tpu.memref_slice %arg3[%add3A_93, %dma_start3A_96] : memref<320000x128xf32, #tpu.memory_space<hbm>> -> memref<40x128xf32, #tpu.memory_space<hbm>>
    tpu.enqueue_dma source(%dma_start3A_97 : memref<40x128xf32, #tpu.memory_space<hbm>>) target(%arg13 : memref<40x128xf32, #tpu.memory_space<vmem>>) target_semaphore(%arg19 : memref<!tpu.dma_semaphore, #tpu.memory_space<semaphore_mem>>)
    %scan3A_98 = arith.constant 0 : i32
    %scan3A_99 = arith.constant 0 : i32
    %scan3A_100 = arith.constant 40 : i32
    %scan3A_101 = arith.addi %scan3A_99, %scan3A_100 : i32
    %scan3A_102 = arith.constant 1 : i32
    %scan3A_103 = scf.for %scan3A_131 = %scan3A_99 to %scan3A_101 step %scan3A_102 iter_args(%scan3A_132 = %scan3A_98) -> (i32)  : i32 {
      %get3A_133 = arith.index_cast %scan3A_131 : i32 to index
      %get3A_134 = arith.constant 0 : index
      %get3A_135 = tpu.vector_load %arg12[%get3A_133, %get3A_134] {strides = array<i32>} : memref<40x128xf32, #tpu.memory_space<vmem>>, vector<16xf32>,
      %get3A_136 = arith.index_cast %scan3A_131 : i32 to index
      %get3A_137 = arith.constant 0 : index
      %get3A_138 = tpu.vector_load %arg14[%get3A_136, %get3A_137] {strides = array<i32>} : memref<40x128xf32, #tpu.memory_space<vmem>>, vector<16xf32>,
      %mul3A_139 = arith.mulf %get3A_135, %get3A_138 : vector<16xf32>
      %swap3A_140 = arith.index_cast %scan3A_131 : i32 to index
      %swap3A_141 = arith.constant 0 : index
      %swap3A_142 = tpu.vector_load %arg12[%swap3A_140, %swap3A_141] {strides = array<i32>} : memref<40x128xf32, #tpu.memory_space<vmem>>, vector<16xf32>,
      tpu.vector_store %arg12[%swap3A_140, %swap3A_141], %mul3A_139 {strides = array<i32>} : memref<40x128xf32, #tpu.memory_space<vmem>>, vector<16xf32>,
      %get3A_143 = arith.index_cast %scan3A_131 : i32 to index
      %get3A_144 = arith.constant 16 : index
      %get3A_145 = tpu.vector_load %arg12[%get3A_143, %get3A_144] {strides = array<i32>} : memref<40x128xf32, #tpu.memory_space<vmem>>, vector<16xf32>,
      %get3A_146 = arith.index_cast %scan3A_131 : i32 to index
      %get3A_147 = arith.constant 16 : index
      %get3A_148 = tpu.vector_load %arg14[%get3A_146, %get3A_147] {strides = array<i32>} : memref<40x128xf32, #tpu.memory_space<vmem>>, vector<16xf32>,
      %mul3A_149 = arith.mulf %get3A_145, %get3A_148 : vector<16xf32>
      %swap3A_150 = arith.index_cast %scan3A_131 : i32 to index
      %swap3A_151 = arith.constant 16 : index
      %swap3A_152 = tpu.vector_load %arg12[%swap3A_150, %swap3A_151] {strides = array<i32>} : memref<40x128xf32, #tpu.memory_space<vmem>>, vector<16xf32>,
      tpu.vector_store %arg12[%swap3A_150, %swap3A_151], %mul3A_149 {strides = array<i32>} : memref<40x128xf32, #tpu.memory_space<vmem>>, vector<16xf32>,
      %get3A_153 = arith.index_cast %scan3A_131 : i32 to index
      %get3A_154 = arith.constant 32 : index
      %get3A_155 = tpu.vector_load %arg12[%get3A_153, %get3A_154] {strides = array<i32>} : memref<40x128xf32, #tpu.memory_space<vmem>>, vector<16xf32>,
      %get3A_156 = arith.index_cast %scan3A_131 : i32 to index
      %get3A_157 = arith.constant 32 : index
      %get3A_158 = tpu.vector_load %arg14[%get3A_156, %get3A_157] {strides = array<i32>} : memref<40x128xf32, #tpu.memory_space<vmem>>, vector<16xf32>,
      %mul3A_159 = arith.mulf %get3A_155, %get3A_158 : vector<16xf32>
      %swap3A_160 = arith.index_cast %scan3A_131 : i32 to index
      %swap3A_161 = arith.constant 32 : index
      %swap3A_162 = tpu.vector_load %arg12[%swap3A_160, %swap3A_161] {strides = array<i32>} : memref<40x128xf32, #tpu.memory_space<vmem>>, vector<16xf32>,
      tpu.vector_store %arg12[%swap3A_160, %swap3A_161], %mul3A_159 {strides = array<i32>} : memref<40x128xf32, #tpu.memory_space<vmem>>, vector<16xf32>,
      %get3A_163 = arith.index_cast %scan3A_131 : i32 to index
      %get3A_164 = arith.constant 48 : index
      %get3A_165 = tpu.vector_load %arg12[%get3A_163, %get3A_164] {strides = array<i32>} : memref<40x128xf32, #tpu.memory_space<vmem>>, vector<16xf32>,
      %get3A_166 = arith.index_cast %scan3A_131 : i32 to index
      %get3A_167 = arith.constant 48 : index
      %get3A_168 = tpu.vector_load %arg14[%get3A_166, %get3A_167] {strides = array<i32>} : memref<40x128xf32, #tpu.memory_space<vmem>>, vector<16xf32>,
      %mul3A_169 = arith.mulf %get3A_165, %get3A_168 : vector<16xf32>
      %swap3A_170 = arith.index_cast %scan3A_131 : i32 to index
      %swap3A_171 = arith.constant 48 : index
      %swap3A_172 = tpu.vector_load %arg12[%swap3A_170, %swap3A_171] {strides = array<i32>} : memref<40x128xf32, #tpu.memory_space<vmem>>, vector<16xf32>,
      tpu.vector_store %arg12[%swap3A_170, %swap3A_171], %mul3A_169 {strides = array<i32>} : memref<40x128xf32, #tpu.memory_space<vmem>>, vector<16xf32>,
      %get3A_173 = arith.index_cast %scan3A_131 : i32 to index
      %get3A_174 = arith.constant 64 : index
      %get3A_175 = tpu.vector_load %arg12[%get3A_173, %get3A_174] {strides = array<i32>} : memref<40x128xf32, #tpu.memory_space<vmem>>, vector<16xf32>,
      %get3A_176 = arith.index_cast %scan3A_131 : i32 to index
      %get3A_177 = arith.constant 64 : index
      %get3A_178 = tpu.vector_load %arg14[%get3A_176, %get3A_177] {strides = array<i32>} : memref<40x128xf32, #tpu.memory_space<vmem>>, vector<16xf32>,
      %mul3A_179 = arith.mulf %get3A_175, %get3A_178 : vector<16xf32>
      %swap3A_180 = arith.index_cast %scan3A_131 : i32 to index
      %swap3A_181 = arith.constant 64 : index
      %swap3A_182 = tpu.vector_load %arg12[%swap3A_180, %swap3A_181] {strides = array<i32>} : memref<40x128xf32, #tpu.memory_space<vmem>>, vector<16xf32>,
      tpu.vector_store %arg12[%swap3A_180, %swap3A_181], %mul3A_179 {strides = array<i32>} : memref<40x128xf32, #tpu.memory_space<vmem>>, vector<16xf32>,
      %get3A_183 = arith.index_cast %scan3A_131 : i32 to index
      %get3A_184 = arith.constant 80 : index
      %get3A_185 = tpu.vector_load %arg12[%get3A_183, %get3A_184] {strides = array<i32>} : memref<40x128xf32, #tpu.memory_space<vmem>>, vector<16xf32>,
      %get3A_186 = arith.index_cast %scan3A_131 : i32 to index
      %get3A_187 = arith.constant 80 : index
      %get3A_188 = tpu.vector_load %arg14[%get3A_186, %get3A_187] {strides = array<i32>} : memref<40x128xf32, #tpu.memory_space<vmem>>, vector<16xf32>,
      %mul3A_189 = arith.mulf %get3A_185, %get3A_188 : vector<16xf32>
      %swap3A_190 = arith.index_cast %scan3A_131 : i32 to index
      %swap3A_191 = arith.constant 80 : index
      %swap3A_192 = tpu.vector_load %arg12[%swap3A_190, %swap3A_191] {strides = array<i32>} : memref<40x128xf32, #tpu.memory_space<vmem>>, vector<16xf32>,
      tpu.vector_store %arg12[%swap3A_190, %swap3A_191], %mul3A_189 {strides = array<i32>} : memref<40x128xf32, #tpu.memory_space<vmem>>, vector<16xf32>,
      %get3A_193 = arith.index_cast %scan3A_131 : i32 to index
      %get3A_194 = arith.constant 96 : index
      %get3A_195 = tpu.vector_load %arg12[%get3A_193, %get3A_194] {strides = array<i32>} : memref<40x128xf32, #tpu.memory_space<vmem>>, vector<16xf32>,
      %get3A_196 = arith.index_cast %scan3A_131 : i32 to index
      %get3A_197 = arith.constant 96 : index
      %get3A_198 = tpu.vector_load %arg14[%get3A_196, %get3A_197] {strides = array<i32>} : memref<40x128xf32, #tpu.memory_space<vmem>>, vector<16xf32>,
      %mul3A_199 = arith.mulf %get3A_195, %get3A_198 : vector<16xf32>
      %swap3A_200 = arith.index_cast %scan3A_131 : i32 to index
      %swap3A_201 = arith.constant 96 : index
      %swap3A_202 = tpu.vector_load %arg12[%swap3A_200, %swap3A_201] {strides = array<i32>} : memref<40x128xf32, #tpu.memory_space<vmem>>, vector<16xf32>,
      tpu.vector_store %arg12[%swap3A_200, %swap3A_201], %mul3A_199 {strides = array<i32>} : memref<40x128xf32, #tpu.memory_space<vmem>>, vector<16xf32>,
      %get3A_203 = arith.index_cast %scan3A_131 : i32 to index
      %get3A_204 = arith.constant 112 : index
      %get3A_205 = tpu.vector_load %arg12[%get3A_203, %get3A_204] {strides = array<i32>} : memref<40x128xf32, #tpu.memory_space<vmem>>, vector<16xf32>,
      %get3A_206 = arith.index_cast %scan3A_131 : i32 to index
      %get3A_207 = arith.constant 112 : index
      %get3A_208 = tpu.vector_load %arg14[%get3A_206, %get3A_207] {strides = array<i32>} : memref<40x128xf32, #tpu.memory_space<vmem>>, vector<16xf32>,
      %mul3A_209 = arith.mulf %get3A_205, %get3A_208 : vector<16xf32>
      %swap3A_210 = arith.index_cast %scan3A_131 : i32 to index
      %swap3A_211 = arith.constant 112 : index
      %swap3A_212 = tpu.vector_load %arg12[%swap3A_210, %swap3A_211] {strides = array<i32>} : memref<40x128xf32, #tpu.memory_space<vmem>>, vector<16xf32>,
      tpu.vector_store %arg12[%swap3A_210, %swap3A_211], %mul3A_209 {strides = array<i32>} : memref<40x128xf32, #tpu.memory_space<vmem>>, vector<16xf32>,
      %scan3A_213 = arith.constant 0 : i32
      scf.yield %scan3A_213 : i32
    }
    %scan3A_104 = arith.constant 40 : i32
    %dma_start3A_105 = arith.constant 0 : i32
    %dma_start3A_106 = arith.constant 0 : i32
    %dma_start3A_107 = tpu.memref_slice %arg8[%dma_start3A_105, %dma_start3A_106] : memref<10000x128xf32, #tpu.memory_space<vmem_shared>> -> memref<10000x128xf32, #tpu.memory_space<vmem_shared>>
    tpu.enqueue_indirect_dma source(%arg12 : memref<40x128xf32, #tpu.memory_space<vmem>>) target(%dma_start3A_107 : memref<10000x128xf32, #tpu.memory_space<vmem_shared>>) offsets(%arg16 : memref<40xi32, #tpu.memory_space<vmem>>) semaphore(%arg22 : memref<!tpu.dma_semaphore, #tpu.memory_space<semaphore_mem>>) {add = true}
    %scan3A_108 = arith.constant 0 : i32
    %scan3A_109 = arith.constant 1 : i32
    %scan3A_110 = arith.constant 124 : i32
    %scan3A_111 = arith.addi %scan3A_109, %scan3A_110 : i32
    %scan3A_112 = arith.constant 1 : i32
    %scan3A_113 = scf.for %scan3A_131 = %scan3A_109 to %scan3A_111 step %scan3A_112 iter_args(%scan3A_132 = %scan3A_108) -> (i32)  : i32 {
      %mul3A_133 = arith.constant 2 : i32
      %mul3A_134 = arith.muli %mul3A_133, %scan3A_131 : i32
      %dma_wait3A_135 = arith.constant 0 : i32
      %dma_wait3A_136 = arith.constant 0 : i32
      %dma_wait3A_137 = tpu.memref_slice %arg2[%dma_wait3A_135, %dma_wait3A_136] : memref<10000x128xf32, #tpu.memory_space<hbm>> -> memref<10000x128xf32, #tpu.memory_space<hbm>>
      tpu.wait_indirect_dma semaphore(%arg17 : memref<!tpu.dma_semaphore, #tpu.memory_space<semaphore_mem>>) src(%dma_wait3A_137 : memref<10000x128xf32, #tpu.memory_space<hbm>>) dst(%arg11 : memref<40x128xf32, #tpu.memory_space<vmem>>)
      %dma_wait3A_138 = arith.constant 0 : i32
      %dma_wait3A_139 = arith.constant 0 : i32
      %dma_wait3A_140 = tpu.memref_slice %arg3[%dma_wait3A_138, %dma_wait3A_139] : memref<320000x128xf32, #tpu.memory_space<hbm>> -> memref<40x128xf32, #tpu.memory_space<hbm>>
      %dma_wait3A_141 = arith.constant 0 : i32
      %dma_wait3A_142 = arith.constant 0 : i32
      %dma_wait3A_143 = tpu.memref_slice %arg3[%dma_wait3A_141, %dma_wait3A_142] : memref<320000x128xf32, #tpu.memory_space<hbm>> -> memref<40x128xf32, #tpu.memory_space<hbm>>
      tpu.wait_dma2 semaphore(%arg19 : memref<!tpu.dma_semaphore, #tpu.memory_space<semaphore_mem>>) src(%dma_wait3A_143 : memref<40x128xf32, #tpu.memory_space<hbm>>) dst(%arg13 : memref<40x128xf32, #tpu.memory_space<vmem>>)
      %mul3A_144 = arith.constant 40 : i32
      %mul3A_145 = arith.muli %mul3A_134, %mul3A_144 : i32
      %add3A_146 = arith.constant 0 : i32
      %add3A_147 = arith.addi %mul3A_145, %add3A_146 : i32
      %get3A_148 = arith.index_cast %add3A_147 : i32 to index
      %get3A_149 = tpu.vector_load %arg10[%get3A_148] {strides = array<i32>} : memref<10000xi32, #tpu.memory_space<vmem>>, vector<16xi32>,
      %swap3A_150 = arith.constant 0 : index
      %swap3A_151 = tpu.vector_load %arg15[%swap3A_150] {strides = array<i32>} : memref<40xi32, #tpu.memory_space<vmem>>, vector<16xi32>,
      tpu.vector_store %arg15[%swap3A_150], %get3A_149 {strides = array<i32>} : memref<40xi32, #tpu.memory_space<vmem>>, vector<16xi32>,
      %mul3A_152 = arith.constant 40 : i32
      %mul3A_153 = arith.muli %mul3A_134, %mul3A_152 : i32
      %add3A_154 = arith.constant 16 : i32
      %add3A_155 = arith.addi %mul3A_153, %add3A_154 : i32
      %get3A_156 = arith.index_cast %add3A_155 : i32 to index
      %get3A_157 = tpu.vector_load %arg10[%get3A_156] {strides = array<i32>} : memref<10000xi32, #tpu.memory_space<vmem>>, vector<16xi32>,
      %swap3A_158 = arith.constant 16 : index
      %swap3A_159 = tpu.vector_load %arg15[%swap3A_158] {strides = array<i32>} : memref<40xi32, #tpu.memory_space<vmem>>, vector<16xi32>,
      tpu.vector_store %arg15[%swap3A_158], %get3A_157 {strides = array<i32>} : memref<40xi32, #tpu.memory_space<vmem>>, vector<16xi32>,
      %mul3A_160 = arith.constant 40 : i32
      %mul3A_161 = arith.muli %mul3A_134, %mul3A_160 : i32
      %add3A_162 = arith.constant 24 : i32
      %add3A_163 = arith.addi %mul3A_161, %add3A_162 : i32
      %get3A_164 = arith.index_cast %add3A_163 : i32 to index
      %get3A_165 = tpu.vector_load %arg10[%get3A_164] {strides = array<i32>} : memref<10000xi32, #tpu.memory_space<vmem>>, vector<16xi32>,
      %swap3A_166 = arith.constant 24 : index
      %swap3A_167 = tpu.vector_load %arg15[%swap3A_166] {strides = array<i32>} : memref<40xi32, #tpu.memory_space<vmem>>, vector<16xi32>,
      tpu.vector_store %arg15[%swap3A_166], %get3A_165 {strides = array<i32>} : memref<40xi32, #tpu.memory_space<vmem>>, vector<16xi32>,
      %add3A_168 = arith.constant 1 : i32
      %add3A_169 = arith.addi %mul3A_134, %add3A_168 : i32
      %lt3A = arith.constant 250 : i32
      %lt3A_170 = arith.cmpi slt, %add3A_169, %lt3A : i32
      %convert_element_type3A_171 = arith.extui %lt3A_170 : i1 to i32
      %cond3A_172 = arith.constant 0 : i32
      %cond3A_173 = arith.cmpi ne, %convert_element_type3A_171, %cond3A_172 : i32
      scf.if %cond3A_173 {
        %dma_wait3A_239 = arith.constant 0 : i32
        %dma_wait3A_240 = arith.constant 0 : i32
        %dma_wait3A_241 = tpu.memref_slice %arg8[%dma_wait3A_239, %dma_wait3A_240] : memref<10000x128xf32, #tpu.memory_space<vmem_shared>> -> memref<10000x128xf32, #tpu.memory_space<vmem_shared>>
        tpu.wait_indirect_dma semaphore(%arg22 : memref<!tpu.dma_semaphore, #tpu.memory_space<semaphore_mem>>) src(%arg12 : memref<40x128xf32, #tpu.memory_space<vmem>>) dst(%dma_wait3A_241 : memref<10000x128xf32, #tpu.memory_space<vmem_shared>>)
        %add3A_242 = arith.constant 1 : i32
        %add3A_243 = arith.addi %mul3A_134, %add3A_242 : i32
        %mul3A_244 = arith.constant 40 : i32
        %mul3A_245 = arith.muli %add3A_243, %mul3A_244 : i32
        %dma_start3A_246 = tpu.memref_slice %arg9[%mul3A_245] : memref<10000xi32, #tpu.memory_space<vmem>> -> memref<40xi32, #tpu.memory_space<vmem>>
        %dma_start3A_247 = arith.constant 0 : i32
        %dma_start3A_248 = arith.constant 0 : i32
        %dma_start3A_249 = tpu.memref_slice %arg2[%dma_start3A_247, %dma_start3A_248] : memref<10000x128xf32, #tpu.memory_space<hbm>> -> memref<10000x128xf32, #tpu.memory_space<hbm>>
        tpu.enqueue_indirect_dma source(%dma_start3A_249 : memref<10000x128xf32, #tpu.memory_space<hbm>>) target(%arg12 : memref<40x128xf32, #tpu.memory_space<vmem>>) offsets(%dma_start3A_246 : memref<40xi32, #tpu.memory_space<vmem>>) semaphore(%arg18 : memref<!tpu.dma_semaphore, #tpu.memory_space<semaphore_mem>>)
        %mul3A_250 = arith.constant 10000 : i32
        %mul3A_251 = arith.muli %add3A, %mul3A_250 : i32
        %mul3A_252 = arith.constant 40 : i32
        %mul3A_253 = arith.muli %add3A_243, %mul3A_252 : i32
        %add3A_254 = arith.addi %mul3A_251, %mul3A_253 : i32
        %dma_start3A_255 = arith.constant 0 : i32
        %dma_start3A_256 = tpu.memref_slice %arg3[%add3A_254, %dma_start3A_255] : memref<320000x128xf32, #tpu.memory_space<hbm>> -> memref<40x128xf32, #tpu.memory_space<hbm>>
        %dma_start3A_257 = arith.constant 0 : i32
        %dma_start3A_258 = tpu.memref_slice %arg3[%add3A_254, %dma_start3A_257] : memref<320000x128xf32, #tpu.memory_space<hbm>> -> memref<40x128xf32, #tpu.memory_space<hbm>>
        tpu.enqueue_dma source(%dma_start3A_258 : memref<40x128xf32, #tpu.memory_space<hbm>>) target(%arg14 : memref<40x128xf32, #tpu.memory_space<vmem>>) target_semaphore(%arg20 : memref<!tpu.dma_semaphore, #tpu.memory_space<semaphore_mem>>)
      } else {
      }
      %scan3A_174 = arith.constant 0 : i32
      %scan3A_175 = arith.constant 0 : i32
      %scan3A_176 = arith.constant 40 : i32
      %scan3A_177 = arith.addi %scan3A_175, %scan3A_176 : i32
      %scan3A_178 = arith.constant 1 : i32
      %scan3A_179 = scf.for %scan3A_239 = %scan3A_175 to %scan3A_177 step %scan3A_178 iter_args(%scan3A_240 = %scan3A_174) -> (i32)  : i32 {
        %get3A_241 = arith.index_cast %scan3A_239 : i32 to index
        %get3A_242 = arith.constant 0 : index
        %get3A_243 = tpu.vector_load %arg11[%get3A_241, %get3A_242] {strides = array<i32>} : memref<40x128xf32, #tpu.memory_space<vmem>>, vector<16xf32>,
        %get3A_244 = arith.index_cast %scan3A_239 : i32 to index
        %get3A_245 = arith.constant 0 : index
        %get3A_246 = tpu.vector_load %arg13[%get3A_244, %get3A_245] {strides = array<i32>} : memref<40x128xf32, #tpu.memory_space<vmem>>, vector<16xf32>,
        %mul3A_247 = arith.mulf %get3A_243, %get3A_246 : vector<16xf32>
        %swap3A_248 = arith.index_cast %scan3A_239 : i32 to index
        %swap3A_249 = arith.constant 0 : index
        %swap3A_250 = tpu.vector_load %arg11[%swap3A_248, %swap3A_249] {strides = array<i32>} : memref<40x128xf32, #tpu.memory_space<vmem>>, vector<16xf32>,
        tpu.vector_store %arg11[%swap3A_248, %swap3A_249], %mul3A_247 {strides = array<i32>} : memref<40x128xf32, #tpu.memory_space<vmem>>, vector<16xf32>,
        %get3A_251 = arith.index_cast %scan3A_239 : i32 to index
        %get3A_252 = arith.constant 16 : index
        %get3A_253 = tpu.vector_load %arg11[%get3A_251, %get3A_252] {strides = array<i32>} : memref<40x128xf32, #tpu.memory_space<vmem>>, vector<16xf32>,
        %get3A_254 = arith.index_cast %scan3A_239 : i32 to index
        %get3A_255 = arith.constant 16 : index
        %get3A_256 = tpu.vector_load %arg13[%get3A_254, %get3A_255] {strides = array<i32>} : memref<40x128xf32, #tpu.memory_space<vmem>>, vector<16xf32>,
        %mul3A_257 = arith.mulf %get3A_253, %get3A_256 : vector<16xf32>
        %swap3A_258 = arith.index_cast %scan3A_239 : i32 to index
        %swap3A_259 = arith.constant 16 : index
        %swap3A_260 = tpu.vector_load %arg11[%swap3A_258, %swap3A_259] {strides = array<i32>} : memref<40x128xf32, #tpu.memory_space<vmem>>, vector<16xf32>,
        tpu.vector_store %arg11[%swap3A_258, %swap3A_259], %mul3A_257 {strides = array<i32>} : memref<40x128xf32, #tpu.memory_space<vmem>>, vector<16xf32>,
        %get3A_261 = arith.index_cast %scan3A_239 : i32 to index
        %get3A_262 = arith.constant 32 : index
        %get3A_263 = tpu.vector_load %arg11[%get3A_261, %get3A_262] {strides = array<i32>} : memref<40x128xf32, #tpu.memory_space<vmem>>, vector<16xf32>,
        %get3A_264 = arith.index_cast %scan3A_239 : i32 to index
        %get3A_265 = arith.constant 32 : index
        %get3A_266 = tpu.vector_load %arg13[%get3A_264, %get3A_265] {strides = array<i32>} : memref<40x128xf32, #tpu.memory_space<vmem>>, vector<16xf32>,
        %mul3A_267 = arith.mulf %get3A_263, %get3A_266 : vector<16xf32>
        %swap3A_268 = arith.index_cast %scan3A_239 : i32 to index
        %swap3A_269 = arith.constant 32 : index
        %swap3A_270 = tpu.vector_load %arg11[%swap3A_268, %swap3A_269] {strides = array<i32>} : memref<40x128xf32, #tpu.memory_space<vmem>>, vector<16xf32>,
        tpu.vector_store %arg11[%swap3A_268, %swap3A_269], %mul3A_267 {strides = array<i32>} : memref<40x128xf32, #tpu.memory_space<vmem>>, vector<16xf32>,
        %get3A_271 = arith.index_cast %scan3A_239 : i32 to index
        %get3A_272 = arith.constant 48 : index
        %get3A_273 = tpu.vector_load %arg11[%get3A_271, %get3A_272] {strides = array<i32>} : memref<40x128xf32, #tpu.memory_space<vmem>>, vector<16xf32>,
        %get3A_274 = arith.index_cast %scan3A_239 : i32 to index
        %get3A_275 = arith.constant 48 : index
        %get3A_276 = tpu.vector_load %arg13[%get3A_274, %get3A_275] {strides = array<i32>} : memref<40x128xf32, #tpu.memory_space<vmem>>, vector<16xf32>,
        %mul3A_277 = arith.mulf %get3A_273, %get3A_276 : vector<16xf32>
        %swap3A_278 = arith.index_cast %scan3A_239 : i32 to index
        %swap3A_279 = arith.constant 48 : index
        %swap3A_280 = tpu.vector_load %arg11[%swap3A_278, %swap3A_279] {strides = array<i32>} : memref<40x128xf32, #tpu.memory_space<vmem>>, vector<16xf32>,
        tpu.vector_store %arg11[%swap3A_278, %swap3A_279], %mul3A_277 {strides = array<i32>} : memref<40x128xf32, #tpu.memory_space<vmem>>, vector<16xf32>,
        %get3A_281 = arith.index_cast %scan3A_239 : i32 to index
        %get3A_282 = arith.constant 64 : index
        %get3A_283 = tpu.vector_load %arg11[%get3A_281, %get3A_282] {strides = array<i32>} : memref<40x128xf32, #tpu.memory_space<vmem>>, vector<16xf32>,
        %get3A_284 = arith.index_cast %scan3A_239 : i32 to index
        %get3A_285 = arith.constant 64 : index
        %get3A_286 = tpu.vector_load %arg13[%get3A_284, %get3A_285] {strides = array<i32>} : memref<40x128xf32, #tpu.memory_space<vmem>>, vector<16xf32>,
        %mul3A_287 = arith.mulf %get3A_283, %get3A_286 : vector<16xf32>
        %swap3A_288 = arith.index_cast %scan3A_239 : i32 to index
        %swap3A_289 = arith.constant 64 : index
        %swap3A_290 = tpu.vector_load %arg11[%swap3A_288, %swap3A_289] {strides = array<i32>} : memref<40x128xf32, #tpu.memory_space<vmem>>, vector<16xf32>,
        tpu.vector_store %arg11[%swap3A_288, %swap3A_289], %mul3A_287 {strides = array<i32>} : memref<40x128xf32, #tpu.memory_space<vmem>>, vector<16xf32>,
        %get3A_291 = arith.index_cast %scan3A_239 : i32 to index
        %get3A_292 = arith.constant 80 : index
        %get3A_293 = tpu.vector_load %arg11[%get3A_291, %get3A_292] {strides = array<i32>} : memref<40x128xf32, #tpu.memory_space<vmem>>, vector<16xf32>,
        %get3A_294 = arith.index_cast %scan3A_239 : i32 to index
        %get3A_295 = arith.constant 80 : index
        %get3A_296 = tpu.vector_load %arg13[%get3A_294, %get3A_295] {strides = array<i32>} : memref<40x128xf32, #tpu.memory_space<vmem>>, vector<16xf32>,
        %mul3A_297 = arith.mulf %get3A_293, %get3A_296 : vector<16xf32>
        %swap3A_298 = arith.index_cast %scan3A_239 : i32 to index
        %swap3A_299 = arith.constant 80 : index
        %swap3A_300 = tpu.vector_load %arg11[%swap3A_298, %swap3A_299] {strides = array<i32>} : memref<40x128xf32, #tpu.memory_space<vmem>>, vector<16xf32>,
        tpu.vector_store %arg11[%swap3A_298, %swap3A_299], %mul3A_297 {strides = array<i32>} : memref<40x128xf32, #tpu.memory_space<vmem>>, vector<16xf32>,
        %get3A_301 = arith.index_cast %scan3A_239 : i32 to index
        %get3A_302 = arith.constant 96 : index
        %get3A_303 = tpu.vector_load %arg11[%get3A_301, %get3A_302] {strides = array<i32>} : memref<40x128xf32, #tpu.memory_space<vmem>>, vector<16xf32>,
        %get3A_304 = arith.index_cast %scan3A_239 : i32 to index
        %get3A_305 = arith.constant 96 : index
        %get3A_306 = tpu.vector_load %arg13[%get3A_304, %get3A_305] {strides = array<i32>} : memref<40x128xf32, #tpu.memory_space<vmem>>, vector<16xf32>,
        %mul3A_307 = arith.mulf %get3A_303, %get3A_306 : vector<16xf32>
        %swap3A_308 = arith.index_cast %scan3A_239 : i32 to index
        %swap3A_309 = arith.constant 96 : index
        %swap3A_310 = tpu.vector_load %arg11[%swap3A_308, %swap3A_309] {strides = array<i32>} : memref<40x128xf32, #tpu.memory_space<vmem>>, vector<16xf32>,
        tpu.vector_store %arg11[%swap3A_308, %swap3A_309], %mul3A_307 {strides = array<i32>} : memref<40x128xf32, #tpu.memory_space<vmem>>, vector<16xf32>,
        %get3A_311 = arith.index_cast %scan3A_239 : i32 to index
        %get3A_312 = arith.constant 112 : index
        %get3A_313 = tpu.vector_load %arg11[%get3A_311, %get3A_312] {strides = array<i32>} : memref<40x128xf32, #tpu.memory_space<vmem>>, vector<16xf32>,
        %get3A_314 = arith.index_cast %scan3A_239 : i32 to index
        %get3A_315 = arith.constant 112 : index
        %get3A_316 = tpu.vector_load %arg13[%get3A_314, %get3A_315] {strides = array<i32>} : memref<40x128xf32, #tpu.memory_space<vmem>>, vector<16xf32>,
        %mul3A_317 = arith.mulf %get3A_313, %get3A_316 : vector<16xf32>
        %swap3A_318 = arith.index_cast %scan3A_239 : i32 to index
        %swap3A_319 = arith.constant 112 : index
        %swap3A_320 = tpu.vector_load %arg11[%swap3A_318, %swap3A_319] {strides = array<i32>} : memref<40x128xf32, #tpu.memory_space<vmem>>, vector<16xf32>,
        tpu.vector_store %arg11[%swap3A_318, %swap3A_319], %mul3A_317 {strides = array<i32>} : memref<40x128xf32, #tpu.memory_space<vmem>>, vector<16xf32>,
        %scan3A_321 = arith.constant 0 : i32
        scf.yield %scan3A_321 : i32
      }
      %scan3A_180 = arith.constant 40 : i32
      %dma_start3A_181 = arith.constant 0 : i32
      %dma_start3A_182 = arith.constant 0 : i32
      %dma_start3A_183 = tpu.memref_slice %arg8[%dma_start3A_181, %dma_start3A_182] : memref<10000x128xf32, #tpu.memory_space<vmem_shared>> -> memref<10000x128xf32, #tpu.memory_space<vmem_shared>>
      tpu.enqueue_indirect_dma source(%arg11 : memref<40x128xf32, #tpu.memory_space<vmem>>) target(%dma_start3A_183 : memref<10000x128xf32, #tpu.memory_space<vmem_shared>>) offsets(%arg15 : memref<40xi32, #tpu.memory_space<vmem>>) semaphore(%arg21 : memref<!tpu.dma_semaphore, #tpu.memory_space<semaphore_mem>>) {add = true}
      %mul3A_184 = arith.constant 2 : i32
      %mul3A_185 = arith.muli %mul3A_184, %scan3A_131 : i32
      %add3A_186 = arith.constant 1 : i32
      %add3A_187 = arith.addi %mul3A_185, %add3A_186 : i32
      %dma_wait3A_188 = arith.constant 0 : i32
      %dma_wait3A_189 = arith.constant 0 : i32
      %dma_wait3A_190 = tpu.memref_slice %arg2[%dma_wait3A_188, %dma_wait3A_189] : memref<10000x128xf32, #tpu.memory_space<hbm>> -> memref<10000x128xf32, #tpu.memory_space<hbm>>
      tpu.wait_indirect_dma semaphore(%arg18 : memref<!tpu.dma_semaphore, #tpu.memory_space<semaphore_mem>>) src(%dma_wait3A_190 : memref<10000x128xf32, #tpu.memory_space<hbm>>) dst(%arg12 : memref<40x128xf32, #tpu.memory_space<vmem>>)
      %dma_wait3A_191 = arith.constant 0 : i32
      %dma_wait3A_192 = arith.constant 0 : i32
      %dma_wait3A_193 = tpu.memref_slice %arg3[%dma_wait3A_191, %dma_wait3A_192] : memref<320000x128xf32, #tpu.memory_space<hbm>> -> memref<40x128xf32, #tpu.memory_space<hbm>>
      %dma_wait3A_194 = arith.constant 0 : i32
      %dma_wait3A_195 = arith.constant 0 : i32
      %dma_wait3A_196 = tpu.memref_slice %arg3[%dma_wait3A_194, %dma_wait3A_195] : memref<320000x128xf32, #tpu.memory_space<hbm>> -> memref<40x128xf32, #tpu.memory_space<hbm>>
      tpu.wait_dma2 semaphore(%arg20 : memref<!tpu.dma_semaphore, #tpu.memory_space<semaphore_mem>>) src(%dma_wait3A_196 : memref<40x128xf32, #tpu.memory_space<hbm>>) dst(%arg14 : memref<40x128xf32, #tpu.memory_space<vmem>>)
      %mul3A_197 = arith.constant 40 : i32
      %mul3A_198 = arith.muli %add3A_187, %mul3A_197 : i32
      %add3A_199 = arith.constant 0 : i32
      %add3A_200 = arith.addi %mul3A_198, %add3A_199 : i32
      %get3A_201 = arith.index_cast %add3A_200 : i32 to index
      %get3A_202 = tpu.vector_load %arg10[%get3A_201] {strides = array<i32>} : memref<10000xi32, #tpu.memory_space<vmem>>, vector<16xi32>,
      %swap3A_203 = arith.constant 0 : index
      %swap3A_204 = tpu.vector_load %arg16[%swap3A_203] {strides = array<i32>} : memref<40xi32, #tpu.memory_space<vmem>>, vector<16xi32>,
      tpu.vector_store %arg16[%swap3A_203], %get3A_202 {strides = array<i32>} : memref<40xi32, #tpu.memory_space<vmem>>, vector<16xi32>,
      %mul3A_205 = arith.constant 40 : i32
      %mul3A_206 = arith.muli %add3A_187, %mul3A_205 : i32
      %add3A_207 = arith.constant 16 : i32
      %add3A_208 = arith.addi %mul3A_206, %add3A_207 : i32
      %get3A_209 = arith.index_cast %add3A_208 : i32 to index
      %get3A_210 = tpu.vector_load %arg10[%get3A_209] {strides = array<i32>} : memref<10000xi32, #tpu.memory_space<vmem>>, vector<16xi32>,
      %swap3A_211 = arith.constant 16 : index
      %swap3A_212 = tpu.vector_load %arg16[%swap3A_211] {strides = array<i32>} : memref<40xi32, #tpu.memory_space<vmem>>, vector<16xi32>,
      tpu.vector_store %arg16[%swap3A_211], %get3A_210 {strides = array<i32>} : memref<40xi32, #tpu.memory_space<vmem>>, vector<16xi32>,
      %mul3A_213 = arith.constant 40 : i32
      %mul3A_214 = arith.muli %add3A_187, %mul3A_213 : i32
      %add3A_215 = arith.constant 24 : i32
      %add3A_216 = arith.addi %mul3A_214, %add3A_215 : i32
      %get3A_217 = arith.index_cast %add3A_216 : i32 to index
      %get3A_218 = tpu.vector_load %arg10[%get3A_217] {strides = array<i32>} : memref<10000xi32, #tpu.memory_space<vmem>>, vector<16xi32>,
      %swap3A_219 = arith.constant 24 : index
      %swap3A_220 = tpu.vector_load %arg16[%swap3A_219] {strides = array<i32>} : memref<40xi32, #tpu.memory_space<vmem>>, vector<16xi32>,
      tpu.vector_store %arg16[%swap3A_219], %get3A_218 {strides = array<i32>} : memref<40xi32, #tpu.memory_space<vmem>>, vector<16xi32>,
      %add3A_221 = arith.constant 1 : i32
      %add3A_222 = arith.addi %add3A_187, %add3A_221 : i32
      %lt3A_223 = arith.constant 250 : i32
      %lt3A_224 = arith.cmpi slt, %add3A_222, %lt3A_223 : i32
      %convert_element_type3A_225 = arith.extui %lt3A_224 : i1 to i32
      %cond3A_226 = arith.constant 0 : i32
      %cond3A_227 = arith.cmpi ne, %convert_element_type3A_225, %cond3A_226 : i32
      scf.if %cond3A_227 {
        %dma_wait3A_239 = arith.constant 0 : i32
        %dma_wait3A_240 = arith.constant 0 : i32
        %dma_wait3A_241 = tpu.memref_slice %arg8[%dma_wait3A_239, %dma_wait3A_240] : memref<10000x128xf32, #tpu.memory_space<vmem_shared>> -> memref<10000x128xf32, #tpu.memory_space<vmem_shared>>
        tpu.wait_indirect_dma semaphore(%arg21 : memref<!tpu.dma_semaphore, #tpu.memory_space<semaphore_mem>>) src(%arg11 : memref<40x128xf32, #tpu.memory_space<vmem>>) dst(%dma_wait3A_241 : memref<10000x128xf32, #tpu.memory_space<vmem_shared>>)
        %add3A_242 = arith.constant 1 : i32
        %add3A_243 = arith.addi %add3A_187, %add3A_242 : i32
        %mul3A_244 = arith.constant 40 : i32
        %mul3A_245 = arith.muli %add3A_243, %mul3A_244 : i32
        %dma_start3A_246 = tpu.memref_slice %arg9[%mul3A_245] : memref<10000xi32, #tpu.memory_space<vmem>> -> memref<40xi32, #tpu.memory_space<vmem>>
        %dma_start3A_247 = arith.constant 0 : i32
        %dma_start3A_248 = arith.constant 0 : i32
        %dma_start3A_249 = tpu.memref_slice %arg2[%dma_start3A_247, %dma_start3A_248] : memref<10000x128xf32, #tpu.memory_space<hbm>> -> memref<10000x128xf32, #tpu.memory_space<hbm>>
        tpu.enqueue_indirect_dma source(%dma_start3A_249 : memref<10000x128xf32, #tpu.memory_space<hbm>>) target(%arg11 : memref<40x128xf32, #tpu.memory_space<vmem>>) offsets(%dma_start3A_246 : memref<40xi32, #tpu.memory_space<vmem>>) semaphore(%arg17 : memref<!tpu.dma_semaphore, #tpu.memory_space<semaphore_mem>>)
        %mul3A_250 = arith.constant 10000 : i32
        %mul3A_251 = arith.muli %add3A, %mul3A_250 : i32
        %mul3A_252 = arith.constant 40 : i32
        %mul3A_253 = arith.muli %add3A_243, %mul3A_252 : i32
        %add3A_254 = arith.addi %mul3A_251, %mul3A_253 : i32
        %dma_start3A_255 = arith.constant 0 : i32
        %dma_start3A_256 = tpu.memref_slice %arg3[%add3A_254, %dma_start3A_255] : memref<320000x128xf32, #tpu.memory_space<hbm>> -> memref<40x128xf32, #tpu.memory_space<hbm>>
        %dma_start3A_257 = arith.constant 0 : i32
        %dma_start3A_258 = tpu.memref_slice %arg3[%add3A_254, %dma_start3A_257] : memref<320000x128xf32, #tpu.memory_space<hbm>> -> memref<40x128xf32, #tpu.memory_space<hbm>>
        tpu.enqueue_dma source(%dma_start3A_258 : memref<40x128xf32, #tpu.memory_space<hbm>>) target(%arg13 : memref<40x128xf32, #tpu.memory_space<vmem>>) target_semaphore(%arg19 : memref<!tpu.dma_semaphore, #tpu.memory_space<semaphore_mem>>)
      } else {
      }
      %scan3A_228 = arith.constant 0 : i32
      %scan3A_229 = arith.constant 0 : i32
      %scan3A_230 = arith.constant 40 : i32
      %scan3A_231 = arith.addi %scan3A_229, %scan3A_230 : i32
      %scan3A_232 = arith.constant 1 : i32
      %scan3A_233 = scf.for %scan3A_239 = %scan3A_229 to %scan3A_231 step %scan3A_232 iter_args(%scan3A_240 = %scan3A_228) -> (i32)  : i32 {
        %get3A_241 = arith.index_cast %scan3A_239 : i32 to index
        %get3A_242 = arith.constant 0 : index
        %get3A_243 = tpu.vector_load %arg12[%get3A_241, %get3A_242] {strides = array<i32>} : memref<40x128xf32, #tpu.memory_space<vmem>>, vector<16xf32>,
        %get3A_244 = arith.index_cast %scan3A_239 : i32 to index
        %get3A_245 = arith.constant 0 : index
        %get3A_246 = tpu.vector_load %arg14[%get3A_244, %get3A_245] {strides = array<i32>} : memref<40x128xf32, #tpu.memory_space<vmem>>, vector<16xf32>,
        %mul3A_247 = arith.mulf %get3A_243, %get3A_246 : vector<16xf32>
        %swap3A_248 = arith.index_cast %scan3A_239 : i32 to index
        %swap3A_249 = arith.constant 0 : index
        %swap3A_250 = tpu.vector_load %arg12[%swap3A_248, %swap3A_249] {strides = array<i32>} : memref<40x128xf32, #tpu.memory_space<vmem>>, vector<16xf32>,
        tpu.vector_store %arg12[%swap3A_248, %swap3A_249], %mul3A_247 {strides = array<i32>} : memref<40x128xf32, #tpu.memory_space<vmem>>, vector<16xf32>,
        %get3A_251 = arith.index_cast %scan3A_239 : i32 to index
        %get3A_252 = arith.constant 16 : index
        %get3A_253 = tpu.vector_load %arg12[%get3A_251, %get3A_252] {strides = array<i32>} : memref<40x128xf32, #tpu.memory_space<vmem>>, vector<16xf32>,
        %get3A_254 = arith.index_cast %scan3A_239 : i32 to index
        %get3A_255 = arith.constant 16 : index
        %get3A_256 = tpu.vector_load %arg14[%get3A_254, %get3A_255] {strides = array<i32>} : memref<40x128xf32, #tpu.memory_space<vmem>>, vector<16xf32>,
        %mul3A_257 = arith.mulf %get3A_253, %get3A_256 : vector<16xf32>
        %swap3A_258 = arith.index_cast %scan3A_239 : i32 to index
        %swap3A_259 = arith.constant 16 : index
        %swap3A_260 = tpu.vector_load %arg12[%swap3A_258, %swap3A_259] {strides = array<i32>} : memref<40x128xf32, #tpu.memory_space<vmem>>, vector<16xf32>,
        tpu.vector_store %arg12[%swap3A_258, %swap3A_259], %mul3A_257 {strides = array<i32>} : memref<40x128xf32, #tpu.memory_space<vmem>>, vector<16xf32>,
        %get3A_261 = arith.index_cast %scan3A_239 : i32 to index
        %get3A_262 = arith.constant 32 : index
        %get3A_263 = tpu.vector_load %arg12[%get3A_261, %get3A_262] {strides = array<i32>} : memref<40x128xf32, #tpu.memory_space<vmem>>, vector<16xf32>,
        %get3A_264 = arith.index_cast %scan3A_239 : i32 to index
        %get3A_265 = arith.constant 32 : index
        %get3A_266 = tpu.vector_load %arg14[%get3A_264, %get3A_265] {strides = array<i32>} : memref<40x128xf32, #tpu.memory_space<vmem>>, vector<16xf32>,
        %mul3A_267 = arith.mulf %get3A_263, %get3A_266 : vector<16xf32>
        %swap3A_268 = arith.index_cast %scan3A_239 : i32 to index
        %swap3A_269 = arith.constant 32 : index
        %swap3A_270 = tpu.vector_load %arg12[%swap3A_268, %swap3A_269] {strides = array<i32>} : memref<40x128xf32, #tpu.memory_space<vmem>>, vector<16xf32>,
        tpu.vector_store %arg12[%swap3A_268, %swap3A_269], %mul3A_267 {strides = array<i32>} : memref<40x128xf32, #tpu.memory_space<vmem>>, vector<16xf32>,
        %get3A_271 = arith.index_cast %scan3A_239 : i32 to index
        %get3A_272 = arith.constant 48 : index
        %get3A_273 = tpu.vector_load %arg12[%get3A_271, %get3A_272] {strides = array<i32>} : memref<40x128xf32, #tpu.memory_space<vmem>>, vector<16xf32>,
        %get3A_274 = arith.index_cast %scan3A_239 : i32 to index
        %get3A_275 = arith.constant 48 : index
        %get3A_276 = tpu.vector_load %arg14[%get3A_274, %get3A_275] {strides = array<i32>} : memref<40x128xf32, #tpu.memory_space<vmem>>, vector<16xf32>,
        %mul3A_277 = arith.mulf %get3A_273, %get3A_276 : vector<16xf32>
        %swap3A_278 = arith.index_cast %scan3A_239 : i32 to index
        %swap3A_279 = arith.constant 48 : index
        %swap3A_280 = tpu.vector_load %arg12[%swap3A_278, %swap3A_279] {strides = array<i32>} : memref<40x128xf32, #tpu.memory_space<vmem>>, vector<16xf32>,
        tpu.vector_store %arg12[%swap3A_278, %swap3A_279], %mul3A_277 {strides = array<i32>} : memref<40x128xf32, #tpu.memory_space<vmem>>, vector<16xf32>,
        %get3A_281 = arith.index_cast %scan3A_239 : i32 to index
        %get3A_282 = arith.constant 64 : index
        %get3A_283 = tpu.vector_load %arg12[%get3A_281, %get3A_282] {strides = array<i32>} : memref<40x128xf32, #tpu.memory_space<vmem>>, vector<16xf32>,
        %get3A_284 = arith.index_cast %scan3A_239 : i32 to index
        %get3A_285 = arith.constant 64 : index
        %get3A_286 = tpu.vector_load %arg14[%get3A_284, %get3A_285] {strides = array<i32>} : memref<40x128xf32, #tpu.memory_space<vmem>>, vector<16xf32>,
        %mul3A_287 = arith.mulf %get3A_283, %get3A_286 : vector<16xf32>
        %swap3A_288 = arith.index_cast %scan3A_239 : i32 to index
        %swap3A_289 = arith.constant 64 : index
        %swap3A_290 = tpu.vector_load %arg12[%swap3A_288, %swap3A_289] {strides = array<i32>} : memref<40x128xf32, #tpu.memory_space<vmem>>, vector<16xf32>,
        tpu.vector_store %arg12[%swap3A_288, %swap3A_289], %mul3A_287 {strides = array<i32>} : memref<40x128xf32, #tpu.memory_space<vmem>>, vector<16xf32>,
        %get3A_291 = arith.index_cast %scan3A_239 : i32 to index
        %get3A_292 = arith.constant 80 : index
        %get3A_293 = tpu.vector_load %arg12[%get3A_291, %get3A_292] {strides = array<i32>} : memref<40x128xf32, #tpu.memory_space<vmem>>, vector<16xf32>,
        %get3A_294 = arith.index_cast %scan3A_239 : i32 to index
        %get3A_295 = arith.constant 80 : index
        %get3A_296 = tpu.vector_load %arg14[%get3A_294, %get3A_295] {strides = array<i32>} : memref<40x128xf32, #tpu.memory_space<vmem>>, vector<16xf32>,
        %mul3A_297 = arith.mulf %get3A_293, %get3A_296 : vector<16xf32>
        %swap3A_298 = arith.index_cast %scan3A_239 : i32 to index
        %swap3A_299 = arith.constant 80 : index
        %swap3A_300 = tpu.vector_load %arg12[%swap3A_298, %swap3A_299] {strides = array<i32>} : memref<40x128xf32, #tpu.memory_space<vmem>>, vector<16xf32>,
        tpu.vector_store %arg12[%swap3A_298, %swap3A_299], %mul3A_297 {strides = array<i32>} : memref<40x128xf32, #tpu.memory_space<vmem>>, vector<16xf32>,
        %get3A_301 = arith.index_cast %scan3A_239 : i32 to index
        %get3A_302 = arith.constant 96 : index
        %get3A_303 = tpu.vector_load %arg12[%get3A_301, %get3A_302] {strides = array<i32>} : memref<40x128xf32, #tpu.memory_space<vmem>>, vector<16xf32>,
        %get3A_304 = arith.index_cast %scan3A_239 : i32 to index
        %get3A_305 = arith.constant 96 : index
        %get3A_306 = tpu.vector_load %arg14[%get3A_304, %get3A_305] {strides = array<i32>} : memref<40x128xf32, #tpu.memory_space<vmem>>, vector<16xf32>,
        %mul3A_307 = arith.mulf %get3A_303, %get3A_306 : vector<16xf32>
        %swap3A_308 = arith.index_cast %scan3A_239 : i32 to index
        %swap3A_309 = arith.constant 96 : index
        %swap3A_310 = tpu.vector_load %arg12[%swap3A_308, %swap3A_309] {strides = array<i32>} : memref<40x128xf32, #tpu.memory_space<vmem>>, vector<16xf32>,
        tpu.vector_store %arg12[%swap3A_308, %swap3A_309], %mul3A_307 {strides = array<i32>} : memref<40x128xf32, #tpu.memory_space<vmem>>, vector<16xf32>,
        %get3A_311 = arith.index_cast %scan3A_239 : i32 to index
        %get3A_312 = arith.constant 112 : index
        %get3A_313 = tpu.vector_load %arg12[%get3A_311, %get3A_312] {strides = array<i32>} : memref<40x128xf32, #tpu.memory_space<vmem>>, vector<16xf32>,
        %get3A_314 = arith.index_cast %scan3A_239 : i32 to index
        %get3A_315 = arith.constant 112 : index
        %get3A_316 = tpu.vector_load %arg14[%get3A_314, %get3A_315] {strides = array<i32>} : memref<40x128xf32, #tpu.memory_space<vmem>>, vector<16xf32>,
        %mul3A_317 = arith.mulf %get3A_313, %get3A_316 : vector<16xf32>
        %swap3A_318 = arith.index_cast %scan3A_239 : i32 to index
        %swap3A_319 = arith.constant 112 : index
        %swap3A_320 = tpu.vector_load %arg12[%swap3A_318, %swap3A_319] {strides = array<i32>} : memref<40x128xf32, #tpu.memory_space<vmem>>, vector<16xf32>,
        tpu.vector_store %arg12[%swap3A_318, %swap3A_319], %mul3A_317 {strides = array<i32>} : memref<40x128xf32, #tpu.memory_space<vmem>>, vector<16xf32>,
        %scan3A_321 = arith.constant 0 : i32
        scf.yield %scan3A_321 : i32
      }
      %scan3A_234 = arith.constant 40 : i32
      %dma_start3A_235 = arith.constant 0 : i32
      %dma_start3A_236 = arith.constant 0 : i32
      %dma_start3A_237 = tpu.memref_slice %arg8[%dma_start3A_235, %dma_start3A_236] : memref<10000x128xf32, #tpu.memory_space<vmem_shared>> -> memref<10000x128xf32, #tpu.memory_space<vmem_shared>>
      tpu.enqueue_indirect_dma source(%arg12 : memref<40x128xf32, #tpu.memory_space<vmem>>) target(%dma_start3A_237 : memref<10000x128xf32, #tpu.memory_space<vmem_shared>>) offsets(%arg16 : memref<40xi32, #tpu.memory_space<vmem>>) semaphore(%arg22 : memref<!tpu.dma_semaphore, #tpu.memory_space<semaphore_mem>>) {add = true}
      %scan3A_238 = arith.constant 0 : i32
      scf.yield %scan3A_238 : i32
    }
    %scan3A_114 = arith.constant 124 : i32
    %dma_wait3A_115 = arith.constant 0 : i32
    %dma_wait3A_116 = arith.constant 0 : i32
    %dma_wait3A_117 = tpu.memref_slice %arg8[%dma_wait3A_115, %dma_wait3A_116] : memref<10000x128xf32, #tpu.memory_space<vmem_shared>> -> memref<10000x128xf32, #tpu.memory_space<vmem_shared>>
    tpu.wait_indirect_dma semaphore(%arg21 : memref<!tpu.dma_semaphore, #tpu.memory_space<semaphore_mem>>) src(%arg11 : memref<40x128xf32, #tpu.memory_space<vmem>>) dst(%dma_wait3A_117 : memref<10000x128xf32, #tpu.memory_space<vmem_shared>>)
    %dma_wait3A_118 = arith.constant 0 : i32
    %dma_wait3A_119 = arith.constant 0 : i32
    %dma_wait3A_120 = tpu.memref_slice %arg8[%dma_wait3A_118, %dma_wait3A_119] : memref<10000x128xf32, #tpu.memory_space<vmem_shared>> -> memref<10000x128xf32, #tpu.memory_space<vmem_shared>>
    tpu.wait_indirect_dma semaphore(%arg22 : memref<!tpu.dma_semaphore, #tpu.memory_space<semaphore_mem>>) src(%arg12 : memref<40x128xf32, #tpu.memory_space<vmem>>) dst(%dma_wait3A_120 : memref<10000x128xf32, #tpu.memory_space<vmem_shared>>)
    %barrier3A_121 = arith.constant 0 : index
    tpu.barrier barrier_id(%barrier3A_121)
    %mul3A_122 = arith.constant 624 : i32
    %mul3A_123 = arith.muli %arg1, %mul3A_122 : i32
    %mul3A_124 = arith.constant 624 : i32
    %mul3A_125 = arith.muli %arg1, %mul3A_124 : i32
    "tpu.region"() ({
      %run_scoped3A = tpu.sem_alloc : memref<!tpu.dma_semaphore, #tpu.memory_space<semaphore_mem>>
      %dma_start3A_131 = arith.constant 0 : i32
      %dma_start3A_132 = tpu.memref_slice %arg7[%arg0, %mul3A_125, %dma_start3A_131] : memref<2x10000x128xf32, #tpu.memory_space<hbm>> -> memref<1x624x128xf32, #tpu.memory_space<hbm>>
      %dma_start3A_133 = tpu.memref_squeeze %dma_start3A_132 : memref<1x624x128xf32, #tpu.memory_space<hbm>> -> memref<624x128xf32, #tpu.memory_space<hbm>>
      %dma_start3A_134 = arith.constant 0 : i32
      %dma_start3A_135 = tpu.memref_slice %arg8[%mul3A_123, %dma_start3A_134] : memref<10000x128xf32, #tpu.memory_space<vmem_shared>> -> memref<624x128xf32, #tpu.memory_space<vmem_shared>>
      tpu.enqueue_dma source(%dma_start3A_135 : memref<624x128xf32, #tpu.memory_space<vmem_shared>>) target(%dma_start3A_133 : memref<624x128xf32, #tpu.memory_space<hbm>>) target_semaphore(%run_scoped3A : memref<!tpu.dma_semaphore, #tpu.memory_space<semaphore_mem>>)
      %dma_wait3A_136 = arith.constant 0 : i32
      %dma_wait3A_137 = tpu.memref_slice %arg7[%arg0, %mul3A_125, %dma_wait3A_136] : memref<2x10000x128xf32, #tpu.memory_space<hbm>> -> memref<1x624x128xf32, #tpu.memory_space<hbm>>
      %dma_wait3A_138 = tpu.memref_squeeze %dma_wait3A_137 : memref<1x624x128xf32, #tpu.memory_space<hbm>> -> memref<624x128xf32, #tpu.memory_space<hbm>>
      %dma_wait3A_139 = arith.constant 0 : i32
      %dma_wait3A_140 = tpu.memref_slice %arg8[%mul3A_123, %dma_wait3A_139] : memref<10000x128xf32, #tpu.memory_space<vmem_shared>> -> memref<624x128xf32, #tpu.memory_space<vmem_shared>>
      tpu.wait_dma2 semaphore(%run_scoped3A : memref<!tpu.dma_semaphore, #tpu.memory_space<semaphore_mem>>) src(%dma_wait3A_140 : memref<624x128xf32, #tpu.memory_space<vmem_shared>>) dst(%dma_wait3A_138 : memref<624x128xf32, #tpu.memory_space<hbm>>)
      tpu.yield
    }) : () -> ()
    %eq3A_126 = arith.constant 15 : i32
    %eq3A_127 = arith.cmpi eq, %arg1, %eq3A_126 : i32
    %convert_element_type3A_128 = arith.extui %eq3A_127 : i1 to i32
    %cond3A_129 = arith.constant 0 : i32
    %cond3A_130 = arith.cmpi ne, %convert_element_type3A_128, %cond3A_129 : i32
    scf.if %cond3A_130 {
      "tpu.region"() ({
        %run_scoped3A = tpu.sem_alloc : memref<!tpu.dma_semaphore, #tpu.memory_space<semaphore_mem>>
        %dma_start3A_131 = arith.constant 9984 : i32
        %dma_start3A_132 = arith.constant 0 : i32
        %dma_start3A_133 = tpu.memref_slice %arg7[%arg0, %dma_start3A_131, %dma_start3A_132] : memref<2x10000x128xf32, #tpu.memory_space<hbm>> -> memref<1x16x128xf32, #tpu.memory_space<hbm>>
        %dma_start3A_134 = tpu.memref_squeeze %dma_start3A_133 : memref<1x16x128xf32, #tpu.memory_space<hbm>> -> memref<16x128xf32, #tpu.memory_space<hbm>>
        %dma_start3A_135 = arith.constant 9984 : i32
        %dma_start3A_136 = arith.constant 0 : i32
        %dma_start3A_137 = tpu.memref_slice %arg8[%dma_start3A_135, %dma_start3A_136] : memref<10000x128xf32, #tpu.memory_space<vmem_shared>> -> memref<16x128xf32, #tpu.memory_space<vmem_shared>>
        tpu.enqueue_dma source(%dma_start3A_137 : memref<16x128xf32, #tpu.memory_space<vmem_shared>>) target(%dma_start3A_134 : memref<16x128xf32, #tpu.memory_space<hbm>>) target_semaphore(%run_scoped3A : memref<!tpu.dma_semaphore, #tpu.memory_space<semaphore_mem>>)
        %dma_wait3A_138 = arith.constant 9984 : i32
        %dma_wait3A_139 = arith.constant 0 : i32
        %dma_wait3A_140 = tpu.memref_slice %arg7[%arg0, %dma_wait3A_138, %dma_wait3A_139] : memref<2x10000x128xf32, #tpu.memory_space<hbm>> -> memref<1x16x128xf32, #tpu.memory_space<hbm>>
        %dma_wait3A_141 = tpu.memref_squeeze %dma_wait3A_140 : memref<1x16x128xf32, #tpu.memory_space<hbm>> -> memref<16x128xf32, #tpu.memory_space<hbm>>
        %dma_wait3A_142 = arith.constant 9984 : i32
        %dma_wait3A_143 = arith.constant 0 : i32
        %dma_wait3A_144 = tpu.memref_slice %arg8[%dma_wait3A_142, %dma_wait3A_143] : memref<10000x128xf32, #tpu.memory_space<vmem_shared>> -> memref<16x128xf32, #tpu.memory_space<vmem_shared>>
        tpu.wait_dma2 semaphore(%run_scoped3A : memref<!tpu.dma_semaphore, #tpu.memory_space<semaphore_mem>>) src(%dma_wait3A_144 : memref<16x128xf32, #tpu.memory_space<vmem_shared>>) dst(%dma_wait3A_141 : memref<16x128xf32, #tpu.memory_space<hbm>>)
        tpu.yield
      }) : () -> ()
    } else {
    }
    return
  }
}

#map = affine_map<(d0, d1) -> (0)>
module attributes {stable_mosaic.version = 14 : i64} {
  func.func @_geom_body(%arg0: i32, %arg1: i32, %arg2: memref<10000xf32, #tpu.memory_space<hbm>>, %arg3: memref<10000xf32, #tpu.memory_space<hbm>>, %arg4: memref<10000xf32, #tpu.memory_space<hbm>>, %arg5: memref<320000xf32, #tpu.memory_space<hbm>>, %arg6: memref<320000xf32, #tpu.memory_space<hbm>>, %arg7: memref<320000xf32, #tpu.memory_space<hbm>>, %arg8: memref<320000xi32, #tpu.memory_space<hbm>>, %arg9: memref<320000xi32, #tpu.memory_space<hbm>>, %arg10: memref<2560000xf32, #tpu.memory_space<hbm>>, %arg11: memref<5120000xf32, #tpu.memory_space<hbm>>, %arg12: memref<10000xf32, #tpu.memory_space<vmem>>, %arg13: memref<10000xf32, #tpu.memory_space<vmem>>, %arg14: memref<10000xf32, #tpu.memory_space<vmem>>, %arg15: memref<2000xf32, #tpu.memory_space<vmem>>, %arg16: memref<2000xf32, #tpu.memory_space<vmem>>, %arg17: memref<2000xf32, #tpu.memory_space<vmem>>, %arg18: memref<2000xi32, #tpu.memory_space<vmem>>, %arg19: memref<2000xi32, #tpu.memory_space<vmem>>, %arg20: memref<16000xf32, #tpu.memory_space<vmem>>, %arg21: memref<32000xf32, #tpu.memory_space<vmem>>) attributes {dimension_semantics = [#tpu.dimension_semantics<core_parallel>, #tpu.dimension_semantics<subcore_parallel>], iteration_bounds = array<i64: 2, 16>, scalar_prefetch = 0 : i64, scratch_operands = 10 : i64, tpu.core_type = #tpu.core_type<sc_vector_subcore>, window_params = [{transform_indices = #map}, {transform_indices = #map}, {transform_indices = #map}, {transform_indices = #map}, {transform_indices = #map}, {transform_indices = #map}, {transform_indices = #map}, {transform_indices = #map}, {transform_indices = #map}, {transform_indices = #map}]} {
    %mul3A = arith.constant 2 : i32
    %mul3A_0 = arith.muli %arg1, %mul3A : i32
    %add3A = arith.addi %mul3A_0, %arg0 : i32
    "tpu.region"() ({
      %run_scoped3A = tpu.sem_alloc : memref<!tpu.dma_semaphore, #tpu.memory_space<semaphore_mem>>
      tpu.enqueue_dma source(%arg2 : memref<10000xf32, #tpu.memory_space<hbm>>) target(%arg12 : memref<10000xf32, #tpu.memory_space<vmem>>) target_semaphore(%run_scoped3A : memref<!tpu.dma_semaphore, #tpu.memory_space<semaphore_mem>>)
      tpu.wait_dma2 semaphore(%run_scoped3A : memref<!tpu.dma_semaphore, #tpu.memory_space<semaphore_mem>>) src(%arg2 : memref<10000xf32, #tpu.memory_space<hbm>>) dst(%arg12 : memref<10000xf32, #tpu.memory_space<vmem>>)
      tpu.yield
    }) : () -> ()
    "tpu.region"() ({
      %run_scoped3A = tpu.sem_alloc : memref<!tpu.dma_semaphore, #tpu.memory_space<semaphore_mem>>
      tpu.enqueue_dma source(%arg3 : memref<10000xf32, #tpu.memory_space<hbm>>) target(%arg13 : memref<10000xf32, #tpu.memory_space<vmem>>) target_semaphore(%run_scoped3A : memref<!tpu.dma_semaphore, #tpu.memory_space<semaphore_mem>>)
      tpu.wait_dma2 semaphore(%run_scoped3A : memref<!tpu.dma_semaphore, #tpu.memory_space<semaphore_mem>>) src(%arg3 : memref<10000xf32, #tpu.memory_space<hbm>>) dst(%arg13 : memref<10000xf32, #tpu.memory_space<vmem>>)
      tpu.yield
    }) : () -> ()
    "tpu.region"() ({
      %run_scoped3A = tpu.sem_alloc : memref<!tpu.dma_semaphore, #tpu.memory_space<semaphore_mem>>
      tpu.enqueue_dma source(%arg4 : memref<10000xf32, #tpu.memory_space<hbm>>) target(%arg14 : memref<10000xf32, #tpu.memory_space<vmem>>) target_semaphore(%run_scoped3A : memref<!tpu.dma_semaphore, #tpu.memory_space<semaphore_mem>>)
      tpu.wait_dma2 semaphore(%run_scoped3A : memref<!tpu.dma_semaphore, #tpu.memory_space<semaphore_mem>>) src(%arg4 : memref<10000xf32, #tpu.memory_space<hbm>>) dst(%arg14 : memref<10000xf32, #tpu.memory_space<vmem>>)
      tpu.yield
    }) : () -> ()
    %scan3A = arith.constant 0 : i32
    %scan3A_1 = arith.constant 0 : i32
    %scan3A_2 = arith.constant 5 : i32
    %scan3A_3 = arith.addi %scan3A_1, %scan3A_2 : i32
    %scan3A_4 = arith.constant 1 : i32
    %scan3A_5 = scf.for %scan3A_7 = %scan3A_1 to %scan3A_3 step %scan3A_4 iter_args(%scan3A_8 = %scan3A) -> (i32)  : i32 {
      %mul3A_9 = arith.constant 10000 : i32
      %mul3A_10 = arith.muli %add3A, %mul3A_9 : i32
      %mul3A_11 = arith.constant 2000 : i32
      %mul3A_12 = arith.muli %scan3A_7, %mul3A_11 : i32
      %add3A_13 = arith.addi %mul3A_10, %mul3A_12 : i32
      "tpu.region"() ({
        %run_scoped3A = tpu.sem_alloc : memref<!tpu.dma_semaphore, #tpu.memory_space<semaphore_mem>>
        %dma_start3A = tpu.memref_slice %arg8[%add3A_13] : memref<320000xi32, #tpu.memory_space<hbm>> -> memref<2000xi32, #tpu.memory_space<hbm>>
        %dma_start3A_26 = tpu.memref_slice %arg8[%add3A_13] : memref<320000xi32, #tpu.memory_space<hbm>> -> memref<2000xi32, #tpu.memory_space<hbm>>
        tpu.enqueue_dma source(%dma_start3A_26 : memref<2000xi32, #tpu.memory_space<hbm>>) target(%arg18 : memref<2000xi32, #tpu.memory_space<vmem>>) target_semaphore(%run_scoped3A : memref<!tpu.dma_semaphore, #tpu.memory_space<semaphore_mem>>)
        %dma_wait3A = tpu.memref_slice %arg8[%add3A_13] : memref<320000xi32, #tpu.memory_space<hbm>> -> memref<2000xi32, #tpu.memory_space<hbm>>
        %dma_wait3A_27 = tpu.memref_slice %arg8[%add3A_13] : memref<320000xi32, #tpu.memory_space<hbm>> -> memref<2000xi32, #tpu.memory_space<hbm>>
        tpu.wait_dma2 semaphore(%run_scoped3A : memref<!tpu.dma_semaphore, #tpu.memory_space<semaphore_mem>>) src(%dma_wait3A_27 : memref<2000xi32, #tpu.memory_space<hbm>>) dst(%arg18 : memref<2000xi32, #tpu.memory_space<vmem>>)
        tpu.yield
      }) : () -> ()
      "tpu.region"() ({
        %run_scoped3A = tpu.sem_alloc : memref<!tpu.dma_semaphore, #tpu.memory_space<semaphore_mem>>
        %dma_start3A = tpu.memref_slice %arg9[%add3A_13] : memref<320000xi32, #tpu.memory_space<hbm>> -> memref<2000xi32, #tpu.memory_space<hbm>>
        %dma_start3A_26 = tpu.memref_slice %arg9[%add3A_13] : memref<320000xi32, #tpu.memory_space<hbm>> -> memref<2000xi32, #tpu.memory_space<hbm>>
        tpu.enqueue_dma source(%dma_start3A_26 : memref<2000xi32, #tpu.memory_space<hbm>>) target(%arg19 : memref<2000xi32, #tpu.memory_space<vmem>>) target_semaphore(%run_scoped3A : memref<!tpu.dma_semaphore, #tpu.memory_space<semaphore_mem>>)
        %dma_wait3A = tpu.memref_slice %arg9[%add3A_13] : memref<320000xi32, #tpu.memory_space<hbm>> -> memref<2000xi32, #tpu.memory_space<hbm>>
        %dma_wait3A_27 = tpu.memref_slice %arg9[%add3A_13] : memref<320000xi32, #tpu.memory_space<hbm>> -> memref<2000xi32, #tpu.memory_space<hbm>>
        tpu.wait_dma2 semaphore(%run_scoped3A : memref<!tpu.dma_semaphore, #tpu.memory_space<semaphore_mem>>) src(%dma_wait3A_27 : memref<2000xi32, #tpu.memory_space<hbm>>) dst(%arg19 : memref<2000xi32, #tpu.memory_space<vmem>>)
        tpu.yield
      }) : () -> ()
      "tpu.region"() ({
        %run_scoped3A = tpu.sem_alloc : memref<!tpu.dma_semaphore, #tpu.memory_space<semaphore_mem>>
        %dma_start3A = tpu.memref_slice %arg5[%add3A_13] : memref<320000xf32, #tpu.memory_space<hbm>> -> memref<2000xf32, #tpu.memory_space<hbm>>
        %dma_start3A_26 = tpu.memref_slice %arg5[%add3A_13] : memref<320000xf32, #tpu.memory_space<hbm>> -> memref<2000xf32, #tpu.memory_space<hbm>>
        tpu.enqueue_dma source(%dma_start3A_26 : memref<2000xf32, #tpu.memory_space<hbm>>) target(%arg15 : memref<2000xf32, #tpu.memory_space<vmem>>) target_semaphore(%run_scoped3A : memref<!tpu.dma_semaphore, #tpu.memory_space<semaphore_mem>>)
        %dma_wait3A = tpu.memref_slice %arg5[%add3A_13] : memref<320000xf32, #tpu.memory_space<hbm>> -> memref<2000xf32, #tpu.memory_space<hbm>>
        %dma_wait3A_27 = tpu.memref_slice %arg5[%add3A_13] : memref<320000xf32, #tpu.memory_space<hbm>> -> memref<2000xf32, #tpu.memory_space<hbm>>
        tpu.wait_dma2 semaphore(%run_scoped3A : memref<!tpu.dma_semaphore, #tpu.memory_space<semaphore_mem>>) src(%dma_wait3A_27 : memref<2000xf32, #tpu.memory_space<hbm>>) dst(%arg15 : memref<2000xf32, #tpu.memory_space<vmem>>)
        tpu.yield
      }) : () -> ()
      "tpu.region"() ({
        %run_scoped3A = tpu.sem_alloc : memref<!tpu.dma_semaphore, #tpu.memory_space<semaphore_mem>>
        %dma_start3A = tpu.memref_slice %arg6[%add3A_13] : memref<320000xf32, #tpu.memory_space<hbm>> -> memref<2000xf32, #tpu.memory_space<hbm>>
        %dma_start3A_26 = tpu.memref_slice %arg6[%add3A_13] : memref<320000xf32, #tpu.memory_space<hbm>> -> memref<2000xf32, #tpu.memory_space<hbm>>
        tpu.enqueue_dma source(%dma_start3A_26 : memref<2000xf32, #tpu.memory_space<hbm>>) target(%arg16 : memref<2000xf32, #tpu.memory_space<vmem>>) target_semaphore(%run_scoped3A : memref<!tpu.dma_semaphore, #tpu.memory_space<semaphore_mem>>)
        %dma_wait3A = tpu.memref_slice %arg6[%add3A_13] : memref<320000xf32, #tpu.memory_space<hbm>> -> memref<2000xf32, #tpu.memory_space<hbm>>
        %dma_wait3A_27 = tpu.memref_slice %arg6[%add3A_13] : memref<320000xf32, #tpu.memory_space<hbm>> -> memref<2000xf32, #tpu.memory_space<hbm>>
        tpu.wait_dma2 semaphore(%run_scoped3A : memref<!tpu.dma_semaphore, #tpu.memory_space<semaphore_mem>>) src(%dma_wait3A_27 : memref<2000xf32, #tpu.memory_space<hbm>>) dst(%arg16 : memref<2000xf32, #tpu.memory_space<vmem>>)
        tpu.yield
      }) : () -> ()
      "tpu.region"() ({
        %run_scoped3A = tpu.sem_alloc : memref<!tpu.dma_semaphore, #tpu.memory_space<semaphore_mem>>
        %dma_start3A = tpu.memref_slice %arg7[%add3A_13] : memref<320000xf32, #tpu.memory_space<hbm>> -> memref<2000xf32, #tpu.memory_space<hbm>>
        %dma_start3A_26 = tpu.memref_slice %arg7[%add3A_13] : memref<320000xf32, #tpu.memory_space<hbm>> -> memref<2000xf32, #tpu.memory_space<hbm>>
        tpu.enqueue_dma source(%dma_start3A_26 : memref<2000xf32, #tpu.memory_space<hbm>>) target(%arg17 : memref<2000xf32, #tpu.memory_space<vmem>>) target_semaphore(%run_scoped3A : memref<!tpu.dma_semaphore, #tpu.memory_space<semaphore_mem>>)
        %dma_wait3A = tpu.memref_slice %arg7[%add3A_13] : memref<320000xf32, #tpu.memory_space<hbm>> -> memref<2000xf32, #tpu.memory_space<hbm>>
        %dma_wait3A_27 = tpu.memref_slice %arg7[%add3A_13] : memref<320000xf32, #tpu.memory_space<hbm>> -> memref<2000xf32, #tpu.memory_space<hbm>>
        tpu.wait_dma2 semaphore(%run_scoped3A : memref<!tpu.dma_semaphore, #tpu.memory_space<semaphore_mem>>) src(%dma_wait3A_27 : memref<2000xf32, #tpu.memory_space<hbm>>) dst(%arg17 : memref<2000xf32, #tpu.memory_space<vmem>>)
        tpu.yield
      }) : () -> ()
      %scan3A_14 = arith.constant 0 : i32
      %scan3A_15 = arith.constant 0 : i32
      %scan3A_16 = arith.constant 125 : i32
      %scan3A_17 = arith.addi %scan3A_15, %scan3A_16 : i32
      %scan3A_18 = arith.constant 1 : i32
      %scan3A_19 = scf.for %scan3A_26 = %scan3A_15 to %scan3A_17 step %scan3A_18 iter_args(%scan3A_27 = %scan3A_14) -> (i32)  : i32 {
        %mul3A_28 = arith.constant 16 : i32
        %mul3A_29 = arith.muli %scan3A_26, %mul3A_28 : i32
        %get3A = arith.index_cast %mul3A_29 : i32 to index
        %get3A_30 = tpu.vector_load %arg18[%get3A] {strides = array<i32>} : memref<2000xi32, #tpu.memory_space<vmem>>, vector<16xi32>,
        %mul3A_31 = arith.constant 16 : i32
        %mul3A_32 = arith.muli %scan3A_26, %mul3A_31 : i32
        %get3A_33 = arith.index_cast %mul3A_32 : i32 to index
        %get3A_34 = tpu.vector_load %arg19[%get3A_33] {strides = array<i32>} : memref<2000xi32, #tpu.memory_space<vmem>>, vector<16xi32>,
        %gather3A = tpu.vector_load_idx %arg12[%get3A_30] : memref<10000xf32, #tpu.memory_space<vmem>>[vector<16xi32>], vector<16xf32>,
        %gather3A_35 = tpu.vector_load_idx %arg13[%get3A_30] : memref<10000xf32, #tpu.memory_space<vmem>>[vector<16xi32>], vector<16xf32>,
        %gather3A_36 = tpu.vector_load_idx %arg14[%get3A_30] : memref<10000xf32, #tpu.memory_space<vmem>>[vector<16xi32>], vector<16xf32>,
        %gather3A_37 = tpu.vector_load_idx %arg12[%get3A_34] : memref<10000xf32, #tpu.memory_space<vmem>>[vector<16xi32>], vector<16xf32>,
        %gather3A_38 = tpu.vector_load_idx %arg13[%get3A_34] : memref<10000xf32, #tpu.memory_space<vmem>>[vector<16xi32>], vector<16xf32>,
        %gather3A_39 = tpu.vector_load_idx %arg14[%get3A_34] : memref<10000xf32, #tpu.memory_space<vmem>>[vector<16xi32>], vector<16xf32>,
        %sub3A = arith.subf %gather3A_37, %gather3A : vector<16xf32>
        %mul3A_40 = arith.constant 16 : i32
        %mul3A_41 = arith.muli %scan3A_26, %mul3A_40 : i32
        %get3A_42 = arith.index_cast %mul3A_41 : i32 to index
        %get3A_43 = tpu.vector_load %arg15[%get3A_42] {strides = array<i32>} : memref<2000xf32, #tpu.memory_space<vmem>>, vector<16xf32>,
        %add3A_44 = arith.addf %sub3A, %get3A_43 : vector<16xf32>
        %sub3A_45 = arith.subf %gather3A_38, %gather3A_35 : vector<16xf32>
        %mul3A_46 = arith.constant 16 : i32
        %mul3A_47 = arith.muli %scan3A_26, %mul3A_46 : i32
        %get3A_48 = arith.index_cast %mul3A_47 : i32 to index
        %get3A_49 = tpu.vector_load %arg16[%get3A_48] {strides = array<i32>} : memref<2000xf32, #tpu.memory_space<vmem>>, vector<16xf32>,
        %add3A_50 = arith.addf %sub3A_45, %get3A_49 : vector<16xf32>
        %sub3A_51 = arith.subf %gather3A_39, %gather3A_36 : vector<16xf32>
        %mul3A_52 = arith.constant 16 : i32
        %mul3A_53 = arith.muli %scan3A_26, %mul3A_52 : i32
        %get3A_54 = arith.index_cast %mul3A_53 : i32 to index
        %get3A_55 = tpu.vector_load %arg17[%get3A_54] {strides = array<i32>} : memref<2000xf32, #tpu.memory_space<vmem>>, vector<16xf32>,
        %add3A_56 = arith.addf %sub3A_51, %get3A_55 : vector<16xf32>
        %mul3A_57 = arith.mulf %add3A_44, %add3A_44 : vector<16xf32>
        %mul3A_58 = arith.mulf %add3A_50, %add3A_50 : vector<16xf32>
        %add3A_59 = arith.addf %mul3A_57, %mul3A_58 : vector<16xf32>
        %mul3A_60 = arith.mulf %add3A_56, %add3A_56 : vector<16xf32>
        %add3A_61 = arith.addf %add3A_59, %mul3A_60 : vector<16xf32>
        %add3A_62 = arith.constant 9.99999996E-13 : f32
        %add3A_63 = vector.broadcast %add3A_62 : f32 to vector<16xf32>
        %add3A_64 = arith.addf %add3A_61, %add3A_63 : vector<16xf32>
        %bitcast3A = vector.bitcast %add3A_64 : vector<16xf32> to vector<16xi32>
        %shift_right_arithmetic3A = arith.constant 1 : i32
        %shift_right_arithmetic3A_65 = vector.broadcast %shift_right_arithmetic3A : i32 to vector<16xi32>
        %shift_right_arithmetic3A_66 = arith.shrsi %bitcast3A, %shift_right_arithmetic3A_65 : vector<16xi32>
        %sub3A_67 = arith.constant 1597463007 : i32
        %sub3A_68 = vector.broadcast %sub3A_67 : i32 to vector<16xi32>
        %sub3A_69 = arith.subi %sub3A_68, %shift_right_arithmetic3A_66 : vector<16xi32>
        %bitcast3A_70 = vector.bitcast %sub3A_69 : vector<16xi32> to vector<16xf32>
        %mul3A_71 = arith.constant 5.000000e-01 : f32
        %mul3A_72 = vector.broadcast %mul3A_71 : f32 to vector<16xf32>
        %mul3A_73 = arith.mulf %mul3A_72, %add3A_64 : vector<16xf32>
        %mul3A_74 = arith.mulf %mul3A_73, %bitcast3A_70 : vector<16xf32>
        %mul3A_75 = arith.mulf %mul3A_74, %bitcast3A_70 : vector<16xf32>
        %sub3A_76 = arith.constant 1.500000e+00 : f32
        %sub3A_77 = vector.broadcast %sub3A_76 : f32 to vector<16xf32>
        %sub3A_78 = arith.subf %sub3A_77, %mul3A_75 : vector<16xf32>
        %mul3A_79 = arith.mulf %bitcast3A_70, %sub3A_78 : vector<16xf32>
        %mul3A_80 = arith.mulf %mul3A_73, %mul3A_79 : vector<16xf32>
        %mul3A_81 = arith.mulf %mul3A_80, %mul3A_79 : vector<16xf32>
        %sub3A_82 = arith.constant 1.500000e+00 : f32
        %sub3A_83 = vector.broadcast %sub3A_82 : f32 to vector<16xf32>
        %sub3A_84 = arith.subf %sub3A_83, %mul3A_81 : vector<16xf32>
        %mul3A_85 = arith.mulf %mul3A_79, %sub3A_84 : vector<16xf32>
        %mul3A_86 = arith.mulf %mul3A_73, %mul3A_85 : vector<16xf32>
        %mul3A_87 = arith.mulf %mul3A_86, %mul3A_85 : vector<16xf32>
        %sub3A_88 = arith.constant 1.500000e+00 : f32
        %sub3A_89 = vector.broadcast %sub3A_88 : f32 to vector<16xf32>
        %sub3A_90 = arith.subf %sub3A_89, %mul3A_87 : vector<16xf32>
        %mul3A_91 = arith.mulf %mul3A_85, %sub3A_90 : vector<16xf32>
        %mul3A_92 = arith.mulf %add3A_64, %mul3A_91 : vector<16xf32>
        %mul3A_93 = arith.mulf %add3A_44, %mul3A_91 : vector<16xf32>
        %mul3A_94 = arith.mulf %add3A_50, %mul3A_91 : vector<16xf32>
        %mul3A_95 = arith.mulf %add3A_56, %mul3A_91 : vector<16xf32>
        %mul3A_96 = arith.constant 2.000000e-01 : f32
        %mul3A_97 = vector.broadcast %mul3A_96 : f32 to vector<16xf32>
        %mul3A_98 = arith.mulf %mul3A_92, %mul3A_97 : vector<16xf32>
        %mul3A_99 = arith.mulf %mul3A_98, %mul3A_98 : vector<16xf32>
        %mul3A_100 = arith.mulf %mul3A_99, %mul3A_99 : vector<16xf32>
        %mul3A_101 = arith.mulf %mul3A_100, %mul3A_98 : vector<16xf32>
        %mul3A_102 = arith.constant 1.500000e+01 : f32
        %mul3A_103 = vector.broadcast %mul3A_102 : f32 to vector<16xf32>
        %mul3A_104 = arith.mulf %mul3A_103, %mul3A_98 : vector<16xf32>
        %sub3A_105 = arith.constant 3.500000e+01 : f32
        %sub3A_106 = vector.broadcast %sub3A_105 : f32 to vector<16xf32>
        %sub3A_107 = arith.subf %sub3A_106, %mul3A_104 : vector<16xf32>
        %mul3A_108 = arith.mulf %mul3A_98, %sub3A_107 : vector<16xf32>
        %add3A_109 = arith.constant -2.100000e+01 : f32
        %add3A_110 = vector.broadcast %add3A_109 : f32 to vector<16xf32>
        %add3A_111 = arith.addf %add3A_110, %mul3A_108 : vector<16xf32>
        %mul3A_112 = arith.mulf %mul3A_101, %add3A_111 : vector<16xf32>
        %add3A_113 = arith.constant 1.000000e+00 : f32
        %add3A_114 = vector.broadcast %add3A_113 : f32 to vector<16xf32>
        %add3A_115 = arith.addf %add3A_114, %mul3A_112 : vector<16xf32>
        %lt3A = arith.constant 1.000000e+00 : f32
        %lt3A_116 = vector.broadcast %lt3A : f32 to vector<16xf32>
        %lt3A_117 = arith.cmpf olt, %mul3A_98, %lt3A_116 : vector<16xf32>
        %jit3A = arith.constant 0.000000e+00 : f32
        %broadcast_in_dim3A = vector.broadcast %jit3A : f32 to vector<16xf32>
        %select_n3A = arith.select %lt3A_117, %add3A_115, %broadcast_in_dim3A : vector<16xi1>, vector<16xf32>
        %mul3A_118 = arith.constant 3.14159274 : f32
        %mul3A_119 = vector.broadcast %mul3A_118 : f32 to vector<16xf32>
        %mul3A_120 = arith.mulf %mul3A_119, %mul3A_98 : vector<16xf32>
        %sub3A_121 = arith.constant 1.57079637 : f32
        %sub3A_122 = vector.broadcast %sub3A_121 : f32 to vector<16xf32>
        %sub3A_123 = arith.subf %mul3A_120, %sub3A_122 : vector<16xf32>
        %mul3A_124 = arith.mulf %sub3A_123, %sub3A_123 : vector<16xf32>
        %mul3A_125 = arith.constant 2.75573188E-6 : f32
        %mul3A_126 = vector.broadcast %mul3A_125 : f32 to vector<16xf32>
        %mul3A_127 = arith.mulf %mul3A_124, %mul3A_126 : vector<16xf32>
        %add3A_128 = arith.constant -1.98412701E-4 : f32
        %add3A_129 = vector.broadcast %add3A_128 : f32 to vector<16xf32>
        %add3A_130 = arith.addf %add3A_129, %mul3A_127 : vector<16xf32>
        %mul3A_131 = arith.mulf %mul3A_124, %add3A_130 : vector<16xf32>
        %add3A_132 = arith.constant 0.00833333377 : f32
        %add3A_133 = vector.broadcast %add3A_132 : f32 to vector<16xf32>
        %add3A_134 = arith.addf %add3A_133, %mul3A_131 : vector<16xf32>
        %mul3A_135 = arith.mulf %mul3A_124, %add3A_134 : vector<16xf32>
        %add3A_136 = arith.constant -0.166666672 : f32
        %add3A_137 = vector.broadcast %add3A_136 : f32 to vector<16xf32>
        %add3A_138 = arith.addf %add3A_137, %mul3A_135 : vector<16xf32>
        %mul3A_139 = arith.mulf %mul3A_124, %add3A_138 : vector<16xf32>
        %add3A_140 = arith.constant 1.000000e+00 : f32
        %add3A_141 = vector.broadcast %add3A_140 : f32 to vector<16xf32>
        %add3A_142 = arith.addf %add3A_141, %mul3A_139 : vector<16xf32>
        %mul3A_143 = arith.mulf %sub3A_123, %add3A_142 : vector<16xf32>
        %mul3A_144 = arith.constant 2.755732E-7 : f32
        %mul3A_145 = vector.broadcast %mul3A_144 : f32 to vector<16xf32>
        %mul3A_146 = arith.mulf %mul3A_124, %mul3A_145 : vector<16xf32>
        %sub3A_147 = arith.constant 2.48015876E-5 : f32
        %sub3A_148 = vector.broadcast %sub3A_147 : f32 to vector<16xf32>
        %sub3A_149 = arith.subf %sub3A_148, %mul3A_146 : vector<16xf32>
        %mul3A_150 = arith.mulf %mul3A_124, %sub3A_149 : vector<16xf32>
        %add3A_151 = arith.constant -0.00138888892 : f32
        %add3A_152 = vector.broadcast %add3A_151 : f32 to vector<16xf32>
        %add3A_153 = arith.addf %add3A_152, %mul3A_150 : vector<16xf32>
        %mul3A_154 = arith.mulf %mul3A_124, %add3A_153 : vector<16xf32>
        %add3A_155 = arith.constant 0.0416666679 : f32
        %add3A_156 = vector.broadcast %add3A_155 : f32 to vector<16xf32>
        %add3A_157 = arith.addf %add3A_156, %mul3A_154 : vector<16xf32>
        %mul3A_158 = arith.mulf %mul3A_124, %add3A_157 : vector<16xf32>
        %add3A_159 = arith.constant -5.000000e-01 : f32
        %add3A_160 = vector.broadcast %add3A_159 : f32 to vector<16xf32>
        %add3A_161 = arith.addf %add3A_160, %mul3A_158 : vector<16xf32>
        %mul3A_162 = arith.mulf %mul3A_124, %add3A_161 : vector<16xf32>
        %add3A_163 = arith.constant 1.000000e+00 : f32
        %add3A_164 = vector.broadcast %add3A_163 : f32 to vector<16xf32>
        %add3A_165 = arith.addf %add3A_164, %mul3A_162 : vector<16xf32>
        %neg3A = arith.constant 0.000000e+00 : f32
        %neg3A_166 = vector.broadcast %neg3A : f32 to vector<16xf32>
        %neg3A_167 = arith.subf %neg3A_166, %mul3A_143 : vector<16xf32>
        %mul3A_168 = arith.constant 2.000000e+00 : f32
        %mul3A_169 = vector.broadcast %mul3A_168 : f32 to vector<16xf32>
        %mul3A_170 = arith.mulf %mul3A_169, %neg3A_167 : vector<16xf32>
        %mul3A_171 = arith.constant 0.632455527 : f32
        %mul3A_172 = vector.broadcast %mul3A_171 : f32 to vector<16xf32>
        %mul3A_173 = arith.mulf %mul3A_172, %mul3A_91 : vector<16xf32>
        %mul3A_174 = arith.mulf %mul3A_173, %select_n3A : vector<16xf32>
        %mul3A_175 = arith.constant 16 : i32
        %mul3A_176 = arith.muli %scan3A_26, %mul3A_175 : i32
        %iota3A = tpu.iota {dimensions = array<i32: 0>} : vector<16xi32>
        %add3A_177 = vector.broadcast %mul3A_176 : i32 to vector<16xi32>
        %add3A_178 = arith.addi %add3A_177, %iota3A : vector<16xi32>
        %mul3A_179 = arith.constant 8 : i32
        %mul3A_180 = vector.broadcast %mul3A_179 : i32 to vector<16xi32>
        %mul3A_181 = arith.muli %add3A_178, %mul3A_180 : vector<16xi32>
        %mul3A_182 = arith.mulf %mul3A_170, %add3A_165 : vector<16xf32>
        %mul3A_183 = arith.mulf %mul3A_174, %add3A_165 : vector<16xf32>
        tpu.vector_store_idx %arg20[%mul3A_181], %mul3A_183 : memref<16000xf32, #tpu.memory_space<vmem>>[vector<16xi32>], vector<16xf32>,
        %add3A_184 = arith.constant 1 : i32
        %add3A_185 = vector.broadcast %add3A_184 : i32 to vector<16xi32>
        %add3A_186 = arith.addi %mul3A_181, %add3A_185 : vector<16xi32>
        %mul3A_187 = arith.mulf %mul3A_174, %mul3A_182 : vector<16xf32>
        tpu.vector_store_idx %arg20[%add3A_186], %mul3A_187 : memref<16000xf32, #tpu.memory_space<vmem>>[vector<16xi32>], vector<16xf32>,
        %mul3A_188 = arith.mulf %mul3A_170, %mul3A_182 : vector<16xf32>
        %sub3A_189 = arith.subf %mul3A_188, %add3A_165 : vector<16xf32>
        %add3A_190 = arith.constant 2 : i32
        %add3A_191 = vector.broadcast %add3A_190 : i32 to vector<16xi32>
        %add3A_192 = arith.addi %mul3A_181, %add3A_191 : vector<16xi32>
        %mul3A_193 = arith.mulf %mul3A_174, %sub3A_189 : vector<16xf32>
        tpu.vector_store_idx %arg20[%add3A_192], %mul3A_193 : memref<16000xf32, #tpu.memory_space<vmem>>[vector<16xi32>], vector<16xf32>,
        %mul3A_194 = arith.mulf %mul3A_170, %sub3A_189 : vector<16xf32>
        %sub3A_195 = arith.subf %mul3A_194, %mul3A_182 : vector<16xf32>
        %add3A_196 = arith.constant 3 : i32
        %add3A_197 = vector.broadcast %add3A_196 : i32 to vector<16xi32>
        %add3A_198 = arith.addi %mul3A_181, %add3A_197 : vector<16xi32>
        %mul3A_199 = arith.mulf %mul3A_174, %sub3A_195 : vector<16xf32>
        tpu.vector_store_idx %arg20[%add3A_198], %mul3A_199 : memref<16000xf32, #tpu.memory_space<vmem>>[vector<16xi32>], vector<16xf32>,
        %mul3A_200 = arith.mulf %mul3A_170, %sub3A_195 : vector<16xf32>
        %sub3A_201 = arith.subf %mul3A_200, %sub3A_189 : vector<16xf32>
        %add3A_202 = arith.constant 4 : i32
        %add3A_203 = vector.broadcast %add3A_202 : i32 to vector<16xi32>
        %add3A_204 = arith.addi %mul3A_181, %add3A_203 : vector<16xi32>
        %mul3A_205 = arith.mulf %mul3A_174, %sub3A_201 : vector<16xf32>
        tpu.vector_store_idx %arg20[%add3A_204], %mul3A_205 : memref<16000xf32, #tpu.memory_space<vmem>>[vector<16xi32>], vector<16xf32>,
        %mul3A_206 = arith.mulf %mul3A_170, %sub3A_201 : vector<16xf32>
        %sub3A_207 = arith.subf %mul3A_206, %sub3A_195 : vector<16xf32>
        %add3A_208 = arith.constant 5 : i32
        %add3A_209 = vector.broadcast %add3A_208 : i32 to vector<16xi32>
        %add3A_210 = arith.addi %mul3A_181, %add3A_209 : vector<16xi32>
        %mul3A_211 = arith.mulf %mul3A_174, %sub3A_207 : vector<16xf32>
        tpu.vector_store_idx %arg20[%add3A_210], %mul3A_211 : memref<16000xf32, #tpu.memory_space<vmem>>[vector<16xi32>], vector<16xf32>,
        %mul3A_212 = arith.mulf %mul3A_170, %sub3A_207 : vector<16xf32>
        %sub3A_213 = arith.subf %mul3A_212, %sub3A_201 : vector<16xf32>
        %add3A_214 = arith.constant 6 : i32
        %add3A_215 = vector.broadcast %add3A_214 : i32 to vector<16xi32>
        %add3A_216 = arith.addi %mul3A_181, %add3A_215 : vector<16xi32>
        %mul3A_217 = arith.mulf %mul3A_174, %sub3A_213 : vector<16xf32>
        tpu.vector_store_idx %arg20[%add3A_216], %mul3A_217 : memref<16000xf32, #tpu.memory_space<vmem>>[vector<16xi32>], vector<16xf32>,
        %mul3A_218 = arith.mulf %mul3A_170, %sub3A_213 : vector<16xf32>
        %sub3A_219 = arith.subf %mul3A_218, %sub3A_207 : vector<16xf32>
        %add3A_220 = arith.constant 7 : i32
        %add3A_221 = vector.broadcast %add3A_220 : i32 to vector<16xi32>
        %add3A_222 = arith.addi %mul3A_181, %add3A_221 : vector<16xi32>
        %mul3A_223 = arith.mulf %mul3A_174, %sub3A_219 : vector<16xf32>
        tpu.vector_store_idx %arg20[%add3A_222], %mul3A_223 : memref<16000xf32, #tpu.memory_space<vmem>>[vector<16xi32>], vector<16xf32>,
        %mul3A_224 = arith.mulf %mul3A_93, %mul3A_93 : vector<16xf32>
        %mul3A_225 = arith.mulf %mul3A_94, %mul3A_94 : vector<16xf32>
        %mul3A_226 = arith.mulf %mul3A_95, %mul3A_95 : vector<16xf32>
        %mul3A_227 = arith.mulf %mul3A_93, %mul3A_94 : vector<16xf32>
        %mul3A_228 = arith.mulf %mul3A_94, %mul3A_95 : vector<16xf32>
        %mul3A_229 = arith.mulf %mul3A_93, %mul3A_95 : vector<16xf32>
        %broadcast_in_dim3A_230 = arith.constant 1.000000e+00 : f32
        %broadcast_in_dim3A_231 = vector.broadcast %broadcast_in_dim3A_230 : f32 to vector<16xf32>
        %mul3A_232 = arith.constant 1.73205078 : f32
        %mul3A_233 = vector.broadcast %mul3A_232 : f32 to vector<16xf32>
        %mul3A_234 = arith.mulf %mul3A_233, %mul3A_93 : vector<16xf32>
        %mul3A_235 = arith.constant 1.73205078 : f32
        %mul3A_236 = vector.broadcast %mul3A_235 : f32 to vector<16xf32>
        %mul3A_237 = arith.mulf %mul3A_236, %mul3A_94 : vector<16xf32>
        %mul3A_238 = arith.constant 1.73205078 : f32
        %mul3A_239 = vector.broadcast %mul3A_238 : f32 to vector<16xf32>
        %mul3A_240 = arith.mulf %mul3A_239, %mul3A_95 : vector<16xf32>
        %mul3A_241 = arith.constant 3.87298322 : f32
        %mul3A_242 = vector.broadcast %mul3A_241 : f32 to vector<16xf32>
        %mul3A_243 = arith.mulf %mul3A_242, %mul3A_227 : vector<16xf32>
        %mul3A_244 = arith.constant 3.87298322 : f32
        %mul3A_245 = vector.broadcast %mul3A_244 : f32 to vector<16xf32>
        %mul3A_246 = arith.mulf %mul3A_245, %mul3A_228 : vector<16xf32>
        %mul3A_247 = arith.constant 3.000000e+00 : f32
        %mul3A_248 = vector.broadcast %mul3A_247 : f32 to vector<16xf32>
        %mul3A_249 = arith.mulf %mul3A_248, %mul3A_226 : vector<16xf32>
        %sub3A_250 = arith.constant 1.000000e+00 : f32
        %sub3A_251 = vector.broadcast %sub3A_250 : f32 to vector<16xf32>
        %sub3A_252 = arith.subf %mul3A_249, %sub3A_251 : vector<16xf32>
        %mul3A_253 = arith.constant 1.11803401 : f32
        %mul3A_254 = vector.broadcast %mul3A_253 : f32 to vector<16xf32>
        %mul3A_255 = arith.mulf %mul3A_254, %sub3A_252 : vector<16xf32>
        %mul3A_256 = arith.constant 3.87298322 : f32
        %mul3A_257 = vector.broadcast %mul3A_256 : f32 to vector<16xf32>
        %mul3A_258 = arith.mulf %mul3A_257, %mul3A_229 : vector<16xf32>
        %sub3A_259 = arith.subf %mul3A_224, %mul3A_225 : vector<16xf32>
        %mul3A_260 = arith.constant 1.93649173 : f32
        %mul3A_261 = vector.broadcast %mul3A_260 : f32 to vector<16xf32>
        %mul3A_262 = arith.mulf %mul3A_261, %sub3A_259 : vector<16xf32>
        %mul3A_263 = arith.constant 2.091650e+00 : f32
        %mul3A_264 = vector.broadcast %mul3A_263 : f32 to vector<16xf32>
        %mul3A_265 = arith.mulf %mul3A_264, %mul3A_94 : vector<16xf32>
        %mul3A_266 = arith.constant 3.000000e+00 : f32
        %mul3A_267 = vector.broadcast %mul3A_266 : f32 to vector<16xf32>
        %mul3A_268 = arith.mulf %mul3A_267, %mul3A_224 : vector<16xf32>
        %sub3A_269 = arith.subf %mul3A_268, %mul3A_225 : vector<16xf32>
        %mul3A_270 = arith.mulf %mul3A_265, %sub3A_269 : vector<16xf32>
        %mul3A_271 = arith.constant 10.2469511 : f32
        %mul3A_272 = vector.broadcast %mul3A_271 : f32 to vector<16xf32>
        %mul3A_273 = arith.mulf %mul3A_272, %mul3A_227 : vector<16xf32>
        %mul3A_274 = arith.mulf %mul3A_273, %mul3A_95 : vector<16xf32>
        %mul3A_275 = arith.constant 1.62018526 : f32
        %mul3A_276 = vector.broadcast %mul3A_275 : f32 to vector<16xf32>
        %mul3A_277 = arith.mulf %mul3A_276, %mul3A_94 : vector<16xf32>
        %mul3A_278 = arith.constant 5.000000e+00 : f32
        %mul3A_279 = vector.broadcast %mul3A_278 : f32 to vector<16xf32>
        %mul3A_280 = arith.mulf %mul3A_279, %mul3A_226 : vector<16xf32>
        %sub3A_281 = arith.constant 1.000000e+00 : f32
        %sub3A_282 = vector.broadcast %sub3A_281 : f32 to vector<16xf32>
        %sub3A_283 = arith.subf %mul3A_280, %sub3A_282 : vector<16xf32>
        %mul3A_284 = arith.mulf %mul3A_277, %sub3A_283 : vector<16xf32>
        %mul3A_285 = arith.constant 1.32287574 : f32
        %mul3A_286 = vector.broadcast %mul3A_285 : f32 to vector<16xf32>
        %mul3A_287 = arith.mulf %mul3A_286, %mul3A_95 : vector<16xf32>
        %mul3A_288 = arith.constant 5.000000e+00 : f32
        %mul3A_289 = vector.broadcast %mul3A_288 : f32 to vector<16xf32>
        %mul3A_290 = arith.mulf %mul3A_289, %mul3A_226 : vector<16xf32>
        %sub3A_291 = arith.constant 3.000000e+00 : f32
        %sub3A_292 = vector.broadcast %sub3A_291 : f32 to vector<16xf32>
        %sub3A_293 = arith.subf %mul3A_290, %sub3A_292 : vector<16xf32>
        %mul3A_294 = arith.mulf %mul3A_287, %sub3A_293 : vector<16xf32>
        %mul3A_295 = arith.constant 1.62018526 : f32
        %mul3A_296 = vector.broadcast %mul3A_295 : f32 to vector<16xf32>
        %mul3A_297 = arith.mulf %mul3A_296, %mul3A_93 : vector<16xf32>
        %mul3A_298 = arith.constant 5.000000e+00 : f32
        %mul3A_299 = vector.broadcast %mul3A_298 : f32 to vector<16xf32>
        %mul3A_300 = arith.mulf %mul3A_299, %mul3A_226 : vector<16xf32>
        %sub3A_301 = arith.constant 1.000000e+00 : f32
        %sub3A_302 = vector.broadcast %sub3A_301 : f32 to vector<16xf32>
        %sub3A_303 = arith.subf %mul3A_300, %sub3A_302 : vector<16xf32>
        %mul3A_304 = arith.mulf %mul3A_297, %sub3A_303 : vector<16xf32>
        %mul3A_305 = arith.constant 5.12347507 : f32
        %mul3A_306 = vector.broadcast %mul3A_305 : f32 to vector<16xf32>
        %mul3A_307 = arith.mulf %mul3A_306, %mul3A_95 : vector<16xf32>
        %sub3A_308 = arith.subf %mul3A_224, %mul3A_225 : vector<16xf32>
        %mul3A_309 = arith.mulf %mul3A_307, %sub3A_308 : vector<16xf32>
        %mul3A_310 = arith.constant 2.091650e+00 : f32
        %mul3A_311 = vector.broadcast %mul3A_310 : f32 to vector<16xf32>
        %mul3A_312 = arith.mulf %mul3A_311, %mul3A_93 : vector<16xf32>
        %mul3A_313 = arith.constant 3.000000e+00 : f32
        %mul3A_314 = vector.broadcast %mul3A_313 : f32 to vector<16xf32>
        %mul3A_315 = arith.mulf %mul3A_314, %mul3A_225 : vector<16xf32>
        %sub3A_316 = arith.subf %mul3A_224, %mul3A_315 : vector<16xf32>
        %mul3A_317 = arith.mulf %mul3A_312, %sub3A_316 : vector<16xf32>
        %mul3A_318 = arith.constant 16 : i32
        %mul3A_319 = arith.muli %scan3A_26, %mul3A_318 : i32
        %iota3A_320 = tpu.iota {dimensions = array<i32: 0>} : vector<16xi32>
        %add3A_321 = vector.broadcast %mul3A_319 : i32 to vector<16xi32>
        %add3A_322 = arith.addi %add3A_321, %iota3A_320 : vector<16xi32>
        %mul3A_323 = arith.constant 16 : i32
        %mul3A_324 = vector.broadcast %mul3A_323 : i32 to vector<16xi32>
        %mul3A_325 = arith.muli %add3A_322, %mul3A_324 : vector<16xi32>
        %add3A_326 = arith.constant 0 : i32
        %add3A_327 = vector.broadcast %add3A_326 : i32 to vector<16xi32>
        %add3A_328 = arith.addi %mul3A_325, %add3A_327 : vector<16xi32>
        %mul3A_329 = arith.mulf %broadcast_in_dim3A_231, %select_n3A : vector<16xf32>
        tpu.vector_store_idx %arg21[%add3A_328], %mul3A_329 : memref<32000xf32, #tpu.memory_space<vmem>>[vector<16xi32>], vector<16xf32>,
        %add3A_330 = arith.constant 1 : i32
        %add3A_331 = vector.broadcast %add3A_330 : i32 to vector<16xi32>
        %add3A_332 = arith.addi %mul3A_325, %add3A_331 : vector<16xi32>
        %mul3A_333 = arith.mulf %mul3A_234, %select_n3A : vector<16xf32>
        tpu.vector_store_idx %arg21[%add3A_332], %mul3A_333 : memref<32000xf32, #tpu.memory_space<vmem>>[vector<16xi32>], vector<16xf32>,
        %add3A_334 = arith.constant 2 : i32
        %add3A_335 = vector.broadcast %add3A_334 : i32 to vector<16xi32>
        %add3A_336 = arith.addi %mul3A_325, %add3A_335 : vector<16xi32>
        %mul3A_337 = arith.mulf %mul3A_237, %select_n3A : vector<16xf32>
        tpu.vector_store_idx %arg21[%add3A_336], %mul3A_337 : memref<32000xf32, #tpu.memory_space<vmem>>[vector<16xi32>], vector<16xf32>,
        %add3A_338 = arith.constant 3 : i32
        %add3A_339 = vector.broadcast %add3A_338 : i32 to vector<16xi32>
        %add3A_340 = arith.addi %mul3A_325, %add3A_339 : vector<16xi32>
        %mul3A_341 = arith.mulf %mul3A_240, %select_n3A : vector<16xf32>
        tpu.vector_store_idx %arg21[%add3A_340], %mul3A_341 : memref<32000xf32, #tpu.memory_space<vmem>>[vector<16xi32>], vector<16xf32>,
        %add3A_342 = arith.constant 4 : i32
        %add3A_343 = vector.broadcast %add3A_342 : i32 to vector<16xi32>
        %add3A_344 = arith.addi %mul3A_325, %add3A_343 : vector<16xi32>
        %mul3A_345 = arith.mulf %mul3A_243, %select_n3A : vector<16xf32>
        tpu.vector_store_idx %arg21[%add3A_344], %mul3A_345 : memref<32000xf32, #tpu.memory_space<vmem>>[vector<16xi32>], vector<16xf32>,
        %add3A_346 = arith.constant 5 : i32
        %add3A_347 = vector.broadcast %add3A_346 : i32 to vector<16xi32>
        %add3A_348 = arith.addi %mul3A_325, %add3A_347 : vector<16xi32>
        %mul3A_349 = arith.mulf %mul3A_246, %select_n3A : vector<16xf32>
        tpu.vector_store_idx %arg21[%add3A_348], %mul3A_349 : memref<32000xf32, #tpu.memory_space<vmem>>[vector<16xi32>], vector<16xf32>,
        %add3A_350 = arith.constant 6 : i32
        %add3A_351 = vector.broadcast %add3A_350 : i32 to vector<16xi32>
        %add3A_352 = arith.addi %mul3A_325, %add3A_351 : vector<16xi32>
        %mul3A_353 = arith.mulf %mul3A_255, %select_n3A : vector<16xf32>
        tpu.vector_store_idx %arg21[%add3A_352], %mul3A_353 : memref<32000xf32, #tpu.memory_space<vmem>>[vector<16xi32>], vector<16xf32>,
        %add3A_354 = arith.constant 7 : i32
        %add3A_355 = vector.broadcast %add3A_354 : i32 to vector<16xi32>
        %add3A_356 = arith.addi %mul3A_325, %add3A_355 : vector<16xi32>
        %mul3A_357 = arith.mulf %mul3A_258, %select_n3A : vector<16xf32>
        tpu.vector_store_idx %arg21[%add3A_356], %mul3A_357 : memref<32000xf32, #tpu.memory_space<vmem>>[vector<16xi32>], vector<16xf32>,
        %add3A_358 = arith.constant 8 : i32
        %add3A_359 = vector.broadcast %add3A_358 : i32 to vector<16xi32>
        %add3A_360 = arith.addi %mul3A_325, %add3A_359 : vector<16xi32>
        %mul3A_361 = arith.mulf %mul3A_262, %select_n3A : vector<16xf32>
        tpu.vector_store_idx %arg21[%add3A_360], %mul3A_361 : memref<32000xf32, #tpu.memory_space<vmem>>[vector<16xi32>], vector<16xf32>,
        %add3A_362 = arith.constant 9 : i32
        %add3A_363 = vector.broadcast %add3A_362 : i32 to vector<16xi32>
        %add3A_364 = arith.addi %mul3A_325, %add3A_363 : vector<16xi32>
        %mul3A_365 = arith.mulf %mul3A_270, %select_n3A : vector<16xf32>
        tpu.vector_store_idx %arg21[%add3A_364], %mul3A_365 : memref<32000xf32, #tpu.memory_space<vmem>>[vector<16xi32>], vector<16xf32>,
        %add3A_366 = arith.constant 10 : i32
        %add3A_367 = vector.broadcast %add3A_366 : i32 to vector<16xi32>
        %add3A_368 = arith.addi %mul3A_325, %add3A_367 : vector<16xi32>
        %mul3A_369 = arith.mulf %mul3A_274, %select_n3A : vector<16xf32>
        tpu.vector_store_idx %arg21[%add3A_368], %mul3A_369 : memref<32000xf32, #tpu.memory_space<vmem>>[vector<16xi32>], vector<16xf32>,
        %add3A_370 = arith.constant 11 : i32
        %add3A_371 = vector.broadcast %add3A_370 : i32 to vector<16xi32>
        %add3A_372 = arith.addi %mul3A_325, %add3A_371 : vector<16xi32>
        %mul3A_373 = arith.mulf %mul3A_284, %select_n3A : vector<16xf32>
        tpu.vector_store_idx %arg21[%add3A_372], %mul3A_373 : memref<32000xf32, #tpu.memory_space<vmem>>[vector<16xi32>], vector<16xf32>,
        %add3A_374 = arith.constant 12 : i32
        %add3A_375 = vector.broadcast %add3A_374 : i32 to vector<16xi32>
        %add3A_376 = arith.addi %mul3A_325, %add3A_375 : vector<16xi32>
        %mul3A_377 = arith.mulf %mul3A_294, %select_n3A : vector<16xf32>
        tpu.vector_store_idx %arg21[%add3A_376], %mul3A_377 : memref<32000xf32, #tpu.memory_space<vmem>>[vector<16xi32>], vector<16xf32>,
        %add3A_378 = arith.constant 13 : i32
        %add3A_379 = vector.broadcast %add3A_378 : i32 to vector<16xi32>
        %add3A_380 = arith.addi %mul3A_325, %add3A_379 : vector<16xi32>
        %mul3A_381 = arith.mulf %mul3A_304, %select_n3A : vector<16xf32>
        tpu.vector_store_idx %arg21[%add3A_380], %mul3A_381 : memref<32000xf32, #tpu.memory_space<vmem>>[vector<16xi32>], vector<16xf32>,
        %add3A_382 = arith.constant 14 : i32
        %add3A_383 = vector.broadcast %add3A_382 : i32 to vector<16xi32>
        %add3A_384 = arith.addi %mul3A_325, %add3A_383 : vector<16xi32>
        %mul3A_385 = arith.mulf %mul3A_309, %select_n3A : vector<16xf32>
        tpu.vector_store_idx %arg21[%add3A_384], %mul3A_385 : memref<32000xf32, #tpu.memory_space<vmem>>[vector<16xi32>], vector<16xf32>,
        %add3A_386 = arith.constant 15 : i32
        %add3A_387 = vector.broadcast %add3A_386 : i32 to vector<16xi32>
        %add3A_388 = arith.addi %mul3A_325, %add3A_387 : vector<16xi32>
        %mul3A_389 = arith.mulf %mul3A_317, %select_n3A : vector<16xf32>
        tpu.vector_store_idx %arg21[%add3A_388], %mul3A_389 : memref<32000xf32, #tpu.memory_space<vmem>>[vector<16xi32>], vector<16xf32>,
        %scan3A_390 = arith.constant 0 : i32
        scf.yield %scan3A_390 : i32
      }
      %scan3A_20 = arith.constant 125 : i32
      %mul3A_21 = arith.constant 8 : i32
      %mul3A_22 = arith.muli %add3A_13, %mul3A_21 : i32
      "tpu.region"() ({
        %run_scoped3A = tpu.sem_alloc : memref<!tpu.dma_semaphore, #tpu.memory_space<semaphore_mem>>
        %dma_start3A = tpu.memref_slice %arg10[%mul3A_22] : memref<2560000xf32, #tpu.memory_space<hbm>> -> memref<16000xf32, #tpu.memory_space<hbm>>
        %dma_start3A_26 = tpu.memref_slice %arg10[%mul3A_22] : memref<2560000xf32, #tpu.memory_space<hbm>> -> memref<16000xf32, #tpu.memory_space<hbm>>
        tpu.enqueue_dma source(%arg20 : memref<16000xf32, #tpu.memory_space<vmem>>) target(%dma_start3A_26 : memref<16000xf32, #tpu.memory_space<hbm>>) target_semaphore(%run_scoped3A : memref<!tpu.dma_semaphore, #tpu.memory_space<semaphore_mem>>)
        %dma_wait3A = tpu.memref_slice %arg10[%mul3A_22] : memref<2560000xf32, #tpu.memory_space<hbm>> -> memref<16000xf32, #tpu.memory_space<hbm>>
        %dma_wait3A_27 = tpu.memref_slice %arg10[%mul3A_22] : memref<2560000xf32, #tpu.memory_space<hbm>> -> memref<16000xf32, #tpu.memory_space<hbm>>
        tpu.wait_dma2 semaphore(%run_scoped3A : memref<!tpu.dma_semaphore, #tpu.memory_space<semaphore_mem>>) src(%arg20 : memref<16000xf32, #tpu.memory_space<vmem>>) dst(%dma_wait3A_27 : memref<16000xf32, #tpu.memory_space<hbm>>)
        tpu.yield
      }) : () -> ()
      %mul3A_23 = arith.constant 16 : i32
      %mul3A_24 = arith.muli %add3A_13, %mul3A_23 : i32
      "tpu.region"() ({
        %run_scoped3A = tpu.sem_alloc : memref<!tpu.dma_semaphore, #tpu.memory_space<semaphore_mem>>
        %dma_start3A = tpu.memref_slice %arg11[%mul3A_24] : memref<5120000xf32, #tpu.memory_space<hbm>> -> memref<32000xf32, #tpu.memory_space<hbm>>
        %dma_start3A_26 = tpu.memref_slice %arg11[%mul3A_24] : memref<5120000xf32, #tpu.memory_space<hbm>> -> memref<32000xf32, #tpu.memory_space<hbm>>
        tpu.enqueue_dma source(%arg21 : memref<32000xf32, #tpu.memory_space<vmem>>) target(%dma_start3A_26 : memref<32000xf32, #tpu.memory_space<hbm>>) target_semaphore(%run_scoped3A : memref<!tpu.dma_semaphore, #tpu.memory_space<semaphore_mem>>)
        %dma_wait3A = tpu.memref_slice %arg11[%mul3A_24] : memref<5120000xf32, #tpu.memory_space<hbm>> -> memref<32000xf32, #tpu.memory_space<hbm>>
        %dma_wait3A_27 = tpu.memref_slice %arg11[%mul3A_24] : memref<5120000xf32, #tpu.memory_space<hbm>> -> memref<32000xf32, #tpu.memory_space<hbm>>
        tpu.wait_dma2 semaphore(%run_scoped3A : memref<!tpu.dma_semaphore, #tpu.memory_space<semaphore_mem>>) src(%arg21 : memref<32000xf32, #tpu.memory_space<vmem>>) dst(%dma_wait3A_27 : memref<32000xf32, #tpu.memory_space<hbm>>)
        tpu.yield
      }) : () -> ()
      %scan3A_25 = arith.constant 0 : i32
      scf.yield %scan3A_25 : i32
    }
    %scan3A_6 = arith.constant 5 : i32
    return
  }
}

module attributes {stable_mosaic.version = 14 : i64} {
  func.func @_embed_body(%arg0: memref<10000x10xf32, #tpu.memory_space<vmem>>, %arg1: memref<10x128xf32, #tpu.memory_space<vmem>>, %arg2: memref<10000x128xf32, #tpu.memory_space<vmem>>) attributes {dimension_semantics = [], scalar_prefetch = 0 : i64, scratch_operands = 0 : i64, tpu.core_type = #tpu.core_type<tc>} {
    %get3A = arith.constant 0 : index
    %get3A_0 = arith.constant 0 : index
    %get3A_1 = vector.load %arg0[%get3A, %get3A_0] : memref<10000x10xf32, #tpu.memory_space<vmem>>, vector<10000x10xf32>
    %get3A_2 = arith.constant 0 : index
    %get3A_3 = arith.constant 0 : index
    %get3A_4 = vector.load %arg1[%get3A_2, %get3A_3] : memref<10x128xf32, #tpu.memory_space<vmem>>, vector<10x128xf32>
    %dot_general3A = arith.constant dense<0.000000e+00> : vector<10000x128xf32>
    %dot_general3A_5 = tpu.matmul %get3A_1, %get3A_4, %dot_general3A {dimension_numbers = #tpu.dot_dimension_numbers<[1], [0], [0], [1], [0, 0, 1, 1], [], []>, transpose_lhs_hint = false} : vector<10000x10xf32>, vector<10x128xf32>, vector<10000x128xf32> -> vector<10000x128xf32>
    %swap3A = arith.constant 0 : index
    %swap3A_6 = arith.constant 0 : index
    %swap3A_7 = vector.load %arg2[%swap3A, %swap3A_6] : memref<10000x128xf32, #tpu.memory_space<vmem>>, vector<10000x128xf32>
    tpu.vector_store %arg2[%swap3A, %swap3A_6], %dot_general3A_5 {strides = array<i32>} : memref<10000x128xf32, #tpu.memory_space<vmem>>, vector<10000x128xf32>,
    return
  }
}

module attributes {stable_mosaic.version = 14 : i64} {
  func.func @_edge_body(%arg0: i32, %arg1: memref<2560x8xf32, #tpu.memory_space<vmem>>, %arg2: memref<2560x16xf32, #tpu.memory_space<vmem>>, %arg3: memref<2x8x64xf32, #tpu.memory_space<vmem>>, %arg4: memref<2x64x128xf32, #tpu.memory_space<vmem>>, %arg5: memref<2x16x128xf32, #tpu.memory_space<vmem>>, %arg6: memref<2560x128xf32, #tpu.memory_space<vmem>>, %arg7: memref<2560x128xf32, #tpu.memory_space<vmem>>) attributes {dimension_semantics = [#tpu.dimension_semantics<arbitrary>], iteration_bounds = array<i64: 125>, scalar_prefetch = 0 : i64, scratch_operands = 0 : i64, tpu.core_type = #tpu.core_type<tc>, window_params = [{transform_indices = @transform_0, window_bounds = array<i64: 2560, 8>}, {transform_indices = @transform_1, window_bounds = array<i64: 2560, 16>}, {pipeline_mode = #tpu.pipeline_mode<synchronous>, transform_indices = @transform_2, window_bounds = array<i64: 2, 8, 64>}, {pipeline_mode = #tpu.pipeline_mode<synchronous>, transform_indices = @transform_3, window_bounds = array<i64: 2, 64, 128>}, {pipeline_mode = #tpu.pipeline_mode<synchronous>, transform_indices = @transform_4, window_bounds = array<i64: 2, 16, 128>}, {transform_indices = @transform_5, window_bounds = array<i64: 2560, 128>}, {transform_indices = @transform_6, window_bounds = array<i64: 2560, 128>}]} {
    %get3A = arith.constant 0 : index
    %get3A_0 = arith.constant 0 : index
    %get3A_1 = vector.load %arg1[%get3A, %get3A_0] : memref<2560x8xf32, #tpu.memory_space<vmem>>, vector<2560x8xf32>
    %get3A_2 = arith.constant 0 : index
    %get3A_3 = arith.constant 0 : index
    %get3A_4 = vector.load %arg2[%get3A_2, %get3A_3] : memref<2560x16xf32, #tpu.memory_space<vmem>>, vector<2560x16xf32>
    %get3A_5 = arith.constant 0 : index
    %get3A_6 = arith.constant 0 : index
    %get3A_7 = arith.constant 0 : index
    %get3A_8 = vector.load %arg3[%get3A_5, %get3A_6, %get3A_7] : memref<2x8x64xf32, #tpu.memory_space<vmem>>, vector<1x8x64xf32>
    %get3A_9 = vector.shape_cast %get3A_8 : vector<1x8x64xf32> to vector<8x64xf32>
    %dot_general3A = arith.constant dense<0.000000e+00> : vector<2560x64xf32>
    %dot_general3A_10 = tpu.matmul %get3A_1, %get3A_9, %dot_general3A {dimension_numbers = #tpu.dot_dimension_numbers<[1], [0], [0], [1], [0, 0, 1, 1], [], []>, transpose_lhs_hint = false} : vector<2560x8xf32>, vector<8x64xf32>, vector<2560x64xf32> -> vector<2560x64xf32>
    %logistic3A = arith.negf %dot_general3A_10 : vector<2560x64xf32>
    %logistic3A_11 = math.exp %logistic3A : vector<2560x64xf32>
    %logistic3A_12 = arith.constant 1.000000e+00 : f32
    %logistic3A_13 = vector.broadcast %logistic3A_12 : f32 to vector<2560x64xf32>
    %logistic3A_14 = arith.addf %logistic3A_13, %logistic3A_11 : vector<2560x64xf32>
    %logistic3A_15 = arith.divf %logistic3A_13, %logistic3A_14 : vector<2560x64xf32>
    %mul3A = arith.mulf %dot_general3A_10, %logistic3A_15 : vector<2560x64xf32>
    %get3A_16 = arith.constant 0 : index
    %get3A_17 = arith.constant 0 : index
    %get3A_18 = arith.constant 0 : index
    %get3A_19 = vector.load %arg4[%get3A_16, %get3A_17, %get3A_18] : memref<2x64x128xf32, #tpu.memory_space<vmem>>, vector<1x64x128xf32>
    %get3A_20 = vector.shape_cast %get3A_19 : vector<1x64x128xf32> to vector<64x128xf32>
    %dot_general3A_21 = arith.constant dense<0.000000e+00> : vector<2560x128xf32>
    %dot_general3A_22 = tpu.matmul %mul3A, %get3A_20, %dot_general3A_21 {dimension_numbers = #tpu.dot_dimension_numbers<[1], [0], [0], [1], [0, 0, 1, 1], [], []>, transpose_lhs_hint = false} : vector<2560x64xf32>, vector<64x128xf32>, vector<2560x128xf32> -> vector<2560x128xf32>
    %get3A_23 = arith.constant 0 : index
    %get3A_24 = arith.constant 0 : index
    %get3A_25 = arith.constant 0 : index
    %get3A_26 = vector.load %arg5[%get3A_23, %get3A_24, %get3A_25] : memref<2x16x128xf32, #tpu.memory_space<vmem>>, vector<1x16x128xf32>
    %get3A_27 = vector.shape_cast %get3A_26 : vector<1x16x128xf32> to vector<16x128xf32>
    %dot_general3A_28 = arith.constant dense<0.000000e+00> : vector<2560x128xf32>
    %dot_general3A_29 = tpu.matmul %get3A_4, %get3A_27, %dot_general3A_28 {dimension_numbers = #tpu.dot_dimension_numbers<[1], [0], [0], [1], [0, 0, 1, 1], [], []>, transpose_lhs_hint = false} : vector<2560x16xf32>, vector<16x128xf32>, vector<2560x128xf32> -> vector<2560x128xf32>
    %mul3A_30 = arith.mulf %dot_general3A_22, %dot_general3A_29 : vector<2560x128xf32>
    %swap3A = arith.constant 0 : index
    %swap3A_31 = arith.constant 0 : index
    %swap3A_32 = vector.load %arg6[%swap3A, %swap3A_31] : memref<2560x128xf32, #tpu.memory_space<vmem>>, vector<2560x128xf32>
    tpu.vector_store %arg6[%swap3A, %swap3A_31], %mul3A_30 {strides = array<i32>} : memref<2560x128xf32, #tpu.memory_space<vmem>>, vector<2560x128xf32>,
    %get3A_33 = arith.constant 1 : index
    %get3A_34 = arith.constant 0 : index
    %get3A_35 = arith.constant 0 : index
    %get3A_36 = vector.load %arg3[%get3A_33, %get3A_34, %get3A_35] : memref<2x8x64xf32, #tpu.memory_space<vmem>>, vector<1x8x64xf32>
    %get3A_37 = vector.shape_cast %get3A_36 : vector<1x8x64xf32> to vector<8x64xf32>
    %dot_general3A_38 = arith.constant dense<0.000000e+00> : vector<2560x64xf32>
    %dot_general3A_39 = tpu.matmul %get3A_1, %get3A_37, %dot_general3A_38 {dimension_numbers = #tpu.dot_dimension_numbers<[1], [0], [0], [1], [0, 0, 1, 1], [], []>, transpose_lhs_hint = false} : vector<2560x8xf32>, vector<8x64xf32>, vector<2560x64xf32> -> vector<2560x64xf32>
    %logistic3A_40 = arith.negf %dot_general3A_39 : vector<2560x64xf32>
    %logistic3A_41 = math.exp %logistic3A_40 : vector<2560x64xf32>
    %logistic3A_42 = arith.constant 1.000000e+00 : f32
    %logistic3A_43 = vector.broadcast %logistic3A_42 : f32 to vector<2560x64xf32>
    %logistic3A_44 = arith.addf %logistic3A_43, %logistic3A_41 : vector<2560x64xf32>
    %logistic3A_45 = arith.divf %logistic3A_43, %logistic3A_44 : vector<2560x64xf32>
    %mul3A_46 = arith.mulf %dot_general3A_39, %logistic3A_45 : vector<2560x64xf32>
    %get3A_47 = arith.constant 1 : index
    %get3A_48 = arith.constant 0 : index
    %get3A_49 = arith.constant 0 : index
    %get3A_50 = vector.load %arg4[%get3A_47, %get3A_48, %get3A_49] : memref<2x64x128xf32, #tpu.memory_space<vmem>>, vector<1x64x128xf32>
    %get3A_51 = vector.shape_cast %get3A_50 : vector<1x64x128xf32> to vector<64x128xf32>
    %dot_general3A_52 = arith.constant dense<0.000000e+00> : vector<2560x128xf32>
    %dot_general3A_53 = tpu.matmul %mul3A_46, %get3A_51, %dot_general3A_52 {dimension_numbers = #tpu.dot_dimension_numbers<[1], [0], [0], [1], [0, 0, 1, 1], [], []>, transpose_lhs_hint = false} : vector<2560x64xf32>, vector<64x128xf32>, vector<2560x128xf32> -> vector<2560x128xf32>
    %get3A_54 = arith.constant 1 : index
    %get3A_55 = arith.constant 0 : index
    %get3A_56 = arith.constant 0 : index
    %get3A_57 = vector.load %arg5[%get3A_54, %get3A_55, %get3A_56] : memref<2x16x128xf32, #tpu.memory_space<vmem>>, vector<1x16x128xf32>
    %get3A_58 = vector.shape_cast %get3A_57 : vector<1x16x128xf32> to vector<16x128xf32>
    %dot_general3A_59 = arith.constant dense<0.000000e+00> : vector<2560x128xf32>
    %dot_general3A_60 = tpu.matmul %get3A_4, %get3A_58, %dot_general3A_59 {dimension_numbers = #tpu.dot_dimension_numbers<[1], [0], [0], [1], [0, 0, 1, 1], [], []>, transpose_lhs_hint = false} : vector<2560x16xf32>, vector<16x128xf32>, vector<2560x128xf32> -> vector<2560x128xf32>
    %mul3A_61 = arith.mulf %dot_general3A_53, %dot_general3A_60 : vector<2560x128xf32>
    %swap3A_62 = arith.constant 0 : index
    %swap3A_63 = arith.constant 0 : index
    %swap3A_64 = vector.load %arg7[%swap3A_62, %swap3A_63] : memref<2560x128xf32, #tpu.memory_space<vmem>>, vector<2560x128xf32>
    tpu.vector_store %arg7[%swap3A_62, %swap3A_63], %mul3A_61 {strides = array<i32>} : memref<2560x128xf32, #tpu.memory_space<vmem>>, vector<2560x128xf32>,
    return
  }
  func.func @transform_0(%arg0: i32) -> (i32, i32) {
    %c0_i32 = arith.constant 0 : i32
    %c0_i32_0 = arith.constant 0 : i32
    return %arg0, %c0_i32 : i32, i32
  }
  func.func @transform_1(%arg0: i32) -> (i32, i32) {
    %c0_i32 = arith.constant 0 : i32
    %c0_i32_0 = arith.constant 0 : i32
    return %arg0, %c0_i32 : i32, i32
  }
  func.func @transform_2(%arg0: i32) -> (i32, i32, i32) {
    %c0_i32 = arith.constant 0 : i32
    %c0_i32_0 = arith.constant 0 : i32
    %c0_i32_1 = arith.constant 0 : i32
    %c0_i32_2 = arith.constant 0 : i32
    return %c0_i32, %c0_i32_0, %c0_i32_1 : i32, i32, i32
  }
  func.func @transform_3(%arg0: i32) -> (i32, i32, i32) {
    %c0_i32 = arith.constant 0 : i32
    %c0_i32_0 = arith.constant 0 : i32
    %c0_i32_1 = arith.constant 0 : i32
    %c0_i32_2 = arith.constant 0 : i32
    return %c0_i32, %c0_i32_0, %c0_i32_1 : i32, i32, i32
  }
  func.func @transform_4(%arg0: i32) -> (i32, i32, i32) {
    %c0_i32 = arith.constant 0 : i32
    %c0_i32_0 = arith.constant 0 : i32
    %c0_i32_1 = arith.constant 0 : i32
    %c0_i32_2 = arith.constant 0 : i32
    return %c0_i32, %c0_i32_0, %c0_i32_1 : i32, i32, i32
  }
  func.func @transform_5(%arg0: i32) -> (i32, i32) {
    %c0_i32 = arith.constant 0 : i32
    %c0_i32_0 = arith.constant 0 : i32
    return %arg0, %c0_i32 : i32, i32
  }
  func.func @transform_6(%arg0: i32) -> (i32, i32) {
    %c0_i32 = arith.constant 0 : i32
    %c0_i32_0 = arith.constant 0 : i32
    return %arg0, %c0_i32 : i32, i32
  }
}

module attributes {stable_mosaic.version = 14 : i64} {
  func.func @_node_body(%arg0: memref<2x10000x128xf32, #tpu.memory_space<vmem>>, %arg1: memref<10000x10xf32, #tpu.memory_space<vmem>>, %arg2: memref<10000x128xf32, #tpu.memory_space<vmem>>, %arg3: memref<10000x3xf32, #tpu.memory_space<vmem>>, %arg4: memref<4x10000xf32, #tpu.memory_space<vmem>>, %arg5: memref<10x128xf32, #tpu.memory_space<vmem>>, %arg6: memref<128x128xf32, #tpu.memory_space<vmem>>, %arg7: memref<128x4xf32, #tpu.memory_space<vmem>>, %arg8: memref<128x4xf32, #tpu.memory_space<vmem>>, %arg9: memref<10000x128xf32, #tpu.memory_space<vmem>>, %arg10: memref<4x4xf32, #tpu.memory_space<vmem>>, %arg11: memref<4x3xf32, #tpu.memory_space<vmem>>, %arg12: memref<4x3xf32, #tpu.memory_space<vmem>>) attributes {dimension_semantics = [], scalar_prefetch = 0 : i64, scratch_operands = 0 : i64, tpu.core_type = #tpu.core_type<tc>} {
    %get3A = arith.constant 0 : index
    %get3A_0 = arith.constant 0 : index
    %get3A_1 = arith.constant 0 : index
    %get3A_2 = vector.load %arg0[%get3A, %get3A_0, %get3A_1] : memref<2x10000x128xf32, #tpu.memory_space<vmem>>, vector<1x10000x128xf32>
    %get3A_3 = vector.shape_cast %get3A_2 : vector<1x10000x128xf32> to vector<10000x128xf32>
    %get3A_4 = arith.constant 1 : index
    %get3A_5 = arith.constant 0 : index
    %get3A_6 = arith.constant 0 : index
    %get3A_7 = vector.load %arg0[%get3A_4, %get3A_5, %get3A_6] : memref<2x10000x128xf32, #tpu.memory_space<vmem>>, vector<1x10000x128xf32>
    %get3A_8 = vector.shape_cast %get3A_7 : vector<1x10000x128xf32> to vector<10000x128xf32>
    %add3A = arith.addf %get3A_3, %get3A_8 : vector<10000x128xf32>
    %mul3A = arith.constant 6.250000e-02 : f32
    %mul3A_9 = vector.broadcast %mul3A : f32 to vector<10000x128xf32>
    %mul3A_10 = arith.mulf %add3A, %mul3A_9 : vector<10000x128xf32>
    %get3A_11 = arith.constant 0 : index
    %get3A_12 = arith.constant 0 : index
    %get3A_13 = vector.load %arg1[%get3A_11, %get3A_12] : memref<10000x10xf32, #tpu.memory_space<vmem>>, vector<10000x10xf32>
    %get3A_14 = arith.constant 0 : index
    %get3A_15 = arith.constant 0 : index
    %get3A_16 = vector.load %arg5[%get3A_14, %get3A_15] : memref<10x128xf32, #tpu.memory_space<vmem>>, vector<10x128xf32>
    %dot_general3A = arith.constant dense<0.000000e+00> : vector<10000x128xf32>
    %dot_general3A_17 = tpu.matmul %get3A_13, %get3A_16, %dot_general3A {dimension_numbers = #tpu.dot_dimension_numbers<[1], [0], [0], [1], [0, 0, 1, 1], [], []>, transpose_lhs_hint = false} : vector<10000x10xf32>, vector<10x128xf32>, vector<10000x128xf32> -> vector<10000x128xf32>
    %mul3A_18 = arith.mulf %mul3A_10, %dot_general3A_17 : vector<10000x128xf32>
    %get3A_19 = arith.constant 0 : index
    %get3A_20 = arith.constant 0 : index
    %get3A_21 = vector.load %arg6[%get3A_19, %get3A_20] : memref<128x128xf32, #tpu.memory_space<vmem>>, vector<128x128xf32>
    %dot_general3A_22 = arith.constant dense<0.000000e+00> : vector<10000x128xf32>
    %dot_general3A_23 = tpu.matmul %mul3A_18, %get3A_21, %dot_general3A_22 {dimension_numbers = #tpu.dot_dimension_numbers<[1], [0], [0], [1], [0, 0, 1, 1], [], []>, transpose_lhs_hint = false} : vector<10000x128xf32>, vector<128x128xf32>, vector<10000x128xf32> -> vector<10000x128xf32>
    %logistic3A = arith.negf %dot_general3A_23 : vector<10000x128xf32>
    %logistic3A_24 = math.exp %logistic3A : vector<10000x128xf32>
    %logistic3A_25 = arith.constant 1.000000e+00 : f32
    %logistic3A_26 = vector.broadcast %logistic3A_25 : f32 to vector<10000x128xf32>
    %logistic3A_27 = arith.addf %logistic3A_26, %logistic3A_24 : vector<10000x128xf32>
    %logistic3A_28 = arith.divf %logistic3A_26, %logistic3A_27 : vector<10000x128xf32>
    %mul3A_29 = arith.mulf %dot_general3A_23, %logistic3A_28 : vector<10000x128xf32>
    %get3A_30 = arith.constant 0 : index
    %get3A_31 = arith.constant 0 : index
    %get3A_32 = vector.load %arg2[%get3A_30, %get3A_31] : memref<10000x128xf32, #tpu.memory_space<vmem>>, vector<10000x128xf32>
    %add3A_33 = arith.addf %get3A_32, %mul3A_29 : vector<10000x128xf32>
    %swap3A = arith.constant 0 : index
    %swap3A_34 = arith.constant 0 : index
    %swap3A_35 = vector.load %arg9[%swap3A, %swap3A_34] : memref<10000x128xf32, #tpu.memory_space<vmem>>, vector<10000x128xf32>
    tpu.vector_store %arg9[%swap3A, %swap3A_34], %add3A_33 {strides = array<i32>} : memref<10000x128xf32, #tpu.memory_space<vmem>>, vector<10000x128xf32>,
    %get3A_36 = arith.constant 0 : index
    %get3A_37 = arith.constant 0 : index
    %get3A_38 = vector.load %arg7[%get3A_36, %get3A_37] : memref<128x4xf32, #tpu.memory_space<vmem>>, vector<128x4xf32>
    %dot_general3A_39 = arith.constant dense<0.000000e+00> : vector<10000x4xf32>
    %dot_general3A_40 = tpu.matmul %add3A_33, %get3A_38, %dot_general3A_39 {dimension_numbers = #tpu.dot_dimension_numbers<[1], [0], [0], [1], [0, 0, 1, 1], [], []>, transpose_lhs_hint = false} : vector<10000x128xf32>, vector<128x4xf32>, vector<10000x4xf32> -> vector<10000x4xf32>
    %slice3A = vector.extract_strided_slice %dot_general3A_40 {offsets = [0, 0], sizes = [10000, 1], strides = [1, 1]} : vector<10000x4xf32> to vector<10000x1xf32>
    %get3A_41 = arith.constant 0 : index
    %get3A_42 = arith.constant 0 : index
    %get3A_43 = vector.load %arg3[%get3A_41, %get3A_42] : memref<10000x3xf32, #tpu.memory_space<vmem>>, vector<10000x3xf32>
    %get3A_44 = arith.constant 0 : index
    %get3A_45 = arith.constant 0 : index
    %get3A_46 = vector.load %arg4[%get3A_44, %get3A_45] : memref<4x10000xf32, #tpu.memory_space<vmem>>, vector<4x10000xf32>
    %dot_general3A_47 = arith.constant dense<0.000000e+00> : vector<4x4xf32>
    %dot_general3A_48 = tpu.matmul %get3A_46, %dot_general3A_40, %dot_general3A_47 {dimension_numbers = #tpu.dot_dimension_numbers<[1], [0], [0], [1], [0, 0, 1, 1], [], []>, transpose_lhs_hint = false} : vector<4x10000xf32>, vector<10000x4xf32>, vector<4x4xf32> -> vector<4x4xf32>
    %swap3A_49 = arith.constant 0 : index
    %swap3A_50 = arith.constant 0 : index
    %swap3A_51 = vector.load %arg10[%swap3A_49, %swap3A_50] : memref<4x4xf32, #tpu.memory_space<vmem>>, vector<4x4xf32>
    tpu.vector_store %arg10[%swap3A_49, %swap3A_50], %dot_general3A_48 {strides = array<i32>} : memref<4x4xf32, #tpu.memory_space<vmem>>, vector<4x4xf32>,
    %mul3A_52 = vector.broadcast %slice3A : vector<10000x1xf32> to vector<10000x3xf32>
    %mul3A_53 = arith.mulf %mul3A_52, %get3A_43 : vector<10000x3xf32>
    %dot_general3A_54 = arith.constant dense<0.000000e+00> : vector<4x3xf32>
    %dot_general3A_55 = tpu.matmul %get3A_46, %mul3A_53, %dot_general3A_54 {dimension_numbers = #tpu.dot_dimension_numbers<[1], [0], [0], [1], [0, 0, 1, 1], [], []>, transpose_lhs_hint = false} : vector<4x10000xf32>, vector<10000x3xf32>, vector<4x3xf32> -> vector<4x3xf32>
    %swap3A_56 = arith.constant 0 : index
    %swap3A_57 = arith.constant 0 : index
    %swap3A_58 = vector.load %arg11[%swap3A_56, %swap3A_57] : memref<4x3xf32, #tpu.memory_space<vmem>>, vector<4x3xf32>
    tpu.vector_store %arg11[%swap3A_56, %swap3A_57], %dot_general3A_55 {strides = array<i32>} : memref<4x3xf32, #tpu.memory_space<vmem>>, vector<4x3xf32>,
    %dot_general3A_59 = arith.constant dense<0.000000e+00> : vector<4x3xf32>
    %dot_general3A_60 = tpu.matmul %get3A_46, %get3A_43, %dot_general3A_59 {dimension_numbers = #tpu.dot_dimension_numbers<[1], [0], [0], [1], [0, 0, 1, 1], [], []>, transpose_lhs_hint = false} : vector<4x10000xf32>, vector<10000x3xf32>, vector<4x3xf32> -> vector<4x3xf32>
    %swap3A_61 = arith.constant 0 : index
    %swap3A_62 = arith.constant 0 : index
    %swap3A_63 = vector.load %arg12[%swap3A_61, %swap3A_62] : memref<4x3xf32, #tpu.memory_space<vmem>>, vector<4x3xf32>
    tpu.vector_store %arg12[%swap3A_61, %swap3A_62], %dot_general3A_60 {strides = array<i32>} : memref<4x3xf32, #tpu.memory_space<vmem>>, vector<4x3xf32>,
    return
  }
}

module attributes {stable_mosaic.version = 14 : i64} {
  func.func @_node_body(%arg0: memref<2x10000x128xf32, #tpu.memory_space<vmem>>, %arg1: memref<10000x10xf32, #tpu.memory_space<vmem>>, %arg2: memref<10000x128xf32, #tpu.memory_space<vmem>>, %arg3: memref<10000x3xf32, #tpu.memory_space<vmem>>, %arg4: memref<4x10000xf32, #tpu.memory_space<vmem>>, %arg5: memref<10x128xf32, #tpu.memory_space<vmem>>, %arg6: memref<128x128xf32, #tpu.memory_space<vmem>>, %arg7: memref<128x16xf32, #tpu.memory_space<vmem>>, %arg8: memref<16x4xf32, #tpu.memory_space<vmem>>, %arg9: memref<10000x128xf32, #tpu.memory_space<vmem>>, %arg10: memref<4x4xf32, #tpu.memory_space<vmem>>, %arg11: memref<4x3xf32, #tpu.memory_space<vmem>>, %arg12: memref<4x3xf32, #tpu.memory_space<vmem>>) attributes {dimension_semantics = [], scalar_prefetch = 0 : i64, scratch_operands = 0 : i64, tpu.core_type = #tpu.core_type<tc>} {
    %get3A = arith.constant 0 : index
    %get3A_0 = arith.constant 0 : index
    %get3A_1 = arith.constant 0 : index
    %get3A_2 = vector.load %arg0[%get3A, %get3A_0, %get3A_1] : memref<2x10000x128xf32, #tpu.memory_space<vmem>>, vector<1x10000x128xf32>
    %get3A_3 = vector.shape_cast %get3A_2 : vector<1x10000x128xf32> to vector<10000x128xf32>
    %get3A_4 = arith.constant 1 : index
    %get3A_5 = arith.constant 0 : index
    %get3A_6 = arith.constant 0 : index
    %get3A_7 = vector.load %arg0[%get3A_4, %get3A_5, %get3A_6] : memref<2x10000x128xf32, #tpu.memory_space<vmem>>, vector<1x10000x128xf32>
    %get3A_8 = vector.shape_cast %get3A_7 : vector<1x10000x128xf32> to vector<10000x128xf32>
    %add3A = arith.addf %get3A_3, %get3A_8 : vector<10000x128xf32>
    %mul3A = arith.constant 6.250000e-02 : f32
    %mul3A_9 = vector.broadcast %mul3A : f32 to vector<10000x128xf32>
    %mul3A_10 = arith.mulf %add3A, %mul3A_9 : vector<10000x128xf32>
    %get3A_11 = arith.constant 0 : index
    %get3A_12 = arith.constant 0 : index
    %get3A_13 = vector.load %arg1[%get3A_11, %get3A_12] : memref<10000x10xf32, #tpu.memory_space<vmem>>, vector<10000x10xf32>
    %get3A_14 = arith.constant 0 : index
    %get3A_15 = arith.constant 0 : index
    %get3A_16 = vector.load %arg5[%get3A_14, %get3A_15] : memref<10x128xf32, #tpu.memory_space<vmem>>, vector<10x128xf32>
    %dot_general3A = arith.constant dense<0.000000e+00> : vector<10000x128xf32>
    %dot_general3A_17 = tpu.matmul %get3A_13, %get3A_16, %dot_general3A {dimension_numbers = #tpu.dot_dimension_numbers<[1], [0], [0], [1], [0, 0, 1, 1], [], []>, transpose_lhs_hint = false} : vector<10000x10xf32>, vector<10x128xf32>, vector<10000x128xf32> -> vector<10000x128xf32>
    %mul3A_18 = arith.mulf %mul3A_10, %dot_general3A_17 : vector<10000x128xf32>
    %get3A_19 = arith.constant 0 : index
    %get3A_20 = arith.constant 0 : index
    %get3A_21 = vector.load %arg6[%get3A_19, %get3A_20] : memref<128x128xf32, #tpu.memory_space<vmem>>, vector<128x128xf32>
    %dot_general3A_22 = arith.constant dense<0.000000e+00> : vector<10000x128xf32>
    %dot_general3A_23 = tpu.matmul %mul3A_18, %get3A_21, %dot_general3A_22 {dimension_numbers = #tpu.dot_dimension_numbers<[1], [0], [0], [1], [0, 0, 1, 1], [], []>, transpose_lhs_hint = false} : vector<10000x128xf32>, vector<128x128xf32>, vector<10000x128xf32> -> vector<10000x128xf32>
    %logistic3A = arith.negf %dot_general3A_23 : vector<10000x128xf32>
    %logistic3A_24 = math.exp %logistic3A : vector<10000x128xf32>
    %logistic3A_25 = arith.constant 1.000000e+00 : f32
    %logistic3A_26 = vector.broadcast %logistic3A_25 : f32 to vector<10000x128xf32>
    %logistic3A_27 = arith.addf %logistic3A_26, %logistic3A_24 : vector<10000x128xf32>
    %logistic3A_28 = arith.divf %logistic3A_26, %logistic3A_27 : vector<10000x128xf32>
    %mul3A_29 = arith.mulf %dot_general3A_23, %logistic3A_28 : vector<10000x128xf32>
    %get3A_30 = arith.constant 0 : index
    %get3A_31 = arith.constant 0 : index
    %get3A_32 = vector.load %arg2[%get3A_30, %get3A_31] : memref<10000x128xf32, #tpu.memory_space<vmem>>, vector<10000x128xf32>
    %add3A_33 = arith.addf %get3A_32, %mul3A_29 : vector<10000x128xf32>
    %swap3A = arith.constant 0 : index
    %swap3A_34 = arith.constant 0 : index
    %swap3A_35 = vector.load %arg9[%swap3A, %swap3A_34] : memref<10000x128xf32, #tpu.memory_space<vmem>>, vector<10000x128xf32>
    tpu.vector_store %arg9[%swap3A, %swap3A_34], %add3A_33 {strides = array<i32>} : memref<10000x128xf32, #tpu.memory_space<vmem>>, vector<10000x128xf32>,
    %get3A_36 = arith.constant 0 : index
    %get3A_37 = arith.constant 0 : index
    %get3A_38 = vector.load %arg7[%get3A_36, %get3A_37] : memref<128x16xf32, #tpu.memory_space<vmem>>, vector<128x16xf32>
    %dot_general3A_39 = arith.constant dense<0.000000e+00> : vector<10000x16xf32>
    %dot_general3A_40 = tpu.matmul %add3A_33, %get3A_38, %dot_general3A_39 {dimension_numbers = #tpu.dot_dimension_numbers<[1], [0], [0], [1], [0, 0, 1, 1], [], []>, transpose_lhs_hint = false} : vector<10000x128xf32>, vector<128x16xf32>, vector<10000x16xf32> -> vector<10000x16xf32>
    %logistic3A_41 = arith.negf %dot_general3A_40 : vector<10000x16xf32>
    %logistic3A_42 = math.exp %logistic3A_41 : vector<10000x16xf32>
    %logistic3A_43 = arith.constant 1.000000e+00 : f32
    %logistic3A_44 = vector.broadcast %logistic3A_43 : f32 to vector<10000x16xf32>
    %logistic3A_45 = arith.addf %logistic3A_44, %logistic3A_42 : vector<10000x16xf32>
    %logistic3A_46 = arith.divf %logistic3A_44, %logistic3A_45 : vector<10000x16xf32>
    %mul3A_47 = arith.mulf %dot_general3A_40, %logistic3A_46 : vector<10000x16xf32>
    %get3A_48 = arith.constant 0 : index
    %get3A_49 = arith.constant 0 : index
    %get3A_50 = vector.load %arg8[%get3A_48, %get3A_49] : memref<16x4xf32, #tpu.memory_space<vmem>>, vector<16x4xf32>
    %dot_general3A_51 = arith.constant dense<0.000000e+00> : vector<10000x4xf32>
    %dot_general3A_52 = tpu.matmul %mul3A_47, %get3A_50, %dot_general3A_51 {dimension_numbers = #tpu.dot_dimension_numbers<[1], [0], [0], [1], [0, 0, 1, 1], [], []>, transpose_lhs_hint = false} : vector<10000x16xf32>, vector<16x4xf32>, vector<10000x4xf32> -> vector<10000x4xf32>
    %slice3A = vector.extract_strided_slice %dot_general3A_52 {offsets = [0, 0], sizes = [10000, 1], strides = [1, 1]} : vector<10000x4xf32> to vector<10000x1xf32>
    %get3A_53 = arith.constant 0 : index
    %get3A_54 = arith.constant 0 : index
    %get3A_55 = vector.load %arg3[%get3A_53, %get3A_54] : memref<10000x3xf32, #tpu.memory_space<vmem>>, vector<10000x3xf32>
    %get3A_56 = arith.constant 0 : index
    %get3A_57 = arith.constant 0 : index
    %get3A_58 = vector.load %arg4[%get3A_56, %get3A_57] : memref<4x10000xf32, #tpu.memory_space<vmem>>, vector<4x10000xf32>
    %dot_general3A_59 = arith.constant dense<0.000000e+00> : vector<4x4xf32>
    %dot_general3A_60 = tpu.matmul %get3A_58, %dot_general3A_52, %dot_general3A_59 {dimension_numbers = #tpu.dot_dimension_numbers<[1], [0], [0], [1], [0, 0, 1, 1], [], []>, transpose_lhs_hint = false} : vector<4x10000xf32>, vector<10000x4xf32>, vector<4x4xf32> -> vector<4x4xf32>
    %swap3A_61 = arith.constant 0 : index
    %swap3A_62 = arith.constant 0 : index
    %swap3A_63 = vector.load %arg10[%swap3A_61, %swap3A_62] : memref<4x4xf32, #tpu.memory_space<vmem>>, vector<4x4xf32>
    tpu.vector_store %arg10[%swap3A_61, %swap3A_62], %dot_general3A_60 {strides = array<i32>} : memref<4x4xf32, #tpu.memory_space<vmem>>, vector<4x4xf32>,
    %mul3A_64 = vector.broadcast %slice3A : vector<10000x1xf32> to vector<10000x3xf32>
    %mul3A_65 = arith.mulf %mul3A_64, %get3A_55 : vector<10000x3xf32>
    %dot_general3A_66 = arith.constant dense<0.000000e+00> : vector<4x3xf32>
    %dot_general3A_67 = tpu.matmul %get3A_58, %mul3A_65, %dot_general3A_66 {dimension_numbers = #tpu.dot_dimension_numbers<[1], [0], [0], [1], [0, 0, 1, 1], [], []>, transpose_lhs_hint = false} : vector<4x10000xf32>, vector<10000x3xf32>, vector<4x3xf32> -> vector<4x3xf32>
    %swap3A_68 = arith.constant 0 : index
    %swap3A_69 = arith.constant 0 : index
    %swap3A_70 = vector.load %arg11[%swap3A_68, %swap3A_69] : memref<4x3xf32, #tpu.memory_space<vmem>>, vector<4x3xf32>
    tpu.vector_store %arg11[%swap3A_68, %swap3A_69], %dot_general3A_67 {strides = array<i32>} : memref<4x3xf32, #tpu.memory_space<vmem>>, vector<4x3xf32>,
    %dot_general3A_71 = arith.constant dense<0.000000e+00> : vector<4x3xf32>
    %dot_general3A_72 = tpu.matmul %get3A_58, %get3A_55, %dot_general3A_71 {dimension_numbers = #tpu.dot_dimension_numbers<[1], [0], [0], [1], [0, 0, 1, 1], [], []>, transpose_lhs_hint = false} : vector<4x10000xf32>, vector<10000x3xf32>, vector<4x3xf32> -> vector<4x3xf32>
    %swap3A_73 = arith.constant 0 : index
    %swap3A_74 = arith.constant 0 : index
    %swap3A_75 = vector.load %arg12[%swap3A_73, %swap3A_74] : memref<4x3xf32, #tpu.memory_space<vmem>>, vector<4x3xf32>
    tpu.vector_store %arg12[%swap3A_73, %swap3A_74], %dot_general3A_72 {strides = array<i32>} : memref<4x3xf32, #tpu.memory_space<vmem>>, vector<4x3xf32>,
    return
  }
}

</mosaic_0001>

<sc_bundles>
// kernel: kernel.12.cloned.1.call-start
scs
__scs_entry_jumppad:
0x0: {  	(pc) =	sbr.rel $0x88, $3  }
0x1: {  	(tag) =	ssettag $0x0;
	lr =	simm.s32 $0x1  }
0x2: {  	[smem:$0x3F91] =	sst lr;
	_ =	strace $0xD0000000  }
0x3: {  	_ = 	snop  }
0x4: {  	_ = 	snop  }
0x5: {  	_ = 	snop  }
0x6: {  	_ = 	snop  }
0x7: {  	_ = 	snop  }
__scs_overlays_trampoline_lowered:
0x8: {  	[smem:$0x3FA0] =	sst s0  }
0x9: {  	[smem:$0x3FA1] =	sst s1  }
0xa: {  	[smem:$0x3FA2] =	sst s2  }
0xb: {  	[smem:$0x3FA3] =	sst s3  }
0xc: {  	[smem:$0x3FA4] =	sst s4  }
0xd: {  	[smem:$0x3FA5] =	sst s5  }
0xe: {  	[smem:$0x3FA6] =	sst s6  }
0xf: {  	[smem:$0x3FA7] =	sst s7  }
0x10: {  	[smem:$0x3FA8] =	sst s8  }
0x11: {  	[smem:$0x3FA9] =	sst s9;
	s0 =	simm.s32 @!p0 $0x0  }
0x12: {  	s1 =	sld [smem:$0x3F8F];
	s0 =	simm.s32 @p0 $0x1  }
0x13: {  	[smem:$0x3FAA] =	sst s0;
	s0 =	simm.s32 @!p1 $0x0  }
0x14: {  	s2 =	sld [smem:$0x3F8E];
	s0 =	simm.s32 @p1 $0x1  }
0x15: {  	[smem:$0x3FAB] =	sst s0;
	s0 =	simm.s32 @!p2 $0x0  }
0x16: {  	s3 =	sld [smem:$0x3FDB];
	s0 =	simm.s32 @p2 $0x1  }
0x17: {  	s4 =	simm.s32 $0x1BF5;
	[smem:$0x3FAD] =	sst s0  }
0x18: {  	s0 =	sld [smem:$0x3F90];
	_ =	swait.ge [sflag:s4], $0x0  }
0x19: {  	s7 =	sld [smem:$0x3F91]  }
0x1a: {  	s8 =	sadd.s32 $0xFFFFE003, lr  }
0x1b: {  	s9 =	sadd.s32 $0xFFFFFEF7, lr;
	s5 =	simm.s32 $0xFFFFFFFF;
	p2 =	slt.u32 s8, $0xFFFFF086  }
0x1c: {  	p1 =	slt.u32 s9, $0xF7A;
	s5 =	simm.s32 @!p2 $0x0  }
0x1d: {  	s5 =	simm.s32 @p1 $0x1;
	p0 =	seq.s32 s7, s2  }
0x1e: {  	s7 =	smul.u32 @!p0 $0xF7A, s2;
	p2 =	seq.s32 @!p0 s5, $0x0  }
0x1f: {  	s9 =	smul.u32 $0xF7A, s1;
	s8 =	simm.s32 @!p0 $0x1BF5;
	p2 =	por !p2, p0  }
0x20: {  	[sflag:s8] =	ssyncset.s32 @!p0 $0xFFFFF086;
	s6 =	sadd.s32 @!p0 s3, s7;
	s7 =	simm.s32 @!p0 $0x108  }
0x21: {  	s3 =	sadd.s32 s3, s9;
	s6 =	sadd.s32 @!p0 $0x88, s6;
	s7 =	simm.s32 @p2 $0x1082  }
0x22: {  	[simem:s7], [sflag:s8] =	dma.local @!p0 [hbm:s6], $0xF7A  }
0x23: {  	s9 =	sor.u32 $0xD0000000, s2;
	s6 =	simm.s32 $0x108;
	_ =	swait.ge @!p0 [sflag:s8], $0x0  }
0x24: {  	s3 =	sadd.s32 $0x88, s3;
	s6 =	simm.s32 @!p1 $0x1082;
	[sflag:s4] =	ssyncset.s32 $0xFFFFF086  }
0x25: {  	[simem:s6], [sflag:s4] =	dma.local [hbm:s3], $0xF7A  }
0x26: {  	[smem:$0x3F91] =	sst s1;
	(tag) =	ssettag s2;
	_ =	strace s9  }
0x27: {  	s1 =	sld [smem:$0x3FA1]  }
0x28: {  	s2 =	sld [smem:$0x3FA2]  }
0x29: {  	s4 =	sld [smem:$0x3FA4]  }
0x2a: {  	p0 =	seq.s32 s5, $0x0;
	s5 =	sld [smem:$0x3FA5]  }
0x2b: {  	s6 =	sld [smem:$0x3FA6]  }
0x2c: {  	s7 =	sld [smem:$0x3FA7]  }
0x2d: {  	s3 =	simm.s32 $0x108;
	s8 =	sld [smem:$0x3FA8]  }
0x2e: {  	s3 =	simm.s32 @!p0 $0x1082;
	s9 =	sld [smem:$0x3FA9]  }
0x2f: {  	lr =	sadd.s32 s0, s3;
	s0 =	sld [smem:$0x3FA0]  }
0x30: {  	s3 =	sld [smem:$0x3FA3]  }
0x31: {  	[smem:$0x3FAC] =	sst s10  }
0x32: {  	s10 =	sld [smem:$0x3FAA];
	_ =	sdelay $0x3  }
0x33: {  	p0 =	seq.s32 s10, $0x1;
	s10 =	sld [smem:$0x3FAC];
	_ =	sdelay $0x3  }
0x34: {  	[smem:$0x3FAC] =	sst s10  }
0x35: {  	s10 =	sld [smem:$0x3FAB];
	_ =	sdelay $0x3  }
0x36: {  	p1 =	seq.s32 s10, $0x1;
	s10 =	sld [smem:$0x3FAC];
	_ =	sdelay $0x3  }
0x37: {  	[smem:$0x3FAC] =	sst s10  }
0x38: {  	s10 =	sld [smem:$0x3FAD]  }
0x39: {  	_ = 	snop;
	(pc) =	sbr.ind lr, $3  }
0x3a: {  	_ = 	snop  }
0x3b: {  	_ = 	snop  }
0x3c: {  	p2 =	seq.s32 s10, $0x1;
	s10 =	sld [smem:$0x3FAC]  }
0x3d: {  	_ =	shalt  }
0x3e: {  	_ =	shalt  }
0x3f: {  	_ =	shalt  }
0x40: {  	_ =	shalt  }
0x41: {  	_ =	shalt  }
0x42: {  	_ =	shalt  }
0x43: {  	_ =	shalt  }
0x44: {  	_ =	shalt  }
0x45: {  	_ =	shalt  }
0x46: {  	_ =	shalt  }
0x47: {  	_ =	shalt  }
0x48: {  	_ =	shalt  }
0x49: {  	_ =	shalt  }
0x4a: {  	_ =	shalt  }
0x4b: {  	_ =	shalt  }
0x4c: {  	_ =	shalt  }
0x4d: {  	_ =	shalt  }
0x4e: {  	_ =	shalt  }
0x4f: {  	_ =	shalt  }
0x50: {  	_ =	shalt  }
0x51: {  	_ =	shalt  }
0x52: {  	_ =	shalt  }
0x53: {  	_ =	shalt  }
0x54: {  	_ =	shalt  }
0x55: {  	_ =	shalt  }
0x56: {  	_ =	shalt  }
0x57: {  	_ =	shalt  }
0x58: {  	_ =	shalt  }
0x59: {  	_ =	shalt  }
0x5a: {  	_ =	shalt  }
0x5b: {  	_ =	shalt  }
0x5c: {  	_ =	shalt  }
0x5d: {  	_ =	shalt  }
0x5e: {  	_ =	shalt  }
0x5f: {  	_ =	shalt  }
0x60: {  	_ =	shalt  }
0x61: {  	_ =	shalt  }
0x62: {  	_ =	shalt  }
0x63: {  	_ =	shalt  }
0x64: {  	_ =	shalt  }
0x65: {  	_ =	shalt  }
0x66: {  	_ =	shalt  }
0x67: {  	_ =	shalt  }
0x68: {  	_ =	shalt  }
0x69: {  	_ =	shalt  }
0x6a: {  	_ =	shalt  }
0x6b: {  	_ =	shalt  }
0x6c: {  	_ =	shalt  }
0x6d: {  	_ =	shalt  }
0x6e: {  	_ =	shalt  }
0x6f: {  	_ =	shalt  }
0x70: {  	_ =	shalt  }
0x71: {  	_ =	shalt  }
0x72: {  	_ =	shalt  }
0x73: {  	_ =	shalt  }
0x74: {  	_ =	shalt  }
0x75: {  	_ =	shalt  }
0x76: {  	_ =	shalt  }
0x77: {  	_ =	shalt  }
0x78: {  	_ =	shalt  }
0x79: {  	_ =	shalt  }
0x7a: {  	_ =	shalt  }
0x7b: {  	_ =	shalt  }
0x7c: {  	_ =	shalt  }
0x7d: {  	_ =	shalt  }
0x7e: {  	_ =	shalt  }
0x7f: {  	_ =	shalt  }
0x80: {  	_ =	shalt  }
0x81: {  	_ =	shalt  }
0x82: {  	_ =	shalt  }
0x83: {  	_ =	shalt  }
0x84: {  	_ =	shalt  }
0x85: {  	_ =	shalt  }
0x86: {  	_ =	shalt  }
0x87: {  	_ =	shalt  }
.Lfunc_end0:
.L_simem_size_0:
called_computation.1_lowered:
.L_overlay_start_0:
0x88: {  	s2 =	sld [smem:$0x3FD9]  }
0x89: {  	s3 =	sld [smem:$0x3FFE];
	_ =	sdelay $0x1  }
0x8a: {  	s1 =	srdreg.scid  }
0x8b: {  	s0 =	sand.u32 $0x1, s1  }
0x8c: {  	s16 =	sshll.u32 s0, $0xA;
	s2 =	sadd.s32 s3, s2  }
0x8d: {  	s2 =	sadd.s32 s2, s16  }
0x8e: {  	[smem:$0x3FB8] =	sst s2  }
0x8f: {  	_ = 	snop  }
0x90: {  	(tm) =	ssettm $0x1  }
0x91: {  	s17 =	sld [smem:$0x3FFB];
	_ =	sdelay $0x3  }
0x92: {  	_ =	strace s17  }
0x93: {  	s2 =	sld [smem:$0x3FFC];
	_ =	sdelay $0x3  }
0x94: {  	_ =	strace s2  }
0x95: {  	s2 =	sld [smem:$0x3FFD];
	_ =	sdelay $0x3  }
0x96: {  	_ =	strace s2  }
0x97: {  	_ =	strace $0x8FFFFFFF  }
0x98: {  	s18 =	sld [smem:$0x3FDB];
	_ =	sdelay $0x1  }
0x99: {  	s19 =	simm.s32 $_scs_section_size  }
0x9a: {  	s4 =	simm.s32 $_size__tile_overlayer_lowered;
	s5 =	simm.s32 $_tile_overlayer_lowered  }
0x9b: {  	s22 =	simm.s32 $0x1BFF;
	s21 =	sshll.u32 s5, $0x1;
	s2 =	sadd.s32 s19, s18  }
0x9c: {  	s6 =	simm.s32 $0x0;
	s20 =	sshll.u32 s4, $0x1;
	s4 =	sadd.s32 s21, s2  }
0x9d: {  	[timem:s6], [sflag:s22] =	dma.local [hbm:s4], s20  }
0x9e: {  	_ =	swait.ge [sflag:s22], s20  }
0x9f: {  	s3 =	ssub.s32 $0x0, s20;
	[sflag:s22] =	ssyncset.done $0x0  }
0xa0: {  	[sflag:s22] =	ssyncadd.s32 s3;
	_ =	sdelay $0x1  }
0xa1: {  	s23 =	simm.s32 $0x1B8B  }
0xa2: {  	_ =	swait.ge [sflag:s23], $0x1  }
0xa3: {  	[sflag:s23] =	ssyncset.done $0x0  }
0xa4: {  	s25 =	simm.s32 $0x1B8E;
	s24 =	sld [smem:$0x3FFE];
	[sflag:s23] =	ssyncadd.s32 $0xFFFFFFFF  }
0xa5: {  	s26 =	simm.s32 $execute0_lowered;
	[smem:$0x3FD2] =	sst s25  }
0xa6: {  	s4 =	sshll.u32 s26, $0x1;
	_ =	strace $0x80000049;
	[dreg:$0x1] =	wrdreg $0xFFFFFFFF  }
0xa7: {  	s28 =	simm.s32 $_size_execute0_lowered;
	s2 =	sadd.s32 s2, s4;
	[dreg:$0x0] =	wrdreg $0x0  }
0xa8: {  	s4 =	sshll.u32 s28, $0x1;
	[dreg:$0x2] =	wrdreg s2  }
0xa9: {  	[dreg:$0x3] =	wrdreg s4  }
0xaa: {  	[dreg:$0x4] =	wrdreg $0xC0  }
0xab: {  	_ =	task [dreg:s6], $0x5FFFF  }
0xac: {  	[dreg:$0x1] =	wrdreg $0xFFFFFFFF  }
0xad: {  	[dreg:$0x0] =	wrdreg $0x60  }
0xae: {  	[dreg:$0x2] =	wrdreg s24  }
0xaf: {  	[dreg:$0x3] =	wrdreg $0x0  }
0xb0: {  	[dreg:$0x4] =	wrdreg $0x9  }
0xb1: {  	_ =	task.clear_ibuf [dreg:s6], $0x5FFFF;
	_ =	strace $0x90000049  }
0xb2: {  	s29 =	simm.s32 $0x9;
	_ =	strace $0x8000004B  }
0xb3: {  	_ =	swait.ge [sflag:s29], $0x1  }
0xb4: {  	[sflag:s29] =	ssyncadd.s32 $0xFFFFFFFF  }
0xb5: {  	_ =	strace $0x9000004B  }
0xb6: {  	_ =	sfence  }
0xb7: {  	s30 =	sld [smem:$0x0];
	_ =	sdelay $0x2  }
0xb8: {  	s31 =	sshll.u32 s1, $0xD;
	s1 =	sshrl.u32 s1, $0x2  }
0xb9: {  	s3 =	sand.u32 $0x4000, s31;
	s1 =	sadd.s32 s1, s30  }
0xba: {  	s0 =	sor.u32 s3, s0;
	s1 =	sshll.u32 s1, $0x11  }
0xbb: {  	s0 =	sor.u32 s1, s0  }
0xbc: {  	s0 =	sadd.s32 $0x8F2B, s0  }
0xbd: {  	[sflag:s0] =	ssyncadd.remote.s32 $0x1  }
0xbe: {  	_ =	sfence.sel $0xFFFF  }
0xbf: {  	[dreg:$0x0] =	wrdreg $0xFFFFFFFF;
	(pc) =	sbr.abs _section_cstart, $3  }
0xc0: {  	[dreg:$0x1] =	wrdreg $0xFFFFFFFF  }
0xc1: {  	_ =	task.clear_ibuf [dreg:s6], $0x2FFFF;
	_ =	strace $0x9FFFFFFF  }
0xc2: {  	(tm) =	ssettm $0x7FFFFFFF  }
0xc3: {  	_ =	shalt  }
tec
execute0_lowered:
.L_overlay_start_1:
0x0: {  	(tag) =	ssettag $0x1  }
0x1: {  	s0 =	srdreg.scid  }
0x2: {  	s17 =	stileid.u32;
	s1 =	rddreg [dreg:$0x0]  }
0x3: {  	s2 =	rddreg [dreg:$0x1];
	s18 =	simm.s32 $0x7;
	s29 =	simm.s32 $0x19B80  }
0x4: {  	s30 =	simm.s32 $0x1C380;
	s31 =	simm.s32 $0x1D780;
	s28 =	simm.s32 $0x1D800  }
0x5: {  	s0 =	sand.u32 $0x1, s0;
	s3 =	sshll.u32 s17, $0x1;
	s5 =	sadd.s32 $0x147800, s1  }
0x6: {  	s6 =	sadd.s32 $0xB32A00, s1;
	s11 =	smul.u32 $0x4E000, s17;
	s21 =	sshll.u32 s17, $0x6  }
0x7: {  	s14 =	sadd.s32 $0x138000, s2;
	s15 =	smul.u32 $0x13800, s17;
	p0 =	sne.s32 s17, $0xF  }
0x8: {  	s8 =	sor.u32 s0, s3;
	s10 =	ssub.s32 $0x2, s0;
	s0 =	smul.u32 $0x138800, s0  }
0x9: {  	s3 =	simm.s32 $0x0;
	s19 =	sshrl.u32 @!p0 s14, $0x3;
	s4 =	smul.u32 $0x2710, s8  }
0xa: {  	[smem:$0x7FF] =	sst s3;
	s12 =	sshrl.u32 s10, $0x1;
	s13 =	smul.u32 $0x27100, s8  }
0xb: {  	s11 =	sshrl.u32 s11, $0x2;
	s20 =	smul.u32 $0x138800, s8;
	s8 =	sor.u32 $0x1C07, s21  }
0xc: {  	s21 =	simm.s32 $0x5;
	_ =	strace $0x8000004A;
	s10 =	ssub.s32 s10, s12  }
0xd: {  	s11 =	sadd.s32 s11, s2;
	s24 =	sadd.s32 s15, s0;
	s0 =	sshrl.u32 s0, $0x3  }
0xe: {  	s7 =	sshrl.u32 s4, $0x3;
	s22 =	sshrl.u32 s20, $0x3;
	s23 =	sadd.s32 s6, s13  }
0xf: {  	s12 =	sshrl.u32 s24, $0x3;
	s17 =	sshrl.u32 s11, $0x3;
	s24 =	simm.s32 $0x1AF80  }
0x10: {  	s9 =	sadd.s32 s7, s1;
	s7 =	sadd.s32 $0x17400, s1;
	s1 =	sadd.s32 $0x19C00, s1  }
0x11: {  	[dreg:$0x5] =	wrdreg s23;
	s23 =	simm.s32 $0x18780;
	s16 =	sadd.s32 $0xD600, s9  }
0x12: {  	s9 =	sadd.s32 $0x3800, s9;
	s26 =	sadd.s32 s1, s12;
	[dreg:$0x3] =	wrdreg s16  }
0x13: {  	s0 =	sadd.s32 s1, s0;
	s1 =	simm.s32 $0x2;
	[dreg:$0x4] =	wrdreg s9  }
0x14: {  	s9 =	sadd.s32 s6, s22;
	[dreg:$0x8] =	wrdreg s26;
	s0 =	sadd.s32 $0x27000, s0  }
0x15: {  	s16 =	smax.u32 s10, $0x1;
	s22 =	simm.s32 $0x28;
	s26 =	simm.s32 $0x3  }
0x16: {  	s10 =	simm.s32 $0x0;
	s25 =	sadd.s32 $0x280, s9;
	[dreg:$0x9] =	wrdreg s0  }
0x17: {  	s9 =	sadd.s32 $0x500, s9;
	s0 =	simm.s32 $0x4;
	[dreg:$0x6] =	wrdreg s25  }
0x18: {  	[dreg:$0x7] =	wrdreg s9;
	s25 =	simm.s32 $0x1;
	s9 =	simm.s32 $0x6  }
.LBB2_1:
0x19: {  	[spmem:s17], [sflag:s8] =	dma.local [hbm:s7], $0x2700  }
0x1a: {  	_ =	swait.ge [sflag:s18], $0x2700  }
0x1b: {  	[sflag:s18] =	ssyncset.done $0x0  }
0x1c: {  	s11 =	simm.s32 @!p0 $0x7;
	[sflag:s18] =	ssyncadd.s32 $0xFFFFD900  }
0x1d: {  	[spmem:s19], [sflag:s8] =	dma.local @!p0 [hbm:s7], $0x100  }
0x1e: {  	_ =	swait.ge @!p0 [sflag:s11], $0x100  }
0x1f: {  	[sflag:s11] =	ssyncset.done @!p0 $0x0  }
0x20: {  	s12 =	simm.s32 $0x13880;
	s15 =	rddreg [dreg:$0x3];
	[sflag:s11] =	ssyncadd.s32 @!p0 $0xFFFFFF00  }
0x21: {  	[tilespmem:s12], [sflag:$0x7] =	stream.linear.gather [hbm4b:s15+s3], $0x2710, $0x38;
	[tilespmem:$0x1D880] =	vst v63  }
0x22: {  	_ =	swait.ge [sflag:s18], $0x2710  }
0x23: {  	[sflag:s18] =	ssyncset.done $0x0  }
0x24: {  	s13 =	simm.s32 $0x16000;
	s20 =	rddreg [dreg:$0x4];
	[sflag:s18] =	ssyncadd.s32 $0xFFFFD8F0  }
0x25: {  	[tilespmem:s13], [sflag:$0x7] =	stream.linear.gather [hbm4b:s20+s3], $0x2710, $0x38;
	[tilespmem:$0x1D880] =	vst v63  }
0x26: {  	_ =	swait.ge [sflag:s18], $0x2710  }
0x27: {  	[sflag:s18] =	ssyncset.done $0x0  }
0x28: {  	[sflag:s18] =	ssyncadd.s32 $0xFFFFD8F0  }
0x29: {  	[bflag:$0x0] =	sbarrier.arrive $0xFFFF  }
0x2a: {  	[tilespmem:s23], [sflag:$0x1] =	stream.indirect.gather [hbm4b:s5+s22], $0x80, s12, s22, $0xb8;
	[tilespmem:$0x1D880] =	vst v63  }
0x2b: {  	s14 =	rddreg [dreg:$0x5]  }
0x2c: {  	[tilespmem:s24], [sflag:$0x3] =	stream.linear.gather [hbm4b:s14+s3], $0x1400, $0x38;
	[tilespmem:$0x1D880] =	vst v63  }
0x2d: {  	_ =	swait.ge [sflag:s25], $0x1400  }
0x2e: {  	[sflag:s25] =	ssyncset.done $0x0  }
0x2f: {  	[sflag:s25] =	ssyncadd.s32 $0xFFFFEC00  }
0x30: {  	_ =	swait.ge [sflag:s26], $0x1400  }
0x31: {  	[sflag:s26] =	ssyncset.done $0x0  }
0x32: {  	[sflag:s26] =	ssyncadd.s32 $0xFFFFEC00  }
0x33: {  	v0 =	vld [tilespmem:$0x16000]  }
0x34: {  	v1 =	vld [tilespmem:$0x16010]  }
0x35: {  	v2 =	vld [tilespmem:$0x16018];
	_ =	sdelay $0x2  }
0x36: {  	[tilespmem:$0x1D780] =	vst v0  }
0x37: {  	[tilespmem:$0x1D790] =	vst v1  }
0x38: {  	s15 =	simm.s32 $0x138A8;
	[tilespmem:$0x1D798] =	vst v2  }
0x39: {  	[tilespmem:s29], [sflag:$0x2] =	stream.indirect.gather [hbm4b:s5+s22], $0x80, s15, s22, $0xb8;
	[tilespmem:$0x1D880] =	vst v63  }
0x3a: {  	s11 =	simm.s32 $0x0;
	s20 =	rddreg [dreg:$0x6]  }
0x3b: {  	[tilespmem:s30], [sflag:$0x4] =	stream.linear.gather [hbm4b:s20+s3], $0x1400, $0x38;
	[tilespmem:$0x1D880] =	vst v63  }
0x3c: {  	v7 =	vld [tilespmem:s11+$0x1AF80]  }
0x3d: {  	v11 =	vld [tilespmem:s11+$0x1AF90]  }
0x3e: {  	v5 =	vld [tilespmem:s11+$0x1AFA0]  }
0x3f: {  	v4 =	vld [tilespmem:s11+$0x1AFB0]  }
0x40: {  	v3 =	vld [tilespmem:s11+$0x1AFC0]  }
0x41: {  	v2 =	vld [tilespmem:s11+$0x1AFD0]  }
0x42: {  	v1 =	vld [tilespmem:s11+$0x1AFE0]  }
0x43: {  	v0 =	vld [tilespmem:s11+$0x1AFF0]  }
0x44: {  	v12 =	vld [tilespmem:s11+$0x18780]  }
0x45: {  	v13 =	vld [tilespmem:s11+$0x18790]  }
0x46: {  	v10 =	vld [tilespmem:s11+$0x187A0]  }
0x47: {  	v9 =	vld [tilespmem:s11+$0x187B0]  }
0x48: {  	v8 =	vld [tilespmem:s11+$0x187C0]  }
0x49: {  	v6 =	vld [tilespmem:s11+$0x187D0];
	v12 =	vmul.f32 v7, v12  }
0x4a: {  	s12 =	simm.s32 $0x200;
	v11 =	vmul.f32 v11, v13;
	v7 =	vld [tilespmem:s11+$0x187E0]  }
.LBB2_2:
0x4b: {  	s13 =	sshra.s32 s12, $0x2;
	p1 =	sne.s32 s12, $0x4E00;
	[tilespmem:s11+$0x18780] =	vst v12;
	v5 =	vmul.f32 v5, v10;
	v10 =	vld [tilespmem:s11+$0x187F0]  }
0x4c: {  	v12 =	vld [tilespmem:s13+$0x1AF80];
	[tilespmem:s11+$0x18790] =	vst v11;
	v4 =	vmul.f32 v4, v9  }
0x4d: {  	v11 =	vld [tilespmem:s13+$0x1AF90];
	[tilespmem:s11+$0x187A0] =	vst v5;
	v3 =	vmul.f32 v3, v8  }
0x4e: {  	v5 =	vld [tilespmem:s13+$0x1AFA0];
	[tilespmem:s11+$0x187B0] =	vst v4;
	v2 =	vmul.f32 v2, v6  }
0x4f: {  	v4 =	vld [tilespmem:s13+$0x1AFB0];
	[tilespmem:s11+$0x187C0] =	vst v3;
	v1 =	vmul.f32 v1, v7  }
0x50: {  	v3 =	vld [tilespmem:s13+$0x1AFC0];
	[tilespmem:s11+$0x187D0] =	vst v2;
	v0 =	vmul.f32 v0, v10  }
0x51: {  	v2 =	vld [tilespmem:s13+$0x1AFD0];
	[tilespmem:s11+$0x187E0] =	vst v1  }
0x52: {  	v1 =	vld [tilespmem:s13+$0x1AFE0];
	[tilespmem:s11+$0x187F0] =	vst v0;
	s11 =	smov.u32 s13  }
0x53: {  	v0 =	vld [tilespmem:s11+$0x1AFF0]  }
0x54: {  	v6 =	vld [tilespmem:s11+$0x18780]  }
0x55: {  	v7 =	vld [tilespmem:s11+$0x18790]  }
.Ltmp0:
0x56: {  	v10 =	vld [tilespmem:s11+$0x187A0];
	(pc) =	sbr.rel @p1 .LBB2_2-.Ltmp0, $4  }
0x57: {  	v9 =	vld [tilespmem:s11+$0x187B0]  }
0x58: {  	v8 =	vld [tilespmem:s11+$0x187C0]  }
0x59: {  	v12 =	vmul.f32 v12, v6;
	v6 =	vld [tilespmem:s11+$0x187D0]  }
0x5a: {  	s12 =	sadd.s32 $0x200, s12;
	v11 =	vmul.f32 v11, v7;
	v7 =	vld [tilespmem:s11+$0x187E0]  }
0x5b: {  	[tilespmem:s11+$0x18780] =	vst v12;
	v5 =	vmul.f32 v5, v10;
	v10 =	vld [tilespmem:s11+$0x187F0]  }
0x5c: {  	[tilespmem:s11+$0x18790] =	vst v11;
	v4 =	vmul.f32 v4, v9  }
0x5d: {  	[tilespmem:s11+$0x187A0] =	vst v5;
	v3 =	vmul.f32 v3, v8  }
0x5e: {  	[tilespmem:s11+$0x187B0] =	vst v4;
	v2 =	vmul.f32 v2, v6  }
0x5f: {  	[tilespmem:s11+$0x187C0] =	vst v3;
	v1 =	vmul.f32 v1, v7  }
0x60: {  	[tilespmem:s11+$0x187D0] =	vst v2;
	v0 =	vmul.f32 v0, v10  }
0x61: {  	[tilespmem:s11+$0x187E0] =	vst v1  }
0x62: {  	[tilespmem:s11+$0x187F0] =	vst v0  }
0x63: {  	[spmem:s2] =	stream.indirect.scatter.add.f32 [tilespmem:s23], [sflag:$0x5], $0x80, s31, s22, $0xb8;
	[tilespmem:$0x1D880] =	vst v63  }
0x64: {  	_ =	swait.ge [sflag:s1], $0x1400  }
0x65: {  	[sflag:s1] =	ssyncset.done $0x0  }
0x66: {  	[sflag:s1] =	ssyncadd.s32 $0xFFFFEC00  }
0x67: {  	_ =	swait.ge [sflag:s0], $0x1400  }
0x68: {  	[sflag:s0] =	ssyncset.done $0x0  }
0x69: {  	[sflag:s0] =	ssyncadd.s32 $0xFFFFEC00  }
0x6a: {  	v0 =	vld [tilespmem:$0x16028]  }
0x6b: {  	v1 =	vld [tilespmem:$0x16038]  }
0x6c: {  	v2 =	vld [tilespmem:$0x16040];
	_ =	sdelay $0x2  }
0x6d: {  	[tilespmem:$0x1D800] =	vst v0  }
0x6e: {  	[tilespmem:$0x1D810] =	vst v1  }
0x6f: {  	[tilespmem:$0x1D818] =	vst v2  }
0x70: {  	_ =	swait.ge [sflag:s21], $0x1400  }
0x71: {  	[sflag:s21] =	ssyncset.done $0x0  }
0x72: {  	s15 =	simm.s32 $0x138D0;
	[sflag:s21] =	ssyncadd.s32 $0xFFFFEC00  }
0x73: {  	[tilespmem:s23], [sflag:$0x1] =	stream.indirect.gather [hbm4b:s5+s22], $0x80, s15, s22, $0xb8;
	[tilespmem:$0x1D880] =	vst v63  }
0x74: {  	s20 =	simm.s32 $0x0;
	s11 =	simm.s32 $0x0;
	s12 =	rddreg [dreg:$0x7]  }
0x75: {  	[tilespmem:s24], [sflag:$0x3] =	stream.linear.gather [hbm4b:s12+s20], $0x1400, $0x38;
	[tilespmem:$0x1D880] =	vst v63  }
0x76: {  	v7 =	vld [tilespmem:s11+$0x1C380]  }
0x77: {  	v11 =	vld [tilespmem:s11+$0x1C390]  }
0x78: {  	v5 =	vld [tilespmem:s11+$0x1C3A0]  }
0x79: {  	v4 =	vld [tilespmem:s11+$0x1C3B0]  }
0x7a: {  	v3 =	vld [tilespmem:s11+$0x1C3C0]  }
0x7b: {  	v2 =	vld [tilespmem:s11+$0x1C3D0]  }
0x7c: {  	v1 =	vld [tilespmem:s11+$0x1C3E0]  }
0x7d: {  	v0 =	vld [tilespmem:s11+$0x1C3F0]  }
0x7e: {  	v12 =	vld [tilespmem:s11+$0x19B80]  }
0x7f: {  	v13 =	vld [tilespmem:s11+$0x19B90]  }
0x80: {  	v10 =	vld [tilespmem:s11+$0x19BA0]  }
0x81: {  	v9 =	vld [tilespmem:s11+$0x19BB0]  }
0x82: {  	v8 =	vld [tilespmem:s11+$0x19BC0]  }
0x83: {  	v6 =	vld [tilespmem:s11+$0x19BD0];
	v12 =	vmul.f32 v7, v12  }
0x84: {  	s12 =	simm.s32 $0x200;
	v11 =	vmul.f32 v11, v13;
	v7 =	vld [tilespmem:s11+$0x19BE0]  }
.LBB2_4:
0x85: {  	s13 =	sshra.s32 s12, $0x2;
	p1 =	sne.s32 s12, $0x4E00;
	[tilespmem:s11+$0x19B80] =	vst v12;
	v5 =	vmul.f32 v5, v10;
	v10 =	vld [tilespmem:s11+$0x19BF0]  }
0x86: {  	v12 =	vld [tilespmem:s13+$0x1C380];
	[tilespmem:s11+$0x19B90] =	vst v11;
	v4 =	vmul.f32 v4, v9  }
0x87: {  	v11 =	vld [tilespmem:s13+$0x1C390];
	[tilespmem:s11+$0x19BA0] =	vst v5;
	v3 =	vmul.f32 v3, v8  }
0x88: {  	v5 =	vld [tilespmem:s13+$0x1C3A0];
	[tilespmem:s11+$0x19BB0] =	vst v4;
	v2 =	vmul.f32 v2, v6  }
0x89: {  	v4 =	vld [tilespmem:s13+$0x1C3B0];
	[tilespmem:s11+$0x19BC0] =	vst v3;
	v1 =	vmul.f32 v1, v7  }
0x8a: {  	v3 =	vld [tilespmem:s13+$0x1C3C0];
	[tilespmem:s11+$0x19BD0] =	vst v2;
	v0 =	vmul.f32 v0, v10  }
0x8b: {  	v2 =	vld [tilespmem:s13+$0x1C3D0];
	[tilespmem:s11+$0x19BE0] =	vst v1  }
0x8c: {  	v1 =	vld [tilespmem:s13+$0x1C3E0];
	[tilespmem:s11+$0x19BF0] =	vst v0;
	s11 =	smov.u32 s13  }
0x8d: {  	v0 =	vld [tilespmem:s11+$0x1C3F0]  }
0x8e: {  	v6 =	vld [tilespmem:s11+$0x19B80]  }
0x8f: {  	v7 =	vld [tilespmem:s11+$0x19B90]  }
.Ltmp1:
0x90: {  	v10 =	vld [tilespmem:s11+$0x19BA0];
	(pc) =	sbr.rel @p1 .LBB2_4-.Ltmp1, $4  }
0x91: {  	v9 =	vld [tilespmem:s11+$0x19BB0]  }
0x92: {  	v8 =	vld [tilespmem:s11+$0x19BC0]  }
0x93: {  	v12 =	vmul.f32 v12, v6;
	v6 =	vld [tilespmem:s11+$0x19BD0]  }
0x94: {  	s12 =	sadd.s32 $0x200, s12;
	v11 =	vmul.f32 v11, v7;
	v7 =	vld [tilespmem:s11+$0x19BE0]  }
0x95: {  	[tilespmem:s11+$0x19B80] =	vst v12;
	v5 =	vmul.f32 v5, v10;
	v63 =	vld [tilespmem:s11+$0x19BF0]  }
0x96: {  	[tilespmem:s11+$0x19B90] =	vst v11;
	v4 =	vmul.f32 v4, v9  }
0x97: {  	[tilespmem:s11+$0x19BA0] =	vst v5;
	v3 =	vmul.f32 v3, v8  }
0x98: {  	[tilespmem:s11+$0x19BB0] =	vst v4;
	v2 =	vmul.f32 v2, v6  }
0x99: {  	[tilespmem:s11+$0x19BC0] =	vst v3;
	v1 =	vmul.f32 v1, v7  }
0x9a: {  	[tilespmem:s11+$0x19BD0] =	vst v2;
	v0 =	vmul.f32 v0, v63  }
0x9b: {  	[tilespmem:s11+$0x19BE0] =	vst v1  }
0x9c: {  	[tilespmem:s11+$0x19BF0] =	vst v0;
	s11 =	simm.s32 $0x1  }
0x9d: {  	[spmem:s2] =	stream.indirect.scatter.add.f32 [tilespmem:s29], [sflag:$0x6], $0x80, s28, s22, $0xb8;
	[tilespmem:$0x1D880] =	vst v63  }
.LBB2_6:
0x9e: {  	_ =	swait.ge [sflag:s25], $0x1400  }
0x9f: {  	[sflag:s25] =	ssyncset.done $0x0  }
0xa0: {  	[sflag:s25] =	ssyncadd.s32 $0xFFFFEC00  }
0xa1: {  	_ =	swait.ge [sflag:s26], $0x1400  }
0xa2: {  	s12 =	smul.u32 $0x50, s11;
	[sflag:s26] =	ssyncset.done $0x0  }
0xa3: {  	[sflag:s26] =	ssyncadd.s32 $0xFFFFEC00  }
0xa4: {  	v0 =	vld [tilespmem:s12+$0x16000];
	_ =	sdelay $0x4  }
0xa5: {  	[tilespmem:$0x1D780] =	vst v0  }
0xa6: {  	v0 =	vld [tilespmem:s12+$0x16010];
	_ =	sdelay $0x4  }
0xa7: {  	[tilespmem:$0x1D790] =	vst v0  }
0xa8: {  	v0 =	vld [tilespmem:s12+$0x16018];
	_ =	sdelay $0x4  }
0xa9: {  	[tilespmem:$0x1D798] =	vst v0  }
0xaa: {  	_ =	swait.ge [sflag:s9], $0x1400  }
0xab: {  	s13 =	sadd.s32 $0x28, s12;
	[sflag:s9] =	ssyncset.done $0x0  }
0xac: {  	s14 =	sadd.s32 $0x138A8, s12;
	s20 =	sadd.s32 s4, s13;
	[sflag:s9] =	ssyncadd.s32 $0xFFFFEC00  }
0xad: {  	[tilespmem:s29], [sflag:$0x2] =	stream.indirect.gather [hbm4b:s5+s22], $0x80, s14, s22, $0xb8;
	[tilespmem:$0x1D880] =	vst v63  }
0xae: {  	s14 =	sshll.u32 s20, $0x4  }
0xaf: {  	s20 =	simm.s32 $0x0;
	s14 =	sadd.s32 s6, s14  }
0xb0: {  	[tilespmem:s30], [sflag:$0x4] =	stream.linear.gather [hbm4b:s14+s20], $0x1400, $0x38;
	[tilespmem:$0x1D880] =	vst v63  }
0xb1: {  	s20 =	simm.s32 $0x0  }
0xb2: {  	v7 =	vld [tilespmem:s20+$0x1AF80]  }
0xb3: {  	v11 =	vld [tilespmem:s20+$0x1AF90]  }
0xb4: {  	v5 =	vld [tilespmem:s20+$0x1AFA0]  }
0xb5: {  	v4 =	vld [tilespmem:s20+$0x1AFB0]  }
0xb6: {  	v3 =	vld [tilespmem:s20+$0x1AFC0]  }
0xb7: {  	v2 =	vld [tilespmem:s20+$0x1AFD0]  }
0xb8: {  	v1 =	vld [tilespmem:s20+$0x1AFE0]  }
0xb9: {  	v0 =	vld [tilespmem:s20+$0x1AFF0]  }
0xba: {  	v12 =	vld [tilespmem:s20+$0x18780]  }
0xbb: {  	v13 =	vld [tilespmem:s20+$0x18790]  }
0xbc: {  	v10 =	vld [tilespmem:s20+$0x187A0]  }
0xbd: {  	v9 =	vld [tilespmem:s20+$0x187B0]  }
0xbe: {  	v8 =	vld [tilespmem:s20+$0x187C0]  }
0xbf: {  	v6 =	vld [tilespmem:s20+$0x187D0];
	v12 =	vmul.f32 v7, v12  }
0xc0: {  	s14 =	simm.s32 $0x200;
	v11 =	vmul.f32 v11, v13;
	v7 =	vld [tilespmem:s20+$0x187E0]  }
.LBB2_7:
0xc1: {  	s15 =	sshra.s32 s14, $0x2;
	p1 =	sne.s32 s14, $0x4E00;
	[tilespmem:s20+$0x18780] =	vst v12;
	v5 =	vmul.f32 v5, v10;
	v10 =	vld [tilespmem:s20+$0x187F0]  }
0xc2: {  	v12 =	vld [tilespmem:s15+$0x1AF80];
	[tilespmem:s20+$0x18790] =	vst v11;
	v4 =	vmul.f32 v4, v9  }
0xc3: {  	v11 =	vld [tilespmem:s15+$0x1AF90];
	[tilespmem:s20+$0x187A0] =	vst v5;
	v3 =	vmul.f32 v3, v8  }
0xc4: {  	v5 =	vld [tilespmem:s15+$0x1AFA0];
	[tilespmem:s20+$0x187B0] =	vst v4;
	v2 =	vmul.f32 v2, v6  }
0xc5: {  	v4 =	vld [tilespmem:s15+$0x1AFB0];
	[tilespmem:s20+$0x187C0] =	vst v3;
	v1 =	vmul.f32 v1, v7  }
0xc6: {  	v3 =	vld [tilespmem:s15+$0x1AFC0];
	[tilespmem:s20+$0x187D0] =	vst v2;
	v0 =	vmul.f32 v0, v10  }
0xc7: {  	v2 =	vld [tilespmem:s15+$0x1AFD0];
	[tilespmem:s20+$0x187E0] =	vst v1  }
0xc8: {  	v1 =	vld [tilespmem:s15+$0x1AFE0];
	[tilespmem:s20+$0x187F0] =	vst v0;
	s20 =	smov.u32 s15  }
0xc9: {  	v0 =	vld [tilespmem:s20+$0x1AFF0]  }
0xca: {  	v6 =	vld [tilespmem:s20+$0x18780]  }
0xcb: {  	v7 =	vld [tilespmem:s20+$0x18790]  }
.Ltmp2:
0xcc: {  	v10 =	vld [tilespmem:s20+$0x187A0];
	(pc) =	sbr.rel @p1 .LBB2_7-.Ltmp2, $4  }
0xcd: {  	v9 =	vld [tilespmem:s20+$0x187B0]  }
0xce: {  	v8 =	vld [tilespmem:s20+$0x187C0]  }
0xcf: {  	v12 =	vmul.f32 v12, v6;
	v6 =	vld [tilespmem:s20+$0x187D0]  }
0xd0: {  	s14 =	sadd.s32 $0x200, s14;
	v11 =	vmul.f32 v11, v7;
	v7 =	vld [tilespmem:s20+$0x187E0]  }
0xd1: {  	[tilespmem:s20+$0x18780] =	vst v12;
	v5 =	vmul.f32 v5, v10;
	v10 =	vld [tilespmem:s20+$0x187F0]  }
0xd2: {  	[tilespmem:s20+$0x18790] =	vst v11;
	v4 =	vmul.f32 v4, v9  }
0xd3: {  	[tilespmem:s20+$0x187A0] =	vst v5;
	v3 =	vmul.f32 v3, v8  }
0xd4: {  	[tilespmem:s20+$0x187B0] =	vst v4;
	v2 =	vmul.f32 v2, v6  }
0xd5: {  	[tilespmem:s20+$0x187C0] =	vst v3;
	v1 =	vmul.f32 v1, v7  }
0xd6: {  	[tilespmem:s20+$0x187D0] =	vst v2;
	v0 =	vmul.f32 v0, v10  }
0xd7: {  	[tilespmem:s20+$0x187E0] =	vst v1  }
0xd8: {  	[tilespmem:s20+$0x187F0] =	vst v0  }
0xd9: {  	[spmem:s2] =	stream.indirect.scatter.add.f32 [tilespmem:s23], [sflag:$0x5], $0x80, s31, s22, $0xb8;
	[tilespmem:$0x1D880] =	vst v63  }
0xda: {  	_ =	swait.ge [sflag:s1], $0x1400  }
0xdb: {  	[sflag:s1] =	ssyncset.done $0x0  }
0xdc: {  	[sflag:s1] =	ssyncadd.s32 $0xFFFFEC00  }
0xdd: {  	_ =	swait.ge [sflag:s0], $0x1400  }
0xde: {  	[sflag:s0] =	ssyncset.done $0x0  }
0xdf: {  	[sflag:s0] =	ssyncadd.s32 $0xFFFFEC00  }
0xe0: {  	v0 =	vld [tilespmem:s13+$0x16000];
	_ =	sdelay $0x4  }
0xe1: {  	[tilespmem:$0x1D800] =	vst v0  }
0xe2: {  	v0 =	vld [tilespmem:s13+$0x16010];
	_ =	sdelay $0x4  }
0xe3: {  	[tilespmem:$0x1D810] =	vst v0  }
0xe4: {  	v0 =	vld [tilespmem:s13+$0x16018];
	_ =	sdelay $0x3  }
0xe5: {  	p1 =	seq.s32 s11, $0x7C  }
0xe6: {  	s13 =	simm.s32 @!p1 $0x5;
	[tilespmem:$0x1D818] =	vst v0  }
0xe7: {  	_ =	swait.ge @!p1 [sflag:s13], $0x1400  }
0xe8: {  	s14 =	simm.s32 @!p1 $0x28;
	s15 =	simm.s32 @!p1 $0x18780;
	[sflag:s13] =	ssyncset.done @!p1 $0x0  }
0xe9: {  	[sflag:s13] =	ssyncadd.s32 @!p1 $0xFFFFEC00;
	s13 =	sadd.s32 @!p1 s4, s12;
	s12 =	sadd.s32 @!p1 $0x138D0, s12  }
0xea: {  	[tilespmem:s15], [sflag:$0x1] =	stream.indirect.gather @!p1 [hbm4b:s5+s14], $0x80, s12, s14, $0xb8;
	[tilespmem:$0x1D880] =	vst v63  }
0xeb: {  	s12 =	sshll.u32 @!p1 s13, $0x4  }
0xec: {  	s12 =	sadd.s32 @!p1 s6, s12  }
0xed: {  	s13 =	simm.s32 @!p1 $0x0;
	s14 =	simm.s32 @!p1 $0x1AF80;
	s12 =	sadd.s32 @!p1 $0x500, s12  }
0xee: {  	[tilespmem:s14], [sflag:$0x3] =	stream.linear.gather @!p1 [hbm4b:s12+s13], $0x1400, $0x38;
	[tilespmem:$0x1D880] =	vst v63  }
0xef: {  	s12 =	simm.s32 $0x0  }
0xf0: {  	v7 =	vld [tilespmem:s12+$0x1C380]  }
0xf1: {  	v11 =	vld [tilespmem:s12+$0x1C390]  }
0xf2: {  	v5 =	vld [tilespmem:s12+$0x1C3A0]  }
0xf3: {  	v4 =	vld [tilespmem:s12+$0x1C3B0]  }
0xf4: {  	v3 =	vld [tilespmem:s12+$0x1C3C0]  }
0xf5: {  	v2 =	vld [tilespmem:s12+$0x1C3D0]  }
0xf6: {  	v1 =	vld [tilespmem:s12+$0x1C3E0]  }
0xf7: {  	v0 =	vld [tilespmem:s12+$0x1C3F0]  }
0xf8: {  	v12 =	vld [tilespmem:s12+$0x19B80]  }
0xf9: {  	v13 =	vld [tilespmem:s12+$0x19B90]  }
0xfa: {  	v10 =	vld [tilespmem:s12+$0x19BA0]  }
0xfb: {  	v9 =	vld [tilespmem:s12+$0x19BB0]  }
0xfc: {  	v8 =	vld [tilespmem:s12+$0x19BC0]  }
0xfd: {  	v6 =	vld [tilespmem:s12+$0x19BD0];
	v12 =	vmul.f32 v7, v12  }
0xfe: {  	s13 =	simm.s32 $0x200;
	v11 =	vmul.f32 v11, v13;
	v7 =	vld [tilespmem:s12+$0x19BE0]  }
.LBB2_9:
0xff: {  	s14 =	sshra.s32 s13, $0x2;
	p1 =	sne.s32 s13, $0x4E00;
	[tilespmem:s12+$0x19B80] =	vst v12;
	v5 =	vmul.f32 v5, v10;
	v10 =	vld [tilespmem:s12+$0x19BF0]  }
0x100: {  	v12 =	vld [tilespmem:s14+$0x1C380];
	[tilespmem:s12+$0x19B90] =	vst v11;
	v4 =	vmul.f32 v4, v9  }
0x101: {  	v11 =	vld [tilespmem:s14+$0x1C390];
	[tilespmem:s12+$0x19BA0] =	vst v5;
	v3 =	vmul.f32 v3, v8  }
0x102: {  	v5 =	vld [tilespmem:s14+$0x1C3A0];
	[tilespmem:s12+$0x19BB0] =	vst v4;
	v2 =	vmul.f32 v2, v6  }
0x103: {  	v4 =	vld [tilespmem:s14+$0x1C3B0];
	[tilespmem:s12+$0x19BC0] =	vst v3;
	v1 =	vmul.f32 v1, v7  }
0x104: {  	v3 =	vld [tilespmem:s14+$0x1C3C0];
	[tilespmem:s12+$0x19BD0] =	vst v2;
	v0 =	vmul.f32 v0, v10  }
0x105: {  	v2 =	vld [tilespmem:s14+$0x1C3D0];
	[tilespmem:s12+$0x19BE0] =	vst v1  }
0x106: {  	v1 =	vld [tilespmem:s14+$0x1C3E0];
	[tilespmem:s12+$0x19BF0] =	vst v0;
	s12 =	smov.u32 s14  }
0x107: {  	v0 =	vld [tilespmem:s12+$0x1C3F0]  }
0x108: {  	v6 =	vld [tilespmem:s12+$0x19B80]  }
0x109: {  	v7 =	vld [tilespmem:s12+$0x19B90]  }
.Ltmp3:
0x10a: {  	v10 =	vld [tilespmem:s12+$0x19BA0];
	(pc) =	sbr.rel @p1 .LBB2_9-.Ltmp3, $4  }
0x10b: {  	v9 =	vld [tilespmem:s12+$0x19BB0]  }
0x10c: {  	v8 =	vld [tilespmem:s12+$0x19BC0]  }
0x10d: {  	v12 =	vmul.f32 v12, v6;
	v6 =	vld [tilespmem:s12+$0x19BD0]  }
0x10e: {  	s13 =	sadd.s32 $0x200, s13;
	v11 =	vmul.f32 v11, v7;
	v7 =	vld [tilespmem:s12+$0x19BE0]  }
0x10f: {  	[tilespmem:s12+$0x19B80] =	vst v12;
	v5 =	vmul.f32 v5, v10;
	v63 =	vld [tilespmem:s12+$0x19BF0]  }
0x110: {  	[tilespmem:s12+$0x19B90] =	vst v11;
	v4 =	vmul.f32 v4, v9  }
0x111: {  	s11 =	sadd.s32 $0x1, s11;
	[tilespmem:s12+$0x19BA0] =	vst v5;
	v3 =	vmul.f32 v3, v8  }
0x112: {  	p1 =	sne.s32 s11, $0x7D;
	[tilespmem:s12+$0x19BB0] =	vst v4;
	v2 =	vmul.f32 v2, v6  }
.Ltmp4:
0x113: {  	[tilespmem:s12+$0x19BC0] =	vst v3;
	v1 =	vmul.f32 v1, v7;
	(pc) =	sbr.rel @p1 .LBB2_6-.Ltmp4, $4  }
0x114: {  	[tilespmem:s12+$0x19BD0] =	vst v2;
	v0 =	vmul.f32 v0, v63  }
0x115: {  	[tilespmem:s12+$0x19BE0] =	vst v1  }
0x116: {  	[tilespmem:s12+$0x19BF0] =	vst v0  }
0x117: {  	[spmem:s2] =	stream.indirect.scatter.add.f32 [tilespmem:s29], [sflag:$0x6], $0x80, s28, s22, $0xb8;
	[tilespmem:$0x1D880] =	vst v63  }
0x118: {  	_ =	swait.ge [sflag:s21], $0x1400  }
0x119: {  	[sflag:s21] =	ssyncset.done $0x0  }
0x11a: {  	[sflag:s21] =	ssyncadd.s32 $0xFFFFEC00  }
0x11b: {  	_ =	swait.ge [sflag:s9], $0x1400  }
0x11c: {  	[sflag:s9] =	ssyncset.done $0x0  }
0x11d: {  	[sflag:s9] =	ssyncadd.s32 $0xFFFFEC00  }
0x11e: {  	[bflag:$0x0] =	sbarrier.arrive $0xFFFF  }
0x11f: {  	s11 =	rddreg [dreg:$0x8]  }
0x120: {  	[hbm:s11], [sflag:s8] =	dma.local [spmem:s17], $0x2700  }
0x121: {  	_ =	swait.ge [sflag:s18], $0x2700  }
0x122: {  	s10 =	sadd.s32 $0x1, s10;
	[sflag:s18] =	ssyncset.done $0x0  }
0x123: {  	p1 =	sne.s32 s10, s16;
	s11 =	rddreg [dreg:$0x9];
	[sflag:s18] =	ssyncadd.s32 $0xFFFFD900  }
0x124: {  	[hbm:s11], [sflag:s8] =	dma.local @!p0 [spmem:s19], $0x100  }
.Ltmp5:
0x125: {  	_ = 	snop;
	(pc) =	sbr.rel @p1 .LBB2_1-.Ltmp5, $4  }
0x126: {  	s11 =	simm.s32 @!p0 $0x7  }
0x127: {  	_ =	swait.ge @!p0 [sflag:s11], $0x100  }
0x128: {  	[sflag:s11] =	ssyncset.done @!p0 $0x0  }
0x129: {  	[sflag:s11] =	ssyncadd.s32 @!p0 $0xFFFFFF00  }
0x12a: {  	_ =	sfence.sel $0x180000  }
0x12b: {  	[bflag:$0x0] =	sbarrier.arrive $0xFFFF  }
0x12c: {  	_ =	strace $0x9000004A  }
0x12d: {  	s0 =	stileid.u32;
	[bflag:$0x2] =	sbarrier.arrive $0xFFFF  }
0x12e: {  	p0 =	sne.s32 s0, $0x0;
	s0 =	rddreg [dreg:$0x2]  }
0x12f: {  	s0 =	sadd.s32 @!p0 $0x100000, s0  }
0x130: {  	[sflag:s0] =	ssyncadd.tile.s32 @!p0 $0x1;
	_ =	shalt  }
.Lfunc_end2:
_tile_overlayer_lowered:
.L_overlay_start_2:
0x131: {  	(tag) =	ssettag $0x2  }
0x132: {  	s0 =	rddreg [dreg:$0x0];
	s2 =	stileid.u32  }
0x133: {  	s1 =	rddreg [dreg:$0x1];
	p0 =	sne.s32 s2, $0x0  }
0x134: {  	s3 =	rddreg [dreg:$0x2];
	[bflag:$0x3] =	sbarrier.arrive $0xFFFF;
	s2 =	simm.s32 @!p0 $0x1C07  }
0x135: {  	[timem:s3], [sflag:s2] =	dma.local @!p0 [hbm:s0], s1  }
0x136: {  	s0 =	simm.s32 @!p0 $0x7  }
0x137: {  	_ =	swait.ge @!p0 [sflag:s0], s1  }
0x138: {  	s1 =	ssub.s32 @!p0 $0x0, s1;
	[sflag:s0] =	ssyncset.done @!p0 $0x0  }
0x139: {  	[sflag:s0] =	ssyncadd.s32 @!p0 s1  }
0x13a: {  	[bflag:$0x3] =	sbarrier.arrive $0xFFFF  }
0x13b: {  	_ =	shalt  }

// kernel: kernel.15.cloned.1.call-start
scs
__scs_entry_jumppad:
0x0: {  	(pc) =	sbr.rel $0x88, $3  }
0x1: {  	(tag) =	ssettag $0x0;
	lr =	simm.s32 $0x1  }
0x2: {  	[smem:$0x3F91] =	sst lr;
	_ =	strace $0xD0000000  }
0x3: {  	_ = 	snop  }
0x4: {  	_ = 	snop  }
0x5: {  	_ = 	snop  }
0x6: {  	_ = 	snop  }
0x7: {  	_ = 	snop  }
__scs_overlays_trampoline_lowered:
0x8: {  	[smem:$0x3FA0] =	sst s0  }
0x9: {  	[smem:$0x3FA1] =	sst s1  }
0xa: {  	[smem:$0x3FA2] =	sst s2  }
0xb: {  	[smem:$0x3FA3] =	sst s3  }
0xc: {  	[smem:$0x3FA4] =	sst s4  }
0xd: {  	[smem:$0x3FA5] =	sst s5  }
0xe: {  	[smem:$0x3FA6] =	sst s6  }
0xf: {  	[smem:$0x3FA7] =	sst s7  }
0x10: {  	[smem:$0x3FA8] =	sst s8  }
0x11: {  	[smem:$0x3FA9] =	sst s9;
	s0 =	simm.s32 @!p0 $0x0  }
0x12: {  	s1 =	sld [smem:$0x3F8F];
	s0 =	simm.s32 @p0 $0x1  }
0x13: {  	[smem:$0x3FAA] =	sst s0;
	s0 =	simm.s32 @!p1 $0x0  }
0x14: {  	s2 =	sld [smem:$0x3F8E];
	s0 =	simm.s32 @p1 $0x1  }
0x15: {  	[smem:$0x3FAB] =	sst s0;
	s0 =	simm.s32 @!p2 $0x0  }
0x16: {  	s3 =	sld [smem:$0x3FDB];
	s0 =	simm.s32 @p2 $0x1  }
0x17: {  	s4 =	simm.s32 $0x1BF5;
	[smem:$0x3FAD] =	sst s0  }
0x18: {  	s0 =	sld [smem:$0x3F90];
	_ =	swait.ge [sflag:s4], $0x0  }
0x19: {  	s7 =	sld [smem:$0x3F91]  }
0x1a: {  	s8 =	sadd.s32 $0xFFFFE003, lr  }
0x1b: {  	s9 =	sadd.s32 $0xFFFFFEF7, lr;
	s5 =	simm.s32 $0xFFFFFFFF;
	p2 =	slt.u32 s8, $0xFFFFF086  }
0x1c: {  	p1 =	slt.u32 s9, $0xF7A;
	s5 =	simm.s32 @!p2 $0x0  }
0x1d: {  	s5 =	simm.s32 @p1 $0x1;
	p0 =	seq.s32 s7, s2  }
0x1e: {  	s7 =	smul.u32 @!p0 $0xF7A, s2;
	p2 =	seq.s32 @!p0 s5, $0x0  }
0x1f: {  	s9 =	smul.u32 $0xF7A, s1;
	s8 =	simm.s32 @!p0 $0x1BF5;
	p2 =	por !p2, p0  }
0x20: {  	[sflag:s8] =	ssyncset.s32 @!p0 $0xFFFFF086;
	s6 =	sadd.s32 @!p0 s3, s7;
	s7 =	simm.s32 @!p0 $0x108  }
0x21: {  	s3 =	sadd.s32 s3, s9;
	s6 =	sadd.s32 @!p0 $0x88, s6;
	s7 =	simm.s32 @p2 $0x1082  }
0x22: {  	[simem:s7], [sflag:s8] =	dma.local @!p0 [hbm:s6], $0xF7A  }
0x23: {  	s9 =	sor.u32 $0xD0000000, s2;
	s6 =	simm.s32 $0x108;
	_ =	swait.ge @!p0 [sflag:s8], $0x0  }
0x24: {  	s3 =	sadd.s32 $0x88, s3;
	s6 =	simm.s32 @!p1 $0x1082;
	[sflag:s4] =	ssyncset.s32 $0xFFFFF086  }
0x25: {  	[simem:s6], [sflag:s4] =	dma.local [hbm:s3], $0xF7A  }
0x26: {  	[smem:$0x3F91] =	sst s1;
	(tag) =	ssettag s2;
	_ =	strace s9  }
0x27: {  	s1 =	sld [smem:$0x3FA1]  }
0x28: {  	s2 =	sld [smem:$0x3FA2]  }
0x29: {  	s4 =	sld [smem:$0x3FA4]  }
0x2a: {  	p0 =	seq.s32 s5, $0x0;
	s5 =	sld [smem:$0x3FA5]  }
0x2b: {  	s6 =	sld [smem:$0x3FA6]  }
0x2c: {  	s7 =	sld [smem:$0x3FA7]  }
0x2d: {  	s3 =	simm.s32 $0x108;
	s8 =	sld [smem:$0x3FA8]  }
0x2e: {  	s3 =	simm.s32 @!p0 $0x1082;
	s9 =	sld [smem:$0x3FA9]  }
0x2f: {  	lr =	sadd.s32 s0, s3;
	s0 =	sld [smem:$0x3FA0]  }
0x30: {  	s3 =	sld [smem:$0x3FA3]  }
0x31: {  	[smem:$0x3FAC] =	sst s10  }
0x32: {  	s10 =	sld [smem:$0x3FAA];
	_ =	sdelay $0x3  }
0x33: {  	p0 =	seq.s32 s10, $0x1;
	s10 =	sld [smem:$0x3FAC];
	_ =	sdelay $0x3  }
0x34: {  	[smem:$0x3FAC] =	sst s10  }
0x35: {  	s10 =	sld [smem:$0x3FAB];
	_ =	sdelay $0x3  }
0x36: {  	p1 =	seq.s32 s10, $0x1;
	s10 =	sld [smem:$0x3FAC];
	_ =	sdelay $0x3  }
0x37: {  	[smem:$0x3FAC] =	sst s10  }
0x38: {  	s10 =	sld [smem:$0x3FAD]  }
0x39: {  	_ = 	snop;
	(pc) =	sbr.ind lr, $3  }
0x3a: {  	_ = 	snop  }
0x3b: {  	_ = 	snop  }
0x3c: {  	p2 =	seq.s32 s10, $0x1;
	s10 =	sld [smem:$0x3FAC]  }
0x3d: {  	_ =	shalt  }
0x3e: {  	_ =	shalt  }
0x3f: {  	_ =	shalt  }
0x40: {  	_ =	shalt  }
0x41: {  	_ =	shalt  }
0x42: {  	_ =	shalt  }
0x43: {  	_ =	shalt  }
0x44: {  	_ =	shalt  }
0x45: {  	_ =	shalt  }
0x46: {  	_ =	shalt  }
0x47: {  	_ =	shalt  }
0x48: {  	_ =	shalt  }
0x49: {  	_ =	shalt  }
0x4a: {  	_ =	shalt  }
0x4b: {  	_ =	shalt  }
0x4c: {  	_ =	shalt  }
0x4d: {  	_ =	shalt  }
0x4e: {  	_ =	shalt  }
0x4f: {  	_ =	shalt  }
0x50: {  	_ =	shalt  }
0x51: {  	_ =	shalt  }
0x52: {  	_ =	shalt  }
0x53: {  	_ =	shalt  }
0x54: {  	_ =	shalt  }
0x55: {  	_ =	shalt  }
0x56: {  	_ =	shalt  }
0x57: {  	_ =	shalt  }
0x58: {  	_ =	shalt  }
0x59: {  	_ =	shalt  }
0x5a: {  	_ =	shalt  }
0x5b: {  	_ =	shalt  }
0x5c: {  	_ =	shalt  }
0x5d: {  	_ =	shalt  }
0x5e: {  	_ =	shalt  }
0x5f: {  	_ =	shalt  }
0x60: {  	_ =	shalt  }
0x61: {  	_ =	shalt  }
0x62: {  	_ =	shalt  }
0x63: {  	_ =	shalt  }
0x64: {  	_ =	shalt  }
0x65: {  	_ =	shalt  }
0x66: {  	_ =	shalt  }
0x67: {  	_ =	shalt  }
0x68: {  	_ =	shalt  }
0x69: {  	_ =	shalt  }
0x6a: {  	_ =	shalt  }
0x6b: {  	_ =	shalt  }
0x6c: {  	_ =	shalt  }
0x6d: {  	_ =	shalt  }
0x6e: {  	_ =	shalt  }
0x6f: {  	_ =	shalt  }
0x70: {  	_ =	shalt  }
0x71: {  	_ =	shalt  }
0x72: {  	_ =	shalt  }
0x73: {  	_ =	shalt  }
0x74: {  	_ =	shalt  }
0x75: {  	_ =	shalt  }
0x76: {  	_ =	shalt  }
0x77: {  	_ =	shalt  }
0x78: {  	_ =	shalt  }
0x79: {  	_ =	shalt  }
0x7a: {  	_ =	shalt  }
0x7b: {  	_ =	shalt  }
0x7c: {  	_ =	shalt  }
0x7d: {  	_ =	shalt  }
0x7e: {  	_ =	shalt  }
0x7f: {  	_ =	shalt  }
0x80: {  	_ =	shalt  }
0x81: {  	_ =	shalt  }
0x82: {  	_ =	shalt  }
0x83: {  	_ =	shalt  }
0x84: {  	_ =	shalt  }
0x85: {  	_ =	shalt  }
0x86: {  	_ =	shalt  }
0x87: {  	_ =	shalt  }
.Lfunc_end0:
.L_simem_size_0:
called_computation.2_lowered:
.L_overlay_start_0:
0x88: {  	s2 =	sld [smem:$0x3FD9]  }
0x89: {  	s3 =	sld [smem:$0x3FFE];
	_ =	sdelay $0x1  }
0x8a: {  	s1 =	srdreg.scid  }
0x8b: {  	s0 =	sand.u32 $0x1, s1  }
0x8c: {  	s16 =	sshll.u32 s0, $0xA;
	s2 =	sadd.s32 s3, s2  }
0x8d: {  	s2 =	sadd.s32 s2, s16  }
0x8e: {  	[smem:$0x3FB8] =	sst s2  }
0x8f: {  	_ = 	snop  }
0x90: {  	(tm) =	ssettm $0x1  }
0x91: {  	s17 =	sld [smem:$0x3FFB];
	_ =	sdelay $0x3  }
0x92: {  	_ =	strace s17  }
0x93: {  	s2 =	sld [smem:$0x3FFC];
	_ =	sdelay $0x3  }
0x94: {  	_ =	strace s2  }
0x95: {  	s2 =	sld [smem:$0x3FFD];
	_ =	sdelay $0x3  }
0x96: {  	_ =	strace s2  }
0x97: {  	_ =	strace $0x8FFFFFFF  }
0x98: {  	s18 =	sld [smem:$0x3FDB];
	_ =	sdelay $0x1  }
0x99: {  	s19 =	simm.s32 $_scs_section_size  }
0x9a: {  	s4 =	simm.s32 $_size__tile_overlayer_lowered;
	s5 =	simm.s32 $_tile_overlayer_lowered  }
0x9b: {  	s22 =	simm.s32 $0x1BFF;
	s21 =	sshll.u32 s5, $0x1;
	s2 =	sadd.s32 s19, s18  }
0x9c: {  	s6 =	simm.s32 $0x0;
	s20 =	sshll.u32 s4, $0x1;
	s4 =	sadd.s32 s21, s2  }
0x9d: {  	[timem:s6], [sflag:s22] =	dma.local [hbm:s4], s20  }
0x9e: {  	_ =	swait.ge [sflag:s22], s20  }
0x9f: {  	s3 =	ssub.s32 $0x0, s20;
	[sflag:s22] =	ssyncset.done $0x0  }
0xa0: {  	[sflag:s22] =	ssyncadd.s32 s3;
	_ =	sdelay $0x1  }
0xa1: {  	s23 =	simm.s32 $0x1B8B  }
0xa2: {  	_ =	swait.ge [sflag:s23], $0x1  }
0xa3: {  	[sflag:s23] =	ssyncset.done $0x0  }
0xa4: {  	s25 =	simm.s32 $0x1B8E;
	s24 =	sld [smem:$0x3FFE];
	[sflag:s23] =	ssyncadd.s32 $0xFFFFFFFF  }
0xa5: {  	s26 =	simm.s32 $execute0_lowered;
	[smem:$0x3FD2] =	sst s25  }
0xa6: {  	s4 =	sshll.u32 s26, $0x1;
	_ =	strace $0x8000004C;
	[dreg:$0x1] =	wrdreg $0xFFFFFFFF  }
0xa7: {  	s28 =	simm.s32 $_size_execute0_lowered;
	s2 =	sadd.s32 s2, s4;
	[dreg:$0x0] =	wrdreg $0x0  }
0xa8: {  	s4 =	sshll.u32 s28, $0x1;
	[dreg:$0x2] =	wrdreg s2  }
0xa9: {  	[dreg:$0x3] =	wrdreg s4  }
0xaa: {  	[dreg:$0x4] =	wrdreg $0xC0  }
0xab: {  	_ =	task [dreg:s6], $0x5FFFF  }
0xac: {  	[dreg:$0x1] =	wrdreg $0xFFFFFFFF  }
0xad: {  	[dreg:$0x0] =	wrdreg $0x60  }
0xae: {  	[dreg:$0x2] =	wrdreg s24  }
0xaf: {  	[dreg:$0x3] =	wrdreg $0x0  }
0xb0: {  	[dreg:$0x4] =	wrdreg $0x9  }
0xb1: {  	_ =	task.clear_ibuf [dreg:s6], $0x5FFFF;
	_ =	strace $0x9000004C  }
0xb2: {  	s29 =	simm.s32 $0x9;
	_ =	strace $0x8000004E  }
0xb3: {  	_ =	swait.ge [sflag:s29], $0x1  }
0xb4: {  	[sflag:s29] =	ssyncadd.s32 $0xFFFFFFFF  }
0xb5: {  	_ =	strace $0x9000004E  }
0xb6: {  	_ =	sfence  }
0xb7: {  	s30 =	sld [smem:$0x0];
	_ =	sdelay $0x2  }
0xb8: {  	s31 =	sshll.u32 s1, $0xD;
	s1 =	sshrl.u32 s1, $0x2  }
0xb9: {  	s3 =	sand.u32 $0x4000, s31;
	s1 =	sadd.s32 s1, s30  }
0xba: {  	s0 =	sor.u32 s3, s0;
	s1 =	sshll.u32 s1, $0x11  }
0xbb: {  	s0 =	sor.u32 s1, s0  }
0xbc: {  	s0 =	sadd.s32 $0x8F2B, s0  }
0xbd: {  	[sflag:s0] =	ssyncadd.remote.s32 $0x1  }
0xbe: {  	_ =	sfence.sel $0xFFFF  }
0xbf: {  	[dreg:$0x0] =	wrdreg $0xFFFFFFFF;
	(pc) =	sbr.abs _section_cstart, $3  }
0xc0: {  	[dreg:$0x1] =	wrdreg $0xFFFFFFFF  }
0xc1: {  	_ =	task.clear_ibuf [dreg:s6], $0x2FFFF;
	_ =	strace $0x9FFFFFFF  }
0xc2: {  	(tm) =	ssettm $0x7FFFFFFF  }
0xc3: {  	_ =	shalt  }
tec
execute0_lowered:
.L_overlay_start_1:
0x0: {  	(tag) =	ssettag $0x1  }
0x1: {  	s0 =	srdreg.scid  }
0x2: {  	s17 =	stileid.u32;
	s1 =	rddreg [dreg:$0x0]  }
0x3: {  	s2 =	rddreg [dreg:$0x1];
	s18 =	simm.s32 $0x7;
	s29 =	simm.s32 $0x19B80  }
0x4: {  	s30 =	simm.s32 $0x1C380;
	s31 =	simm.s32 $0x1D780;
	s28 =	simm.s32 $0x1D800  }
0x5: {  	s0 =	sand.u32 $0x1, s0;
	s3 =	sshll.u32 s17, $0x1;
	s5 =	sadd.s32 $0x19C00, s1  }
0x6: {  	s6 =	sadd.s32 $0x1014A00, s1;
	s11 =	smul.u32 $0x4E000, s17;
	s21 =	sshll.u32 s17, $0x6  }
0x7: {  	s14 =	sadd.s32 $0x138000, s2;
	s15 =	smul.u32 $0x13800, s17;
	p0 =	sne.s32 s17, $0xF  }
0x8: {  	s8 =	sor.u32 s0, s3;
	s10 =	ssub.s32 $0x2, s0;
	s0 =	smul.u32 $0x138800, s0  }
0x9: {  	s3 =	simm.s32 $0x0;
	s19 =	sshrl.u32 @!p0 s14, $0x3;
	s4 =	smul.u32 $0x2710, s8  }
0xa: {  	[smem:$0x7FF] =	sst s3;
	s12 =	sshrl.u32 s10, $0x1;
	s13 =	smul.u32 $0x27100, s8  }
0xb: {  	s11 =	sshrl.u32 s11, $0x2;
	s20 =	smul.u32 $0x138800, s8;
	s8 =	sor.u32 $0x1C07, s21  }
0xc: {  	s21 =	simm.s32 $0x5;
	_ =	strace $0x8000004D;
	s10 =	ssub.s32 s10, s12  }
0xd: {  	s11 =	sadd.s32 s11, s2;
	s24 =	sadd.s32 s15, s0;
	s0 =	sshrl.u32 s0, $0x3  }
0xe: {  	s7 =	sshrl.u32 s4, $0x3;
	s22 =	sshrl.u32 s20, $0x3;
	s23 =	sadd.s32 s6, s13  }
0xf: {  	s12 =	sshrl.u32 s24, $0x3;
	s17 =	sshrl.u32 s11, $0x3;
	s24 =	simm.s32 $0x1AF80  }
0x10: {  	s9 =	sadd.s32 s7, s1;
	s7 =	sadd.s32 $0x17400, s1;
	s1 =	sadd.s32 $0x91000, s1  }
0x11: {  	[dreg:$0x5] =	wrdreg s23;
	s23 =	simm.s32 $0x18780;
	s16 =	sadd.s32 $0xD600, s9  }
0x12: {  	s9 =	sadd.s32 $0x3800, s9;
	s26 =	sadd.s32 s1, s12;
	[dreg:$0x3] =	wrdreg s16  }
0x13: {  	s0 =	sadd.s32 s1, s0;
	s1 =	simm.s32 $0x2;
	[dreg:$0x4] =	wrdreg s9  }
0x14: {  	s9 =	sadd.s32 s6, s22;
	[dreg:$0x8] =	wrdreg s26;
	s0 =	sadd.s32 $0x27000, s0  }
0x15: {  	s16 =	smax.u32 s10, $0x1;
	s22 =	simm.s32 $0x28;
	s26 =	simm.s32 $0x3  }
0x16: {  	s10 =	simm.s32 $0x0;
	s25 =	sadd.s32 $0x280, s9;
	[dreg:$0x9] =	wrdreg s0  }
0x17: {  	s9 =	sadd.s32 $0x500, s9;
	s0 =	simm.s32 $0x4;
	[dreg:$0x6] =	wrdreg s25  }
0x18: {  	[dreg:$0x7] =	wrdreg s9;
	s25 =	simm.s32 $0x1;
	s9 =	simm.s32 $0x6  }
.LBB2_1:
0x19: {  	[spmem:s17], [sflag:s8] =	dma.local [hbm:s7], $0x2700  }
0x1a: {  	_ =	swait.ge [sflag:s18], $0x2700  }
0x1b: {  	[sflag:s18] =	ssyncset.done $0x0  }
0x1c: {  	s11 =	simm.s32 @!p0 $0x7;
	[sflag:s18] =	ssyncadd.s32 $0xFFFFD900  }
0x1d: {  	[spmem:s19], [sflag:s8] =	dma.local @!p0 [hbm:s7], $0x100  }
0x1e: {  	_ =	swait.ge @!p0 [sflag:s11], $0x100  }
0x1f: {  	[sflag:s11] =	ssyncset.done @!p0 $0x0  }
0x20: {  	s12 =	simm.s32 $0x13880;
	s15 =	rddreg [dreg:$0x3];
	[sflag:s11] =	ssyncadd.s32 @!p0 $0xFFFFFF00  }
0x21: {  	[tilespmem:s12], [sflag:$0x7] =	stream.linear.gather [hbm4b:s15+s3], $0x2710, $0x38;
	[tilespmem:$0x1D880] =	vst v63  }
0x22: {  	_ =	swait.ge [sflag:s18], $0x2710  }
0x23: {  	[sflag:s18] =	ssyncset.done $0x0  }
0x24: {  	s13 =	simm.s32 $0x16000;
	s20 =	rddreg [dreg:$0x4];
	[sflag:s18] =	ssyncadd.s32 $0xFFFFD8F0  }
0x25: {  	[tilespmem:s13], [sflag:$0x7] =	stream.linear.gather [hbm4b:s20+s3], $0x2710, $0x38;
	[tilespmem:$0x1D880] =	vst v63  }
0x26: {  	_ =	swait.ge [sflag:s18], $0x2710  }
0x27: {  	[sflag:s18] =	ssyncset.done $0x0  }
0x28: {  	[sflag:s18] =	ssyncadd.s32 $0xFFFFD8F0  }
0x29: {  	[bflag:$0x0] =	sbarrier.arrive $0xFFFF  }
0x2a: {  	[tilespmem:s23], [sflag:$0x1] =	stream.indirect.gather [hbm4b:s5+s22], $0x80, s12, s22, $0xb8;
	[tilespmem:$0x1D880] =	vst v63  }
0x2b: {  	s14 =	rddreg [dreg:$0x5]  }
0x2c: {  	[tilespmem:s24], [sflag:$0x3] =	stream.linear.gather [hbm4b:s14+s3], $0x1400, $0x38;
	[tilespmem:$0x1D880] =	vst v63  }
0x2d: {  	_ =	swait.ge [sflag:s25], $0x1400  }
0x2e: {  	[sflag:s25] =	ssyncset.done $0x0  }
0x2f: {  	[sflag:s25] =	ssyncadd.s32 $0xFFFFEC00  }
0x30: {  	_ =	swait.ge [sflag:s26], $0x1400  }
0x31: {  	[sflag:s26] =	ssyncset.done $0x0  }
0x32: {  	[sflag:s26] =	ssyncadd.s32 $0xFFFFEC00  }
0x33: {  	v0 =	vld [tilespmem:$0x16000]  }
0x34: {  	v1 =	vld [tilespmem:$0x16010]  }
0x35: {  	v2 =	vld [tilespmem:$0x16018];
	_ =	sdelay $0x2  }
0x36: {  	[tilespmem:$0x1D780] =	vst v0  }
0x37: {  	[tilespmem:$0x1D790] =	vst v1  }
0x38: {  	s15 =	simm.s32 $0x138A8;
	[tilespmem:$0x1D798] =	vst v2  }
0x39: {  	[tilespmem:s29], [sflag:$0x2] =	stream.indirect.gather [hbm4b:s5+s22], $0x80, s15, s22, $0xb8;
	[tilespmem:$0x1D880] =	vst v63  }
0x3a: {  	s11 =	simm.s32 $0x0;
	s20 =	rddreg [dreg:$0x6]  }
0x3b: {  	[tilespmem:s30], [sflag:$0x4] =	stream.linear.gather [hbm4b:s20+s3], $0x1400, $0x38;
	[tilespmem:$0x1D880] =	vst v63  }
0x3c: {  	v7 =	vld [tilespmem:s11+$0x1AF80]  }
0x3d: {  	v11 =	vld [tilespmem:s11+$0x1AF90]  }
0x3e: {  	v5 =	vld [tilespmem:s11+$0x1AFA0]  }
0x3f: {  	v4 =	vld [tilespmem:s11+$0x1AFB0]  }
0x40: {  	v3 =	vld [tilespmem:s11+$0x1AFC0]  }
0x41: {  	v2 =	vld [tilespmem:s11+$0x1AFD0]  }
0x42: {  	v1 =	vld [tilespmem:s11+$0x1AFE0]  }
0x43: {  	v0 =	vld [tilespmem:s11+$0x1AFF0]  }
0x44: {  	v12 =	vld [tilespmem:s11+$0x18780]  }
0x45: {  	v13 =	vld [tilespmem:s11+$0x18790]  }
0x46: {  	v10 =	vld [tilespmem:s11+$0x187A0]  }
0x47: {  	v9 =	vld [tilespmem:s11+$0x187B0]  }
0x48: {  	v8 =	vld [tilespmem:s11+$0x187C0]  }
0x49: {  	v6 =	vld [tilespmem:s11+$0x187D0];
	v12 =	vmul.f32 v7, v12  }
0x4a: {  	s12 =	simm.s32 $0x200;
	v11 =	vmul.f32 v11, v13;
	v7 =	vld [tilespmem:s11+$0x187E0]  }
.LBB2_2:
0x4b: {  	s13 =	sshra.s32 s12, $0x2;
	p1 =	sne.s32 s12, $0x4E00;
	[tilespmem:s11+$0x18780] =	vst v12;
	v5 =	vmul.f32 v5, v10;
	v10 =	vld [tilespmem:s11+$0x187F0]  }
0x4c: {  	v12 =	vld [tilespmem:s13+$0x1AF80];
	[tilespmem:s11+$0x18790] =	vst v11;
	v4 =	vmul.f32 v4, v9  }
0x4d: {  	v11 =	vld [tilespmem:s13+$0x1AF90];
	[tilespmem:s11+$0x187A0] =	vst v5;
	v3 =	vmul.f32 v3, v8  }
0x4e: {  	v5 =	vld [tilespmem:s13+$0x1AFA0];
	[tilespmem:s11+$0x187B0] =	vst v4;
	v2 =	vmul.f32 v2, v6  }
0x4f: {  	v4 =	vld [tilespmem:s13+$0x1AFB0];
	[tilespmem:s11+$0x187C0] =	vst v3;
	v1 =	vmul.f32 v1, v7  }
0x50: {  	v3 =	vld [tilespmem:s13+$0x1AFC0];
	[tilespmem:s11+$0x187D0] =	vst v2;
	v0 =	vmul.f32 v0, v10  }
0x51: {  	v2 =	vld [tilespmem:s13+$0x1AFD0];
	[tilespmem:s11+$0x187E0] =	vst v1  }
0x52: {  	v1 =	vld [tilespmem:s13+$0x1AFE0];
	[tilespmem:s11+$0x187F0] =	vst v0;
	s11 =	smov.u32 s13  }
0x53: {  	v0 =	vld [tilespmem:s11+$0x1AFF0]  }
0x54: {  	v6 =	vld [tilespmem:s11+$0x18780]  }
0x55: {  	v7 =	vld [tilespmem:s11+$0x18790]  }
.Ltmp0:
0x56: {  	v10 =	vld [tilespmem:s11+$0x187A0];
	(pc) =	sbr.rel @p1 .LBB2_2-.Ltmp0, $4  }
0x57: {  	v9 =	vld [tilespmem:s11+$0x187B0]  }
0x58: {  	v8 =	vld [tilespmem:s11+$0x187C0]  }
0x59: {  	v12 =	vmul.f32 v12, v6;
	v6 =	vld [tilespmem:s11+$0x187D0]  }
0x5a: {  	s12 =	sadd.s32 $0x200, s12;
	v11 =	vmul.f32 v11, v7;
	v7 =	vld [tilespmem:s11+$0x187E0]  }
0x5b: {  	[tilespmem:s11+$0x18780] =	vst v12;
	v5 =	vmul.f32 v5, v10;
	v10 =	vld [tilespmem:s11+$0x187F0]  }
0x5c: {  	[tilespmem:s11+$0x18790] =	vst v11;
	v4 =	vmul.f32 v4, v9  }
0x5d: {  	[tilespmem:s11+$0x187A0] =	vst v5;
	v3 =	vmul.f32 v3, v8  }
0x5e: {  	[tilespmem:s11+$0x187B0] =	vst v4;
	v2 =	vmul.f32 v2, v6  }
0x5f: {  	[tilespmem:s11+$0x187C0] =	vst v3;
	v1 =	vmul.f32 v1, v7  }
0x60: {  	[tilespmem:s11+$0x187D0] =	vst v2;
	v0 =	vmul.f32 v0, v10  }
0x61: {  	[tilespmem:s11+$0x187E0] =	vst v1  }
0x62: {  	[tilespmem:s11+$0x187F0] =	vst v0  }
0x63: {  	[spmem:s2] =	stream.indirect.scatter.add.f32 [tilespmem:s23], [sflag:$0x5], $0x80, s31, s22, $0xb8;
	[tilespmem:$0x1D880] =	vst v63  }
0x64: {  	_ =	swait.ge [sflag:s1], $0x1400  }
0x65: {  	[sflag:s1] =	ssyncset.done $0x0  }
0x66: {  	[sflag:s1] =	ssyncadd.s32 $0xFFFFEC00  }
0x67: {  	_ =	swait.ge [sflag:s0], $0x1400  }
0x68: {  	[sflag:s0] =	ssyncset.done $0x0  }
0x69: {  	[sflag:s0] =	ssyncadd.s32 $0xFFFFEC00  }
0x6a: {  	v0 =	vld [tilespmem:$0x16028]  }
0x6b: {  	v1 =	vld [tilespmem:$0x16038]  }
0x6c: {  	v2 =	vld [tilespmem:$0x16040];
	_ =	sdelay $0x2  }
0x6d: {  	[tilespmem:$0x1D800] =	vst v0  }
0x6e: {  	[tilespmem:$0x1D810] =	vst v1  }
0x6f: {  	[tilespmem:$0x1D818] =	vst v2  }
0x70: {  	_ =	swait.ge [sflag:s21], $0x1400  }
0x71: {  	[sflag:s21] =	ssyncset.done $0x0  }
0x72: {  	s15 =	simm.s32 $0x138D0;
	[sflag:s21] =	ssyncadd.s32 $0xFFFFEC00  }
0x73: {  	[tilespmem:s23], [sflag:$0x1] =	stream.indirect.gather [hbm4b:s5+s22], $0x80, s15, s22, $0xb8;
	[tilespmem:$0x1D880] =	vst v63  }
0x74: {  	s20 =	simm.s32 $0x0;
	s11 =	simm.s32 $0x0;
	s12 =	rddreg [dreg:$0x7]  }
0x75: {  	[tilespmem:s24], [sflag:$0x3] =	stream.linear.gather [hbm4b:s12+s20], $0x1400, $0x38;
	[tilespmem:$0x1D880] =	vst v63  }
0x76: {  	v7 =	vld [tilespmem:s11+$0x1C380]  }
0x77: {  	v11 =	vld [tilespmem:s11+$0x1C390]  }
0x78: {  	v5 =	vld [tilespmem:s11+$0x1C3A0]  }
0x79: {  	v4 =	vld [tilespmem:s11+$0x1C3B0]  }
0x7a: {  	v3 =	vld [tilespmem:s11+$0x1C3C0]  }
0x7b: {  	v2 =	vld [tilespmem:s11+$0x1C3D0]  }
0x7c: {  	v1 =	vld [tilespmem:s11+$0x1C3E0]  }
0x7d: {  	v0 =	vld [tilespmem:s11+$0x1C3F0]  }
0x7e: {  	v12 =	vld [tilespmem:s11+$0x19B80]  }
0x7f: {  	v13 =	vld [tilespmem:s11+$0x19B90]  }
0x80: {  	v10 =	vld [tilespmem:s11+$0x19BA0]  }
0x81: {  	v9 =	vld [tilespmem:s11+$0x19BB0]  }
0x82: {  	v8 =	vld [tilespmem:s11+$0x19BC0]  }
0x83: {  	v6 =	vld [tilespmem:s11+$0x19BD0];
	v12 =	vmul.f32 v7, v12  }
0x84: {  	s12 =	simm.s32 $0x200;
	v11 =	vmul.f32 v11, v13;
	v7 =	vld [tilespmem:s11+$0x19BE0]  }
.LBB2_4:
0x85: {  	s13 =	sshra.s32 s12, $0x2;
	p1 =	sne.s32 s12, $0x4E00;
	[tilespmem:s11+$0x19B80] =	vst v12;
	v5 =	vmul.f32 v5, v10;
	v10 =	vld [tilespmem:s11+$0x19BF0]  }
0x86: {  	v12 =	vld [tilespmem:s13+$0x1C380];
	[tilespmem:s11+$0x19B90] =	vst v11;
	v4 =	vmul.f32 v4, v9  }
0x87: {  	v11 =	vld [tilespmem:s13+$0x1C390];
	[tilespmem:s11+$0x19BA0] =	vst v5;
	v3 =	vmul.f32 v3, v8  }
0x88: {  	v5 =	vld [tilespmem:s13+$0x1C3A0];
	[tilespmem:s11+$0x19BB0] =	vst v4;
	v2 =	vmul.f32 v2, v6  }
0x89: {  	v4 =	vld [tilespmem:s13+$0x1C3B0];
	[tilespmem:s11+$0x19BC0] =	vst v3;
	v1 =	vmul.f32 v1, v7  }
0x8a: {  	v3 =	vld [tilespmem:s13+$0x1C3C0];
	[tilespmem:s11+$0x19BD0] =	vst v2;
	v0 =	vmul.f32 v0, v10  }
0x8b: {  	v2 =	vld [tilespmem:s13+$0x1C3D0];
	[tilespmem:s11+$0x19BE0] =	vst v1  }
0x8c: {  	v1 =	vld [tilespmem:s13+$0x1C3E0];
	[tilespmem:s11+$0x19BF0] =	vst v0;
	s11 =	smov.u32 s13  }
0x8d: {  	v0 =	vld [tilespmem:s11+$0x1C3F0]  }
0x8e: {  	v6 =	vld [tilespmem:s11+$0x19B80]  }
0x8f: {  	v7 =	vld [tilespmem:s11+$0x19B90]  }
.Ltmp1:
0x90: {  	v10 =	vld [tilespmem:s11+$0x19BA0];
	(pc) =	sbr.rel @p1 .LBB2_4-.Ltmp1, $4  }
0x91: {  	v9 =	vld [tilespmem:s11+$0x19BB0]  }
0x92: {  	v8 =	vld [tilespmem:s11+$0x19BC0]  }
0x93: {  	v12 =	vmul.f32 v12, v6;
	v6 =	vld [tilespmem:s11+$0x19BD0]  }
0x94: {  	s12 =	sadd.s32 $0x200, s12;
	v11 =	vmul.f32 v11, v7;
	v7 =	vld [tilespmem:s11+$0x19BE0]  }
0x95: {  	[tilespmem:s11+$0x19B80] =	vst v12;
	v5 =	vmul.f32 v5, v10;
	v63 =	vld [tilespmem:s11+$0x19BF0]  }
0x96: {  	[tilespmem:s11+$0x19B90] =	vst v11;
	v4 =	vmul.f32 v4, v9  }
0x97: {  	[tilespmem:s11+$0x19BA0] =	vst v5;
	v3 =	vmul.f32 v3, v8  }
0x98: {  	[tilespmem:s11+$0x19BB0] =	vst v4;
	v2 =	vmul.f32 v2, v6  }
0x99: {  	[tilespmem:s11+$0x19BC0] =	vst v3;
	v1 =	vmul.f32 v1, v7  }
0x9a: {  	[tilespmem:s11+$0x19BD0] =	vst v2;
	v0 =	vmul.f32 v0, v63  }
0x9b: {  	[tilespmem:s11+$0x19BE0] =	vst v1  }
0x9c: {  	[tilespmem:s11+$0x19BF0] =	vst v0;
	s11 =	simm.s32 $0x1  }
0x9d: {  	[spmem:s2] =	stream.indirect.scatter.add.f32 [tilespmem:s29], [sflag:$0x6], $0x80, s28, s22, $0xb8;
	[tilespmem:$0x1D880] =	vst v63  }
.LBB2_6:
0x9e: {  	_ =	swait.ge [sflag:s25], $0x1400  }
0x9f: {  	[sflag:s25] =	ssyncset.done $0x0  }
0xa0: {  	[sflag:s25] =	ssyncadd.s32 $0xFFFFEC00  }
0xa1: {  	_ =	swait.ge [sflag:s26], $0x1400  }
0xa2: {  	s12 =	smul.u32 $0x50, s11;
	[sflag:s26] =	ssyncset.done $0x0  }
0xa3: {  	[sflag:s26] =	ssyncadd.s32 $0xFFFFEC00  }
0xa4: {  	v0 =	vld [tilespmem:s12+$0x16000];
	_ =	sdelay $0x4  }
0xa5: {  	[tilespmem:$0x1D780] =	vst v0  }
0xa6: {  	v0 =	vld [tilespmem:s12+$0x16010];
	_ =	sdelay $0x4  }
0xa7: {  	[tilespmem:$0x1D790] =	vst v0  }
0xa8: {  	v0 =	vld [tilespmem:s12+$0x16018];
	_ =	sdelay $0x4  }
0xa9: {  	[tilespmem:$0x1D798] =	vst v0  }
0xaa: {  	_ =	swait.ge [sflag:s9], $0x1400  }
0xab: {  	s13 =	sadd.s32 $0x28, s12;
	[sflag:s9] =	ssyncset.done $0x0  }
0xac: {  	s14 =	sadd.s32 $0x138A8, s12;
	s20 =	sadd.s32 s4, s13;
	[sflag:s9] =	ssyncadd.s32 $0xFFFFEC00  }
0xad: {  	[tilespmem:s29], [sflag:$0x2] =	stream.indirect.gather [hbm4b:s5+s22], $0x80, s14, s22, $0xb8;
	[tilespmem:$0x1D880] =	vst v63  }
0xae: {  	s14 =	sshll.u32 s20, $0x4  }
0xaf: {  	s20 =	simm.s32 $0x0;
	s14 =	sadd.s32 s6, s14  }
0xb0: {  	[tilespmem:s30], [sflag:$0x4] =	stream.linear.gather [hbm4b:s14+s20], $0x1400, $0x38;
	[tilespmem:$0x1D880] =	vst v63  }
0xb1: {  	s20 =	simm.s32 $0x0  }
0xb2: {  	v7 =	vld [tilespmem:s20+$0x1AF80]  }
0xb3: {  	v11 =	vld [tilespmem:s20+$0x1AF90]  }
0xb4: {  	v5 =	vld [tilespmem:s20+$0x1AFA0]  }
0xb5: {  	v4 =	vld [tilespmem:s20+$0x1AFB0]  }
0xb6: {  	v3 =	vld [tilespmem:s20+$0x1AFC0]  }
0xb7: {  	v2 =	vld [tilespmem:s20+$0x1AFD0]  }
0xb8: {  	v1 =	vld [tilespmem:s20+$0x1AFE0]  }
0xb9: {  	v0 =	vld [tilespmem:s20+$0x1AFF0]  }
0xba: {  	v12 =	vld [tilespmem:s20+$0x18780]  }
0xbb: {  	v13 =	vld [tilespmem:s20+$0x18790]  }
0xbc: {  	v10 =	vld [tilespmem:s20+$0x187A0]  }
0xbd: {  	v9 =	vld [tilespmem:s20+$0x187B0]  }
0xbe: {  	v8 =	vld [tilespmem:s20+$0x187C0]  }
0xbf: {  	v6 =	vld [tilespmem:s20+$0x187D0];
	v12 =	vmul.f32 v7, v12  }
0xc0: {  	s14 =	simm.s32 $0x200;
	v11 =	vmul.f32 v11, v13;
	v7 =	vld [tilespmem:s20+$0x187E0]  }
.LBB2_7:
0xc1: {  	s15 =	sshra.s32 s14, $0x2;
	p1 =	sne.s32 s14, $0x4E00;
	[tilespmem:s20+$0x18780] =	vst v12;
	v5 =	vmul.f32 v5, v10;
	v10 =	vld [tilespmem:s20+$0x187F0]  }
0xc2: {  	v12 =	vld [tilespmem:s15+$0x1AF80];
	[tilespmem:s20+$0x18790] =	vst v11;
	v4 =	vmul.f32 v4, v9  }
0xc3: {  	v11 =	vld [tilespmem:s15+$0x1AF90];
	[tilespmem:s20+$0x187A0] =	vst v5;
	v3 =	vmul.f32 v3, v8  }
0xc4: {  	v5 =	vld [tilespmem:s15+$0x1AFA0];
	[tilespmem:s20+$0x187B0] =	vst v4;
	v2 =	vmul.f32 v2, v6  }
0xc5: {  	v4 =	vld [tilespmem:s15+$0x1AFB0];
	[tilespmem:s20+$0x187C0] =	vst v3;
	v1 =	vmul.f32 v1, v7  }
0xc6: {  	v3 =	vld [tilespmem:s15+$0x1AFC0];
	[tilespmem:s20+$0x187D0] =	vst v2;
	v0 =	vmul.f32 v0, v10  }
0xc7: {  	v2 =	vld [tilespmem:s15+$0x1AFD0];
	[tilespmem:s20+$0x187E0] =	vst v1  }
0xc8: {  	v1 =	vld [tilespmem:s15+$0x1AFE0];
	[tilespmem:s20+$0x187F0] =	vst v0;
	s20 =	smov.u32 s15  }
0xc9: {  	v0 =	vld [tilespmem:s20+$0x1AFF0]  }
0xca: {  	v6 =	vld [tilespmem:s20+$0x18780]  }
0xcb: {  	v7 =	vld [tilespmem:s20+$0x18790]  }
.Ltmp2:
0xcc: {  	v10 =	vld [tilespmem:s20+$0x187A0];
	(pc) =	sbr.rel @p1 .LBB2_7-.Ltmp2, $4  }
0xcd: {  	v9 =	vld [tilespmem:s20+$0x187B0]  }
0xce: {  	v8 =	vld [tilespmem:s20+$0x187C0]  }
0xcf: {  	v12 =	vmul.f32 v12, v6;
	v6 =	vld [tilespmem:s20+$0x187D0]  }
0xd0: {  	s14 =	sadd.s32 $0x200, s14;
	v11 =	vmul.f32 v11, v7;
	v7 =	vld [tilespmem:s20+$0x187E0]  }
0xd1: {  	[tilespmem:s20+$0x18780] =	vst v12;
	v5 =	vmul.f32 v5, v10;
	v10 =	vld [tilespmem:s20+$0x187F0]  }
0xd2: {  	[tilespmem:s20+$0x18790] =	vst v11;
	v4 =	vmul.f32 v4, v9  }
0xd3: {  	[tilespmem:s20+$0x187A0] =	vst v5;
	v3 =	vmul.f32 v3, v8  }
0xd4: {  	[tilespmem:s20+$0x187B0] =	vst v4;
	v2 =	vmul.f32 v2, v6  }
0xd5: {  	[tilespmem:s20+$0x187C0] =	vst v3;
	v1 =	vmul.f32 v1, v7  }
0xd6: {  	[tilespmem:s20+$0x187D0] =	vst v2;
	v0 =	vmul.f32 v0, v10  }
0xd7: {  	[tilespmem:s20+$0x187E0] =	vst v1  }
0xd8: {  	[tilespmem:s20+$0x187F0] =	vst v0  }
0xd9: {  	[spmem:s2] =	stream.indirect.scatter.add.f32 [tilespmem:s23], [sflag:$0x5], $0x80, s31, s22, $0xb8;
	[tilespmem:$0x1D880] =	vst v63  }
0xda: {  	_ =	swait.ge [sflag:s1], $0x1400  }
0xdb: {  	[sflag:s1] =	ssyncset.done $0x0  }
0xdc: {  	[sflag:s1] =	ssyncadd.s32 $0xFFFFEC00  }
0xdd: {  	_ =	swait.ge [sflag:s0], $0x1400  }
0xde: {  	[sflag:s0] =	ssyncset.done $0x0  }
0xdf: {  	[sflag:s0] =	ssyncadd.s32 $0xFFFFEC00  }
0xe0: {  	v0 =	vld [tilespmem:s13+$0x16000];
	_ =	sdelay $0x4  }
0xe1: {  	[tilespmem:$0x1D800] =	vst v0  }
0xe2: {  	v0 =	vld [tilespmem:s13+$0x16010];
	_ =	sdelay $0x4  }
0xe3: {  	[tilespmem:$0x1D810] =	vst v0  }
0xe4: {  	v0 =	vld [tilespmem:s13+$0x16018];
	_ =	sdelay $0x3  }
0xe5: {  	p1 =	seq.s32 s11, $0x7C  }
0xe6: {  	s13 =	simm.s32 @!p1 $0x5;
	[tilespmem:$0x1D818] =	vst v0  }
0xe7: {  	_ =	swait.ge @!p1 [sflag:s13], $0x1400  }
0xe8: {  	s14 =	simm.s32 @!p1 $0x28;
	s15 =	simm.s32 @!p1 $0x18780;
	[sflag:s13] =	ssyncset.done @!p1 $0x0  }
0xe9: {  	[sflag:s13] =	ssyncadd.s32 @!p1 $0xFFFFEC00;
	s13 =	sadd.s32 @!p1 s4, s12;
	s12 =	sadd.s32 @!p1 $0x138D0, s12  }
0xea: {  	[tilespmem:s15], [sflag:$0x1] =	stream.indirect.gather @!p1 [hbm4b:s5+s14], $0x80, s12, s14, $0xb8;
	[tilespmem:$0x1D880] =	vst v63  }
0xeb: {  	s12 =	sshll.u32 @!p1 s13, $0x4  }
0xec: {  	s12 =	sadd.s32 @!p1 s6, s12  }
0xed: {  	s13 =	simm.s32 @!p1 $0x0;
	s14 =	simm.s32 @!p1 $0x1AF80;
	s12 =	sadd.s32 @!p1 $0x500, s12  }
0xee: {  	[tilespmem:s14], [sflag:$0x3] =	stream.linear.gather @!p1 [hbm4b:s12+s13], $0x1400, $0x38;
	[tilespmem:$0x1D880] =	vst v63  }
0xef: {  	s12 =	simm.s32 $0x0  }
0xf0: {  	v7 =	vld [tilespmem:s12+$0x1C380]  }
0xf1: {  	v11 =	vld [tilespmem:s12+$0x1C390]  }
0xf2: {  	v5 =	vld [tilespmem:s12+$0x1C3A0]  }
0xf3: {  	v4 =	vld [tilespmem:s12+$0x1C3B0]  }
0xf4: {  	v3 =	vld [tilespmem:s12+$0x1C3C0]  }
0xf5: {  	v2 =	vld [tilespmem:s12+$0x1C3D0]  }
0xf6: {  	v1 =	vld [tilespmem:s12+$0x1C3E0]  }
0xf7: {  	v0 =	vld [tilespmem:s12+$0x1C3F0]  }
0xf8: {  	v12 =	vld [tilespmem:s12+$0x19B80]  }
0xf9: {  	v13 =	vld [tilespmem:s12+$0x19B90]  }
0xfa: {  	v10 =	vld [tilespmem:s12+$0x19BA0]  }
0xfb: {  	v9 =	vld [tilespmem:s12+$0x19BB0]  }
0xfc: {  	v8 =	vld [tilespmem:s12+$0x19BC0]  }
0xfd: {  	v6 =	vld [tilespmem:s12+$0x19BD0];
	v12 =	vmul.f32 v7, v12  }
0xfe: {  	s13 =	simm.s32 $0x200;
	v11 =	vmul.f32 v11, v13;
	v7 =	vld [tilespmem:s12+$0x19BE0]  }
.LBB2_9:
0xff: {  	s14 =	sshra.s32 s13, $0x2;
	p1 =	sne.s32 s13, $0x4E00;
	[tilespmem:s12+$0x19B80] =	vst v12;
	v5 =	vmul.f32 v5, v10;
	v10 =	vld [tilespmem:s12+$0x19BF0]  }
0x100: {  	v12 =	vld [tilespmem:s14+$0x1C380];
	[tilespmem:s12+$0x19B90] =	vst v11;
	v4 =	vmul.f32 v4, v9  }
0x101: {  	v11 =	vld [tilespmem:s14+$0x1C390];
	[tilespmem:s12+$0x19BA0] =	vst v5;
	v3 =	vmul.f32 v3, v8  }
0x102: {  	v5 =	vld [tilespmem:s14+$0x1C3A0];
	[tilespmem:s12+$0x19BB0] =	vst v4;
	v2 =	vmul.f32 v2, v6  }
0x103: {  	v4 =	vld [tilespmem:s14+$0x1C3B0];
	[tilespmem:s12+$0x19BC0] =	vst v3;
	v1 =	vmul.f32 v1, v7  }
0x104: {  	v3 =	vld [tilespmem:s14+$0x1C3C0];
	[tilespmem:s12+$0x19BD0] =	vst v2;
	v0 =	vmul.f32 v0, v10  }
0x105: {  	v2 =	vld [tilespmem:s14+$0x1C3D0];
	[tilespmem:s12+$0x19BE0] =	vst v1  }
0x106: {  	v1 =	vld [tilespmem:s14+$0x1C3E0];
	[tilespmem:s12+$0x19BF0] =	vst v0;
	s12 =	smov.u32 s14  }
0x107: {  	v0 =	vld [tilespmem:s12+$0x1C3F0]  }
0x108: {  	v6 =	vld [tilespmem:s12+$0x19B80]  }
0x109: {  	v7 =	vld [tilespmem:s12+$0x19B90]  }
.Ltmp3:
0x10a: {  	v10 =	vld [tilespmem:s12+$0x19BA0];
	(pc) =	sbr.rel @p1 .LBB2_9-.Ltmp3, $4  }
0x10b: {  	v9 =	vld [tilespmem:s12+$0x19BB0]  }
0x10c: {  	v8 =	vld [tilespmem:s12+$0x19BC0]  }
0x10d: {  	v12 =	vmul.f32 v12, v6;
	v6 =	vld [tilespmem:s12+$0x19BD0]  }
0x10e: {  	s13 =	sadd.s32 $0x200, s13;
	v11 =	vmul.f32 v11, v7;
	v7 =	vld [tilespmem:s12+$0x19BE0]  }
0x10f: {  	[tilespmem:s12+$0x19B80] =	vst v12;
	v5 =	vmul.f32 v5, v10;
	v63 =	vld [tilespmem:s12+$0x19BF0]  }
0x110: {  	[tilespmem:s12+$0x19B90] =	vst v11;
	v4 =	vmul.f32 v4, v9  }
0x111: {  	s11 =	sadd.s32 $0x1, s11;
	[tilespmem:s12+$0x19BA0] =	vst v5;
	v3 =	vmul.f32 v3, v8  }
0x112: {  	p1 =	sne.s32 s11, $0x7D;
	[tilespmem:s12+$0x19BB0] =	vst v4;
	v2 =	vmul.f32 v2, v6  }
.Ltmp4:
0x113: {  	[tilespmem:s12+$0x19BC0] =	vst v3;
	v1 =	vmul.f32 v1, v7;
	(pc) =	sbr.rel @p1 .LBB2_6-.Ltmp4, $4  }
0x114: {  	[tilespmem:s12+$0x19BD0] =	vst v2;
	v0 =	vmul.f32 v0, v63  }
0x115: {  	[tilespmem:s12+$0x19BE0] =	vst v1  }
0x116: {  	[tilespmem:s12+$0x19BF0] =	vst v0  }
0x117: {  	[spmem:s2] =	stream.indirect.scatter.add.f32 [tilespmem:s29], [sflag:$0x6], $0x80, s28, s22, $0xb8;
	[tilespmem:$0x1D880] =	vst v63  }
0x118: {  	_ =	swait.ge [sflag:s21], $0x1400  }
0x119: {  	[sflag:s21] =	ssyncset.done $0x0  }
0x11a: {  	[sflag:s21] =	ssyncadd.s32 $0xFFFFEC00  }
0x11b: {  	_ =	swait.ge [sflag:s9], $0x1400  }
0x11c: {  	[sflag:s9] =	ssyncset.done $0x0  }
0x11d: {  	[sflag:s9] =	ssyncadd.s32 $0xFFFFEC00  }
0x11e: {  	[bflag:$0x0] =	sbarrier.arrive $0xFFFF  }
0x11f: {  	s11 =	rddreg [dreg:$0x8]  }
0x120: {  	[hbm:s11], [sflag:s8] =	dma.local [spmem:s17], $0x2700  }
0x121: {  	_ =	swait.ge [sflag:s18], $0x2700  }
0x122: {  	s10 =	sadd.s32 $0x1, s10;
	[sflag:s18] =	ssyncset.done $0x0  }
0x123: {  	p1 =	sne.s32 s10, s16;
	s11 =	rddreg [dreg:$0x9];
	[sflag:s18] =	ssyncadd.s32 $0xFFFFD900  }
0x124: {  	[hbm:s11], [sflag:s8] =	dma.local @!p0 [spmem:s19], $0x100  }
.Ltmp5:
0x125: {  	_ = 	snop;
	(pc) =	sbr.rel @p1 .LBB2_1-.Ltmp5, $4  }
0x126: {  	s11 =	simm.s32 @!p0 $0x7  }
0x127: {  	_ =	swait.ge @!p0 [sflag:s11], $0x100  }
0x128: {  	[sflag:s11] =	ssyncset.done @!p0 $0x0  }
0x129: {  	[sflag:s11] =	ssyncadd.s32 @!p0 $0xFFFFFF00  }
0x12a: {  	_ =	sfence.sel $0x180000  }
0x12b: {  	[bflag:$0x0] =	sbarrier.arrive $0xFFFF  }
0x12c: {  	_ =	strace $0x9000004D  }
0x12d: {  	s0 =	stileid.u32;
	[bflag:$0x2] =	sbarrier.arrive $0xFFFF  }
0x12e: {  	p0 =	sne.s32 s0, $0x0;
	s0 =	rddreg [dreg:$0x2]  }
0x12f: {  	s0 =	sadd.s32 @!p0 $0x100000, s0  }
0x130: {  	[sflag:s0] =	ssyncadd.tile.s32 @!p0 $0x1;
	_ =	shalt  }
.Lfunc_end2:
_tile_overlayer_lowered:
.L_overlay_start_2:
0x131: {  	(tag) =	ssettag $0x2  }
0x132: {  	s0 =	rddreg [dreg:$0x0];
	s2 =	stileid.u32  }
0x133: {  	s1 =	rddreg [dreg:$0x1];
	p0 =	sne.s32 s2, $0x0  }
0x134: {  	s3 =	rddreg [dreg:$0x2];
	[bflag:$0x3] =	sbarrier.arrive $0xFFFF;
	s2 =	simm.s32 @!p0 $0x1C07  }
0x135: {  	[timem:s3], [sflag:s2] =	dma.local @!p0 [hbm:s0], s1  }
0x136: {  	s0 =	simm.s32 @!p0 $0x7  }
0x137: {  	_ =	swait.ge @!p0 [sflag:s0], s1  }
0x138: {  	s1 =	ssub.s32 @!p0 $0x0, s1;
	[sflag:s0] =	ssyncset.done @!p0 $0x0  }
0x139: {  	[sflag:s0] =	ssyncadd.s32 @!p0 s1  }
0x13a: {  	[bflag:$0x3] =	sbarrier.arrive $0xFFFF  }
0x13b: {  	_ =	shalt  }

// kernel: kernel.9.cloned.1.call-start
scs
__scs_entry_jumppad:
0x0: {  	(pc) =	sbr.rel $0x88, $3  }
0x1: {  	(tag) =	ssettag $0x0;
	lr =	simm.s32 $0x1  }
0x2: {  	[smem:$0x3F91] =	sst lr;
	_ =	strace $0xD0000000  }
0x3: {  	_ = 	snop  }
0x4: {  	_ = 	snop  }
0x5: {  	_ = 	snop  }
0x6: {  	_ = 	snop  }
0x7: {  	_ = 	snop  }
__scs_overlays_trampoline_lowered:
0x8: {  	[smem:$0x3FA0] =	sst s0  }
0x9: {  	[smem:$0x3FA1] =	sst s1  }
0xa: {  	[smem:$0x3FA2] =	sst s2  }
0xb: {  	[smem:$0x3FA3] =	sst s3  }
0xc: {  	[smem:$0x3FA4] =	sst s4  }
0xd: {  	[smem:$0x3FA5] =	sst s5  }
0xe: {  	[smem:$0x3FA6] =	sst s6  }
0xf: {  	[smem:$0x3FA7] =	sst s7  }
0x10: {  	[smem:$0x3FA8] =	sst s8  }
0x11: {  	[smem:$0x3FA9] =	sst s9;
	s0 =	simm.s32 @!p0 $0x0  }
0x12: {  	s1 =	sld [smem:$0x3F8F];
	s0 =	simm.s32 @p0 $0x1  }
0x13: {  	[smem:$0x3FAA] =	sst s0;
	s0 =	simm.s32 @!p1 $0x0  }
0x14: {  	s2 =	sld [smem:$0x3F8E];
	s0 =	simm.s32 @p1 $0x1  }
0x15: {  	[smem:$0x3FAB] =	sst s0;
	s0 =	simm.s32 @!p2 $0x0  }
0x16: {  	s3 =	sld [smem:$0x3FDB];
	s0 =	simm.s32 @p2 $0x1  }
0x17: {  	s4 =	simm.s32 $0x1BF5;
	[smem:$0x3FAD] =	sst s0  }
0x18: {  	s0 =	sld [smem:$0x3F90];
	_ =	swait.ge [sflag:s4], $0x0  }
0x19: {  	s7 =	sld [smem:$0x3F91]  }
0x1a: {  	s8 =	sadd.s32 $0xFFFFE003, lr  }
0x1b: {  	s9 =	sadd.s32 $0xFFFFFEF7, lr;
	s5 =	simm.s32 $0xFFFFFFFF;
	p2 =	slt.u32 s8, $0xFFFFF086  }
0x1c: {  	p1 =	slt.u32 s9, $0xF7A;
	s5 =	simm.s32 @!p2 $0x0  }
0x1d: {  	s5 =	simm.s32 @p1 $0x1;
	p0 =	seq.s32 s7, s2  }
0x1e: {  	s7 =	smul.u32 @!p0 $0xF7A, s2;
	p2 =	seq.s32 @!p0 s5, $0x0  }
0x1f: {  	s9 =	smul.u32 $0xF7A, s1;
	s8 =	simm.s32 @!p0 $0x1BF5;
	p2 =	por !p2, p0  }
0x20: {  	[sflag:s8] =	ssyncset.s32 @!p0 $0xFFFFF086;
	s6 =	sadd.s32 @!p0 s3, s7;
	s7 =	simm.s32 @!p0 $0x108  }
0x21: {  	s3 =	sadd.s32 s3, s9;
	s6 =	sadd.s32 @!p0 $0x88, s6;
	s7 =	simm.s32 @p2 $0x1082  }
0x22: {  	[simem:s7], [sflag:s8] =	dma.local @!p0 [hbm:s6], $0xF7A  }
0x23: {  	s9 =	sor.u32 $0xD0000000, s2;
	s6 =	simm.s32 $0x108;
	_ =	swait.ge @!p0 [sflag:s8], $0x0  }
0x24: {  	s3 =	sadd.s32 $0x88, s3;
	s6 =	simm.s32 @!p1 $0x1082;
	[sflag:s4] =	ssyncset.s32 $0xFFFFF086  }
0x25: {  	[simem:s6], [sflag:s4] =	dma.local [hbm:s3], $0xF7A  }
0x26: {  	[smem:$0x3F91] =	sst s1;
	(tag) =	ssettag s2;
	_ =	strace s9  }
0x27: {  	s1 =	sld [smem:$0x3FA1]  }
0x28: {  	s2 =	sld [smem:$0x3FA2]  }
0x29: {  	s4 =	sld [smem:$0x3FA4]  }
0x2a: {  	p0 =	seq.s32 s5, $0x0;
	s5 =	sld [smem:$0x3FA5]  }
0x2b: {  	s6 =	sld [smem:$0x3FA6]  }
0x2c: {  	s7 =	sld [smem:$0x3FA7]  }
0x2d: {  	s3 =	simm.s32 $0x108;
	s8 =	sld [smem:$0x3FA8]  }
0x2e: {  	s3 =	simm.s32 @!p0 $0x1082;
	s9 =	sld [smem:$0x3FA9]  }
0x2f: {  	lr =	sadd.s32 s0, s3;
	s0 =	sld [smem:$0x3FA0]  }
0x30: {  	s3 =	sld [smem:$0x3FA3]  }
0x31: {  	[smem:$0x3FAC] =	sst s10  }
0x32: {  	s10 =	sld [smem:$0x3FAA];
	_ =	sdelay $0x3  }
0x33: {  	p0 =	seq.s32 s10, $0x1;
	s10 =	sld [smem:$0x3FAC];
	_ =	sdelay $0x3  }
0x34: {  	[smem:$0x3FAC] =	sst s10  }
0x35: {  	s10 =	sld [smem:$0x3FAB];
	_ =	sdelay $0x3  }
0x36: {  	p1 =	seq.s32 s10, $0x1;
	s10 =	sld [smem:$0x3FAC];
	_ =	sdelay $0x3  }
0x37: {  	[smem:$0x3FAC] =	sst s10  }
0x38: {  	s10 =	sld [smem:$0x3FAD]  }
0x39: {  	_ = 	snop;
	(pc) =	sbr.ind lr, $3  }
0x3a: {  	_ = 	snop  }
0x3b: {  	_ = 	snop  }
0x3c: {  	p2 =	seq.s32 s10, $0x1;
	s10 =	sld [smem:$0x3FAC]  }
0x3d: {  	_ =	shalt  }
0x3e: {  	_ =	shalt  }
0x3f: {  	_ =	shalt  }
0x40: {  	_ =	shalt  }
0x41: {  	_ =	shalt  }
0x42: {  	_ =	shalt  }
0x43: {  	_ =	shalt  }
0x44: {  	_ =	shalt  }
0x45: {  	_ =	shalt  }
0x46: {  	_ =	shalt  }
0x47: {  	_ =	shalt  }
0x48: {  	_ =	shalt  }
0x49: {  	_ =	shalt  }
0x4a: {  	_ =	shalt  }
0x4b: {  	_ =	shalt  }
0x4c: {  	_ =	shalt  }
0x4d: {  	_ =	shalt  }
0x4e: {  	_ =	shalt  }
0x4f: {  	_ =	shalt  }
0x50: {  	_ =	shalt  }
0x51: {  	_ =	shalt  }
0x52: {  	_ =	shalt  }
0x53: {  	_ =	shalt  }
0x54: {  	_ =	shalt  }
0x55: {  	_ =	shalt  }
0x56: {  	_ =	shalt  }
0x57: {  	_ =	shalt  }
0x58: {  	_ =	shalt  }
0x59: {  	_ =	shalt  }
0x5a: {  	_ =	shalt  }
0x5b: {  	_ =	shalt  }
0x5c: {  	_ =	shalt  }
0x5d: {  	_ =	shalt  }
0x5e: {  	_ =	shalt  }
0x5f: {  	_ =	shalt  }
0x60: {  	_ =	shalt  }
0x61: {  	_ =	shalt  }
0x62: {  	_ =	shalt  }
0x63: {  	_ =	shalt  }
0x64: {  	_ =	shalt  }
0x65: {  	_ =	shalt  }
0x66: {  	_ =	shalt  }
0x67: {  	_ =	shalt  }
0x68: {  	_ =	shalt  }
0x69: {  	_ =	shalt  }
0x6a: {  	_ =	shalt  }
0x6b: {  	_ =	shalt  }
0x6c: {  	_ =	shalt  }
0x6d: {  	_ =	shalt  }
0x6e: {  	_ =	shalt  }
0x6f: {  	_ =	shalt  }
0x70: {  	_ =	shalt  }
0x71: {  	_ =	shalt  }
0x72: {  	_ =	shalt  }
0x73: {  	_ =	shalt  }
0x74: {  	_ =	shalt  }
0x75: {  	_ =	shalt  }
0x76: {  	_ =	shalt  }
0x77: {  	_ =	shalt  }
0x78: {  	_ =	shalt  }
0x79: {  	_ =	shalt  }
0x7a: {  	_ =	shalt  }
0x7b: {  	_ =	shalt  }
0x7c: {  	_ =	shalt  }
0x7d: {  	_ =	shalt  }
0x7e: {  	_ =	shalt  }
0x7f: {  	_ =	shalt  }
0x80: {  	_ =	shalt  }
0x81: {  	_ =	shalt  }
0x82: {  	_ =	shalt  }
0x83: {  	_ =	shalt  }
0x84: {  	_ =	shalt  }
0x85: {  	_ =	shalt  }
0x86: {  	_ =	shalt  }
0x87: {  	_ =	shalt  }
.Lfunc_end0:
.L_simem_size_0:
called_computation_lowered:
.L_overlay_start_0:
0x88: {  	s2 =	sld [smem:$0x3FD9]  }
0x89: {  	s3 =	sld [smem:$0x3FFE];
	_ =	sdelay $0x1  }
0x8a: {  	s1 =	srdreg.scid  }
0x8b: {  	s0 =	sand.u32 $0x1, s1  }
0x8c: {  	s16 =	sshll.u32 s0, $0xA;
	s2 =	sadd.s32 s3, s2  }
0x8d: {  	s2 =	sadd.s32 s2, s16  }
0x8e: {  	[smem:$0x3FB8] =	sst s2  }
0x8f: {  	_ = 	snop  }
0x90: {  	(tm) =	ssettm $0x1  }
0x91: {  	s17 =	sld [smem:$0x3FFB];
	_ =	sdelay $0x3  }
0x92: {  	_ =	strace s17  }
0x93: {  	s2 =	sld [smem:$0x3FFC];
	_ =	sdelay $0x3  }
0x94: {  	_ =	strace s2  }
0x95: {  	s2 =	sld [smem:$0x3FFD];
	_ =	sdelay $0x3  }
0x96: {  	_ =	strace s2  }
0x97: {  	_ =	strace $0x8FFFFFFF  }
0x98: {  	s18 =	sld [smem:$0x3FDB];
	_ =	sdelay $0x1  }
0x99: {  	s19 =	simm.s32 $_scs_section_size  }
0x9a: {  	s4 =	simm.s32 $_size__tile_overlayer_lowered;
	s5 =	simm.s32 $_tile_overlayer_lowered  }
0x9b: {  	s22 =	simm.s32 $0x1BFF;
	s21 =	sshll.u32 s5, $0x1;
	s2 =	sadd.s32 s19, s18  }
0x9c: {  	s6 =	simm.s32 $0x0;
	s20 =	sshll.u32 s4, $0x1;
	s4 =	sadd.s32 s21, s2  }
0x9d: {  	[timem:s6], [sflag:s22] =	dma.local [hbm:s4], s20  }
0x9e: {  	_ =	swait.ge [sflag:s22], s20  }
0x9f: {  	s3 =	ssub.s32 $0x0, s20;
	[sflag:s22] =	ssyncset.done $0x0  }
0xa0: {  	[sflag:s22] =	ssyncadd.s32 s3;
	_ =	sdelay $0x1  }
0xa1: {  	s23 =	simm.s32 $0x1B8B  }
0xa2: {  	_ =	swait.ge [sflag:s23], $0x1  }
0xa3: {  	[sflag:s23] =	ssyncset.done $0x0  }
0xa4: {  	s25 =	simm.s32 $0x1B8E;
	s24 =	sld [smem:$0x3FFE];
	[sflag:s23] =	ssyncadd.s32 $0xFFFFFFFF  }
0xa5: {  	s26 =	simm.s32 $execute0_lowered;
	[smem:$0x3FD2] =	sst s25  }
0xa6: {  	s4 =	sshll.u32 s26, $0x1;
	_ =	strace $0x80000046;
	[dreg:$0x1] =	wrdreg $0xFFFFFFFF  }
0xa7: {  	s28 =	simm.s32 $_size_execute0_lowered;
	s2 =	sadd.s32 s2, s4;
	[dreg:$0x0] =	wrdreg $0x0  }
0xa8: {  	s4 =	sshll.u32 s28, $0x1;
	[dreg:$0x2] =	wrdreg s2  }
0xa9: {  	[dreg:$0x3] =	wrdreg s4  }
0xaa: {  	[dreg:$0x4] =	wrdreg $0xC0  }
0xab: {  	_ =	task [dreg:s6], $0x5FFFF  }
0xac: {  	[dreg:$0x1] =	wrdreg $0xFFFFFFFF  }
0xad: {  	[dreg:$0x0] =	wrdreg $0x60  }
0xae: {  	[dreg:$0x2] =	wrdreg s24  }
0xaf: {  	[dreg:$0x3] =	wrdreg $0x9  }
0xb0: {  	_ =	task.clear_ibuf [dreg:s6], $0x4FFFF;
	_ =	strace $0x90000046  }
0xb1: {  	s29 =	simm.s32 $0x9;
	_ =	strace $0x80000048  }
0xb2: {  	_ =	swait.ge [sflag:s29], $0x1  }
0xb3: {  	[sflag:s29] =	ssyncadd.s32 $0xFFFFFFFF  }
0xb4: {  	_ =	strace $0x90000048  }
0xb5: {  	_ =	sfence  }
0xb6: {  	s30 =	sld [smem:$0x0];
	_ =	sdelay $0x2  }
0xb7: {  	s31 =	sshll.u32 s1, $0xD;
	s1 =	sshrl.u32 s1, $0x2  }
0xb8: {  	s3 =	sand.u32 $0x4000, s31;
	s1 =	sadd.s32 s1, s30  }
0xb9: {  	s0 =	sor.u32 s3, s0;
	s1 =	sshll.u32 s1, $0x11  }
0xba: {  	s0 =	sor.u32 s1, s0  }
0xbb: {  	s0 =	sadd.s32 $0x8F2B, s0  }
0xbc: {  	[sflag:s0] =	ssyncadd.remote.s32 $0x1  }
0xbd: {  	_ =	sfence.sel $0xFFFF  }
0xbe: {  	[dreg:$0x0] =	wrdreg $0xFFFFFFFF;
	(pc) =	sbr.abs _section_cstart, $3  }
0xbf: {  	[dreg:$0x1] =	wrdreg $0xFFFFFFFF  }
0xc0: {  	_ =	task.clear_ibuf [dreg:s6], $0x2FFFF;
	_ =	strace $0x9FFFFFFF  }
0xc1: {  	(tm) =	ssettm $0x7FFFFFFF  }
tec
execute0_lowered:
.L_overlay_start_1:
0x0: {  	(tag) =	ssettag $0x1  }
0x1: {  	s12 =	rddreg [dreg:$0x0]  }
0x2: {  	s0 =	rddreg [dreg:$0x1];
	s1 =	simm.s32 $0x0;
	s6 =	srdreg.scid  }
0x3: {  	s17 =	simm.s32 $0x4F00;
	s18 =	simm.s32 $0x9E80;
	s19 =	simm.s32 $0xDD00  }
0x4: {  	s20 =	simm.s32 $0x0;
	[smem:$0x7FF] =	sst s1;
	s2 =	sadd.s32 $0x35A00, s12  }
0x5: {  	s3 =	sadd.s32 $0x35400, s12;
	s4 =	sadd.s32 $0x34E00, s12;
	s5 =	sadd.s32 $0x2B000, s12  }
0x6: {  	s7 =	sadd.s32 $0x21200, s12;
	s8 =	sadd.s32 $0x17400, s12;
	s13 =	sand.u32 $0x1, s6  }
0x7: {  	s9 =	sadd.s32 $0xD600, s12;
	s6 =	stileid.u32;
	s10 =	sadd.s32 $0x3800, s12  }
0x8: {  	s11 =	sadd.s32 $0x36000, s12;
	s12 =	sadd.s32 $0x84200, s12;
	s14 =	ssub.s32 $0x2, s13  }
0x9: {  	_ =	strace $0x80000047;
	s16 =	sshll.u32 s6, $0x1;
	s15 =	sshrl.u32 s14, $0x1  }
0xa: {  	s13 =	sor.u32 s13, s16;
	s16 =	simm.s32 $0x2780;
	s14 =	ssub.s32 s14, s15  }
0xb: {  	v0 =	vlaneseq.u32;
	s13 =	smul.u32 $0x2710, s13;
	s15 =	simm.s32 $0x1;
	s14 =	smax.u32 s14, $0x1  }
.LBB2_1:
0xc: {  	[tilespmem:s1], [sflag:$0x1] =	stream.linear.gather [hbm4b:s2+s1], $0x2780, $0x38;
	[tilespmem:$0x15A00] =	vst v63  }
0xd: {  	_ =	swait.ge [sflag:s15], $0x2780  }
0xe: {  	[sflag:s15] =	ssyncset.done $0x0  }
0xf: {  	[sflag:s15] =	ssyncadd.s32 $0xFFFFD880  }
0x10: {  	[tilespmem:s16], [sflag:$0x1] =	stream.linear.gather [hbm4b:s3+s1], $0x2780, $0x38;
	[tilespmem:$0x15A00] =	vst v63  }
0x11: {  	_ =	swait.ge [sflag:s15], $0x2780  }
0x12: {  	[sflag:s15] =	ssyncset.done $0x0  }
0x13: {  	[sflag:s15] =	ssyncadd.s32 $0xFFFFD880  }
0x14: {  	[tilespmem:s17], [sflag:$0x1] =	stream.linear.gather [hbm4b:s4+s1], $0x2780, $0x38;
	[tilespmem:$0x15A00] =	vst v63  }
0x15: {  	_ =	swait.ge [sflag:s15], $0x2780  }
0x16: {  	[sflag:s15] =	ssyncset.done $0x0  }
0x17: {  	s21 =	simm.s32 $0x0;
	[sflag:s15] =	ssyncadd.s32 $0xFFFFD880  }
.LBB2_2:
0x18: {  	s22 =	smul.u32 $0x7D0, s21;
	_ =	sdelay $0x1  }
0x19: {  	s22 =	sadd.s32 s13, s22  }
0x1a: {  	s28 =	sshrl.u32 s22, $0x3  }
0x1b: {  	s26 =	simm.s32 $0x0;
	s23 =	simm.s32 $0x8E80;
	s24 =	sadd.s32 s9, s28  }
0x1c: {  	[tilespmem:s23], [sflag:$0x1] =	stream.linear.gather [hbm4b:s24+s26], $0x7D0, $0x38;
	[tilespmem:$0x15A00] =	vst v63  }
0x1d: {  	_ =	swait.ge [sflag:s15], $0x7D0  }
0x1e: {  	[sflag:s15] =	ssyncset.done $0x0  }
0x1f: {  	s25 =	sadd.s32 s10, s28;
	s24 =	simm.s32 $0x9680;
	[sflag:s15] =	ssyncadd.s32 $0xFFFFF830  }
0x20: {  	[tilespmem:s24], [sflag:$0x1] =	stream.linear.gather [hbm4b:s25+s26], $0x7D0, $0x38;
	[tilespmem:$0x15A00] =	vst v63  }
0x21: {  	_ =	swait.ge [sflag:s15], $0x7D0  }
0x22: {  	[sflag:s15] =	ssyncset.done $0x0  }
0x23: {  	s29 =	sadd.s32 s5, s28;
	s25 =	simm.s32 $0x7680;
	[sflag:s15] =	ssyncadd.s32 $0xFFFFF830  }
0x24: {  	[tilespmem:s25], [sflag:$0x1] =	stream.linear.gather [hbm4b:s29+s26], $0x7D0, $0x38;
	[tilespmem:$0x15A00] =	vst v63  }
0x25: {  	_ =	swait.ge [sflag:s15], $0x7D0  }
0x26: {  	[sflag:s15] =	ssyncset.done $0x0  }
0x27: {  	s30 =	simm.s32 $0x7E80;
	s29 =	sadd.s32 s7, s28;
	[sflag:s15] =	ssyncadd.s32 $0xFFFFF830  }
0x28: {  	[tilespmem:s30], [sflag:$0x1] =	stream.linear.gather [hbm4b:s29+s26], $0x7D0, $0x38;
	[tilespmem:$0x15A00] =	vst v63  }
0x29: {  	_ =	swait.ge [sflag:s15], $0x7D0  }
0x2a: {  	[sflag:s15] =	ssyncset.done $0x0  }
0x2b: {  	s28 =	sadd.s32 s8, s28;
	s29 =	simm.s32 $0x8680;
	[sflag:s15] =	ssyncadd.s32 $0xFFFFF830  }
0x2c: {  	[tilespmem:s29], [sflag:$0x1] =	stream.linear.gather [hbm4b:s28+s26], $0x7D0, $0x38;
	[tilespmem:$0x15A00] =	vst v63  }
0x2d: {  	_ =	swait.ge [sflag:s15], $0x7D0  }
0x2e: {  	[sflag:s15] =	ssyncset.done $0x0  }
0x2f: {  	[sflag:s15] =	ssyncadd.s32 $0xFFFFF830  }
0x30: {  	v1 =	vld [tilespmem:s24+$0x0]  }
0x31: {  	v2 =	vld [tilespmem:s23+$0x0];
	_ =	sdelay $0x5  }
0x32: {  	v6 =	vld [tilespmem:s25+$0x0]  }
0x33: {  	v3 =	vld.idx.msk [tilespmem:v1+s1+$0x0], $0xffff  }
0x34: {  	v4 =	vld.idx.msk [tilespmem:v2+s1+$0x0], $0xffff  }
0x35: {  	v5 =	vld.idx.msk [tilespmem:v2+s16+$0x0], $0xffff  }
0x36: {  	v7 =	vld.idx.msk [tilespmem:v1+s16+$0x0], $0xffff  }
0x37: {  	v1 =	vld.idx.msk [tilespmem:v1+s17+$0x0], $0xffff  }
0x38: {  	v2 =	vld.idx.msk [tilespmem:v2+s17+$0x0], $0xffff  }
0x39: {  	v8 =	vld [tilespmem:s30+$0x0];
	_ =	sdelay $0x1  }
0x3a: {  	v3 =	vsub.f32 v3, v4;
	v4 =	vld [tilespmem:s29+$0x0]  }
0x3b: {  	v5 =	vsub.f32 v7, v5  }
0x3c: {  	v1 =	vsub.f32 v1, v2  }
0x3d: {  	v3 =	vadd.f32 v6, v3;
	v5 =	vadd.f32 v8, v5;
	_ =	sdelay $0x1  }
0x3e: {  	v2 =	vmul.f32 v3, v3;
	v1 =	vadd.f32 v4, v1;
	v4 =	vmul.f32 v5, v5;
	_ =	sdelay $0x1  }
0x3f: {  	v2 =	vadd.f32 v4, v2;
	v4 =	vmul.f32 v1, v1;
	_ =	sdelay $0x1  }
0x40: {  	v2 =	vadd.f32 v4, v2;
	_ =	sdelay $0x1  }
0x41: {  	v2 =	vadd.f32 $9.999999960e-13, v2;
	_ =	sdelay $0x1  }
0x42: {  	v4 =	vshra.s32 v2, $0x1;
	v6 =	vmul.f32 $5.000000000e-01, v2  }
0x43: {  	v4 =	vsub.s32 $0x5F3759DF, v4  }
0x44: {  	v7 =	vmul.f32 v4, v6;
	_ =	sdelay $0x1  }
0x45: {  	v7 =	vmul.f32 v4, v7;
	_ =	sdelay $0x1  }
0x46: {  	v7 =	vsub.f32 $1.500000000e+00, v7;
	_ =	sdelay $0x1  }
0x47: {  	v4 =	vmul.f32 v4, v7;
	_ =	sdelay $0x1  }
0x48: {  	v7 =	vmul.f32 v4, v6;
	_ =	sdelay $0x1  }
0x49: {  	v7 =	vmul.f32 v7, v4;
	_ =	sdelay $0x1  }
0x4a: {  	v7 =	vsub.f32 $1.500000000e+00, v7;
	_ =	sdelay $0x1  }
0x4b: {  	v4 =	vmul.f32 v7, v4;
	_ =	sdelay $0x1  }
0x4c: {  	v6 =	vmul.f32 v4, v6;
	_ =	sdelay $0x1  }
0x4d: {  	v6 =	vmul.f32 v6, v4;
	_ =	sdelay $0x1  }
0x4e: {  	v6 =	vsub.f32 $1.500000000e+00, v6;
	_ =	sdelay $0x1  }
0x4f: {  	v8 =	vmul.f32 v6, v4;
	_ =	sdelay $0x1  }
0x50: {  	v2 =	vmul.f32 v8, v2;
	_ =	sdelay $0x1  }
0x51: {  	v9 =	vmul.f32 $2.000000030e-01, v2;
	_ =	sdelay $0x1  }
0x52: {  	v2 =	vmul.f32 $3.141592740e+00, v9;
	_ =	sdelay $0x1  }
0x53: {  	v2 =	vadd.f32 $-1.570796370e+00, v2;
	_ =	sdelay $0x1  }
0x54: {  	v4 =	vmul.f32 v2, v2;
	_ =	sdelay $0x1  }
0x55: {  	v6 =	vmul.f32 $2.755731880e-06, v4;
	_ =	sdelay $0x1  }
0x56: {  	v7 =	vmul.f32 $-2.755732000e-07, v4;
	v6 =	vadd.f32 $-1.984127010e-04, v6;
	_ =	sdelay $0x1  }
0x57: {  	v7 =	vadd.f32 $2.480158760e-05, v7;
	v6 =	vmul.f32 v6, v4;
	_ =	sdelay $0x1  }
0x58: {  	v7 =	vmul.f32 v7, v4;
	v6 =	vadd.f32 $8.333333770e-03, v6;
	_ =	sdelay $0x1  }
0x59: {  	v7 =	vadd.f32 $-1.388888920e-03, v7;
	v6 =	vmul.f32 v6, v4;
	_ =	sdelay $0x1  }
0x5a: {  	v7 =	vmul.f32 v7, v4;
	v6 =	vadd.f32 $-1.666666720e-01, v6;
	_ =	sdelay $0x1  }
0x5b: {  	v7 =	vadd.f32 $4.166666790e-02, v7;
	v6 =	vmul.f32 v6, v4;
	_ =	sdelay $0x1  }
0x5c: {  	v7 =	vmul.f32 v7, v4;
	v6 =	vadd.f32 $1.000000000e+00, v6;
	_ =	sdelay $0x1  }
0x5d: {  	v7 =	vadd.f32 $-5.000000000e-01, v7;
	v2 =	vmul.f32 v6, v2;
	_ =	sdelay $0x1  }
0x5e: {  	v4 =	vmul.f32 v7, v4;
	v2 =	vsub.f32 $0.0e+00, v2;
	_ =	sdelay $0x1  }
0x5f: {  	v10 =	vadd.f32 $1.000000000e+00, v4;
	v11 =	vadd.f32 v2, v2;
	_ =	sdelay $0x1  }
0x60: {  	v12 =	vmul.f32 v11, v10  }
0x61: {  	v13 =	vmul.f32 v8, v5  }
0x62: {  	v27 =	vmul.f32 $6.324555270e-01, v8;
	v4 =	vmul.f32 v12, v11  }
0x63: {  	v6 =	vmul.f32 v9, v9;
	v2 =	vmul.f32 v8, v3  }
0x64: {  	v3 =	vmul.f32 v8, v1;
	v1 =	vmul.f32 $-1.500000000e+01, v9;
	v14 =	vsub.f32 v4, v10  }
0x65: {  	v62 =	vmul.f32 $2.091650010e+00, v13;
	v7 =	vmul.f32 v13, v13  }
0x66: {  	v6 =	vmul.f32 v6, v6;
	v1 =	vadd.f32 $3.500000000e+01, v1;
	v15 =	vmul.f32 v14, v11  }
0x67: {  	v5 =	vmul.f32 v2, v2;
	v4 =	vmul.f32 v3, v3  }
0x68: {  	v6 =	vmul.f32 v6, v9;
	v1 =	vmul.f32 v1, v9;
	v15 =	vsub.f32 v15, v12  }
0x69: {  	v24 =	vor.u32 s26, v0;
	v20 =	vmul.f32 $3.000000000e+00, v5;
	v17 =	vmul.f32 $3.000000000e+00, v4  }
0x6a: {  	v19 =	vadd.f32 $-2.100000000e+01, v1;
	v25 =	vmul.f32 $5.000000000e+00, v4;
	v4 =	vmul.f32 v15, v11  }
0x6b: {  	vm0 =	vlt.f32 v9, $1.000000000e+00;
	v21 =	vmul.f32 $3.000000000e+00, v7;
	v18 =	vmul.f32 v3, v13  }
0x6c: {  	v26 =	vsub.f32 v20, v7;
	v19 =	vmul.f32 v19, v6;
	v20 =	vsub.f32 v4, v14  }
0x6d: {  	v16 =	vmul.f32 v13, v2;
	v22 =	vmul.f32 v3, v2;
	v9 =	vshll.u32 v24, $0x3  }
0x6e: {  	v18 =	vmul.f32 $3.872983220e+00, v18;
	v19 =	vadd.f32 $1.000000000e+00, v19;
	v23 =	vmul.f32 v20, v11  }
0x6f: {  	v28 =	vor.u32 $0x3, v9;
	v30 =	vor.u32 $0x4, v9;
	v1 =	vsub.f32 v5, v7  }
0x70: {  	v7 =	vmul.f32 $1.322875740e+00, v3;
	v8 =	vnsel vm0, $0x0, v19;
	v19 =	vsub.f32 v23, v15  }
0x71: {  	v5 =	vsub.f32 v5, v21;
	v21 =	vor.u32 $0x1, v9;
	v23 =	vmul.f32 v8, v27  }
0x72: {  	v6 =	vmul.f32 $1.024695110e+01, v16;
	v27 =	vor.u32 $0x2, v9;
	v29 =	vmul.f32 v19, v11  }
0x73: {  	v32 =	vor.u32 $0x5, v9;
	v31 =	vmul.f32 $1.936491730e+00, v1;
	v10 =	vmul.f32 v10, v23  }
0x74: {  	v16 =	vmul.f32 $3.872983220e+00, v16;
	v33 =	vmul.f32 v12, v23;
	v29 =	vsub.f32 v29, v20  }
0x75: {  	v34 =	vor.u32 $0x6, v9;
	v6 =	vmul.f32 v6, v3;
	v14 =	vmul.f32 v14, v23;
	[tilespmem:v9+s18+$0x0] =	vst.idx.msk $0xffff, v10  }
0x76: {  	v17 =	vadd.f32 $-1.000000000e+00, v17;
	v15 =	vmul.f32 v15, v23;
	[tilespmem:v21+s18+$0x0] =	vst.idx.msk $0xffff, v33;
	v21 =	vmul.f32 v29, v11  }
0x77: {  	v16 =	vmul.f32 v8, v16;
	v9 =	vor.u32 $0x7, v9;
	[tilespmem:v27+s18+$0x0] =	vst.idx.msk $0xffff, v14;
	v14 =	vmul.f32 v20, v23  }
0x78: {  	v60 =	vmul.f32 v19, v23;
	v10 =	vshll.u32 v24, $0x4;
	[tilespmem:v28+s18+$0x0] =	vst.idx.msk $0xffff, v15;
	v15 =	vsub.f32 v21, v19  }
0x79: {  	v18 =	vmul.f32 v8, v18;
	v20 =	vor.u32 $0x1, v10;
	v21 =	vmul.f32 v29, v23;
	[tilespmem:v30+s18+$0x0] =	vst.idx.msk $0xffff, v14  }
0x7a: {  	v27 =	vor.u32 $0x2, v10;
	[tilespmem:v32+s18+$0x0] =	vst.idx.msk $0xffff, v60;
	v15 =	vmul.f32 v15, v23;
	v23 =	vmul.f32 $1.732050780e+00, v2  }
0x7b: {  	v4 =	vadd.f32 $-3.000000000e+00, v25;
	v14 =	vor.u32 $0x3, v10;
	[tilespmem:v34+s18+$0x0] =	vst.idx.msk $0xffff, v21;
	v21 =	vmul.f32 $1.732050780e+00, v13  }
0x7c: {  	v61 =	vor.u32 $0x4, v10;
	[tilespmem:v9+s18+$0x0] =	vst.idx.msk $0xffff, v15;
	v9 =	vmul.f32 $1.732050780e+00, v3;
	v15 =	vmul.f32 v8, v23  }
0x7d: {  	v12 =	vmul.f32 v8, v31;
	v63 =	vor.u32 $0x5, v10;
	v21 =	vmul.f32 v8, v21;
	[tilespmem:v10+s19+$0x0] =	vst.idx.msk $0xffff, v8  }
0x7e: {  	v24 =	vor.u32 $0x6, v10;
	v11 =	vor.u32 $0xB, v10;
	[tilespmem:v20+s19+$0x0] =	vst.idx.msk $0xffff, v15;
	v9 =	vmul.f32 v8, v9  }
0x7f: {  	v19 =	vmul.f32 $2.091650010e+00, v2;
	v23 =	vor.u32 $0x7, v10;
	v15 =	vmul.f32 $1.118034010e+00, v17;
	[tilespmem:v27+s19+$0x0] =	vst.idx.msk $0xffff, v21  }
0x80: {  	v20 =	vor.u32 $0x8, v10;
	v21 =	vor.u32 $0x9, v10;
	v27 =	vmul.f32 $3.872983220e+00, v22;
	[tilespmem:v14+s19+$0x0] =	vst.idx.msk $0xffff, v9  }
0x81: {  	v22 =	vor.u32 $0xA, v10;
	v14 =	vmul.f32 $1.620185260e+00, v13;
	v17 =	vmul.f32 v8, v15;
	[tilespmem:v61+s19+$0x0] =	vst.idx.msk $0xffff, v16  }
0x82: {  	s26 =	simm.s32 $0x10;
	s28 =	simm.s32 $0x7E90;
	s29 =	simm.s32 $0x8690;
	v15 =	vmul.f32 v26, v62;
	v9 =	vadd.f32 $-1.000000000e+00, v25;
	v13 =	vmul.f32 v8, v27;
	[tilespmem:v63+s19+$0x0] =	vst.idx.msk $0xffff, v18  }
.LBB2_3:
0x83: {  	v2 =	vmul.f32 $1.620185260e+00, v2;
	v3 =	vmul.f32 $5.123475070e+00, v3;
	[tilespmem:v24+s19+$0x0] =	vst.idx.msk $0xffff, v17;
	s23 =	sadd.s32 $0x10, s23;
	s24 =	sadd.s32 $0x10, s24;
	s25 =	sadd.s32 $0x10, s25  }
0x84: {  	p0 =	sne.s32 s26, $0x7C0;
	s30 =	smov.u32 s26;
	s26 =	sadd.s32 $0x10, s26;
	v14 =	vmul.f32 v9, v14;
	[tilespmem:v23+s19+$0x0] =	vst.idx.msk $0xffff, v13;
	v13 =	vmul.f32 v8, v15;
	v15 =	vor.u32 $0xC, v10  }
0x85: {  	v4 =	vmul.f32 v4, v7;
	v6 =	vmul.f32 v8, v6;
	v7 =	vor.u32 $0xD, v10;
	[tilespmem:v20+s19+$0x0] =	vst.idx.msk $0xffff, v12  }
0x86: {  	v2 =	vmul.f32 v9, v2;
	v12 =	vor.u32 $0xE, v10;
	[tilespmem:v21+s19+$0x0] =	vst.idx.msk $0xffff, v13;
	v9 =	vmul.f32 v8, v14  }
0x87: {  	v1 =	vmul.f32 v1, v3;
	v3 =	vmul.f32 v8, v4;
	v4 =	vor.u32 $0xF, v10;
	[tilespmem:v22+s19+$0x0] =	vst.idx.msk $0xffff, v6  }
0x88: {  	v5 =	vmul.f32 v5, v19;
	v2 =	vmul.f32 v8, v2;
	[tilespmem:v11+s19+$0x0] =	vst.idx.msk $0xffff, v9  }
0x89: {  	v1 =	vmul.f32 v8, v1;
	[tilespmem:v15+s19+$0x0] =	vst.idx.msk $0xffff, v3  }
0x8a: {  	[tilespmem:v7+s19+$0x0] =	vst.idx.msk $0xffff, v2;
	v2 =	vmul.f32 v8, v5  }
0x8b: {  	[tilespmem:v12+s19+$0x0] =	vst.idx.msk $0xffff, v1  }
0x8c: {  	[tilespmem:v4+s19+$0x0] =	vst.idx.msk $0xffff, v2  }
0x8d: {  	v1 =	vld [tilespmem:s24+$0x0]  }
0x8e: {  	v2 =	vld [tilespmem:s23+$0x0];
	_ =	sdelay $0x6  }
0x8f: {  	v3 =	vld.idx.msk [tilespmem:v1+s1+$0x0], $0xffff  }
0x90: {  	v4 =	vld.idx.msk [tilespmem:v2+s1+$0x0], $0xffff  }
0x91: {  	v5 =	vld.idx.msk [tilespmem:v2+s16+$0x0], $0xffff  }
0x92: {  	v6 =	vld [tilespmem:s25+$0x0]  }
0x93: {  	v7 =	vld.idx.msk [tilespmem:v1+s16+$0x0], $0xffff  }
0x94: {  	v1 =	vld.idx.msk [tilespmem:v1+s17+$0x0], $0xffff  }
0x95: {  	v2 =	vld.idx.msk [tilespmem:v2+s17+$0x0], $0xffff  }
0x96: {  	v3 =	vsub.f32 v3, v4;
	v4 =	vld [tilespmem:s28+$0x0];
	_ =	sdelay $0x1  }
0x97: {  	v3 =	vadd.f32 v6, v3;
	v6 =	vld [tilespmem:s29+$0x0]  }
0x98: {  	v5 =	vsub.f32 v7, v5;
	_ =	sdelay $0x1  }
0x99: {  	v1 =	vsub.f32 v1, v2;
	v4 =	vadd.f32 v4, v5;
	_ =	sdelay $0x1  }
0x9a: {  	v2 =	vmul.f32 v3, v3;
	v1 =	vadd.f32 v6, v1;
	v5 =	vmul.f32 v4, v4;
	_ =	sdelay $0x1  }
0x9b: {  	v2 =	vadd.f32 v5, v2;
	v5 =	vmul.f32 v1, v1;
	_ =	sdelay $0x1  }
0x9c: {  	v2 =	vadd.f32 v5, v2;
	_ =	sdelay $0x1  }
0x9d: {  	v2 =	vadd.f32 $9.999999960e-13, v2;
	_ =	sdelay $0x1  }
0x9e: {  	v5 =	vshra.s32 v2, $0x1;
	v6 =	vmul.f32 $5.000000000e-01, v2  }
0x9f: {  	v5 =	vsub.s32 $0x5F3759DF, v5  }
0xa0: {  	v7 =	vmul.f32 v5, v6;
	_ =	sdelay $0x1  }
0xa1: {  	v7 =	vmul.f32 v5, v7;
	_ =	sdelay $0x1  }
0xa2: {  	v7 =	vsub.f32 $1.500000000e+00, v7;
	_ =	sdelay $0x1  }
0xa3: {  	v5 =	vmul.f32 v5, v7;
	_ =	sdelay $0x1  }
0xa4: {  	v7 =	vmul.f32 v5, v6;
	_ =	sdelay $0x1  }
0xa5: {  	v7 =	vmul.f32 v7, v5;
	_ =	sdelay $0x1  }
0xa6: {  	v7 =	vsub.f32 $1.500000000e+00, v7;
	_ =	sdelay $0x1  }
0xa7: {  	v5 =	vmul.f32 v7, v5;
	_ =	sdelay $0x1  }
0xa8: {  	v6 =	vmul.f32 v5, v6;
	_ =	sdelay $0x1  }
0xa9: {  	v6 =	vmul.f32 v6, v5;
	_ =	sdelay $0x1  }
0xaa: {  	v6 =	vsub.f32 $1.500000000e+00, v6;
	_ =	sdelay $0x1  }
0xab: {  	v8 =	vmul.f32 v6, v5;
	_ =	sdelay $0x1  }
0xac: {  	v5 =	vmul.f32 v8, v2;
	v2 =	vmul.f32 v8, v3  }
0xad: {  	v9 =	vmul.f32 v8, v4;
	v3 =	vmul.f32 v8, v1  }
0xae: {  	v10 =	vmul.f32 $2.000000030e-01, v5  }
0xaf: {  	v5 =	vmul.f32 v2, v2;
	v7 =	vmul.f32 v9, v9  }
0xb0: {  	v4 =	vmul.f32 $-1.500000000e+01, v10;
	v6 =	vmul.f32 $3.141592740e+00, v10  }
0xb1: {  	v12 =	vmul.f32 v3, v3;
	v11 =	vmul.f32 v10, v10;
	v1 =	vsub.f32 v5, v7  }
0xb2: {  	v14 =	vmul.f32 v9, v2;
	v4 =	vadd.f32 $3.500000000e+01, v4;
	v19 =	vadd.f32 $-1.570796370e+00, v6  }
0xb3: {  	v6 =	vmul.f32 v11, v11;
	v11 =	vmul.f32 $3.000000000e+00, v12  }
0xb4: {  	v4 =	vmul.f32 v4, v10;
	v20 =	vmul.f32 v19, v19  }
0xb5: {  	v17 =	vmul.f32 v3, v9;
	v6 =	vmul.f32 v6, v10;
	v15 =	vadd.f32 $-1.000000000e+00, v11  }
0xb6: {  	v4 =	vadd.f32 $-2.100000000e+01, v4;
	v11 =	vmul.f32 $2.755731880e-06, v20;
	v16 =	vmul.f32 $-2.755732000e-07, v20  }
0xb7: {  	v18 =	vmul.f32 $3.000000000e+00, v5;
	v13 =	vmul.f32 $5.000000000e+00, v12  }
0xb8: {  	v6 =	vmul.f32 v4, v6;
	v11 =	vadd.f32 $-1.984127010e-04, v11;
	v12 =	vadd.f32 $2.480158760e-05, v16  }
0xb9: {  	v21 =	vmul.f32 $1.024695110e+01, v14;
	v16 =	vsub.f32 v18, v7;
	v4 =	vadd.f32 $-3.000000000e+00, v13  }
0xba: {  	v22 =	vadd.f32 $1.000000000e+00, v6;
	v11 =	vmul.f32 v11, v20;
	v12 =	vmul.f32 v12, v20  }
0xbb: {  	v18 =	vmul.f32 v3, v2;
	v6 =	vmul.f32 v21, v3  }
0xbc: {  	v21 =	vmul.f32 $3.000000000e+00, v7;
	v11 =	vadd.f32 $8.333333770e-03, v11;
	v12 =	vadd.f32 $-1.388888920e-03, v12  }
0xbd: {  	v7 =	vmul.f32 $1.322875740e+00, v3  }
0xbe: {  	v5 =	vsub.f32 v5, v21;
	v11 =	vmul.f32 v11, v20;
	v12 =	vmul.f32 v12, v20;
	_ =	sdelay $0x1  }
0xbf: {  	v11 =	vadd.f32 $-1.666666720e-01, v11;
	v12 =	vadd.f32 $4.166666790e-02, v12;
	_ =	sdelay $0x1  }
0xc0: {  	v11 =	vmul.f32 v11, v20;
	v12 =	vmul.f32 v12, v20;
	_ =	sdelay $0x1  }
0xc1: {  	v11 =	vadd.f32 $1.000000000e+00, v11;
	v12 =	vadd.f32 $-5.000000000e-01, v12;
	_ =	sdelay $0x1  }
0xc2: {  	v11 =	vmul.f32 v11, v19;
	v12 =	vmul.f32 v12, v20;
	_ =	sdelay $0x1  }
0xc3: {  	v11 =	vsub.f32 $0.0e+00, v11;
	_ =	sdelay $0x1  }
0xc4: {  	v19 =	vadd.f32 $1.000000000e+00, v12;
	v20 =	vadd.f32 v11, v11;
	_ =	sdelay $0x1  }
0xc5: {  	v21 =	vmul.f32 v20, v19;
	_ =	sdelay $0x1  }
0xc6: {  	v11 =	vmul.f32 v21, v20;
	_ =	sdelay $0x1  }
0xc7: {  	v23 =	vsub.f32 v11, v19;
	_ =	sdelay $0x1  }
0xc8: {  	v11 =	vmul.f32 v23, v20;
	_ =	sdelay $0x1  }
0xc9: {  	v24 =	vsub.f32 v11, v21  }
0xca: {  	v11 =	vor.u32 s30, v0  }
0xcb: {  	v25 =	vshll.u32 v11, $0x3;
	v12 =	vmul.f32 v24, v20  }
0xcc: {  	v26 =	vor.u32 $0x1, v25  }
0xcd: {  	v27 =	vor.u32 $0x2, v25;
	v28 =	vsub.f32 v12, v23  }
0xce: {  	v29 =	vor.u32 $0x3, v25;
	v12 =	vmul.f32 $6.324555270e-01, v8  }
0xcf: {  	vm0 =	vlt.f32 v10, $1.000000000e+00;
	v30 =	vor.u32 $0x4, v25;
	v10 =	vmul.f32 v28, v20  }
0xd0: {  	v31 =	vmul.f32 $1.936491730e+00, v1;
	v8 =	vnsel vm0, $0x0, v22;
	v22 =	vor.u32 $0x5, v25  }
0xd1: {  	v34 =	vor.u32 $0x6, v25;
	v32 =	vmul.f32 v8, v12;
	v33 =	vsub.f32 v10, v24  }
0xd2: {  	v35 =	vor.u32 $0x7, v25;
	v12 =	vmul.f32 v8, v31  }
0xd3: {  	v10 =	vshll.u32 v11, $0x4;
	v31 =	vmul.f32 v33, v32;
	v36 =	vmul.f32 v33, v20  }
0xd4: {  	v19 =	vmul.f32 v19, v32;
	v37 =	vor.u32 $0x2, v10;
	v11 =	vor.u32 $0xB, v10  }
0xd5: {  	v21 =	vmul.f32 v21, v32;
	v38 =	vor.u32 $0x1, v10;
	v36 =	vsub.f32 v36, v28  }
0xd6: {  	[tilespmem:v25+s18+$0x0] =	vst.idx.msk $0xffff, v19;
	v19 =	vmul.f32 v23, v32;
	v23 =	vmul.f32 v24, v32;
	v25 =	vor.u32 $0x3, v10  }
0xd7: {  	[tilespmem:v26+s18+$0x0] =	vst.idx.msk $0xffff, v21;
	v21 =	vmul.f32 v36, v32;
	v20 =	vmul.f32 v36, v20;
	v26 =	vor.u32 $0x4, v10  }
0xd8: {  	[tilespmem:v27+s18+$0x0] =	vst.idx.msk $0xffff, v19;
	v19 =	vmul.f32 v28, v32;
	v27 =	vor.u32 $0x5, v10  }
0xd9: {  	v24 =	vor.u32 $0x6, v10;
	[tilespmem:v29+s18+$0x0] =	vst.idx.msk $0xffff, v23;
	v20 =	vsub.f32 v20, v33  }
0xda: {  	v23 =	vor.u32 $0x7, v10;
	[tilespmem:v30+s18+$0x0] =	vst.idx.msk $0xffff, v19;
	v19 =	vmul.f32 $2.091650010e+00, v2  }
0xdb: {  	v28 =	vmul.f32 $1.732050780e+00, v2;
	[tilespmem:v22+s18+$0x0] =	vst.idx.msk $0xffff, v31;
	v22 =	vmul.f32 v20, v32;
	v20 =	vor.u32 $0x8, v10  }
0xdc: {  	v29 =	vmul.f32 $1.732050780e+00, v9;
	v30 =	vmul.f32 $2.091650010e+00, v9;
	[tilespmem:v34+s18+$0x0] =	vst.idx.msk $0xffff, v21;
	v21 =	vor.u32 $0x9, v10  }
0xdd: {  	v28 =	vmul.f32 v8, v28;
	v31 =	vmul.f32 $1.732050780e+00, v3;
	[tilespmem:v35+s18+$0x0] =	vst.idx.msk $0xffff, v22;
	v22 =	vor.u32 $0xA, v10  }
0xde: {  	v14 =	vmul.f32 $3.872983220e+00, v14;
	v29 =	vmul.f32 v8, v29;
	[tilespmem:v10+s19+$0x0] =	vst.idx.msk $0xffff, v8  }
.Ltmp0:
0xdf: {  	v17 =	vmul.f32 $3.872983220e+00, v17;
	[tilespmem:v38+s19+$0x0] =	vst.idx.msk $0xffff, v28;
	v28 =	vmul.f32 v8, v31;
	(pc) =	sbr.rel @p0 .LBB2_3-.Ltmp0, $4  }
0xe0: {  	v15 =	vmul.f32 $1.118034010e+00, v15;
	[tilespmem:v37+s19+$0x0] =	vst.idx.msk $0xffff, v29;
	v29 =	vmul.f32 v8, v14  }
0xe1: {  	v18 =	vmul.f32 $3.872983220e+00, v18;
	[tilespmem:v25+s19+$0x0] =	vst.idx.msk $0xffff, v28;
	v25 =	vmul.f32 v8, v17  }
0xe2: {  	v14 =	vmul.f32 $1.620185260e+00, v9;
	v17 =	vmul.f32 v8, v15;
	[tilespmem:v26+s19+$0x0] =	vst.idx.msk $0xffff, v29  }
0xe3: {  	s28 =	sadd.s32 $0x10, s28;
	s29 =	sadd.s32 $0x10, s29;
	v9 =	vadd.f32 $-1.000000000e+00, v13;
	v13 =	vmul.f32 v8, v18;
	v15 =	vmul.f32 v16, v30;
	[tilespmem:v27+s19+$0x0] =	vst.idx.msk $0xffff, v25  }
0xe4: {  	_ =	sdelay $0x3  }
0xe5: {  	v2 =	vmul.f32 $1.620185260e+00, v2;
	v3 =	vmul.f32 $5.123475070e+00, v3;
	[tilespmem:v24+s19+$0x0] =	vst.idx.msk $0xffff, v17  }
0xe6: {  	v59 =	vor.u32 $0xC, v10;
	v14 =	vmul.f32 v9, v14;
	[tilespmem:v23+s19+$0x0] =	vst.idx.msk $0xffff, v13;
	v58 =	vmul.f32 v8, v15  }
0xe7: {  	v4 =	vmul.f32 v4, v7;
	v6 =	vmul.f32 v8, v6;
	v60 =	vor.u32 $0xD, v10;
	[tilespmem:v20+s19+$0x0] =	vst.idx.msk $0xffff, v12  }
0xe8: {  	v62 =	vor.u32 $0xE, v10;
	v2 =	vmul.f32 v9, v2;
	[tilespmem:v21+s19+$0x0] =	vst.idx.msk $0xffff, v58;
	v61 =	vmul.f32 v8, v14  }
0xe9: {  	v63 =	vor.u32 $0xF, v10;
	v1 =	vmul.f32 v1, v3;
	v3 =	vmul.f32 v8, v4;
	[tilespmem:v22+s19+$0x0] =	vst.idx.msk $0xffff, v6  }
0xea: {  	v5 =	vmul.f32 v5, v19;
	v2 =	vmul.f32 v8, v2;
	[tilespmem:v11+s19+$0x0] =	vst.idx.msk $0xffff, v61  }
0xeb: {  	v1 =	vmul.f32 v8, v1;
	[tilespmem:v59+s19+$0x0] =	vst.idx.msk $0xffff, v3  }
0xec: {  	[tilespmem:v60+s19+$0x0] =	vst.idx.msk $0xffff, v2;
	v2 =	vmul.f32 v8, v5  }
0xed: {  	[tilespmem:v62+s19+$0x0] =	vst.idx.msk $0xffff, v1  }
0xee: {  	s23 =	sadd.s32 s11, s22;
	[tilespmem:v63+s19+$0x0] =	vst.idx.msk $0xffff, v2  }
0xef: {  	[hbm4b:s23+s1] =	stream.linear.scatter [tilespmem:s18], [sflag:$0x1], $0x3E80, $0x38;
	[tilespmem:$0x15A00] =	vst v63  }
0xf0: {  	s21 =	sadd.s32 $0x1, s21;
	_ =	swait.ge [sflag:s15], $0x3E80  }
0xf1: {  	s31 =	sshll.u32 s22, $0x1;
	p0 =	sne.s32 s21, $0x5;
	[sflag:s15] =	ssyncset.done $0x0  }
.Ltmp1:
0xf2: {  	s22 =	sadd.s32 s12, s31;
	[sflag:s15] =	ssyncadd.s32 $0xFFFFC180;
	(pc) =	sbr.rel @p0 .LBB2_2-.Ltmp1, $4  }
0xf3: {  	[hbm4b:s22+s1] =	stream.linear.scatter [tilespmem:s19], [sflag:$0x1], $0x7D00, $0x38;
	[tilespmem:$0x15A00] =	vst v63  }
0xf4: {  	_ =	swait.ge [sflag:s15], $0x7D00  }
0xf5: {  	[sflag:s15] =	ssyncset.done $0x0  }
0xf6: {  	[sflag:s15] =	ssyncadd.s32 $0xFFFF8300  }
0xf7: {  	s20 =	sadd.s32 $0x1, s20  }
0xf8: {  	p0 =	sne.s32 s20, s14  }
.Ltmp2:
0xf9: {  	_ = 	snop;
	(pc) =	sbr.rel @p0 .LBB2_1-.Ltmp2, $1  }
0xfa: {  	_ =	sdelay $0x3  }
0xfb: {  	_ =	sfence.sel $0x180000  }
0xfc: {  	[bflag:$0x0] =	sbarrier.arrive $0xFFFF  }
0xfd: {  	p0 =	sne.s32 s6, $0x0;
	_ =	strace $0x90000047  }
0xfe: {  	s0 =	sadd.s32 @!p0 $0x100000, s0;
	[bflag:$0x2] =	sbarrier.arrive $0xFFFF  }
0xff: {  	[sflag:s0] =	ssyncadd.tile.s32 @!p0 $0x1;
	_ =	shalt  }
.Lfunc_end2:
_tile_overlayer_lowered:
.L_overlay_start_2:
0x100: {  	(tag) =	ssettag $0x2  }
0x101: {  	s0 =	rddreg [dreg:$0x0];
	s2 =	stileid.u32  }
0x102: {  	s1 =	rddreg [dreg:$0x1];
	p0 =	sne.s32 s2, $0x0  }
0x103: {  	s3 =	rddreg [dreg:$0x2];
	[bflag:$0x3] =	sbarrier.arrive $0xFFFF;
	s2 =	simm.s32 @!p0 $0x1C01  }
0x104: {  	[timem:s3], [sflag:s2] =	dma.local @!p0 [hbm:s0], s1  }
0x105: {  	s0 =	simm.s32 @!p0 $0x1  }
0x106: {  	_ =	swait.ge @!p0 [sflag:s0], s1  }
0x107: {  	s1 =	ssub.s32 @!p0 $0x0, s1;
	[sflag:s0] =	ssyncset.done @!p0 $0x0  }
0x108: {  	[sflag:s0] =	ssyncadd.s32 @!p0 s1  }
0x109: {  	[bflag:$0x3] =	sbarrier.arrive $0xFFFF  }
0x10a: {  	_ =	shalt  }

</sc_bundles>
